<compile_context>
chip_gen: v7x
topology: tpu7x:2x2x1
jax: 0.10.2.dev20260603
libtpu: 0.0.44.dev20260713+nightly
codegen_flags: <defaults>
</compile_context>

<pallas_src>
import functools

import jax
import jax.numpy as jnp
from jax import lax
from jax.experimental import pallas as pl
from jax.experimental.pallas import tpu as pltpu
from jax.experimental.pallas import tpu_sc as plsc

NUM_CLASSES = 1000
FEAT_DIM = 2048
SLOTS = 5
TOP_K = 3
B = 4096
NEG = -1e30

L = 16
NW = 32
QPW = B // NW
GP = 8
NG = QPW // GP
CH = FEAT_DIM // L
NU = 2
KR = SLOTS * GP
VR = TOP_K * GP


def _rsqrt_eps(x):
    xb = lax.bitcast_convert_type(x, jnp.int32)
    y = lax.bitcast_convert_type(
        jnp.int32(0x5F3759DF) - (xb >> 1), jnp.float32)
    for _ in range(3):
        y = y * (1.5 - 0.5 * x * y * y)
    return jnp.where(x < 1e-16, 1e8, y)


def _sc_body(keys_hbm, vals_hbm, labels_hbm, query_hbm, scores_hbm,
             ret_hbm, w_hbm,
             labels_v, scores_v, q_v, kbig, kidx, vidx,
             accm_d, accm_kk, accm_qq, sidx_v, attn_v, wout_v, sem, semO):
    wid = lax.axis_index("s") * 2 + lax.axis_index("c")
    base = wid * QPW

    pltpu.sync_copy(labels_hbm.at[pl.ds(base, QPW)], labels_v)
    pltpu.sync_copy(scores_hbm, scores_v)

    lanes = lax.iota(jnp.int32, L)
    lane_q = lanes % GP
    mask16 = lanes < L
    mask8 = lanes < GP

    def group_body(g, _):
        lbase = g * GP
        gbase = base + lbase
        lv = plsc.load_gather(labels_v, [lbase + lane_q])

        for b in range(3):
            ent = 16 * b + lanes
            srow = ent // GP
            plsc.store_scatter(kidx, [ent], lv + srow * NUM_CLASSES,
                               mask=(mask16 if b < 2 else mask8))
        cp = pltpu.async_copy(keys_hbm.at[kidx], kbig, sem)

        @pl.when(g > 0)
        def _():
            pltpu.make_async_copy(
                q_v, ret_hbm.at[pl.ds(gbase - GP, GP)], semO).wait()
        pltpu.sync_copy(query_hbm.at[pl.ds(gbase, GP)], q_v)
        cp.wait()

        def qi_body(qi, _):
            zero = jnp.zeros((L,), jnp.float32)
            nacc = (2 * SLOTS + 1) * NU

            def chunk(c, accs):
                accs = list(accs)
                for u in range(NU):
                    off = (c * NU + u) * L
                    qc = q_v[qi, pl.ds(off, L)]
                    for s in range(SLOTS):
                        kc = kbig[s * GP + qi, pl.ds(off, L)]
                        accs[s * NU + u] = accs[s * NU + u] + qc * kc
                        accs[(SLOTS + s) * NU + u] = (
                            accs[(SLOTS + s) * NU + u] + kc * kc)
                    accs[2 * SLOTS * NU + u] = (
                        accs[2 * SLOTS * NU + u] + qc * qc)
                return tuple(accs)

            accs = lax.fori_loop(0, CH // NU, chunk, (zero,) * nacc,
                                 unroll=2)
            for s in range(SLOTS):
                accm_d[pl.ds((s * GP + qi) * L, L)] = (
                    accs[s * NU] + accs[s * NU + 1])
                accm_kk[pl.ds((s * GP + qi) * L, L)] = (
                    accs[(SLOTS + s) * NU] + accs[(SLOTS + s) * NU + 1])
            accm_qq[pl.ds(qi * L, L)] = (
                accs[2 * SLOTS * NU] + accs[2 * SLOTS * NU + 1])
            return 0

        lax.fori_loop(0, GP, qi_body, 0)

        def colsum(m_ref, rowbase):
            accs = [jnp.zeros((L,), jnp.float32) for _ in range(4)]
            for c in range(L):
                accs[c % 4] = accs[c % 4] + plsc.load_gather(
                    m_ref, [(rowbase + lane_q) * L + c])
            return (accs[0] + accs[1]) + (accs[2] + accs[3])

        inv_qn = _rsqrt_eps(colsum(accm_qq, 0))
        comb = []
        rawsum = jnp.zeros((L,), jnp.float32)
        for s in range(SLOTS):
            sc = plsc.load_gather(scores_v, [lv * GP + s])
            rawsum = rawsum + sc
            d = colsum(accm_d, s * GP)
            kk = colsum(accm_kk, s * GP)
            comb.append(d * sc * _rsqrt_eps(kk) * inv_qn)

        hit = rawsum > 0.0

        work = list(comb)
        tops = []
        for k in range(TOP_K):
            m = work[0]
            for s in range(1, SLOTS):
                m = jnp.maximum(m, work[s])
            taken = jnp.zeros((L,), jnp.bool_)
            chosen = jnp.zeros((L,), jnp.int32)
            for s in range(SLOTS):
                isf = (work[s] == m) & (~taken)
                taken = taken | isf
                chosen = jnp.where(isf, jnp.int32(s), chosen)
                work[s] = jnp.where(isf, NEG, work[s])
            tops.append(m)
            sidx_v[pl.ds(k * L, L)] = chosen

        for b in range(2):
            ent = 16 * b + lanes
            kq = ent // GP
            srow = plsc.load_gather(sidx_v, [kq * L + lane_q])
            plsc.store_scatter(vidx, [ent], lv + srow * NUM_CLASSES,
                               mask=(mask16 if b == 0 else mask8))
        cpv = pltpu.async_copy(vals_hbm.at[vidx], kbig.at[pl.ds(0, VR)], sem)

        exps = [jnp.exp((t - tops[0]) / 0.1) for t in tops]
        den = exps[0] + exps[1] + exps[2]
        for k in range(TOP_K):
            attn_v[pl.ds(k * L, L)] = jnp.where(hit, exps[k] / den, 0.0)

        w16 = jnp.where(hit, (tops[0] + tops[1] + tops[2]) / 3.0, 0.0)
        plsc.store_scatter(wout_v, [lbase + lanes], w16, mask=mask8)

        cpv.wait()

        def qi_body2(qi, _):
            a = [plsc.load_gather(attn_v, [jnp.full((L,), k * L, jnp.int32)
                                           + qi])
                 for k in range(TOP_K)]

            def chunk(c, _):
                off = c * L
                x = kbig[qi, pl.ds(off, L)] * a[0]
                x = x + kbig[GP + qi, pl.ds(off, L)] * a[1]
                x = x + kbig[2 * GP + qi, pl.ds(off, L)] * a[2]
                q_v[qi, pl.ds(off, L)] = x
                return 0

            lax.fori_loop(0, CH, chunk, 0, unroll=4)
            return 0

        lax.fori_loop(0, GP, qi_body2, 0)

        pltpu.async_copy(q_v, ret_hbm.at[pl.ds(gbase, GP)], semO)
        return 0

    lax.fori_loop(0, NG, group_body, 0)
    pltpu.make_async_copy(
        q_v, ret_hbm.at[pl.ds(base + QPW - GP, GP)], semO).wait()
    pltpu.sync_copy(wout_v, w_hbm.at[pl.ds(base, QPW)])


def kernel(query, labels, mem_keys, mem_vals, mem_scores):
    labels = labels.astype(jnp.int32)
    keys2d = mem_keys.transpose(1, 0, 2).reshape(SLOTS * NUM_CLASSES,
                                                 FEAT_DIM)
    vals2d = mem_vals.transpose(1, 0, 2).reshape(SLOTS * NUM_CLASSES,
                                                 FEAT_DIM)
    scores_pad = jnp.zeros((NUM_CLASSES, GP), jnp.float32)
    scores_pad = scores_pad.at[:, :SLOTS].set(mem_scores).reshape(-1)

    run = functools.partial(
        pl.kernel,
        out_type=[
            jax.ShapeDtypeStruct((B, FEAT_DIM), jnp.float32),
            jax.ShapeDtypeStruct((B,), jnp.float32),
        ],
        mesh=plsc.VectorSubcoreMesh(core_axis_name="c", subcore_axis_name="s"),
        compiler_params=pltpu.CompilerParams(needs_layout_passes=False),
        scratch_types=[
            pltpu.VMEM((QPW,), jnp.int32),
            pltpu.VMEM((NUM_CLASSES * GP,), jnp.float32),
            pltpu.VMEM((GP, FEAT_DIM), jnp.float32),
            pltpu.VMEM((KR, FEAT_DIM), jnp.float32),
            pltpu.VMEM((KR,), jnp.int32),
            pltpu.VMEM((VR,), jnp.int32),
            pltpu.VMEM((SLOTS * GP * L,), jnp.float32),
            pltpu.VMEM((SLOTS * GP * L,), jnp.float32),
            pltpu.VMEM((GP * L,), jnp.float32),
            pltpu.VMEM((TOP_K * L,), jnp.int32),
            pltpu.VMEM((TOP_K * L,), jnp.float32),
            pltpu.VMEM((QPW,), jnp.float32),
            pltpu.SemaphoreType.DMA,
            pltpu.SemaphoreType.DMA,
        ],
    )(_sc_body)
    retrieved, weights = run(keys2d, vals2d, labels, query, scores_pad)
    return retrieved, weights

# --- scband reference (transcript-rebuilt; emitter-appended) ---
"""Pipeline reference for scband-memory-bank-62173946577471 (READ-ONLY COPY).

The authoritative reference and input builder live on the scoring server;
editing this copy changes nothing except your own understanding.
"""

import jax, jax.numpy as jnp
import numpy as np

NUM_CLASSES = 1000
FEAT_DIM = 2048
SLOTS = 5
TOP_K = 3
B = 4096


def setup_inputs(seed: int = 0) -> dict:
    key = jax.random.key(seed)
    k1, k2, k3, k4, k5 = jax.random.split(key, 5)
    query = jax.random.normal(k1, (B, FEAT_DIM), dtype=jnp.float32)
    labels = jax.random.randint(k2, (B,), 0, NUM_CLASSES, dtype=jnp.int64)
    # memory bank buffers (normally filled by update(); randomize so retrieval hits)
    mem_keys = jax.random.normal(k3, (NUM_CLASSES, SLOTS, FEAT_DIM), dtype=jnp.float32)
    mem_vals = jax.random.normal(k4, (NUM_CLASSES, SLOTS, FEAT_DIM), dtype=jnp.float32)
    mem_scores = jax.random.uniform(k5, (NUM_CLASSES, SLOTS), dtype=jnp.float32)
    return {"query": query, "labels": labels, "mem_keys": mem_keys, "mem_vals": mem_vals, "mem_scores": mem_scores}


def _cosine_sim(a, b, eps=1e-8):
    # a: [B, 1, D] broadcast vs b: [B, S, D]; matches torch.F.cosine_similarity
    an = jnp.maximum(jnp.linalg.norm(a, axis=-1), eps)
    bn = jnp.maximum(jnp.linalg.norm(b, axis=-1), eps)
    return jnp.sum(a * b, axis=-1) / (an * bn)


def reference(query, labels, mem_keys, mem_vals, mem_scores):
    labels = labels.astype(jnp.int32)
    # gather per-sample class slots (SparseCore-style gather)
    class_keys = jnp.take(mem_keys, labels, axis=0)      # [B, S, D]
    class_vals = jnp.take(mem_vals, labels, axis=0)      # [B, S, D]
    class_scores = jnp.take(mem_scores, labels, axis=0)  # [B, S]
    sim = _cosine_sim(query[:, None, :], class_keys)      # [B, S]
    combined = sim * class_scores                         # [B, S]
    k = min(TOP_K, SLOTS)
    top_scores, top_idx = jax.lax.top_k(combined, k)      # [B, k]
    attn = jax.nn.softmax(top_scores / 0.1, axis=-1)      # [B, k]
    gathered_vals = jnp.take_along_axis(class_vals, top_idx[:, :, None], axis=1)  # [B, k, D]
    retrieved = jnp.sum(gathered_vals * attn[:, :, None], axis=1)                 # [B, D]
    weights = jnp.mean(top_scores, axis=-1)                                       # [B]
    # miss handling: classes whose score row sums to 0 are skipped (stay zero)
    hit = jnp.sum(class_scores, axis=-1) > 0
    retrieved = jnp.where(hit[:, None], retrieved, 0.0)
    weights = jnp.where(hit, weights, 0.0)
    return retrieved, weights

if __name__ == "__main__":
    import jax
    _d = setup_inputs()
    print(jax.jit(kernel)(*tuple(_d.values())))

</pallas_src>

<mosaic_0001>
#map = affine_map<(d0, d1) -> (0, 0)>
#map1 = affine_map<(d0, d1) -> (0)>
module attributes {stable_mosaic.version = 14 : i64} {
  func.func @_sc_body(%arg0: i32, %arg1: i32, %arg2: memref<5000x2048xf32, #tpu.memory_space<hbm>>, %arg3: memref<5000x2048xf32, #tpu.memory_space<hbm>>, %arg4: memref<4096xi32, #tpu.memory_space<hbm>>, %arg5: memref<4096x2048xf32, #tpu.memory_space<hbm>>, %arg6: memref<8000xf32, #tpu.memory_space<hbm>>, %arg7: memref<4096x2048xf32, #tpu.memory_space<hbm>>, %arg8: memref<4096xf32, #tpu.memory_space<hbm>>, %arg9: memref<128xi32, #tpu.memory_space<vmem>>, %arg10: memref<8000xf32, #tpu.memory_space<vmem>>, %arg11: memref<8x2048xf32, #tpu.memory_space<vmem>>, %arg12: memref<40x2048xf32, #tpu.memory_space<vmem>>, %arg13: memref<40xi32, #tpu.memory_space<vmem>>, %arg14: memref<24xi32, #tpu.memory_space<vmem>>, %arg15: memref<640xf32, #tpu.memory_space<vmem>>, %arg16: memref<640xf32, #tpu.memory_space<vmem>>, %arg17: memref<128xf32, #tpu.memory_space<vmem>>, %arg18: memref<48xi32, #tpu.memory_space<vmem>>, %arg19: memref<48xf32, #tpu.memory_space<vmem>>, %arg20: memref<128xf32, #tpu.memory_space<vmem>>, %arg21: memref<!tpu.dma_semaphore, #tpu.memory_space<semaphore_mem>>, %arg22: memref<!tpu.dma_semaphore, #tpu.memory_space<semaphore_mem>>) attributes {dimension_semantics = [#tpu.dimension_semantics<core_parallel>, #tpu.dimension_semantics<subcore_parallel>], iteration_bounds = array<i64: 2, 16>, scalar_prefetch = 0 : i64, scratch_operands = 14 : i64, tpu.core_type = #tpu.core_type<sc_vector_subcore>, window_params = [{transform_indices = #map}, {transform_indices = #map}, {transform_indices = #map1}, {transform_indices = #map}, {transform_indices = #map1}, {transform_indices = #map}, {transform_indices = #map1}]} {
    %mul3A = arith.constant 2 : i32
    %mul3A_0 = arith.muli %arg1, %mul3A : i32
    %add3A = arith.addi %mul3A_0, %arg0 : i32
    %mul3A_1 = arith.constant 128 : i32
    %mul3A_2 = arith.muli %add3A, %mul3A_1 : i32
    "tpu.region"() ({
      %run_scoped3A = tpu.sem_alloc : memref<!tpu.dma_semaphore, #tpu.memory_space<semaphore_mem>>
      %dma_start3A = tpu.memref_slice %arg4[%mul3A_2] : memref<4096xi32, #tpu.memory_space<hbm>> -> memref<128xi32, #tpu.memory_space<hbm>>
      %dma_start3A_36 = tpu.memref_slice %arg4[%mul3A_2] : memref<4096xi32, #tpu.memory_space<hbm>> -> memref<128xi32, #tpu.memory_space<hbm>>
      tpu.enqueue_dma source(%dma_start3A_36 : memref<128xi32, #tpu.memory_space<hbm>>) target(%arg9 : memref<128xi32, #tpu.memory_space<vmem>>) target_semaphore(%run_scoped3A : memref<!tpu.dma_semaphore, #tpu.memory_space<semaphore_mem>>)
      %dma_wait3A_37 = tpu.memref_slice %arg4[%mul3A_2] : memref<4096xi32, #tpu.memory_space<hbm>> -> memref<128xi32, #tpu.memory_space<hbm>>
      %dma_wait3A_38 = tpu.memref_slice %arg4[%mul3A_2] : memref<4096xi32, #tpu.memory_space<hbm>> -> memref<128xi32, #tpu.memory_space<hbm>>
      tpu.wait_dma2 semaphore(%run_scoped3A : memref<!tpu.dma_semaphore, #tpu.memory_space<semaphore_mem>>) src(%dma_wait3A_38 : memref<128xi32, #tpu.memory_space<hbm>>) dst(%arg9 : memref<128xi32, #tpu.memory_space<vmem>>)
      tpu.yield
    }) : () -> ()
    "tpu.region"() ({
      %run_scoped3A = tpu.sem_alloc : memref<!tpu.dma_semaphore, #tpu.memory_space<semaphore_mem>>
      tpu.enqueue_dma source(%arg6 : memref<8000xf32, #tpu.memory_space<hbm>>) target(%arg10 : memref<8000xf32, #tpu.memory_space<vmem>>) target_semaphore(%run_scoped3A : memref<!tpu.dma_semaphore, #tpu.memory_space<semaphore_mem>>)
      tpu.wait_dma2 semaphore(%run_scoped3A : memref<!tpu.dma_semaphore, #tpu.memory_space<semaphore_mem>>) src(%arg6 : memref<8000xf32, #tpu.memory_space<hbm>>) dst(%arg10 : memref<8000xf32, #tpu.memory_space<vmem>>)
      tpu.yield
    }) : () -> ()
    %iota3A = tpu.iota {dimensions = array<i32: 0>} : vector<16xi32>
    %jit3A = arith.constant 8 : i32
    %eq3A = arith.constant 0 : i32
    %eq3A_3 = arith.cmpi eq, %jit3A, %eq3A : i32
    %jit3A_4 = arith.constant 1 : i32
    %select_n3A = arith.select %eq3A_3, %jit3A_4, %jit3A : i32
    %rem3A = vector.broadcast %select_n3A : i32 to vector<16xi32>
    %rem3A_5 = arith.remsi %iota3A, %rem3A : vector<16xi32>
    %ne3A = arith.constant 0 : i32
    %ne3A_6 = vector.broadcast %ne3A : i32 to vector<16xi32>
    %ne3A_7 = arith.cmpi ne, %rem3A_5, %ne3A_6 : vector<16xi32>
    %lt3A = arith.constant 0 : i32
    %lt3A_8 = vector.broadcast %lt3A : i32 to vector<16xi32>
    %lt3A_9 = arith.cmpi slt, %rem3A_5, %lt3A_8 : vector<16xi32>
    %lt3A_10 = arith.constant 0 : i32
    %lt3A_11 = arith.cmpi slt, %select_n3A, %lt3A_10 : i32
    %ne3A_12 = vector.broadcast %lt3A_11 : i1 to vector<16xi1>
    %ne3A_13 = vector.broadcast %ne3A_12 : vector<16xi1> to vector<16xi1>
    %ne3A_14 = arith.xori %lt3A_9, %ne3A_13 : vector<16xi1>
    %and3A = arith.andi %ne3A_14, %ne3A_7 : vector<16xi1>
    %add3A_15 = vector.broadcast %select_n3A : i32 to vector<16xi32>
    %add3A_16 = arith.addi %rem3A_5, %add3A_15 : vector<16xi32>
    %select_n3A_17 = arith.select %and3A, %add3A_16, %rem3A_5 : vector<16xi1>, vector<16xi32>
    %lt3A_18 = arith.constant 16 : i32
    %lt3A_19 = vector.broadcast %lt3A_18 : i32 to vector<16xi32>
    %lt3A_20 = arith.cmpi slt, %iota3A, %lt3A_19 : vector<16xi32>
    %lt3A_21 = arith.constant 8 : i32
    %lt3A_22 = vector.broadcast %lt3A_21 : i32 to vector<16xi32>
    %lt3A_23 = arith.cmpi slt, %iota3A, %lt3A_22 : vector<16xi32>
    %scan3A = arith.constant 0 : i32
    %scan3A_24 = arith.constant 0 : i32
    %scan3A_25 = arith.constant 16 : i32
    %scan3A_26 = arith.addi %scan3A_24, %scan3A_25 : i32
    %scan3A_27 = arith.constant 1 : i32
    %scan3A_28 = scf.for %scan3A_36 = %scan3A_24 to %scan3A_26 step %scan3A_27 iter_args(%scan3A_37 = %scan3A) -> (i32)  : i32 {
      %mul3A_38 = arith.constant 8 : i32
      %mul3A_39 = arith.muli %scan3A_36, %mul3A_38 : i32
      %add3A_40 = arith.addi %mul3A_2, %mul3A_39 : i32
      %add3A_41 = vector.broadcast %mul3A_39 : i32 to vector<16xi32>
      %add3A_42 = arith.addi %add3A_41, %select_n3A_17 : vector<16xi32>
      %gather3A = tpu.vector_load_idx %arg9[%add3A_42] : memref<128xi32, #tpu.memory_space<vmem>>[vector<16xi32>], vector<16xi32>,
      %add3A_43 = arith.constant 0 : i32
      %add3A_44 = vector.broadcast %add3A_43 : i32 to vector<16xi32>
      %add3A_45 = arith.addi %add3A_44, %iota3A : vector<16xi32>
      %jit3A_46 = arith.constant 8 : i32
      %div3A = vector.broadcast %jit3A_46 : i32 to vector<16xi32>
      %div3A_47 = arith.divsi %add3A_45, %div3A : vector<16xi32>
      %sign3A = arith.constant 0 : i32
      %sign3A_48 = vector.broadcast %sign3A : i32 to vector<16xi32>
      %sign3A_49 = arith.cmpi sgt, %add3A_45, %sign3A_48 : vector<16xi32>
      %sign3A_50 = arith.extui %sign3A_49 : vector<16xi1> to vector<16xi32>
      %sign3A_51 = arith.constant 0 : i32
      %sign3A_52 = vector.broadcast %sign3A_51 : i32 to vector<16xi32>
      %sign3A_53 = arith.cmpi slt, %add3A_45, %sign3A_52 : vector<16xi32>
      %sign3A_54 = arith.extui %sign3A_53 : vector<16xi1> to vector<16xi32>
      %sign3A_55 = arith.subi %sign3A_50, %sign3A_54 : vector<16xi32>
      %sign3A_56 = arith.constant 0 : i32
      %sign3A_57 = arith.cmpi sgt, %jit3A_46, %sign3A_56 : i32
      %sign3A_58 = arith.extui %sign3A_57 : i1 to i32
      %sign3A_59 = arith.constant 0 : i32
      %sign3A_60 = arith.cmpi slt, %jit3A_46, %sign3A_59 : i32
      %sign3A_61 = arith.extui %sign3A_60 : i1 to i32
      %sign3A_62 = arith.subi %sign3A_58, %sign3A_61 : i32
      %ne3A_63 = vector.broadcast %sign3A_62 : i32 to vector<16xi32>
      %ne3A_64 = arith.cmpi ne, %sign3A_55, %ne3A_63 : vector<16xi32>
      %rem3A_65 = vector.broadcast %jit3A_46 : i32 to vector<16xi32>
      %rem3A_66 = arith.remsi %add3A_45, %rem3A_65 : vector<16xi32>
      %ne3A_67 = arith.constant 0 : i32
      %ne3A_68 = vector.broadcast %ne3A_67 : i32 to vector<16xi32>
      %ne3A_69 = arith.cmpi ne, %rem3A_66, %ne3A_68 : vector<16xi32>
      %and3A_70 = arith.andi %ne3A_64, %ne3A_69 : vector<16xi1>
      %sub3A_71 = arith.constant 1 : i32
      %sub3A_72 = vector.broadcast %sub3A_71 : i32 to vector<16xi32>
      %sub3A_73 = arith.subi %div3A_47, %sub3A_72 : vector<16xi32>
      %select_n3A_74 = arith.select %and3A_70, %sub3A_73, %div3A_47 : vector<16xi1>, vector<16xi32>
      %mul3A_75 = arith.constant 1000 : i32
      %mul3A_76 = vector.broadcast %mul3A_75 : i32 to vector<16xi32>
      %mul3A_77 = arith.muli %select_n3A_74, %mul3A_76 : vector<16xi32>
      %add3A_78 = arith.addi %gather3A, %mul3A_77 : vector<16xi32>
      tpu.vector_store_idx %arg13[%add3A_45], %add3A_78 masked %lt3A_20 : memref<40xi32, #tpu.memory_space<vmem>>[vector<16xi32>], vector<16xi32>, vector<16xi1>
      %add3A_79 = arith.constant 16 : i32
      %add3A_80 = vector.broadcast %add3A_79 : i32 to vector<16xi32>
      %add3A_81 = arith.addi %add3A_80, %iota3A : vector<16xi32>
      %jit3A_82 = arith.constant 8 : i32
      %div3A_83 = vector.broadcast %jit3A_82 : i32 to vector<16xi32>
      %div3A_84 = arith.divsi %add3A_81, %div3A_83 : vector<16xi32>
      %sign3A_85 = arith.constant 0 : i32
      %sign3A_86 = vector.broadcast %sign3A_85 : i32 to vector<16xi32>
      %sign3A_87 = arith.cmpi sgt, %add3A_81, %sign3A_86 : vector<16xi32>
      %sign3A_88 = arith.extui %sign3A_87 : vector<16xi1> to vector<16xi32>
      %sign3A_89 = arith.constant 0 : i32
      %sign3A_90 = vector.broadcast %sign3A_89 : i32 to vector<16xi32>
      %sign3A_91 = arith.cmpi slt, %add3A_81, %sign3A_90 : vector<16xi32>
      %sign3A_92 = arith.extui %sign3A_91 : vector<16xi1> to vector<16xi32>
      %sign3A_93 = arith.subi %sign3A_88, %sign3A_92 : vector<16xi32>
      %sign3A_94 = arith.constant 0 : i32
      %sign3A_95 = arith.cmpi sgt, %jit3A_82, %sign3A_94 : i32
      %sign3A_96 = arith.extui %sign3A_95 : i1 to i32
      %sign3A_97 = arith.constant 0 : i32
      %sign3A_98 = arith.cmpi slt, %jit3A_82, %sign3A_97 : i32
      %sign3A_99 = arith.extui %sign3A_98 : i1 to i32
      %sign3A_100 = arith.subi %sign3A_96, %sign3A_99 : i32
      %ne3A_101 = vector.broadcast %sign3A_100 : i32 to vector<16xi32>
      %ne3A_102 = arith.cmpi ne, %sign3A_93, %ne3A_101 : vector<16xi32>
      %rem3A_103 = vector.broadcast %jit3A_82 : i32 to vector<16xi32>
      %rem3A_104 = arith.remsi %add3A_81, %rem3A_103 : vector<16xi32>
      %ne3A_105 = arith.constant 0 : i32
      %ne3A_106 = vector.broadcast %ne3A_105 : i32 to vector<16xi32>
      %ne3A_107 = arith.cmpi ne, %rem3A_104, %ne3A_106 : vector<16xi32>
      %and3A_108 = arith.andi %ne3A_102, %ne3A_107 : vector<16xi1>
      %sub3A_109 = arith.constant 1 : i32
      %sub3A_110 = vector.broadcast %sub3A_109 : i32 to vector<16xi32>
      %sub3A_111 = arith.subi %div3A_84, %sub3A_110 : vector<16xi32>
      %select_n3A_112 = arith.select %and3A_108, %sub3A_111, %div3A_84 : vector<16xi1>, vector<16xi32>
      %mul3A_113 = arith.constant 1000 : i32
      %mul3A_114 = vector.broadcast %mul3A_113 : i32 to vector<16xi32>
      %mul3A_115 = arith.muli %select_n3A_112, %mul3A_114 : vector<16xi32>
      %add3A_116 = arith.addi %gather3A, %mul3A_115 : vector<16xi32>
      tpu.vector_store_idx %arg13[%add3A_81], %add3A_116 masked %lt3A_20 : memref<40xi32, #tpu.memory_space<vmem>>[vector<16xi32>], vector<16xi32>, vector<16xi1>
      %add3A_117 = arith.constant 32 : i32
      %add3A_118 = vector.broadcast %add3A_117 : i32 to vector<16xi32>
      %add3A_119 = arith.addi %add3A_118, %iota3A : vector<16xi32>
      %jit3A_120 = arith.constant 8 : i32
      %div3A_121 = vector.broadcast %jit3A_120 : i32 to vector<16xi32>
      %div3A_122 = arith.divsi %add3A_119, %div3A_121 : vector<16xi32>
      %sign3A_123 = arith.constant 0 : i32
      %sign3A_124 = vector.broadcast %sign3A_123 : i32 to vector<16xi32>
      %sign3A_125 = arith.cmpi sgt, %add3A_119, %sign3A_124 : vector<16xi32>
      %sign3A_126 = arith.extui %sign3A_125 : vector<16xi1> to vector<16xi32>
      %sign3A_127 = arith.constant 0 : i32
      %sign3A_128 = vector.broadcast %sign3A_127 : i32 to vector<16xi32>
      %sign3A_129 = arith.cmpi slt, %add3A_119, %sign3A_128 : vector<16xi32>
      %sign3A_130 = arith.extui %sign3A_129 : vector<16xi1> to vector<16xi32>
      %sign3A_131 = arith.subi %sign3A_126, %sign3A_130 : vector<16xi32>
      %sign3A_132 = arith.constant 0 : i32
      %sign3A_133 = arith.cmpi sgt, %jit3A_120, %sign3A_132 : i32
      %sign3A_134 = arith.extui %sign3A_133 : i1 to i32
      %sign3A_135 = arith.constant 0 : i32
      %sign3A_136 = arith.cmpi slt, %jit3A_120, %sign3A_135 : i32
      %sign3A_137 = arith.extui %sign3A_136 : i1 to i32
      %sign3A_138 = arith.subi %sign3A_134, %sign3A_137 : i32
      %ne3A_139 = vector.broadcast %sign3A_138 : i32 to vector<16xi32>
      %ne3A_140 = arith.cmpi ne, %sign3A_131, %ne3A_139 : vector<16xi32>
      %rem3A_141 = vector.broadcast %jit3A_120 : i32 to vector<16xi32>
      %rem3A_142 = arith.remsi %add3A_119, %rem3A_141 : vector<16xi32>
      %ne3A_143 = arith.constant 0 : i32
      %ne3A_144 = vector.broadcast %ne3A_143 : i32 to vector<16xi32>
      %ne3A_145 = arith.cmpi ne, %rem3A_142, %ne3A_144 : vector<16xi32>
      %and3A_146 = arith.andi %ne3A_140, %ne3A_145 : vector<16xi1>
      %sub3A_147 = arith.constant 1 : i32
      %sub3A_148 = vector.broadcast %sub3A_147 : i32 to vector<16xi32>
      %sub3A_149 = arith.subi %div3A_122, %sub3A_148 : vector<16xi32>
      %select_n3A_150 = arith.select %and3A_146, %sub3A_149, %div3A_122 : vector<16xi1>, vector<16xi32>
      %mul3A_151 = arith.constant 1000 : i32
      %mul3A_152 = vector.broadcast %mul3A_151 : i32 to vector<16xi32>
      %mul3A_153 = arith.muli %select_n3A_150, %mul3A_152 : vector<16xi32>
      %add3A_154 = arith.addi %gather3A, %mul3A_153 : vector<16xi32>
      tpu.vector_store_idx %arg13[%add3A_119], %add3A_154 masked %lt3A_23 : memref<40xi32, #tpu.memory_space<vmem>>[vector<16xi32>], vector<16xi32>, vector<16xi1>
      %dma_start3A = arith.constant 0 : i32
      %dma_start3A_155 = arith.constant 0 : i32
      %dma_start3A_156 = tpu.memref_slice %arg2[%dma_start3A, %dma_start3A_155] : memref<5000x2048xf32, #tpu.memory_space<hbm>> -> memref<5000x2048xf32, #tpu.memory_space<hbm>>
      tpu.enqueue_indirect_dma source(%dma_start3A_156 : memref<5000x2048xf32, #tpu.memory_space<hbm>>) target(%arg12 : memref<40x2048xf32, #tpu.memory_space<vmem>>) offsets(%arg13 : memref<40xi32, #tpu.memory_space<vmem>>) semaphore(%arg21 : memref<!tpu.dma_semaphore, #tpu.memory_space<semaphore_mem>>)
      %gt3A = arith.constant 0 : i32
      %gt3A_157 = arith.cmpi sgt, %scan3A_36, %gt3A : i32
      %convert_element_type3A = arith.extui %gt3A_157 : i1 to i32
      %cond3A = arith.constant 0 : i32
      %cond3A_158 = arith.cmpi ne, %convert_element_type3A, %cond3A : i32
      scf.if %cond3A_158 {
        %sub3A_2874 = arith.constant 8 : i32
        %sub3A_2875 = arith.subi %add3A_40, %sub3A_2874 : i32
        %dma_wait3A_2876 = arith.constant 0 : i32
        %dma_wait3A_2877 = tpu.memref_slice %arg7[%sub3A_2875, %dma_wait3A_2876] : memref<4096x2048xf32, #tpu.memory_space<hbm>> -> memref<8x2048xf32, #tpu.memory_space<hbm>>
        %dma_wait3A_2878 = arith.constant 0 : i32
        %dma_wait3A_2879 = tpu.memref_slice %arg7[%sub3A_2875, %dma_wait3A_2878] : memref<4096x2048xf32, #tpu.memory_space<hbm>> -> memref<8x2048xf32, #tpu.memory_space<hbm>>
        tpu.wait_dma2 semaphore(%arg22 : memref<!tpu.dma_semaphore, #tpu.memory_space<semaphore_mem>>) src(%arg11 : memref<8x2048xf32, #tpu.memory_space<vmem>>) dst(%dma_wait3A_2879 : memref<8x2048xf32, #tpu.memory_space<hbm>>)
      } else {
      }
      "tpu.region"() ({
        %run_scoped3A = tpu.sem_alloc : memref<!tpu.dma_semaphore, #tpu.memory_space<semaphore_mem>>
        %dma_start3A_2874 = arith.constant 0 : i32
        %dma_start3A_2875 = tpu.memref_slice %arg5[%add3A_40, %dma_start3A_2874] : memref<4096x2048xf32, #tpu.memory_space<hbm>> -> memref<8x2048xf32, #tpu.memory_space<hbm>>
        %dma_start3A_2876 = arith.constant 0 : i32
        %dma_start3A_2877 = tpu.memref_slice %arg5[%add3A_40, %dma_start3A_2876] : memref<4096x2048xf32, #tpu.memory_space<hbm>> -> memref<8x2048xf32, #tpu.memory_space<hbm>>
        tpu.enqueue_dma source(%dma_start3A_2877 : memref<8x2048xf32, #tpu.memory_space<hbm>>) target(%arg11 : memref<8x2048xf32, #tpu.memory_space<vmem>>) target_semaphore(%run_scoped3A : memref<!tpu.dma_semaphore, #tpu.memory_space<semaphore_mem>>)
        %dma_wait3A_2878 = arith.constant 0 : i32
        %dma_wait3A_2879 = tpu.memref_slice %arg5[%add3A_40, %dma_wait3A_2878] : memref<4096x2048xf32, #tpu.memory_space<hbm>> -> memref<8x2048xf32, #tpu.memory_space<hbm>>
        %dma_wait3A_2880 = arith.constant 0 : i32
        %dma_wait3A_2881 = tpu.memref_slice %arg5[%add3A_40, %dma_wait3A_2880] : memref<4096x2048xf32, #tpu.memory_space<hbm>> -> memref<8x2048xf32, #tpu.memory_space<hbm>>
        tpu.wait_dma2 semaphore(%run_scoped3A : memref<!tpu.dma_semaphore, #tpu.memory_space<semaphore_mem>>) src(%dma_wait3A_2881 : memref<8x2048xf32, #tpu.memory_space<hbm>>) dst(%arg11 : memref<8x2048xf32, #tpu.memory_space<vmem>>)
        tpu.yield
      }) : () -> ()
      %dma_wait3A_159 = arith.constant 0 : i32
      %dma_wait3A_160 = arith.constant 0 : i32
      %dma_wait3A_161 = tpu.memref_slice %arg2[%dma_wait3A_159, %dma_wait3A_160] : memref<5000x2048xf32, #tpu.memory_space<hbm>> -> memref<5000x2048xf32, #tpu.memory_space<hbm>>
      tpu.wait_indirect_dma semaphore(%arg21 : memref<!tpu.dma_semaphore, #tpu.memory_space<semaphore_mem>>) src(%dma_wait3A_161 : memref<5000x2048xf32, #tpu.memory_space<hbm>>) dst(%arg12 : memref<40x2048xf32, #tpu.memory_space<vmem>>)
      %scan3A_162 = arith.constant 0 : i32
      %scan3A_163 = arith.constant 0 : i32
      %scan3A_164 = arith.constant 8 : i32
      %scan3A_165 = arith.addi %scan3A_163, %scan3A_164 : i32
      %scan3A_166 = arith.constant 1 : i32
      %scan3A_167 = scf.for %scan3A_2874 = %scan3A_163 to %scan3A_165 step %scan3A_166 iter_args(%scan3A_2875 = %scan3A_162) -> (i32)  : i32 {
        %broadcast_in_dim3A_2876 = arith.constant 0.000000e+00 : f32
        %broadcast_in_dim3A_2877 = vector.broadcast %broadcast_in_dim3A_2876 : f32 to vector<16xf32>
        %scan3A_2878 = arith.constant 0 : i32
        %scan3A_2879 = arith.constant 64 : i32
        %scan3A_2880 = arith.addi %scan3A_2878, %scan3A_2879 : i32
        %scan3A_2881 = arith.constant 2 : i32
        %scan3A_2882:22 = scf.for %scan3A_2960 = %scan3A_2878 to %scan3A_2880 step %scan3A_2881 iter_args(%scan3A_2961 = %broadcast_in_dim3A_2877, %scan3A_2962 = %broadcast_in_dim3A_2877, %scan3A_2963 = %broadcast_in_dim3A_2877, %scan3A_2964 = %broadcast_in_dim3A_2877, %scan3A_2965 = %broadcast_in_dim3A_2877, %scan3A_2966 = %broadcast_in_dim3A_2877, %scan3A_2967 = %broadcast_in_dim3A_2877, %scan3A_2968 = %broadcast_in_dim3A_2877, %scan3A_2969 = %broadcast_in_dim3A_2877, %scan3A_2970 = %broadcast_in_dim3A_2877, %scan3A_2971 = %broadcast_in_dim3A_2877, %scan3A_2972 = %broadcast_in_dim3A_2877, %scan3A_2973 = %broadcast_in_dim3A_2877, %scan3A_2974 = %broadcast_in_dim3A_2877, %scan3A_2975 = %broadcast_in_dim3A_2877, %scan3A_2976 = %broadcast_in_dim3A_2877, %scan3A_2977 = %broadcast_in_dim3A_2877, %scan3A_2978 = %broadcast_in_dim3A_2877, %scan3A_2979 = %broadcast_in_dim3A_2877, %scan3A_2980 = %broadcast_in_dim3A_2877, %scan3A_2981 = %broadcast_in_dim3A_2877, %scan3A_2982 = %broadcast_in_dim3A_2877) -> (vector<16xf32>, vector<16xf32>, vector<16xf32>, vector<16xf32>, vector<16xf32>, vector<16xf32>, vector<16xf32>, vector<16xf32>, vector<16xf32>, vector<16xf32>, vector<16xf32>, vector<16xf32>, vector<16xf32>, vector<16xf32>, vector<16xf32>, vector<16xf32>, vector<16xf32>, vector<16xf32>, vector<16xf32>, vector<16xf32>, vector<16xf32>, vector<16xf32>)  : i32 {
          %mul3A_2983 = arith.constant 2 : i32
          %mul3A_2984 = arith.muli %scan3A_2960, %mul3A_2983 : i32
          %add3A_2985 = arith.constant 0 : i32
          %add3A_2986 = arith.addi %mul3A_2984, %add3A_2985 : i32
          %mul3A_2987 = arith.constant 16 : i32
          %mul3A_2988 = arith.muli %add3A_2986, %mul3A_2987 : i32
          %get3A = arith.index_cast %scan3A_2874 : i32 to index
          %get3A_2989 = arith.index_cast %mul3A_2988 : i32 to index
          %get3A_2990 = tpu.vector_load %arg11[%get3A, %get3A_2989] {strides = array<i32>} : memref<8x2048xf32, #tpu.memory_space<vmem>>, vector<16xf32>,
          %add3A_2991 = arith.constant 0 : i32
          %add3A_2992 = arith.addi %add3A_2991, %scan3A_2874 : i32
          %get3A_2993 = arith.index_cast %add3A_2992 : i32 to index
          %get3A_2994 = arith.index_cast %mul3A_2988 : i32 to index
          %get3A_2995 = tpu.vector_load %arg12[%get3A_2993, %get3A_2994] {strides = array<i32>} : memref<40x2048xf32, #tpu.memory_space<vmem>>, vector<16xf32>,
          %mul3A_2996 = arith.mulf %get3A_2990, %get3A_2995 : vector<16xf32>
          %add3A_2997 = arith.addf %scan3A_2961, %mul3A_2996 : vector<16xf32>
          %mul3A_2998 = arith.mulf %get3A_2995, %get3A_2995 : vector<16xf32>
          %add3A_2999 = arith.addf %scan3A_2971, %mul3A_2998 : vector<16xf32>
          %add3A_3000 = arith.constant 8 : i32
          %add3A_3001 = arith.addi %add3A_3000, %scan3A_2874 : i32
          %get3A_3002 = arith.index_cast %add3A_3001 : i32 to index
          %get3A_3003 = arith.index_cast %mul3A_2988 : i32 to index
          %get3A_3004 = tpu.vector_load %arg12[%get3A_3002, %get3A_3003] {strides = array<i32>} : memref<40x2048xf32, #tpu.memory_space<vmem>>, vector<16xf32>,
          %mul3A_3005 = arith.mulf %get3A_2990, %get3A_3004 : vector<16xf32>
          %add3A_3006 = arith.addf %scan3A_2963, %mul3A_3005 : vector<16xf32>
          %mul3A_3007 = arith.mulf %get3A_3004, %get3A_3004 : vector<16xf32>
          %add3A_3008 = arith.addf %scan3A_2973, %mul3A_3007 : vector<16xf32>
          %add3A_3009 = arith.constant 16 : i32
          %add3A_3010 = arith.addi %add3A_3009, %scan3A_2874 : i32
          %get3A_3011 = arith.index_cast %add3A_3010 : i32 to index
          %get3A_3012 = arith.index_cast %mul3A_2988 : i32 to index
          %get3A_3013 = tpu.vector_load %arg12[%get3A_3011, %get3A_3012] {strides = array<i32>} : memref<40x2048xf32, #tpu.memory_space<vmem>>, vector<16xf32>,
          %mul3A_3014 = arith.mulf %get3A_2990, %get3A_3013 : vector<16xf32>
          %add3A_3015 = arith.addf %scan3A_2965, %mul3A_3014 : vector<16xf32>
          %mul3A_3016 = arith.mulf %get3A_3013, %get3A_3013 : vector<16xf32>
          %add3A_3017 = arith.addf %scan3A_2975, %mul3A_3016 : vector<16xf32>
          %add3A_3018 = arith.constant 24 : i32
          %add3A_3019 = arith.addi %add3A_3018, %scan3A_2874 : i32
          %get3A_3020 = arith.index_cast %add3A_3019 : i32 to index
          %get3A_3021 = arith.index_cast %mul3A_2988 : i32 to index
          %get3A_3022 = tpu.vector_load %arg12[%get3A_3020, %get3A_3021] {strides = array<i32>} : memref<40x2048xf32, #tpu.memory_space<vmem>>, vector<16xf32>,
          %mul3A_3023 = arith.mulf %get3A_2990, %get3A_3022 : vector<16xf32>
          %add3A_3024 = arith.addf %scan3A_2967, %mul3A_3023 : vector<16xf32>
          %mul3A_3025 = arith.mulf %get3A_3022, %get3A_3022 : vector<16xf32>
          %add3A_3026 = arith.addf %scan3A_2977, %mul3A_3025 : vector<16xf32>
          %add3A_3027 = arith.constant 32 : i32
          %add3A_3028 = arith.addi %add3A_3027, %scan3A_2874 : i32
          %get3A_3029 = arith.index_cast %add3A_3028 : i32 to index
          %get3A_3030 = arith.index_cast %mul3A_2988 : i32 to index
          %get3A_3031 = tpu.vector_load %arg12[%get3A_3029, %get3A_3030] {strides = array<i32>} : memref<40x2048xf32, #tpu.memory_space<vmem>>, vector<16xf32>,
          %mul3A_3032 = arith.mulf %get3A_2990, %get3A_3031 : vector<16xf32>
          %add3A_3033 = arith.addf %scan3A_2969, %mul3A_3032 : vector<16xf32>
          %mul3A_3034 = arith.mulf %get3A_3031, %get3A_3031 : vector<16xf32>
          %add3A_3035 = arith.addf %scan3A_2979, %mul3A_3034 : vector<16xf32>
          %mul3A_3036 = arith.mulf %get3A_2990, %get3A_2990 : vector<16xf32>
          %add3A_3037 = arith.addf %scan3A_2981, %mul3A_3036 : vector<16xf32>
          %mul3A_3038 = arith.constant 2 : i32
          %mul3A_3039 = arith.muli %scan3A_2960, %mul3A_3038 : i32
          %add3A_3040 = arith.constant 1 : i32
          %add3A_3041 = arith.addi %mul3A_3039, %add3A_3040 : i32
          %mul3A_3042 = arith.constant 16 : i32
          %mul3A_3043 = arith.muli %add3A_3041, %mul3A_3042 : i32
          %get3A_3044 = arith.index_cast %scan3A_2874 : i32 to index
          %get3A_3045 = arith.index_cast %mul3A_3043 : i32 to index
          %get3A_3046 = tpu.vector_load %arg11[%get3A_3044, %get3A_3045] {strides = array<i32>} : memref<8x2048xf32, #tpu.memory_space<vmem>>, vector<16xf32>,
          %add3A_3047 = arith.constant 0 : i32
          %add3A_3048 = arith.addi %add3A_3047, %scan3A_2874 : i32
          %get3A_3049 = arith.index_cast %add3A_3048 : i32 to index
          %get3A_3050 = arith.index_cast %mul3A_3043 : i32 to index
          %get3A_3051 = tpu.vector_load %arg12[%get3A_3049, %get3A_3050] {strides = array<i32>} : memref<40x2048xf32, #tpu.memory_space<vmem>>, vector<16xf32>,
          %mul3A_3052 = arith.mulf %get3A_3046, %get3A_3051 : vector<16xf32>
          %add3A_3053 = arith.addf %scan3A_2962, %mul3A_3052 : vector<16xf32>
          %mul3A_3054 = arith.mulf %get3A_3051, %get3A_3051 : vector<16xf32>
          %add3A_3055 = arith.addf %scan3A_2972, %mul3A_3054 : vector<16xf32>
          %add3A_3056 = arith.constant 8 : i32
          %add3A_3057 = arith.addi %add3A_3056, %scan3A_2874 : i32
          %get3A_3058 = arith.index_cast %add3A_3057 : i32 to index
          %get3A_3059 = arith.index_cast %mul3A_3043 : i32 to index
          %get3A_3060 = tpu.vector_load %arg12[%get3A_3058, %get3A_3059] {strides = array<i32>} : memref<40x2048xf32, #tpu.memory_space<vmem>>, vector<16xf32>,
          %mul3A_3061 = arith.mulf %get3A_3046, %get3A_3060 : vector<16xf32>
          %add3A_3062 = arith.addf %scan3A_2964, %mul3A_3061 : vector<16xf32>
          %mul3A_3063 = arith.mulf %get3A_3060, %get3A_3060 : vector<16xf32>
          %add3A_3064 = arith.addf %scan3A_2974, %mul3A_3063 : vector<16xf32>
          %add3A_3065 = arith.constant 16 : i32
          %add3A_3066 = arith.addi %add3A_3065, %scan3A_2874 : i32
          %get3A_3067 = arith.index_cast %add3A_3066 : i32 to index
          %get3A_3068 = arith.index_cast %mul3A_3043 : i32 to index
          %get3A_3069 = tpu.vector_load %arg12[%get3A_3067, %get3A_3068] {strides = array<i32>} : memref<40x2048xf32, #tpu.memory_space<vmem>>, vector<16xf32>,
          %mul3A_3070 = arith.mulf %get3A_3046, %get3A_3069 : vector<16xf32>
          %add3A_3071 = arith.addf %scan3A_2966, %mul3A_3070 : vector<16xf32>
          %mul3A_3072 = arith.mulf %get3A_3069, %get3A_3069 : vector<16xf32>
          %add3A_3073 = arith.addf %scan3A_2976, %mul3A_3072 : vector<16xf32>
          %add3A_3074 = arith.constant 24 : i32
          %add3A_3075 = arith.addi %add3A_3074, %scan3A_2874 : i32
          %get3A_3076 = arith.index_cast %add3A_3075 : i32 to index
          %get3A_3077 = arith.index_cast %mul3A_3043 : i32 to index
          %get3A_3078 = tpu.vector_load %arg12[%get3A_3076, %get3A_3077] {strides = array<i32>} : memref<40x2048xf32, #tpu.memory_space<vmem>>, vector<16xf32>,
          %mul3A_3079 = arith.mulf %get3A_3046, %get3A_3078 : vector<16xf32>
          %add3A_3080 = arith.addf %scan3A_2968, %mul3A_3079 : vector<16xf32>
          %mul3A_3081 = arith.mulf %get3A_3078, %get3A_3078 : vector<16xf32>
          %add3A_3082 = arith.addf %scan3A_2978, %mul3A_3081 : vector<16xf32>
          %add3A_3083 = arith.constant 32 : i32
          %add3A_3084 = arith.addi %add3A_3083, %scan3A_2874 : i32
          %get3A_3085 = arith.index_cast %add3A_3084 : i32 to index
          %get3A_3086 = arith.index_cast %mul3A_3043 : i32 to index
          %get3A_3087 = tpu.vector_load %arg12[%get3A_3085, %get3A_3086] {strides = array<i32>} : memref<40x2048xf32, #tpu.memory_space<vmem>>, vector<16xf32>,
          %mul3A_3088 = arith.mulf %get3A_3046, %get3A_3087 : vector<16xf32>
          %add3A_3089 = arith.addf %scan3A_2970, %mul3A_3088 : vector<16xf32>
          %mul3A_3090 = arith.mulf %get3A_3087, %get3A_3087 : vector<16xf32>
          %add3A_3091 = arith.addf %scan3A_2980, %mul3A_3090 : vector<16xf32>
          %mul3A_3092 = arith.mulf %get3A_3046, %get3A_3046 : vector<16xf32>
          %add3A_3093 = arith.addf %scan3A_2982, %mul3A_3092 : vector<16xf32>
          %scan3A_3094 = arith.constant 1 : i32
          %scan3A_3095 = arith.addi %scan3A_2960, %scan3A_3094 : i32
          %mul3A_3096 = arith.constant 2 : i32
          %mul3A_3097 = arith.muli %scan3A_3095, %mul3A_3096 : i32
          %add3A_3098 = arith.constant 0 : i32
          %add3A_3099 = arith.addi %mul3A_3097, %add3A_3098 : i32
          %mul3A_3100 = arith.constant 16 : i32
          %mul3A_3101 = arith.muli %add3A_3099, %mul3A_3100 : i32
          %get3A_3102 = arith.index_cast %scan3A_2874 : i32 to index
          %get3A_3103 = arith.index_cast %mul3A_3101 : i32 to index
          %get3A_3104 = tpu.vector_load %arg11[%get3A_3102, %get3A_3103] {strides = array<i32>} : memref<8x2048xf32, #tpu.memory_space<vmem>>, vector<16xf32>,
          %add3A_3105 = arith.constant 0 : i32
          %add3A_3106 = arith.addi %add3A_3105, %scan3A_2874 : i32
          %get3A_3107 = arith.index_cast %add3A_3106 : i32 to index
          %get3A_3108 = arith.index_cast %mul3A_3101 : i32 to index
          %get3A_3109 = tpu.vector_load %arg12[%get3A_3107, %get3A_3108] {strides = array<i32>} : memref<40x2048xf32, #tpu.memory_space<vmem>>, vector<16xf32>,
          %mul3A_3110 = arith.mulf %get3A_3104, %get3A_3109 : vector<16xf32>
          %add3A_3111 = arith.addf %add3A_2997, %mul3A_3110 : vector<16xf32>
          %mul3A_3112 = arith.mulf %get3A_3109, %get3A_3109 : vector<16xf32>
          %add3A_3113 = arith.addf %add3A_2999, %mul3A_3112 : vector<16xf32>
          %add3A_3114 = arith.constant 8 : i32
          %add3A_3115 = arith.addi %add3A_3114, %scan3A_2874 : i32
          %get3A_3116 = arith.index_cast %add3A_3115 : i32 to index
          %get3A_3117 = arith.index_cast %mul3A_3101 : i32 to index
          %get3A_3118 = tpu.vector_load %arg12[%get3A_3116, %get3A_3117] {strides = array<i32>} : memref<40x2048xf32, #tpu.memory_space<vmem>>, vector<16xf32>,
          %mul3A_3119 = arith.mulf %get3A_3104, %get3A_3118 : vector<16xf32>
          %add3A_3120 = arith.addf %add3A_3006, %mul3A_3119 : vector<16xf32>
          %mul3A_3121 = arith.mulf %get3A_3118, %get3A_3118 : vector<16xf32>
          %add3A_3122 = arith.addf %add3A_3008, %mul3A_3121 : vector<16xf32>
          %add3A_3123 = arith.constant 16 : i32
          %add3A_3124 = arith.addi %add3A_3123, %scan3A_2874 : i32
          %get3A_3125 = arith.index_cast %add3A_3124 : i32 to index
          %get3A_3126 = arith.index_cast %mul3A_3101 : i32 to index
          %get3A_3127 = tpu.vector_load %arg12[%get3A_3125, %get3A_3126] {strides = array<i32>} : memref<40x2048xf32, #tpu.memory_space<vmem>>, vector<16xf32>,
          %mul3A_3128 = arith.mulf %get3A_3104, %get3A_3127 : vector<16xf32>
          %add3A_3129 = arith.addf %add3A_3015, %mul3A_3128 : vector<16xf32>
          %mul3A_3130 = arith.mulf %get3A_3127, %get3A_3127 : vector<16xf32>
          %add3A_3131 = arith.addf %add3A_3017, %mul3A_3130 : vector<16xf32>
          %add3A_3132 = arith.constant 24 : i32
          %add3A_3133 = arith.addi %add3A_3132, %scan3A_2874 : i32
          %get3A_3134 = arith.index_cast %add3A_3133 : i32 to index
          %get3A_3135 = arith.index_cast %mul3A_3101 : i32 to index
          %get3A_3136 = tpu.vector_load %arg12[%get3A_3134, %get3A_3135] {strides = array<i32>} : memref<40x2048xf32, #tpu.memory_space<vmem>>, vector<16xf32>,
          %mul3A_3137 = arith.mulf %get3A_3104, %get3A_3136 : vector<16xf32>
          %add3A_3138 = arith.addf %add3A_3024, %mul3A_3137 : vector<16xf32>
          %mul3A_3139 = arith.mulf %get3A_3136, %get3A_3136 : vector<16xf32>
          %add3A_3140 = arith.addf %add3A_3026, %mul3A_3139 : vector<16xf32>
          %add3A_3141 = arith.constant 32 : i32
          %add3A_3142 = arith.addi %add3A_3141, %scan3A_2874 : i32
          %get3A_3143 = arith.index_cast %add3A_3142 : i32 to index
          %get3A_3144 = arith.index_cast %mul3A_3101 : i32 to index
          %get3A_3145 = tpu.vector_load %arg12[%get3A_3143, %get3A_3144] {strides = array<i32>} : memref<40x2048xf32, #tpu.memory_space<vmem>>, vector<16xf32>,
          %mul3A_3146 = arith.mulf %get3A_3104, %get3A_3145 : vector<16xf32>
          %add3A_3147 = arith.addf %add3A_3033, %mul3A_3146 : vector<16xf32>
          %mul3A_3148 = arith.mulf %get3A_3145, %get3A_3145 : vector<16xf32>
          %add3A_3149 = arith.addf %add3A_3035, %mul3A_3148 : vector<16xf32>
          %mul3A_3150 = arith.mulf %get3A_3104, %get3A_3104 : vector<16xf32>
          %add3A_3151 = arith.addf %add3A_3037, %mul3A_3150 : vector<16xf32>
          %mul3A_3152 = arith.constant 2 : i32
          %mul3A_3153 = arith.muli %scan3A_3095, %mul3A_3152 : i32
          %add3A_3154 = arith.constant 1 : i32
          %add3A_3155 = arith.addi %mul3A_3153, %add3A_3154 : i32
          %mul3A_3156 = arith.constant 16 : i32
          %mul3A_3157 = arith.muli %add3A_3155, %mul3A_3156 : i32
          %get3A_3158 = arith.index_cast %scan3A_2874 : i32 to index
          %get3A_3159 = arith.index_cast %mul3A_3157 : i32 to index
          %get3A_3160 = tpu.vector_load %arg11[%get3A_3158, %get3A_3159] {strides = array<i32>} : memref<8x2048xf32, #tpu.memory_space<vmem>>, vector<16xf32>,
          %add3A_3161 = arith.constant 0 : i32
          %add3A_3162 = arith.addi %add3A_3161, %scan3A_2874 : i32
          %get3A_3163 = arith.index_cast %add3A_3162 : i32 to index
          %get3A_3164 = arith.index_cast %mul3A_3157 : i32 to index
          %get3A_3165 = tpu.vector_load %arg12[%get3A_3163, %get3A_3164] {strides = array<i32>} : memref<40x2048xf32, #tpu.memory_space<vmem>>, vector<16xf32>,
          %mul3A_3166 = arith.mulf %get3A_3160, %get3A_3165 : vector<16xf32>
          %add3A_3167 = arith.addf %add3A_3053, %mul3A_3166 : vector<16xf32>
          %mul3A_3168 = arith.mulf %get3A_3165, %get3A_3165 : vector<16xf32>
          %add3A_3169 = arith.addf %add3A_3055, %mul3A_3168 : vector<16xf32>
          %add3A_3170 = arith.constant 8 : i32
          %add3A_3171 = arith.addi %add3A_3170, %scan3A_2874 : i32
          %get3A_3172 = arith.index_cast %add3A_3171 : i32 to index
          %get3A_3173 = arith.index_cast %mul3A_3157 : i32 to index
          %get3A_3174 = tpu.vector_load %arg12[%get3A_3172, %get3A_3173] {strides = array<i32>} : memref<40x2048xf32, #tpu.memory_space<vmem>>, vector<16xf32>,
          %mul3A_3175 = arith.mulf %get3A_3160, %get3A_3174 : vector<16xf32>
          %add3A_3176 = arith.addf %add3A_3062, %mul3A_3175 : vector<16xf32>
          %mul3A_3177 = arith.mulf %get3A_3174, %get3A_3174 : vector<16xf32>
          %add3A_3178 = arith.addf %add3A_3064, %mul3A_3177 : vector<16xf32>
          %add3A_3179 = arith.constant 16 : i32
          %add3A_3180 = arith.addi %add3A_3179, %scan3A_2874 : i32
          %get3A_3181 = arith.index_cast %add3A_3180 : i32 to index
          %get3A_3182 = arith.index_cast %mul3A_3157 : i32 to index
          %get3A_3183 = tpu.vector_load %arg12[%get3A_3181, %get3A_3182] {strides = array<i32>} : memref<40x2048xf32, #tpu.memory_space<vmem>>, vector<16xf32>,
          %mul3A_3184 = arith.mulf %get3A_3160, %get3A_3183 : vector<16xf32>
          %add3A_3185 = arith.addf %add3A_3071, %mul3A_3184 : vector<16xf32>
          %mul3A_3186 = arith.mulf %get3A_3183, %get3A_3183 : vector<16xf32>
          %add3A_3187 = arith.addf %add3A_3073, %mul3A_3186 : vector<16xf32>
          %add3A_3188 = arith.constant 24 : i32
          %add3A_3189 = arith.addi %add3A_3188, %scan3A_2874 : i32
          %get3A_3190 = arith.index_cast %add3A_3189 : i32 to index
          %get3A_3191 = arith.index_cast %mul3A_3157 : i32 to index
          %get3A_3192 = tpu.vector_load %arg12[%get3A_3190, %get3A_3191] {strides = array<i32>} : memref<40x2048xf32, #tpu.memory_space<vmem>>, vector<16xf32>,
          %mul3A_3193 = arith.mulf %get3A_3160, %get3A_3192 : vector<16xf32>
          %add3A_3194 = arith.addf %add3A_3080, %mul3A_3193 : vector<16xf32>
          %mul3A_3195 = arith.mulf %get3A_3192, %get3A_3192 : vector<16xf32>
          %add3A_3196 = arith.addf %add3A_3082, %mul3A_3195 : vector<16xf32>
          %add3A_3197 = arith.constant 32 : i32
          %add3A_3198 = arith.addi %add3A_3197, %scan3A_2874 : i32
          %get3A_3199 = arith.index_cast %add3A_3198 : i32 to index
          %get3A_3200 = arith.index_cast %mul3A_3157 : i32 to index
          %get3A_3201 = tpu.vector_load %arg12[%get3A_3199, %get3A_3200] {strides = array<i32>} : memref<40x2048xf32, #tpu.memory_space<vmem>>, vector<16xf32>,
          %mul3A_3202 = arith.mulf %get3A_3160, %get3A_3201 : vector<16xf32>
          %add3A_3203 = arith.addf %add3A_3089, %mul3A_3202 : vector<16xf32>
          %mul3A_3204 = arith.mulf %get3A_3201, %get3A_3201 : vector<16xf32>
          %add3A_3205 = arith.addf %add3A_3091, %mul3A_3204 : vector<16xf32>
          %mul3A_3206 = arith.mulf %get3A_3160, %get3A_3160 : vector<16xf32>
          %add3A_3207 = arith.addf %add3A_3093, %mul3A_3206 : vector<16xf32>
          scf.yield %add3A_3111, %add3A_3167, %add3A_3120, %add3A_3176, %add3A_3129, %add3A_3185, %add3A_3138, %add3A_3194, %add3A_3147, %add3A_3203, %add3A_3113, %add3A_3169, %add3A_3122, %add3A_3178, %add3A_3131, %add3A_3187, %add3A_3140, %add3A_3196, %add3A_3149, %add3A_3205, %add3A_3151, %add3A_3207 : vector<16xf32>, vector<16xf32>, vector<16xf32>, vector<16xf32>, vector<16xf32>, vector<16xf32>, vector<16xf32>, vector<16xf32>, vector<16xf32>, vector<16xf32>, vector<16xf32>, vector<16xf32>, vector<16xf32>, vector<16xf32>, vector<16xf32>, vector<16xf32>, vector<16xf32>, vector<16xf32>, vector<16xf32>, vector<16xf32>, vector<16xf32>, vector<16xf32>
        }
        %scan3A_2883 = arith.constant 64 : i32
        %add3A_2884 = arith.addf %scan3A_2882#0, %scan3A_2882#1 : vector<16xf32>
        %add3A_2885 = arith.constant 0 : i32
        %add3A_2886 = arith.addi %add3A_2885, %scan3A_2874 : i32
        %mul3A_2887 = arith.constant 16 : i32
        %mul3A_2888 = arith.muli %add3A_2886, %mul3A_2887 : i32
        %swap3A_2889 = arith.index_cast %mul3A_2888 : i32 to index
        %swap3A_2890 = tpu.vector_load %arg15[%swap3A_2889] {strides = array<i32>} : memref<640xf32, #tpu.memory_space<vmem>>, vector<16xf32>,
        tpu.vector_store %arg15[%swap3A_2889], %add3A_2884 {strides = array<i32>} : memref<640xf32, #tpu.memory_space<vmem>>, vector<16xf32>,
        %add3A_2891 = arith.addf %scan3A_2882#10, %scan3A_2882#11 : vector<16xf32>
        %add3A_2892 = arith.constant 0 : i32
        %add3A_2893 = arith.addi %add3A_2892, %scan3A_2874 : i32
        %mul3A_2894 = arith.constant 16 : i32
        %mul3A_2895 = arith.muli %add3A_2893, %mul3A_2894 : i32
        %swap3A_2896 = arith.index_cast %mul3A_2895 : i32 to index
        %swap3A_2897 = tpu.vector_load %arg16[%swap3A_2896] {strides = array<i32>} : memref<640xf32, #tpu.memory_space<vmem>>, vector<16xf32>,
        tpu.vector_store %arg16[%swap3A_2896], %add3A_2891 {strides = array<i32>} : memref<640xf32, #tpu.memory_space<vmem>>, vector<16xf32>,
        %add3A_2898 = arith.addf %scan3A_2882#2, %scan3A_2882#3 : vector<16xf32>
        %add3A_2899 = arith.constant 8 : i32
        %add3A_2900 = arith.addi %add3A_2899, %scan3A_2874 : i32
        %mul3A_2901 = arith.constant 16 : i32
        %mul3A_2902 = arith.muli %add3A_2900, %mul3A_2901 : i32
        %swap3A_2903 = arith.index_cast %mul3A_2902 : i32 to index
        %swap3A_2904 = tpu.vector_load %arg15[%swap3A_2903] {strides = array<i32>} : memref<640xf32, #tpu.memory_space<vmem>>, vector<16xf32>,
        tpu.vector_store %arg15[%swap3A_2903], %add3A_2898 {strides = array<i32>} : memref<640xf32, #tpu.memory_space<vmem>>, vector<16xf32>,
        %add3A_2905 = arith.addf %scan3A_2882#12, %scan3A_2882#13 : vector<16xf32>
        %add3A_2906 = arith.constant 8 : i32
        %add3A_2907 = arith.addi %add3A_2906, %scan3A_2874 : i32
        %mul3A_2908 = arith.constant 16 : i32
        %mul3A_2909 = arith.muli %add3A_2907, %mul3A_2908 : i32
        %swap3A_2910 = arith.index_cast %mul3A_2909 : i32 to index
        %swap3A_2911 = tpu.vector_load %arg16[%swap3A_2910] {strides = array<i32>} : memref<640xf32, #tpu.memory_space<vmem>>, vector<16xf32>,
        tpu.vector_store %arg16[%swap3A_2910], %add3A_2905 {strides = array<i32>} : memref<640xf32, #tpu.memory_space<vmem>>, vector<16xf32>,
        %add3A_2912 = arith.addf %scan3A_2882#4, %scan3A_2882#5 : vector<16xf32>
        %add3A_2913 = arith.constant 16 : i32
        %add3A_2914 = arith.addi %add3A_2913, %scan3A_2874 : i32
        %mul3A_2915 = arith.constant 16 : i32
        %mul3A_2916 = arith.muli %add3A_2914, %mul3A_2915 : i32
        %swap3A_2917 = arith.index_cast %mul3A_2916 : i32 to index
        %swap3A_2918 = tpu.vector_load %arg15[%swap3A_2917] {strides = array<i32>} : memref<640xf32, #tpu.memory_space<vmem>>, vector<16xf32>,
        tpu.vector_store %arg15[%swap3A_2917], %add3A_2912 {strides = array<i32>} : memref<640xf32, #tpu.memory_space<vmem>>, vector<16xf32>,
        %add3A_2919 = arith.addf %scan3A_2882#14, %scan3A_2882#15 : vector<16xf32>
        %add3A_2920 = arith.constant 16 : i32
        %add3A_2921 = arith.addi %add3A_2920, %scan3A_2874 : i32
        %mul3A_2922 = arith.constant 16 : i32
        %mul3A_2923 = arith.muli %add3A_2921, %mul3A_2922 : i32
        %swap3A_2924 = arith.index_cast %mul3A_2923 : i32 to index
        %swap3A_2925 = tpu.vector_load %arg16[%swap3A_2924] {strides = array<i32>} : memref<640xf32, #tpu.memory_space<vmem>>, vector<16xf32>,
        tpu.vector_store %arg16[%swap3A_2924], %add3A_2919 {strides = array<i32>} : memref<640xf32, #tpu.memory_space<vmem>>, vector<16xf32>,
        %add3A_2926 = arith.addf %scan3A_2882#6, %scan3A_2882#7 : vector<16xf32>
        %add3A_2927 = arith.constant 24 : i32
        %add3A_2928 = arith.addi %add3A_2927, %scan3A_2874 : i32
        %mul3A_2929 = arith.constant 16 : i32
        %mul3A_2930 = arith.muli %add3A_2928, %mul3A_2929 : i32
        %swap3A_2931 = arith.index_cast %mul3A_2930 : i32 to index
        %swap3A_2932 = tpu.vector_load %arg15[%swap3A_2931] {strides = array<i32>} : memref<640xf32, #tpu.memory_space<vmem>>, vector<16xf32>,
        tpu.vector_store %arg15[%swap3A_2931], %add3A_2926 {strides = array<i32>} : memref<640xf32, #tpu.memory_space<vmem>>, vector<16xf32>,
        %add3A_2933 = arith.addf %scan3A_2882#16, %scan3A_2882#17 : vector<16xf32>
        %add3A_2934 = arith.constant 24 : i32
        %add3A_2935 = arith.addi %add3A_2934, %scan3A_2874 : i32
        %mul3A_2936 = arith.constant 16 : i32
        %mul3A_2937 = arith.muli %add3A_2935, %mul3A_2936 : i32
        %swap3A_2938 = arith.index_cast %mul3A_2937 : i32 to index
        %swap3A_2939 = tpu.vector_load %arg16[%swap3A_2938] {strides = array<i32>} : memref<640xf32, #tpu.memory_space<vmem>>, vector<16xf32>,
        tpu.vector_store %arg16[%swap3A_2938], %add3A_2933 {strides = array<i32>} : memref<640xf32, #tpu.memory_space<vmem>>, vector<16xf32>,
        %add3A_2940 = arith.addf %scan3A_2882#8, %scan3A_2882#9 : vector<16xf32>
        %add3A_2941 = arith.constant 32 : i32
        %add3A_2942 = arith.addi %add3A_2941, %scan3A_2874 : i32
        %mul3A_2943 = arith.constant 16 : i32
        %mul3A_2944 = arith.muli %add3A_2942, %mul3A_2943 : i32
        %swap3A_2945 = arith.index_cast %mul3A_2944 : i32 to index
        %swap3A_2946 = tpu.vector_load %arg15[%swap3A_2945] {strides = array<i32>} : memref<640xf32, #tpu.memory_space<vmem>>, vector<16xf32>,
        tpu.vector_store %arg15[%swap3A_2945], %add3A_2940 {strides = array<i32>} : memref<640xf32, #tpu.memory_space<vmem>>, vector<16xf32>,
        %add3A_2947 = arith.addf %scan3A_2882#18, %scan3A_2882#19 : vector<16xf32>
        %add3A_2948 = arith.constant 32 : i32
        %add3A_2949 = arith.addi %add3A_2948, %scan3A_2874 : i32
        %mul3A_2950 = arith.constant 16 : i32
        %mul3A_2951 = arith.muli %add3A_2949, %mul3A_2950 : i32
        %swap3A_2952 = arith.index_cast %mul3A_2951 : i32 to index
        %swap3A_2953 = tpu.vector_load %arg16[%swap3A_2952] {strides = array<i32>} : memref<640xf32, #tpu.memory_space<vmem>>, vector<16xf32>,
        tpu.vector_store %arg16[%swap3A_2952], %add3A_2947 {strides = array<i32>} : memref<640xf32, #tpu.memory_space<vmem>>, vector<16xf32>,
        %add3A_2954 = arith.addf %scan3A_2882#20, %scan3A_2882#21 : vector<16xf32>
        %mul3A_2955 = arith.constant 16 : i32
        %mul3A_2956 = arith.muli %scan3A_2874, %mul3A_2955 : i32
        %swap3A_2957 = arith.index_cast %mul3A_2956 : i32 to index
        %swap3A_2958 = tpu.vector_load %arg17[%swap3A_2957] {strides = array<i32>} : memref<128xf32, #tpu.memory_space<vmem>>, vector<16xf32>,
        tpu.vector_store %arg17[%swap3A_2957], %add3A_2954 {strides = array<i32>} : memref<128xf32, #tpu.memory_space<vmem>>, vector<16xf32>,
        %scan3A_2959 = arith.constant 0 : i32
        scf.yield %scan3A_2959 : i32
      }
      %scan3A_168 = arith.constant 8 : i32
      %broadcast_in_dim3A = arith.constant 0.000000e+00 : f32
      %broadcast_in_dim3A_169 = vector.broadcast %broadcast_in_dim3A : f32 to vector<16xf32>
      %broadcast_in_dim3A_170 = arith.constant 0.000000e+00 : f32
      %broadcast_in_dim3A_171 = vector.broadcast %broadcast_in_dim3A_170 : f32 to vector<16xf32>
      %broadcast_in_dim3A_172 = arith.constant 0.000000e+00 : f32
      %broadcast_in_dim3A_173 = vector.broadcast %broadcast_in_dim3A_172 : f32 to vector<16xf32>
      %broadcast_in_dim3A_174 = arith.constant 0.000000e+00 : f32
      %broadcast_in_dim3A_175 = vector.broadcast %broadcast_in_dim3A_174 : f32 to vector<16xf32>
      %add3A_176 = arith.constant 0 : i32
      %add3A_177 = vector.broadcast %add3A_176 : i32 to vector<16xi32>
      %add3A_178 = arith.addi %add3A_177, %select_n3A_17 : vector<16xi32>
      %mul3A_179 = arith.constant 16 : i32
      %mul3A_180 = vector.broadcast %mul3A_179 : i32 to vector<16xi32>
      %mul3A_181 = arith.muli %add3A_178, %mul3A_180 : vector<16xi32>
      %add3A_182 = arith.constant 0 : i32
      %add3A_183 = vector.broadcast %add3A_182 : i32 to vector<16xi32>
      %add3A_184 = arith.addi %mul3A_181, %add3A_183 : vector<16xi32>
      %gather3A_185 = tpu.vector_load_idx %arg17[%add3A_184] : memref<128xf32, #tpu.memory_space<vmem>>[vector<16xi32>], vector<16xf32>,
      %add3A_186 = arith.addf %broadcast_in_dim3A_169, %gather3A_185 : vector<16xf32>
      %add3A_187 = arith.constant 0 : i32
      %add3A_188 = vector.broadcast %add3A_187 : i32 to vector<16xi32>
      %add3A_189 = arith.addi %add3A_188, %select_n3A_17 : vector<16xi32>
      %mul3A_190 = arith.constant 16 : i32
      %mul3A_191 = vector.broadcast %mul3A_190 : i32 to vector<16xi32>
      %mul3A_192 = arith.muli %add3A_189, %mul3A_191 : vector<16xi32>
      %add3A_193 = arith.constant 1 : i32
      %add3A_194 = vector.broadcast %add3A_193 : i32 to vector<16xi32>
      %add3A_195 = arith.addi %mul3A_192, %add3A_194 : vector<16xi32>
      %gather3A_196 = tpu.vector_load_idx %arg17[%add3A_195] : memref<128xf32, #tpu.memory_space<vmem>>[vector<16xi32>], vector<16xf32>,
      %add3A_197 = arith.addf %broadcast_in_dim3A_171, %gather3A_196 : vector<16xf32>
      %add3A_198 = arith.constant 0 : i32
      %add3A_199 = vector.broadcast %add3A_198 : i32 to vector<16xi32>
      %add3A_200 = arith.addi %add3A_199, %select_n3A_17 : vector<16xi32>
      %mul3A_201 = arith.constant 16 : i32
      %mul3A_202 = vector.broadcast %mul3A_201 : i32 to vector<16xi32>
      %mul3A_203 = arith.muli %add3A_200, %mul3A_202 : vector<16xi32>
      %add3A_204 = arith.constant 2 : i32
      %add3A_205 = vector.broadcast %add3A_204 : i32 to vector<16xi32>
      %add3A_206 = arith.addi %mul3A_203, %add3A_205 : vector<16xi32>
      %gather3A_207 = tpu.vector_load_idx %arg17[%add3A_206] : memref<128xf32, #tpu.memory_space<vmem>>[vector<16xi32>], vector<16xf32>,
      %add3A_208 = arith.addf %broadcast_in_dim3A_173, %gather3A_207 : vector<16xf32>
      %add3A_209 = arith.constant 0 : i32
      %add3A_210 = vector.broadcast %add3A_209 : i32 to vector<16xi32>
      %add3A_211 = arith.addi %add3A_210, %select_n3A_17 : vector<16xi32>
      %mul3A_212 = arith.constant 16 : i32
      %mul3A_213 = vector.broadcast %mul3A_212 : i32 to vector<16xi32>
      %mul3A_214 = arith.muli %add3A_211, %mul3A_213 : vector<16xi32>
      %add3A_215 = arith.constant 3 : i32
      %add3A_216 = vector.broadcast %add3A_215 : i32 to vector<16xi32>
      %add3A_217 = arith.addi %mul3A_214, %add3A_216 : vector<16xi32>
      %gather3A_218 = tpu.vector_load_idx %arg17[%add3A_217] : memref<128xf32, #tpu.memory_space<vmem>>[vector<16xi32>], vector<16xf32>,
      %add3A_219 = arith.addf %broadcast_in_dim3A_175, %gather3A_218 : vector<16xf32>
      %add3A_220 = arith.constant 0 : i32
      %add3A_221 = vector.broadcast %add3A_220 : i32 to vector<16xi32>
      %add3A_222 = arith.addi %add3A_221, %select_n3A_17 : vector<16xi32>
      %mul3A_223 = arith.constant 16 : i32
      %mul3A_224 = vector.broadcast %mul3A_223 : i32 to vector<16xi32>
      %mul3A_225 = arith.muli %add3A_222, %mul3A_224 : vector<16xi32>
      %add3A_226 = arith.constant 4 : i32
      %add3A_227 = vector.broadcast %add3A_226 : i32 to vector<16xi32>
      %add3A_228 = arith.addi %mul3A_225, %add3A_227 : vector<16xi32>
      %gather3A_229 = tpu.vector_load_idx %arg17[%add3A_228] : memref<128xf32, #tpu.memory_space<vmem>>[vector<16xi32>], vector<16xf32>,
      %add3A_230 = arith.addf %add3A_186, %gather3A_229 : vector<16xf32>
      %add3A_231 = arith.constant 0 : i32
      %add3A_232 = vector.broadcast %add3A_231 : i32 to vector<16xi32>
      %add3A_233 = arith.addi %add3A_232, %select_n3A_17 : vector<16xi32>
      %mul3A_234 = arith.constant 16 : i32
      %mul3A_235 = vector.broadcast %mul3A_234 : i32 to vector<16xi32>
      %mul3A_236 = arith.muli %add3A_233, %mul3A_235 : vector<16xi32>
      %add3A_237 = arith.constant 5 : i32
      %add3A_238 = vector.broadcast %add3A_237 : i32 to vector<16xi32>
      %add3A_239 = arith.addi %mul3A_236, %add3A_238 : vector<16xi32>
      %gather3A_240 = tpu.vector_load_idx %arg17[%add3A_239] : memref<128xf32, #tpu.memory_space<vmem>>[vector<16xi32>], vector<16xf32>,
      %add3A_241 = arith.addf %add3A_197, %gather3A_240 : vector<16xf32>
      %add3A_242 = arith.constant 0 : i32
      %add3A_243 = vector.broadcast %add3A_242 : i32 to vector<16xi32>
      %add3A_244 = arith.addi %add3A_243, %select_n3A_17 : vector<16xi32>
      %mul3A_245 = arith.constant 16 : i32
      %mul3A_246 = vector.broadcast %mul3A_245 : i32 to vector<16xi32>
      %mul3A_247 = arith.muli %add3A_244, %mul3A_246 : vector<16xi32>
      %add3A_248 = arith.constant 6 : i32
      %add3A_249 = vector.broadcast %add3A_248 : i32 to vector<16xi32>
      %add3A_250 = arith.addi %mul3A_247, %add3A_249 : vector<16xi32>
      %gather3A_251 = tpu.vector_load_idx %arg17[%add3A_250] : memref<128xf32, #tpu.memory_space<vmem>>[vector<16xi32>], vector<16xf32>,
      %add3A_252 = arith.addf %add3A_208, %gather3A_251 : vector<16xf32>
      %add3A_253 = arith.constant 0 : i32
      %add3A_254 = vector.broadcast %add3A_253 : i32 to vector<16xi32>
      %add3A_255 = arith.addi %add3A_254, %select_n3A_17 : vector<16xi32>
      %mul3A_256 = arith.constant 16 : i32
      %mul3A_257 = vector.broadcast %mul3A_256 : i32 to vector<16xi32>
      %mul3A_258 = arith.muli %add3A_255, %mul3A_257 : vector<16xi32>
      %add3A_259 = arith.constant 7 : i32
      %add3A_260 = vector.broadcast %add3A_259 : i32 to vector<16xi32>
      %add3A_261 = arith.addi %mul3A_258, %add3A_260 : vector<16xi32>
      %gather3A_262 = tpu.vector_load_idx %arg17[%add3A_261] : memref<128xf32, #tpu.memory_space<vmem>>[vector<16xi32>], vector<16xf32>,
      %add3A_263 = arith.addf %add3A_219, %gather3A_262 : vector<16xf32>
      %add3A_264 = arith.constant 0 : i32
      %add3A_265 = vector.broadcast %add3A_264 : i32 to vector<16xi32>
      %add3A_266 = arith.addi %add3A_265, %select_n3A_17 : vector<16xi32>
      %mul3A_267 = arith.constant 16 : i32
      %mul3A_268 = vector.broadcast %mul3A_267 : i32 to vector<16xi32>
      %mul3A_269 = arith.muli %add3A_266, %mul3A_268 : vector<16xi32>
      %add3A_270 = arith.constant 8 : i32
      %add3A_271 = vector.broadcast %add3A_270 : i32 to vector<16xi32>
      %add3A_272 = arith.addi %mul3A_269, %add3A_271 : vector<16xi32>
      %gather3A_273 = tpu.vector_load_idx %arg17[%add3A_272] : memref<128xf32, #tpu.memory_space<vmem>>[vector<16xi32>], vector<16xf32>,
      %add3A_274 = arith.addf %add3A_230, %gather3A_273 : vector<16xf32>
      %add3A_275 = arith.constant 0 : i32
      %add3A_276 = vector.broadcast %add3A_275 : i32 to vector<16xi32>
      %add3A_277 = arith.addi %add3A_276, %select_n3A_17 : vector<16xi32>
      %mul3A_278 = arith.constant 16 : i32
      %mul3A_279 = vector.broadcast %mul3A_278 : i32 to vector<16xi32>
      %mul3A_280 = arith.muli %add3A_277, %mul3A_279 : vector<16xi32>
      %add3A_281 = arith.constant 9 : i32
      %add3A_282 = vector.broadcast %add3A_281 : i32 to vector<16xi32>
      %add3A_283 = arith.addi %mul3A_280, %add3A_282 : vector<16xi32>
      %gather3A_284 = tpu.vector_load_idx %arg17[%add3A_283] : memref<128xf32, #tpu.memory_space<vmem>>[vector<16xi32>], vector<16xf32>,
      %add3A_285 = arith.addf %add3A_241, %gather3A_284 : vector<16xf32>
      %add3A_286 = arith.constant 0 : i32
      %add3A_287 = vector.broadcast %add3A_286 : i32 to vector<16xi32>
      %add3A_288 = arith.addi %add3A_287, %select_n3A_17 : vector<16xi32>
      %mul3A_289 = arith.constant 16 : i32
      %mul3A_290 = vector.broadcast %mul3A_289 : i32 to vector<16xi32>
      %mul3A_291 = arith.muli %add3A_288, %mul3A_290 : vector<16xi32>
      %add3A_292 = arith.constant 10 : i32
      %add3A_293 = vector.broadcast %add3A_292 : i32 to vector<16xi32>
      %add3A_294 = arith.addi %mul3A_291, %add3A_293 : vector<16xi32>
      %gather3A_295 = tpu.vector_load_idx %arg17[%add3A_294] : memref<128xf32, #tpu.memory_space<vmem>>[vector<16xi32>], vector<16xf32>,
      %add3A_296 = arith.addf %add3A_252, %gather3A_295 : vector<16xf32>
      %add3A_297 = arith.constant 0 : i32
      %add3A_298 = vector.broadcast %add3A_297 : i32 to vector<16xi32>
      %add3A_299 = arith.addi %add3A_298, %select_n3A_17 : vector<16xi32>
      %mul3A_300 = arith.constant 16 : i32
      %mul3A_301 = vector.broadcast %mul3A_300 : i32 to vector<16xi32>
      %mul3A_302 = arith.muli %add3A_299, %mul3A_301 : vector<16xi32>
      %add3A_303 = arith.constant 11 : i32
      %add3A_304 = vector.broadcast %add3A_303 : i32 to vector<16xi32>
      %add3A_305 = arith.addi %mul3A_302, %add3A_304 : vector<16xi32>
      %gather3A_306 = tpu.vector_load_idx %arg17[%add3A_305] : memref<128xf32, #tpu.memory_space<vmem>>[vector<16xi32>], vector<16xf32>,
      %add3A_307 = arith.addf %add3A_263, %gather3A_306 : vector<16xf32>
      %add3A_308 = arith.constant 0 : i32
      %add3A_309 = vector.broadcast %add3A_308 : i32 to vector<16xi32>
      %add3A_310 = arith.addi %add3A_309, %select_n3A_17 : vector<16xi32>
      %mul3A_311 = arith.constant 16 : i32
      %mul3A_312 = vector.broadcast %mul3A_311 : i32 to vector<16xi32>
      %mul3A_313 = arith.muli %add3A_310, %mul3A_312 : vector<16xi32>
      %add3A_314 = arith.constant 12 : i32
      %add3A_315 = vector.broadcast %add3A_314 : i32 to vector<16xi32>
      %add3A_316 = arith.addi %mul3A_313, %add3A_315 : vector<16xi32>
      %gather3A_317 = tpu.vector_load_idx %arg17[%add3A_316] : memref<128xf32, #tpu.memory_space<vmem>>[vector<16xi32>], vector<16xf32>,
      %add3A_318 = arith.addf %add3A_274, %gather3A_317 : vector<16xf32>
      %add3A_319 = arith.constant 0 : i32
      %add3A_320 = vector.broadcast %add3A_319 : i32 to vector<16xi32>
      %add3A_321 = arith.addi %add3A_320, %select_n3A_17 : vector<16xi32>
      %mul3A_322 = arith.constant 16 : i32
      %mul3A_323 = vector.broadcast %mul3A_322 : i32 to vector<16xi32>
      %mul3A_324 = arith.muli %add3A_321, %mul3A_323 : vector<16xi32>
      %add3A_325 = arith.constant 13 : i32
      %add3A_326 = vector.broadcast %add3A_325 : i32 to vector<16xi32>
      %add3A_327 = arith.addi %mul3A_324, %add3A_326 : vector<16xi32>
      %gather3A_328 = tpu.vector_load_idx %arg17[%add3A_327] : memref<128xf32, #tpu.memory_space<vmem>>[vector<16xi32>], vector<16xf32>,
      %add3A_329 = arith.addf %add3A_285, %gather3A_328 : vector<16xf32>
      %add3A_330 = arith.constant 0 : i32
      %add3A_331 = vector.broadcast %add3A_330 : i32 to vector<16xi32>
      %add3A_332 = arith.addi %add3A_331, %select_n3A_17 : vector<16xi32>
      %mul3A_333 = arith.constant 16 : i32
      %mul3A_334 = vector.broadcast %mul3A_333 : i32 to vector<16xi32>
      %mul3A_335 = arith.muli %add3A_332, %mul3A_334 : vector<16xi32>
      %add3A_336 = arith.constant 14 : i32
      %add3A_337 = vector.broadcast %add3A_336 : i32 to vector<16xi32>
      %add3A_338 = arith.addi %mul3A_335, %add3A_337 : vector<16xi32>
      %gather3A_339 = tpu.vector_load_idx %arg17[%add3A_338] : memref<128xf32, #tpu.memory_space<vmem>>[vector<16xi32>], vector<16xf32>,
      %add3A_340 = arith.addf %add3A_296, %gather3A_339 : vector<16xf32>
      %add3A_341 = arith.constant 0 : i32
      %add3A_342 = vector.broadcast %add3A_341 : i32 to vector<16xi32>
      %add3A_343 = arith.addi %add3A_342, %select_n3A_17 : vector<16xi32>
      %mul3A_344 = arith.constant 16 : i32
      %mul3A_345 = vector.broadcast %mul3A_344 : i32 to vector<16xi32>
      %mul3A_346 = arith.muli %add3A_343, %mul3A_345 : vector<16xi32>
      %add3A_347 = arith.constant 15 : i32
      %add3A_348 = vector.broadcast %add3A_347 : i32 to vector<16xi32>
      %add3A_349 = arith.addi %mul3A_346, %add3A_348 : vector<16xi32>
      %gather3A_350 = tpu.vector_load_idx %arg17[%add3A_349] : memref<128xf32, #tpu.memory_space<vmem>>[vector<16xi32>], vector<16xf32>,
      %add3A_351 = arith.addf %add3A_307, %gather3A_350 : vector<16xf32>
      %add3A_352 = arith.addf %add3A_318, %add3A_329 : vector<16xf32>
      %add3A_353 = arith.addf %add3A_340, %add3A_351 : vector<16xf32>
      %add3A_354 = arith.addf %add3A_352, %add3A_353 : vector<16xf32>
      %bitcast_convert_type3A = tpu.bitcast %add3A_354 : vector<16xf32> -> vector<16xi32>
      %shift_right_arithmetic3A = arith.constant 1 : i32
      %shift_right_arithmetic3A_355 = vector.broadcast %shift_right_arithmetic3A : i32 to vector<16xi32>
      %shift_right_arithmetic3A_356 = arith.shrsi %bitcast_convert_type3A, %shift_right_arithmetic3A_355 : vector<16xi32>
      %sub3A_357 = arith.constant 1597463007 : i32
      %sub3A_358 = vector.broadcast %sub3A_357 : i32 to vector<16xi32>
      %sub3A_359 = arith.subi %sub3A_358, %shift_right_arithmetic3A_356 : vector<16xi32>
      %bitcast_convert_type3A_360 = tpu.bitcast %sub3A_359 : vector<16xi32> -> vector<16xf32>
      %mul3A_361 = arith.constant 5.000000e-01 : f32
      %mul3A_362 = vector.broadcast %mul3A_361 : f32 to vector<16xf32>
      %mul3A_363 = arith.mulf %mul3A_362, %add3A_354 : vector<16xf32>
      %mul3A_364 = arith.mulf %mul3A_363, %bitcast_convert_type3A_360 : vector<16xf32>
      %mul3A_365 = arith.mulf %mul3A_364, %bitcast_convert_type3A_360 : vector<16xf32>
      %sub3A_366 = arith.constant 1.500000e+00 : f32
      %sub3A_367 = vector.broadcast %sub3A_366 : f32 to vector<16xf32>
      %sub3A_368 = arith.subf %sub3A_367, %mul3A_365 : vector<16xf32>
      %mul3A_369 = arith.mulf %bitcast_convert_type3A_360, %sub3A_368 : vector<16xf32>
      %mul3A_370 = arith.constant 5.000000e-01 : f32
      %mul3A_371 = vector.broadcast %mul3A_370 : f32 to vector<16xf32>
      %mul3A_372 = arith.mulf %mul3A_371, %add3A_354 : vector<16xf32>
      %mul3A_373 = arith.mulf %mul3A_372, %mul3A_369 : vector<16xf32>
      %mul3A_374 = arith.mulf %mul3A_373, %mul3A_369 : vector<16xf32>
      %sub3A_375 = arith.constant 1.500000e+00 : f32
      %sub3A_376 = vector.broadcast %sub3A_375 : f32 to vector<16xf32>
      %sub3A_377 = arith.subf %sub3A_376, %mul3A_374 : vector<16xf32>
      %mul3A_378 = arith.mulf %mul3A_369, %sub3A_377 : vector<16xf32>
      %mul3A_379 = arith.constant 5.000000e-01 : f32
      %mul3A_380 = vector.broadcast %mul3A_379 : f32 to vector<16xf32>
      %mul3A_381 = arith.mulf %mul3A_380, %add3A_354 : vector<16xf32>
      %mul3A_382 = arith.mulf %mul3A_381, %mul3A_378 : vector<16xf32>
      %mul3A_383 = arith.mulf %mul3A_382, %mul3A_378 : vector<16xf32>
      %sub3A_384 = arith.constant 1.500000e+00 : f32
      %sub3A_385 = vector.broadcast %sub3A_384 : f32 to vector<16xf32>
      %sub3A_386 = arith.subf %sub3A_385, %mul3A_383 : vector<16xf32>
      %mul3A_387 = arith.mulf %mul3A_378, %sub3A_386 : vector<16xf32>
      %lt3A_388 = arith.constant 1.000000e-16 : f32
      %lt3A_389 = vector.broadcast %lt3A_388 : f32 to vector<16xf32>
      %lt3A_390 = arith.cmpf olt, %add3A_354, %lt3A_389 : vector<16xf32>
      %jit3A_391 = arith.constant 1.000000e+08 : f32
      %broadcast_in_dim3A_392 = vector.broadcast %jit3A_391 : f32 to vector<16xf32>
      %select_n3A_393 = arith.select %lt3A_390, %broadcast_in_dim3A_392, %mul3A_387 : vector<16xi1>, vector<16xf32>
      %broadcast_in_dim3A_394 = arith.constant 0.000000e+00 : f32
      %broadcast_in_dim3A_395 = vector.broadcast %broadcast_in_dim3A_394 : f32 to vector<16xf32>
      %mul3A_396 = arith.constant 8 : i32
      %mul3A_397 = vector.broadcast %mul3A_396 : i32 to vector<16xi32>
      %mul3A_398 = arith.muli %gather3A, %mul3A_397 : vector<16xi32>
      %add3A_399 = arith.constant 0 : i32
      %add3A_400 = vector.broadcast %add3A_399 : i32 to vector<16xi32>
      %add3A_401 = arith.addi %mul3A_398, %add3A_400 : vector<16xi32>
      %gather3A_402 = tpu.vector_load_idx %arg10[%add3A_401] : memref<8000xf32, #tpu.memory_space<vmem>>[vector<16xi32>], vector<16xf32>,
      %add3A_403 = arith.addf %broadcast_in_dim3A_395, %gather3A_402 : vector<16xf32>
      %broadcast_in_dim3A_404 = arith.constant 0.000000e+00 : f32
      %broadcast_in_dim3A_405 = vector.broadcast %broadcast_in_dim3A_404 : f32 to vector<16xf32>
      %broadcast_in_dim3A_406 = arith.constant 0.000000e+00 : f32
      %broadcast_in_dim3A_407 = vector.broadcast %broadcast_in_dim3A_406 : f32 to vector<16xf32>
      %broadcast_in_dim3A_408 = arith.constant 0.000000e+00 : f32
      %broadcast_in_dim3A_409 = vector.broadcast %broadcast_in_dim3A_408 : f32 to vector<16xf32>
      %broadcast_in_dim3A_410 = arith.constant 0.000000e+00 : f32
      %broadcast_in_dim3A_411 = vector.broadcast %broadcast_in_dim3A_410 : f32 to vector<16xf32>
      %add3A_412 = arith.constant 0 : i32
      %add3A_413 = vector.broadcast %add3A_412 : i32 to vector<16xi32>
      %add3A_414 = arith.addi %add3A_413, %select_n3A_17 : vector<16xi32>
      %mul3A_415 = arith.constant 16 : i32
      %mul3A_416 = vector.broadcast %mul3A_415 : i32 to vector<16xi32>
      %mul3A_417 = arith.muli %add3A_414, %mul3A_416 : vector<16xi32>
      %add3A_418 = arith.constant 0 : i32
      %add3A_419 = vector.broadcast %add3A_418 : i32 to vector<16xi32>
      %add3A_420 = arith.addi %mul3A_417, %add3A_419 : vector<16xi32>
      %gather3A_421 = tpu.vector_load_idx %arg15[%add3A_420] : memref<640xf32, #tpu.memory_space<vmem>>[vector<16xi32>], vector<16xf32>,
      %add3A_422 = arith.addf %broadcast_in_dim3A_405, %gather3A_421 : vector<16xf32>
      %add3A_423 = arith.constant 0 : i32
      %add3A_424 = vector.broadcast %add3A_423 : i32 to vector<16xi32>
      %add3A_425 = arith.addi %add3A_424, %select_n3A_17 : vector<16xi32>
      %mul3A_426 = arith.constant 16 : i32
      %mul3A_427 = vector.broadcast %mul3A_426 : i32 to vector<16xi32>
      %mul3A_428 = arith.muli %add3A_425, %mul3A_427 : vector<16xi32>
      %add3A_429 = arith.constant 1 : i32
      %add3A_430 = vector.broadcast %add3A_429 : i32 to vector<16xi32>
      %add3A_431 = arith.addi %mul3A_428, %add3A_430 : vector<16xi32>
      %gather3A_432 = tpu.vector_load_idx %arg15[%add3A_431] : memref<640xf32, #tpu.memory_space<vmem>>[vector<16xi32>], vector<16xf32>,
      %add3A_433 = arith.addf %broadcast_in_dim3A_407, %gather3A_432 : vector<16xf32>
      %add3A_434 = arith.constant 0 : i32
      %add3A_435 = vector.broadcast %add3A_434 : i32 to vector<16xi32>
      %add3A_436 = arith.addi %add3A_435, %select_n3A_17 : vector<16xi32>
      %mul3A_437 = arith.constant 16 : i32
      %mul3A_438 = vector.broadcast %mul3A_437 : i32 to vector<16xi32>
      %mul3A_439 = arith.muli %add3A_436, %mul3A_438 : vector<16xi32>
      %add3A_440 = arith.constant 2 : i32
      %add3A_441 = vector.broadcast %add3A_440 : i32 to vector<16xi32>
      %add3A_442 = arith.addi %mul3A_439, %add3A_441 : vector<16xi32>
      %gather3A_443 = tpu.vector_load_idx %arg15[%add3A_442] : memref<640xf32, #tpu.memory_space<vmem>>[vector<16xi32>], vector<16xf32>,
      %add3A_444 = arith.addf %broadcast_in_dim3A_409, %gather3A_443 : vector<16xf32>
      %add3A_445 = arith.constant 0 : i32
      %add3A_446 = vector.broadcast %add3A_445 : i32 to vector<16xi32>
      %add3A_447 = arith.addi %add3A_446, %select_n3A_17 : vector<16xi32>
      %mul3A_448 = arith.constant 16 : i32
      %mul3A_449 = vector.broadcast %mul3A_448 : i32 to vector<16xi32>
      %mul3A_450 = arith.muli %add3A_447, %mul3A_449 : vector<16xi32>
      %add3A_451 = arith.constant 3 : i32
      %add3A_452 = vector.broadcast %add3A_451 : i32 to vector<16xi32>
      %add3A_453 = arith.addi %mul3A_450, %add3A_452 : vector<16xi32>
      %gather3A_454 = tpu.vector_load_idx %arg15[%add3A_453] : memref<640xf32, #tpu.memory_space<vmem>>[vector<16xi32>], vector<16xf32>,
      %add3A_455 = arith.addf %broadcast_in_dim3A_411, %gather3A_454 : vector<16xf32>
      %add3A_456 = arith.constant 0 : i32
      %add3A_457 = vector.broadcast %add3A_456 : i32 to vector<16xi32>
      %add3A_458 = arith.addi %add3A_457, %select_n3A_17 : vector<16xi32>
      %mul3A_459 = arith.constant 16 : i32
      %mul3A_460 = vector.broadcast %mul3A_459 : i32 to vector<16xi32>
      %mul3A_461 = arith.muli %add3A_458, %mul3A_460 : vector<16xi32>
      %add3A_462 = arith.constant 4 : i32
      %add3A_463 = vector.broadcast %add3A_462 : i32 to vector<16xi32>
      %add3A_464 = arith.addi %mul3A_461, %add3A_463 : vector<16xi32>
      %gather3A_465 = tpu.vector_load_idx %arg15[%add3A_464] : memref<640xf32, #tpu.memory_space<vmem>>[vector<16xi32>], vector<16xf32>,
      %add3A_466 = arith.addf %add3A_422, %gather3A_465 : vector<16xf32>
      %add3A_467 = arith.constant 0 : i32
      %add3A_468 = vector.broadcast %add3A_467 : i32 to vector<16xi32>
      %add3A_469 = arith.addi %add3A_468, %select_n3A_17 : vector<16xi32>
      %mul3A_470 = arith.constant 16 : i32
      %mul3A_471 = vector.broadcast %mul3A_470 : i32 to vector<16xi32>
      %mul3A_472 = arith.muli %add3A_469, %mul3A_471 : vector<16xi32>
      %add3A_473 = arith.constant 5 : i32
      %add3A_474 = vector.broadcast %add3A_473 : i32 to vector<16xi32>
      %add3A_475 = arith.addi %mul3A_472, %add3A_474 : vector<16xi32>
      %gather3A_476 = tpu.vector_load_idx %arg15[%add3A_475] : memref<640xf32, #tpu.memory_space<vmem>>[vector<16xi32>], vector<16xf32>,
      %add3A_477 = arith.addf %add3A_433, %gather3A_476 : vector<16xf32>
      %add3A_478 = arith.constant 0 : i32
      %add3A_479 = vector.broadcast %add3A_478 : i32 to vector<16xi32>
      %add3A_480 = arith.addi %add3A_479, %select_n3A_17 : vector<16xi32>
      %mul3A_481 = arith.constant 16 : i32
      %mul3A_482 = vector.broadcast %mul3A_481 : i32 to vector<16xi32>
      %mul3A_483 = arith.muli %add3A_480, %mul3A_482 : vector<16xi32>
      %add3A_484 = arith.constant 6 : i32
      %add3A_485 = vector.broadcast %add3A_484 : i32 to vector<16xi32>
      %add3A_486 = arith.addi %mul3A_483, %add3A_485 : vector<16xi32>
      %gather3A_487 = tpu.vector_load_idx %arg15[%add3A_486] : memref<640xf32, #tpu.memory_space<vmem>>[vector<16xi32>], vector<16xf32>,
      %add3A_488 = arith.addf %add3A_444, %gather3A_487 : vector<16xf32>
      %add3A_489 = arith.constant 0 : i32
      %add3A_490 = vector.broadcast %add3A_489 : i32 to vector<16xi32>
      %add3A_491 = arith.addi %add3A_490, %select_n3A_17 : vector<16xi32>
      %mul3A_492 = arith.constant 16 : i32
      %mul3A_493 = vector.broadcast %mul3A_492 : i32 to vector<16xi32>
      %mul3A_494 = arith.muli %add3A_491, %mul3A_493 : vector<16xi32>
      %add3A_495 = arith.constant 7 : i32
      %add3A_496 = vector.broadcast %add3A_495 : i32 to vector<16xi32>
      %add3A_497 = arith.addi %mul3A_494, %add3A_496 : vector<16xi32>
      %gather3A_498 = tpu.vector_load_idx %arg15[%add3A_497] : memref<640xf32, #tpu.memory_space<vmem>>[vector<16xi32>], vector<16xf32>,
      %add3A_499 = arith.addf %add3A_455, %gather3A_498 : vector<16xf32>
      %add3A_500 = arith.constant 0 : i32
      %add3A_501 = vector.broadcast %add3A_500 : i32 to vector<16xi32>
      %add3A_502 = arith.addi %add3A_501, %select_n3A_17 : vector<16xi32>
      %mul3A_503 = arith.constant 16 : i32
      %mul3A_504 = vector.broadcast %mul3A_503 : i32 to vector<16xi32>
      %mul3A_505 = arith.muli %add3A_502, %mul3A_504 : vector<16xi32>
      %add3A_506 = arith.constant 8 : i32
      %add3A_507 = vector.broadcast %add3A_506 : i32 to vector<16xi32>
      %add3A_508 = arith.addi %mul3A_505, %add3A_507 : vector<16xi32>
      %gather3A_509 = tpu.vector_load_idx %arg15[%add3A_508] : memref<640xf32, #tpu.memory_space<vmem>>[vector<16xi32>], vector<16xf32>,
      %add3A_510 = arith.addf %add3A_466, %gather3A_509 : vector<16xf32>
      %add3A_511 = arith.constant 0 : i32
      %add3A_512 = vector.broadcast %add3A_511 : i32 to vector<16xi32>
      %add3A_513 = arith.addi %add3A_512, %select_n3A_17 : vector<16xi32>
      %mul3A_514 = arith.constant 16 : i32
      %mul3A_515 = vector.broadcast %mul3A_514 : i32 to vector<16xi32>
      %mul3A_516 = arith.muli %add3A_513, %mul3A_515 : vector<16xi32>
      %add3A_517 = arith.constant 9 : i32
      %add3A_518 = vector.broadcast %add3A_517 : i32 to vector<16xi32>
      %add3A_519 = arith.addi %mul3A_516, %add3A_518 : vector<16xi32>
      %gather3A_520 = tpu.vector_load_idx %arg15[%add3A_519] : memref<640xf32, #tpu.memory_space<vmem>>[vector<16xi32>], vector<16xf32>,
      %add3A_521 = arith.addf %add3A_477, %gather3A_520 : vector<16xf32>
      %add3A_522 = arith.constant 0 : i32
      %add3A_523 = vector.broadcast %add3A_522 : i32 to vector<16xi32>
      %add3A_524 = arith.addi %add3A_523, %select_n3A_17 : vector<16xi32>
      %mul3A_525 = arith.constant 16 : i32
      %mul3A_526 = vector.broadcast %mul3A_525 : i32 to vector<16xi32>
      %mul3A_527 = arith.muli %add3A_524, %mul3A_526 : vector<16xi32>
      %add3A_528 = arith.constant 10 : i32
      %add3A_529 = vector.broadcast %add3A_528 : i32 to vector<16xi32>
      %add3A_530 = arith.addi %mul3A_527, %add3A_529 : vector<16xi32>
      %gather3A_531 = tpu.vector_load_idx %arg15[%add3A_530] : memref<640xf32, #tpu.memory_space<vmem>>[vector<16xi32>], vector<16xf32>,
      %add3A_532 = arith.addf %add3A_488, %gather3A_531 : vector<16xf32>
      %add3A_533 = arith.constant 0 : i32
      %add3A_534 = vector.broadcast %add3A_533 : i32 to vector<16xi32>
      %add3A_535 = arith.addi %add3A_534, %select_n3A_17 : vector<16xi32>
      %mul3A_536 = arith.constant 16 : i32
      %mul3A_537 = vector.broadcast %mul3A_536 : i32 to vector<16xi32>
      %mul3A_538 = arith.muli %add3A_535, %mul3A_537 : vector<16xi32>
      %add3A_539 = arith.constant 11 : i32
      %add3A_540 = vector.broadcast %add3A_539 : i32 to vector<16xi32>
      %add3A_541 = arith.addi %mul3A_538, %add3A_540 : vector<16xi32>
      %gather3A_542 = tpu.vector_load_idx %arg15[%add3A_541] : memref<640xf32, #tpu.memory_space<vmem>>[vector<16xi32>], vector<16xf32>,
      %add3A_543 = arith.addf %add3A_499, %gather3A_542 : vector<16xf32>
      %add3A_544 = arith.constant 0 : i32
      %add3A_545 = vector.broadcast %add3A_544 : i32 to vector<16xi32>
      %add3A_546 = arith.addi %add3A_545, %select_n3A_17 : vector<16xi32>
      %mul3A_547 = arith.constant 16 : i32
      %mul3A_548 = vector.broadcast %mul3A_547 : i32 to vector<16xi32>
      %mul3A_549 = arith.muli %add3A_546, %mul3A_548 : vector<16xi32>
      %add3A_550 = arith.constant 12 : i32
      %add3A_551 = vector.broadcast %add3A_550 : i32 to vector<16xi32>
      %add3A_552 = arith.addi %mul3A_549, %add3A_551 : vector<16xi32>
      %gather3A_553 = tpu.vector_load_idx %arg15[%add3A_552] : memref<640xf32, #tpu.memory_space<vmem>>[vector<16xi32>], vector<16xf32>,
      %add3A_554 = arith.addf %add3A_510, %gather3A_553 : vector<16xf32>
      %add3A_555 = arith.constant 0 : i32
      %add3A_556 = vector.broadcast %add3A_555 : i32 to vector<16xi32>
      %add3A_557 = arith.addi %add3A_556, %select_n3A_17 : vector<16xi32>
      %mul3A_558 = arith.constant 16 : i32
      %mul3A_559 = vector.broadcast %mul3A_558 : i32 to vector<16xi32>
      %mul3A_560 = arith.muli %add3A_557, %mul3A_559 : vector<16xi32>
      %add3A_561 = arith.constant 13 : i32
      %add3A_562 = vector.broadcast %add3A_561 : i32 to vector<16xi32>
      %add3A_563 = arith.addi %mul3A_560, %add3A_562 : vector<16xi32>
      %gather3A_564 = tpu.vector_load_idx %arg15[%add3A_563] : memref<640xf32, #tpu.memory_space<vmem>>[vector<16xi32>], vector<16xf32>,
      %add3A_565 = arith.addf %add3A_521, %gather3A_564 : vector<16xf32>
      %add3A_566 = arith.constant 0 : i32
      %add3A_567 = vector.broadcast %add3A_566 : i32 to vector<16xi32>
      %add3A_568 = arith.addi %add3A_567, %select_n3A_17 : vector<16xi32>
      %mul3A_569 = arith.constant 16 : i32
      %mul3A_570 = vector.broadcast %mul3A_569 : i32 to vector<16xi32>
      %mul3A_571 = arith.muli %add3A_568, %mul3A_570 : vector<16xi32>
      %add3A_572 = arith.constant 14 : i32
      %add3A_573 = vector.broadcast %add3A_572 : i32 to vector<16xi32>
      %add3A_574 = arith.addi %mul3A_571, %add3A_573 : vector<16xi32>
      %gather3A_575 = tpu.vector_load_idx %arg15[%add3A_574] : memref<640xf32, #tpu.memory_space<vmem>>[vector<16xi32>], vector<16xf32>,
      %add3A_576 = arith.addf %add3A_532, %gather3A_575 : vector<16xf32>
      %add3A_577 = arith.constant 0 : i32
      %add3A_578 = vector.broadcast %add3A_577 : i32 to vector<16xi32>
      %add3A_579 = arith.addi %add3A_578, %select_n3A_17 : vector<16xi32>
      %mul3A_580 = arith.constant 16 : i32
      %mul3A_581 = vector.broadcast %mul3A_580 : i32 to vector<16xi32>
      %mul3A_582 = arith.muli %add3A_579, %mul3A_581 : vector<16xi32>
      %add3A_583 = arith.constant 15 : i32
      %add3A_584 = vector.broadcast %add3A_583 : i32 to vector<16xi32>
      %add3A_585 = arith.addi %mul3A_582, %add3A_584 : vector<16xi32>
      %gather3A_586 = tpu.vector_load_idx %arg15[%add3A_585] : memref<640xf32, #tpu.memory_space<vmem>>[vector<16xi32>], vector<16xf32>,
      %add3A_587 = arith.addf %add3A_543, %gather3A_586 : vector<16xf32>
      %add3A_588 = arith.addf %add3A_554, %add3A_565 : vector<16xf32>
      %add3A_589 = arith.addf %add3A_576, %add3A_587 : vector<16xf32>
      %add3A_590 = arith.addf %add3A_588, %add3A_589 : vector<16xf32>
      %broadcast_in_dim3A_591 = arith.constant 0.000000e+00 : f32
      %broadcast_in_dim3A_592 = vector.broadcast %broadcast_in_dim3A_591 : f32 to vector<16xf32>
      %broadcast_in_dim3A_593 = arith.constant 0.000000e+00 : f32
      %broadcast_in_dim3A_594 = vector.broadcast %broadcast_in_dim3A_593 : f32 to vector<16xf32>
      %broadcast_in_dim3A_595 = arith.constant 0.000000e+00 : f32
      %broadcast_in_dim3A_596 = vector.broadcast %broadcast_in_dim3A_595 : f32 to vector<16xf32>
      %broadcast_in_dim3A_597 = arith.constant 0.000000e+00 : f32
      %broadcast_in_dim3A_598 = vector.broadcast %broadcast_in_dim3A_597 : f32 to vector<16xf32>
      %add3A_599 = arith.constant 0 : i32
      %add3A_600 = vector.broadcast %add3A_599 : i32 to vector<16xi32>
      %add3A_601 = arith.addi %add3A_600, %select_n3A_17 : vector<16xi32>
      %mul3A_602 = arith.constant 16 : i32
      %mul3A_603 = vector.broadcast %mul3A_602 : i32 to vector<16xi32>
      %mul3A_604 = arith.muli %add3A_601, %mul3A_603 : vector<16xi32>
      %add3A_605 = arith.constant 0 : i32
      %add3A_606 = vector.broadcast %add3A_605 : i32 to vector<16xi32>
      %add3A_607 = arith.addi %mul3A_604, %add3A_606 : vector<16xi32>
      %gather3A_608 = tpu.vector_load_idx %arg16[%add3A_607] : memref<640xf32, #tpu.memory_space<vmem>>[vector<16xi32>], vector<16xf32>,
      %add3A_609 = arith.addf %broadcast_in_dim3A_592, %gather3A_608 : vector<16xf32>
      %add3A_610 = arith.constant 0 : i32
      %add3A_611 = vector.broadcast %add3A_610 : i32 to vector<16xi32>
      %add3A_612 = arith.addi %add3A_611, %select_n3A_17 : vector<16xi32>
      %mul3A_613 = arith.constant 16 : i32
      %mul3A_614 = vector.broadcast %mul3A_613 : i32 to vector<16xi32>
      %mul3A_615 = arith.muli %add3A_612, %mul3A_614 : vector<16xi32>
      %add3A_616 = arith.constant 1 : i32
      %add3A_617 = vector.broadcast %add3A_616 : i32 to vector<16xi32>
      %add3A_618 = arith.addi %mul3A_615, %add3A_617 : vector<16xi32>
      %gather3A_619 = tpu.vector_load_idx %arg16[%add3A_618] : memref<640xf32, #tpu.memory_space<vmem>>[vector<16xi32>], vector<16xf32>,
      %add3A_620 = arith.addf %broadcast_in_dim3A_594, %gather3A_619 : vector<16xf32>
      %add3A_621 = arith.constant 0 : i32
      %add3A_622 = vector.broadcast %add3A_621 : i32 to vector<16xi32>
      %add3A_623 = arith.addi %add3A_622, %select_n3A_17 : vector<16xi32>
      %mul3A_624 = arith.constant 16 : i32
      %mul3A_625 = vector.broadcast %mul3A_624 : i32 to vector<16xi32>
      %mul3A_626 = arith.muli %add3A_623, %mul3A_625 : vector<16xi32>
      %add3A_627 = arith.constant 2 : i32
      %add3A_628 = vector.broadcast %add3A_627 : i32 to vector<16xi32>
      %add3A_629 = arith.addi %mul3A_626, %add3A_628 : vector<16xi32>
      %gather3A_630 = tpu.vector_load_idx %arg16[%add3A_629] : memref<640xf32, #tpu.memory_space<vmem>>[vector<16xi32>], vector<16xf32>,
      %add3A_631 = arith.addf %broadcast_in_dim3A_596, %gather3A_630 : vector<16xf32>
      %add3A_632 = arith.constant 0 : i32
      %add3A_633 = vector.broadcast %add3A_632 : i32 to vector<16xi32>
      %add3A_634 = arith.addi %add3A_633, %select_n3A_17 : vector<16xi32>
      %mul3A_635 = arith.constant 16 : i32
      %mul3A_636 = vector.broadcast %mul3A_635 : i32 to vector<16xi32>
      %mul3A_637 = arith.muli %add3A_634, %mul3A_636 : vector<16xi32>
      %add3A_638 = arith.constant 3 : i32
      %add3A_639 = vector.broadcast %add3A_638 : i32 to vector<16xi32>
      %add3A_640 = arith.addi %mul3A_637, %add3A_639 : vector<16xi32>
      %gather3A_641 = tpu.vector_load_idx %arg16[%add3A_640] : memref<640xf32, #tpu.memory_space<vmem>>[vector<16xi32>], vector<16xf32>,
      %add3A_642 = arith.addf %broadcast_in_dim3A_598, %gather3A_641 : vector<16xf32>
      %add3A_643 = arith.constant 0 : i32
      %add3A_644 = vector.broadcast %add3A_643 : i32 to vector<16xi32>
      %add3A_645 = arith.addi %add3A_644, %select_n3A_17 : vector<16xi32>
      %mul3A_646 = arith.constant 16 : i32
      %mul3A_647 = vector.broadcast %mul3A_646 : i32 to vector<16xi32>
      %mul3A_648 = arith.muli %add3A_645, %mul3A_647 : vector<16xi32>
      %add3A_649 = arith.constant 4 : i32
      %add3A_650 = vector.broadcast %add3A_649 : i32 to vector<16xi32>
      %add3A_651 = arith.addi %mul3A_648, %add3A_650 : vector<16xi32>
      %gather3A_652 = tpu.vector_load_idx %arg16[%add3A_651] : memref<640xf32, #tpu.memory_space<vmem>>[vector<16xi32>], vector<16xf32>,
      %add3A_653 = arith.addf %add3A_609, %gather3A_652 : vector<16xf32>
      %add3A_654 = arith.constant 0 : i32
      %add3A_655 = vector.broadcast %add3A_654 : i32 to vector<16xi32>
      %add3A_656 = arith.addi %add3A_655, %select_n3A_17 : vector<16xi32>
      %mul3A_657 = arith.constant 16 : i32
      %mul3A_658 = vector.broadcast %mul3A_657 : i32 to vector<16xi32>
      %mul3A_659 = arith.muli %add3A_656, %mul3A_658 : vector<16xi32>
      %add3A_660 = arith.constant 5 : i32
      %add3A_661 = vector.broadcast %add3A_660 : i32 to vector<16xi32>
      %add3A_662 = arith.addi %mul3A_659, %add3A_661 : vector<16xi32>
      %gather3A_663 = tpu.vector_load_idx %arg16[%add3A_662] : memref<640xf32, #tpu.memory_space<vmem>>[vector<16xi32>], vector<16xf32>,
      %add3A_664 = arith.addf %add3A_620, %gather3A_663 : vector<16xf32>
      %add3A_665 = arith.constant 0 : i32
      %add3A_666 = vector.broadcast %add3A_665 : i32 to vector<16xi32>
      %add3A_667 = arith.addi %add3A_666, %select_n3A_17 : vector<16xi32>
      %mul3A_668 = arith.constant 16 : i32
      %mul3A_669 = vector.broadcast %mul3A_668 : i32 to vector<16xi32>
      %mul3A_670 = arith.muli %add3A_667, %mul3A_669 : vector<16xi32>
      %add3A_671 = arith.constant 6 : i32
      %add3A_672 = vector.broadcast %add3A_671 : i32 to vector<16xi32>
      %add3A_673 = arith.addi %mul3A_670, %add3A_672 : vector<16xi32>
      %gather3A_674 = tpu.vector_load_idx %arg16[%add3A_673] : memref<640xf32, #tpu.memory_space<vmem>>[vector<16xi32>], vector<16xf32>,
      %add3A_675 = arith.addf %add3A_631, %gather3A_674 : vector<16xf32>
      %add3A_676 = arith.constant 0 : i32
      %add3A_677 = vector.broadcast %add3A_676 : i32 to vector<16xi32>
      %add3A_678 = arith.addi %add3A_677, %select_n3A_17 : vector<16xi32>
      %mul3A_679 = arith.constant 16 : i32
      %mul3A_680 = vector.broadcast %mul3A_679 : i32 to vector<16xi32>
      %mul3A_681 = arith.muli %add3A_678, %mul3A_680 : vector<16xi32>
      %add3A_682 = arith.constant 7 : i32
      %add3A_683 = vector.broadcast %add3A_682 : i32 to vector<16xi32>
      %add3A_684 = arith.addi %mul3A_681, %add3A_683 : vector<16xi32>
      %gather3A_685 = tpu.vector_load_idx %arg16[%add3A_684] : memref<640xf32, #tpu.memory_space<vmem>>[vector<16xi32>], vector<16xf32>,
      %add3A_686 = arith.addf %add3A_642, %gather3A_685 : vector<16xf32>
      %add3A_687 = arith.constant 0 : i32
      %add3A_688 = vector.broadcast %add3A_687 : i32 to vector<16xi32>
      %add3A_689 = arith.addi %add3A_688, %select_n3A_17 : vector<16xi32>
      %mul3A_690 = arith.constant 16 : i32
      %mul3A_691 = vector.broadcast %mul3A_690 : i32 to vector<16xi32>
      %mul3A_692 = arith.muli %add3A_689, %mul3A_691 : vector<16xi32>
      %add3A_693 = arith.constant 8 : i32
      %add3A_694 = vector.broadcast %add3A_693 : i32 to vector<16xi32>
      %add3A_695 = arith.addi %mul3A_692, %add3A_694 : vector<16xi32>
      %gather3A_696 = tpu.vector_load_idx %arg16[%add3A_695] : memref<640xf32, #tpu.memory_space<vmem>>[vector<16xi32>], vector<16xf32>,
      %add3A_697 = arith.addf %add3A_653, %gather3A_696 : vector<16xf32>
      %add3A_698 = arith.constant 0 : i32
      %add3A_699 = vector.broadcast %add3A_698 : i32 to vector<16xi32>
      %add3A_700 = arith.addi %add3A_699, %select_n3A_17 : vector<16xi32>
      %mul3A_701 = arith.constant 16 : i32
      %mul3A_702 = vector.broadcast %mul3A_701 : i32 to vector<16xi32>
      %mul3A_703 = arith.muli %add3A_700, %mul3A_702 : vector<16xi32>
      %add3A_704 = arith.constant 9 : i32
      %add3A_705 = vector.broadcast %add3A_704 : i32 to vector<16xi32>
      %add3A_706 = arith.addi %mul3A_703, %add3A_705 : vector<16xi32>
      %gather3A_707 = tpu.vector_load_idx %arg16[%add3A_706] : memref<640xf32, #tpu.memory_space<vmem>>[vector<16xi32>], vector<16xf32>,
      %add3A_708 = arith.addf %add3A_664, %gather3A_707 : vector<16xf32>
      %add3A_709 = arith.constant 0 : i32
      %add3A_710 = vector.broadcast %add3A_709 : i32 to vector<16xi32>
      %add3A_711 = arith.addi %add3A_710, %select_n3A_17 : vector<16xi32>
      %mul3A_712 = arith.constant 16 : i32
      %mul3A_713 = vector.broadcast %mul3A_712 : i32 to vector<16xi32>
      %mul3A_714 = arith.muli %add3A_711, %mul3A_713 : vector<16xi32>
      %add3A_715 = arith.constant 10 : i32
      %add3A_716 = vector.broadcast %add3A_715 : i32 to vector<16xi32>
      %add3A_717 = arith.addi %mul3A_714, %add3A_716 : vector<16xi32>
      %gather3A_718 = tpu.vector_load_idx %arg16[%add3A_717] : memref<640xf32, #tpu.memory_space<vmem>>[vector<16xi32>], vector<16xf32>,
      %add3A_719 = arith.addf %add3A_675, %gather3A_718 : vector<16xf32>
      %add3A_720 = arith.constant 0 : i32
      %add3A_721 = vector.broadcast %add3A_720 : i32 to vector<16xi32>
      %add3A_722 = arith.addi %add3A_721, %select_n3A_17 : vector<16xi32>
      %mul3A_723 = arith.constant 16 : i32
      %mul3A_724 = vector.broadcast %mul3A_723 : i32 to vector<16xi32>
      %mul3A_725 = arith.muli %add3A_722, %mul3A_724 : vector<16xi32>
      %add3A_726 = arith.constant 11 : i32
      %add3A_727 = vector.broadcast %add3A_726 : i32 to vector<16xi32>
      %add3A_728 = arith.addi %mul3A_725, %add3A_727 : vector<16xi32>
      %gather3A_729 = tpu.vector_load_idx %arg16[%add3A_728] : memref<640xf32, #tpu.memory_space<vmem>>[vector<16xi32>], vector<16xf32>,
      %add3A_730 = arith.addf %add3A_686, %gather3A_729 : vector<16xf32>
      %add3A_731 = arith.constant 0 : i32
      %add3A_732 = vector.broadcast %add3A_731 : i32 to vector<16xi32>
      %add3A_733 = arith.addi %add3A_732, %select_n3A_17 : vector<16xi32>
      %mul3A_734 = arith.constant 16 : i32
      %mul3A_735 = vector.broadcast %mul3A_734 : i32 to vector<16xi32>
      %mul3A_736 = arith.muli %add3A_733, %mul3A_735 : vector<16xi32>
      %add3A_737 = arith.constant 12 : i32
      %add3A_738 = vector.broadcast %add3A_737 : i32 to vector<16xi32>
      %add3A_739 = arith.addi %mul3A_736, %add3A_738 : vector<16xi32>
      %gather3A_740 = tpu.vector_load_idx %arg16[%add3A_739] : memref<640xf32, #tpu.memory_space<vmem>>[vector<16xi32>], vector<16xf32>,
      %add3A_741 = arith.addf %add3A_697, %gather3A_740 : vector<16xf32>
      %add3A_742 = arith.constant 0 : i32
      %add3A_743 = vector.broadcast %add3A_742 : i32 to vector<16xi32>
      %add3A_744 = arith.addi %add3A_743, %select_n3A_17 : vector<16xi32>
      %mul3A_745 = arith.constant 16 : i32
      %mul3A_746 = vector.broadcast %mul3A_745 : i32 to vector<16xi32>
      %mul3A_747 = arith.muli %add3A_744, %mul3A_746 : vector<16xi32>
      %add3A_748 = arith.constant 13 : i32
      %add3A_749 = vector.broadcast %add3A_748 : i32 to vector<16xi32>
      %add3A_750 = arith.addi %mul3A_747, %add3A_749 : vector<16xi32>
      %gather3A_751 = tpu.vector_load_idx %arg16[%add3A_750] : memref<640xf32, #tpu.memory_space<vmem>>[vector<16xi32>], vector<16xf32>,
      %add3A_752 = arith.addf %add3A_708, %gather3A_751 : vector<16xf32>
      %add3A_753 = arith.constant 0 : i32
      %add3A_754 = vector.broadcast %add3A_753 : i32 to vector<16xi32>
      %add3A_755 = arith.addi %add3A_754, %select_n3A_17 : vector<16xi32>
      %mul3A_756 = arith.constant 16 : i32
      %mul3A_757 = vector.broadcast %mul3A_756 : i32 to vector<16xi32>
      %mul3A_758 = arith.muli %add3A_755, %mul3A_757 : vector<16xi32>
      %add3A_759 = arith.constant 14 : i32
      %add3A_760 = vector.broadcast %add3A_759 : i32 to vector<16xi32>
      %add3A_761 = arith.addi %mul3A_758, %add3A_760 : vector<16xi32>
      %gather3A_762 = tpu.vector_load_idx %arg16[%add3A_761] : memref<640xf32, #tpu.memory_space<vmem>>[vector<16xi32>], vector<16xf32>,
      %add3A_763 = arith.addf %add3A_719, %gather3A_762 : vector<16xf32>
      %add3A_764 = arith.constant 0 : i32
      %add3A_765 = vector.broadcast %add3A_764 : i32 to vector<16xi32>
      %add3A_766 = arith.addi %add3A_765, %select_n3A_17 : vector<16xi32>
      %mul3A_767 = arith.constant 16 : i32
      %mul3A_768 = vector.broadcast %mul3A_767 : i32 to vector<16xi32>
      %mul3A_769 = arith.muli %add3A_766, %mul3A_768 : vector<16xi32>
      %add3A_770 = arith.constant 15 : i32
      %add3A_771 = vector.broadcast %add3A_770 : i32 to vector<16xi32>
      %add3A_772 = arith.addi %mul3A_769, %add3A_771 : vector<16xi32>
      %gather3A_773 = tpu.vector_load_idx %arg16[%add3A_772] : memref<640xf32, #tpu.memory_space<vmem>>[vector<16xi32>], vector<16xf32>,
      %add3A_774 = arith.addf %add3A_730, %gather3A_773 : vector<16xf32>
      %add3A_775 = arith.addf %add3A_741, %add3A_752 : vector<16xf32>
      %add3A_776 = arith.addf %add3A_763, %add3A_774 : vector<16xf32>
      %add3A_777 = arith.addf %add3A_775, %add3A_776 : vector<16xf32>
      %mul3A_778 = arith.mulf %add3A_590, %gather3A_402 : vector<16xf32>
      %bitcast_convert_type3A_779 = tpu.bitcast %add3A_777 : vector<16xf32> -> vector<16xi32>
      %shift_right_arithmetic3A_780 = arith.constant 1 : i32
      %shift_right_arithmetic3A_781 = vector.broadcast %shift_right_arithmetic3A_780 : i32 to vector<16xi32>
      %shift_right_arithmetic3A_782 = arith.shrsi %bitcast_convert_type3A_779, %shift_right_arithmetic3A_781 : vector<16xi32>
      %sub3A_783 = arith.constant 1597463007 : i32
      %sub3A_784 = vector.broadcast %sub3A_783 : i32 to vector<16xi32>
      %sub3A_785 = arith.subi %sub3A_784, %shift_right_arithmetic3A_782 : vector<16xi32>
      %bitcast_convert_type3A_786 = tpu.bitcast %sub3A_785 : vector<16xi32> -> vector<16xf32>
      %mul3A_787 = arith.constant 5.000000e-01 : f32
      %mul3A_788 = vector.broadcast %mul3A_787 : f32 to vector<16xf32>
      %mul3A_789 = arith.mulf %mul3A_788, %add3A_777 : vector<16xf32>
      %mul3A_790 = arith.mulf %mul3A_789, %bitcast_convert_type3A_786 : vector<16xf32>
      %mul3A_791 = arith.mulf %mul3A_790, %bitcast_convert_type3A_786 : vector<16xf32>
      %sub3A_792 = arith.constant 1.500000e+00 : f32
      %sub3A_793 = vector.broadcast %sub3A_792 : f32 to vector<16xf32>
      %sub3A_794 = arith.subf %sub3A_793, %mul3A_791 : vector<16xf32>
      %mul3A_795 = arith.mulf %bitcast_convert_type3A_786, %sub3A_794 : vector<16xf32>
      %mul3A_796 = arith.constant 5.000000e-01 : f32
      %mul3A_797 = vector.broadcast %mul3A_796 : f32 to vector<16xf32>
      %mul3A_798 = arith.mulf %mul3A_797, %add3A_777 : vector<16xf32>
      %mul3A_799 = arith.mulf %mul3A_798, %mul3A_795 : vector<16xf32>
      %mul3A_800 = arith.mulf %mul3A_799, %mul3A_795 : vector<16xf32>
      %sub3A_801 = arith.constant 1.500000e+00 : f32
      %sub3A_802 = vector.broadcast %sub3A_801 : f32 to vector<16xf32>
      %sub3A_803 = arith.subf %sub3A_802, %mul3A_800 : vector<16xf32>
      %mul3A_804 = arith.mulf %mul3A_795, %sub3A_803 : vector<16xf32>
      %mul3A_805 = arith.constant 5.000000e-01 : f32
      %mul3A_806 = vector.broadcast %mul3A_805 : f32 to vector<16xf32>
      %mul3A_807 = arith.mulf %mul3A_806, %add3A_777 : vector<16xf32>
      %mul3A_808 = arith.mulf %mul3A_807, %mul3A_804 : vector<16xf32>
      %mul3A_809 = arith.mulf %mul3A_808, %mul3A_804 : vector<16xf32>
      %sub3A_810 = arith.constant 1.500000e+00 : f32
      %sub3A_811 = vector.broadcast %sub3A_810 : f32 to vector<16xf32>
      %sub3A_812 = arith.subf %sub3A_811, %mul3A_809 : vector<16xf32>
      %mul3A_813 = arith.mulf %mul3A_804, %sub3A_812 : vector<16xf32>
      %lt3A_814 = arith.constant 1.000000e-16 : f32
      %lt3A_815 = vector.broadcast %lt3A_814 : f32 to vector<16xf32>
      %lt3A_816 = arith.cmpf olt, %add3A_777, %lt3A_815 : vector<16xf32>
      %jit3A_817 = arith.constant 1.000000e+08 : f32
      %broadcast_in_dim3A_818 = vector.broadcast %jit3A_817 : f32 to vector<16xf32>
      %select_n3A_819 = arith.select %lt3A_816, %broadcast_in_dim3A_818, %mul3A_813 : vector<16xi1>, vector<16xf32>
      %mul3A_820 = arith.mulf %mul3A_778, %select_n3A_819 : vector<16xf32>
      %mul3A_821 = arith.mulf %mul3A_820, %select_n3A_393 : vector<16xf32>
      %mul3A_822 = arith.constant 8 : i32
      %mul3A_823 = vector.broadcast %mul3A_822 : i32 to vector<16xi32>
      %mul3A_824 = arith.muli %gather3A, %mul3A_823 : vector<16xi32>
      %add3A_825 = arith.constant 1 : i32
      %add3A_826 = vector.broadcast %add3A_825 : i32 to vector<16xi32>
      %add3A_827 = arith.addi %mul3A_824, %add3A_826 : vector<16xi32>
      %gather3A_828 = tpu.vector_load_idx %arg10[%add3A_827] : memref<8000xf32, #tpu.memory_space<vmem>>[vector<16xi32>], vector<16xf32>,
      %add3A_829 = arith.addf %add3A_403, %gather3A_828 : vector<16xf32>
      %broadcast_in_dim3A_830 = arith.constant 0.000000e+00 : f32
      %broadcast_in_dim3A_831 = vector.broadcast %broadcast_in_dim3A_830 : f32 to vector<16xf32>
      %broadcast_in_dim3A_832 = arith.constant 0.000000e+00 : f32
      %broadcast_in_dim3A_833 = vector.broadcast %broadcast_in_dim3A_832 : f32 to vector<16xf32>
      %broadcast_in_dim3A_834 = arith.constant 0.000000e+00 : f32
      %broadcast_in_dim3A_835 = vector.broadcast %broadcast_in_dim3A_834 : f32 to vector<16xf32>
      %broadcast_in_dim3A_836 = arith.constant 0.000000e+00 : f32
      %broadcast_in_dim3A_837 = vector.broadcast %broadcast_in_dim3A_836 : f32 to vector<16xf32>
      %add3A_838 = arith.constant 8 : i32
      %add3A_839 = vector.broadcast %add3A_838 : i32 to vector<16xi32>
      %add3A_840 = arith.addi %add3A_839, %select_n3A_17 : vector<16xi32>
      %mul3A_841 = arith.constant 16 : i32
      %mul3A_842 = vector.broadcast %mul3A_841 : i32 to vector<16xi32>
      %mul3A_843 = arith.muli %add3A_840, %mul3A_842 : vector<16xi32>
      %add3A_844 = arith.constant 0 : i32
      %add3A_845 = vector.broadcast %add3A_844 : i32 to vector<16xi32>
      %add3A_846 = arith.addi %mul3A_843, %add3A_845 : vector<16xi32>
      %gather3A_847 = tpu.vector_load_idx %arg15[%add3A_846] : memref<640xf32, #tpu.memory_space<vmem>>[vector<16xi32>], vector<16xf32>,
      %add3A_848 = arith.addf %broadcast_in_dim3A_831, %gather3A_847 : vector<16xf32>
      %add3A_849 = arith.constant 8 : i32
      %add3A_850 = vector.broadcast %add3A_849 : i32 to vector<16xi32>
      %add3A_851 = arith.addi %add3A_850, %select_n3A_17 : vector<16xi32>
      %mul3A_852 = arith.constant 16 : i32
      %mul3A_853 = vector.broadcast %mul3A_852 : i32 to vector<16xi32>
      %mul3A_854 = arith.muli %add3A_851, %mul3A_853 : vector<16xi32>
      %add3A_855 = arith.constant 1 : i32
      %add3A_856 = vector.broadcast %add3A_855 : i32 to vector<16xi32>
      %add3A_857 = arith.addi %mul3A_854, %add3A_856 : vector<16xi32>
      %gather3A_858 = tpu.vector_load_idx %arg15[%add3A_857] : memref<640xf32, #tpu.memory_space<vmem>>[vector<16xi32>], vector<16xf32>,
      %add3A_859 = arith.addf %broadcast_in_dim3A_833, %gather3A_858 : vector<16xf32>
      %add3A_860 = arith.constant 8 : i32
      %add3A_861 = vector.broadcast %add3A_860 : i32 to vector<16xi32>
      %add3A_862 = arith.addi %add3A_861, %select_n3A_17 : vector<16xi32>
      %mul3A_863 = arith.constant 16 : i32
      %mul3A_864 = vector.broadcast %mul3A_863 : i32 to vector<16xi32>
      %mul3A_865 = arith.muli %add3A_862, %mul3A_864 : vector<16xi32>
      %add3A_866 = arith.constant 2 : i32
      %add3A_867 = vector.broadcast %add3A_866 : i32 to vector<16xi32>
      %add3A_868 = arith.addi %mul3A_865, %add3A_867 : vector<16xi32>
      %gather3A_869 = tpu.vector_load_idx %arg15[%add3A_868] : memref<640xf32, #tpu.memory_space<vmem>>[vector<16xi32>], vector<16xf32>,
      %add3A_870 = arith.addf %broadcast_in_dim3A_835, %gather3A_869 : vector<16xf32>
      %add3A_871 = arith.constant 8 : i32
      %add3A_872 = vector.broadcast %add3A_871 : i32 to vector<16xi32>
      %add3A_873 = arith.addi %add3A_872, %select_n3A_17 : vector<16xi32>
      %mul3A_874 = arith.constant 16 : i32
      %mul3A_875 = vector.broadcast %mul3A_874 : i32 to vector<16xi32>
      %mul3A_876 = arith.muli %add3A_873, %mul3A_875 : vector<16xi32>
      %add3A_877 = arith.constant 3 : i32
      %add3A_878 = vector.broadcast %add3A_877 : i32 to vector<16xi32>
      %add3A_879 = arith.addi %mul3A_876, %add3A_878 : vector<16xi32>
      %gather3A_880 = tpu.vector_load_idx %arg15[%add3A_879] : memref<640xf32, #tpu.memory_space<vmem>>[vector<16xi32>], vector<16xf32>,
      %add3A_881 = arith.addf %broadcast_in_dim3A_837, %gather3A_880 : vector<16xf32>
      %add3A_882 = arith.constant 8 : i32
      %add3A_883 = vector.broadcast %add3A_882 : i32 to vector<16xi32>
      %add3A_884 = arith.addi %add3A_883, %select_n3A_17 : vector<16xi32>
      %mul3A_885 = arith.constant 16 : i32
      %mul3A_886 = vector.broadcast %mul3A_885 : i32 to vector<16xi32>
      %mul3A_887 = arith.muli %add3A_884, %mul3A_886 : vector<16xi32>
      %add3A_888 = arith.constant 4 : i32
      %add3A_889 = vector.broadcast %add3A_888 : i32 to vector<16xi32>
      %add3A_890 = arith.addi %mul3A_887, %add3A_889 : vector<16xi32>
      %gather3A_891 = tpu.vector_load_idx %arg15[%add3A_890] : memref<640xf32, #tpu.memory_space<vmem>>[vector<16xi32>], vector<16xf32>,
      %add3A_892 = arith.addf %add3A_848, %gather3A_891 : vector<16xf32>
      %add3A_893 = arith.constant 8 : i32
      %add3A_894 = vector.broadcast %add3A_893 : i32 to vector<16xi32>
      %add3A_895 = arith.addi %add3A_894, %select_n3A_17 : vector<16xi32>
      %mul3A_896 = arith.constant 16 : i32
      %mul3A_897 = vector.broadcast %mul3A_896 : i32 to vector<16xi32>
      %mul3A_898 = arith.muli %add3A_895, %mul3A_897 : vector<16xi32>
      %add3A_899 = arith.constant 5 : i32
      %add3A_900 = vector.broadcast %add3A_899 : i32 to vector<16xi32>
      %add3A_901 = arith.addi %mul3A_898, %add3A_900 : vector<16xi32>
      %gather3A_902 = tpu.vector_load_idx %arg15[%add3A_901] : memref<640xf32, #tpu.memory_space<vmem>>[vector<16xi32>], vector<16xf32>,
      %add3A_903 = arith.addf %add3A_859, %gather3A_902 : vector<16xf32>
      %add3A_904 = arith.constant 8 : i32
      %add3A_905 = vector.broadcast %add3A_904 : i32 to vector<16xi32>
      %add3A_906 = arith.addi %add3A_905, %select_n3A_17 : vector<16xi32>
      %mul3A_907 = arith.constant 16 : i32
      %mul3A_908 = vector.broadcast %mul3A_907 : i32 to vector<16xi32>
      %mul3A_909 = arith.muli %add3A_906, %mul3A_908 : vector<16xi32>
      %add3A_910 = arith.constant 6 : i32
      %add3A_911 = vector.broadcast %add3A_910 : i32 to vector<16xi32>
      %add3A_912 = arith.addi %mul3A_909, %add3A_911 : vector<16xi32>
      %gather3A_913 = tpu.vector_load_idx %arg15[%add3A_912] : memref<640xf32, #tpu.memory_space<vmem>>[vector<16xi32>], vector<16xf32>,
      %add3A_914 = arith.addf %add3A_870, %gather3A_913 : vector<16xf32>
      %add3A_915 = arith.constant 8 : i32
      %add3A_916 = vector.broadcast %add3A_915 : i32 to vector<16xi32>
      %add3A_917 = arith.addi %add3A_916, %select_n3A_17 : vector<16xi32>
      %mul3A_918 = arith.constant 16 : i32
      %mul3A_919 = vector.broadcast %mul3A_918 : i32 to vector<16xi32>
      %mul3A_920 = arith.muli %add3A_917, %mul3A_919 : vector<16xi32>
      %add3A_921 = arith.constant 7 : i32
      %add3A_922 = vector.broadcast %add3A_921 : i32 to vector<16xi32>
      %add3A_923 = arith.addi %mul3A_920, %add3A_922 : vector<16xi32>
      %gather3A_924 = tpu.vector_load_idx %arg15[%add3A_923] : memref<640xf32, #tpu.memory_space<vmem>>[vector<16xi32>], vector<16xf32>,
      %add3A_925 = arith.addf %add3A_881, %gather3A_924 : vector<16xf32>
      %add3A_926 = arith.constant 8 : i32
      %add3A_927 = vector.broadcast %add3A_926 : i32 to vector<16xi32>
      %add3A_928 = arith.addi %add3A_927, %select_n3A_17 : vector<16xi32>
      %mul3A_929 = arith.constant 16 : i32
      %mul3A_930 = vector.broadcast %mul3A_929 : i32 to vector<16xi32>
      %mul3A_931 = arith.muli %add3A_928, %mul3A_930 : vector<16xi32>
      %add3A_932 = arith.constant 8 : i32
      %add3A_933 = vector.broadcast %add3A_932 : i32 to vector<16xi32>
      %add3A_934 = arith.addi %mul3A_931, %add3A_933 : vector<16xi32>
      %gather3A_935 = tpu.vector_load_idx %arg15[%add3A_934] : memref<640xf32, #tpu.memory_space<vmem>>[vector<16xi32>], vector<16xf32>,
      %add3A_936 = arith.addf %add3A_892, %gather3A_935 : vector<16xf32>
      %add3A_937 = arith.constant 8 : i32
      %add3A_938 = vector.broadcast %add3A_937 : i32 to vector<16xi32>
      %add3A_939 = arith.addi %add3A_938, %select_n3A_17 : vector<16xi32>
      %mul3A_940 = arith.constant 16 : i32
      %mul3A_941 = vector.broadcast %mul3A_940 : i32 to vector<16xi32>
      %mul3A_942 = arith.muli %add3A_939, %mul3A_941 : vector<16xi32>
      %add3A_943 = arith.constant 9 : i32
      %add3A_944 = vector.broadcast %add3A_943 : i32 to vector<16xi32>
      %add3A_945 = arith.addi %mul3A_942, %add3A_944 : vector<16xi32>
      %gather3A_946 = tpu.vector_load_idx %arg15[%add3A_945] : memref<640xf32, #tpu.memory_space<vmem>>[vector<16xi32>], vector<16xf32>,
      %add3A_947 = arith.addf %add3A_903, %gather3A_946 : vector<16xf32>
      %add3A_948 = arith.constant 8 : i32
      %add3A_949 = vector.broadcast %add3A_948 : i32 to vector<16xi32>
      %add3A_950 = arith.addi %add3A_949, %select_n3A_17 : vector<16xi32>
      %mul3A_951 = arith.constant 16 : i32
      %mul3A_952 = vector.broadcast %mul3A_951 : i32 to vector<16xi32>
      %mul3A_953 = arith.muli %add3A_950, %mul3A_952 : vector<16xi32>
      %add3A_954 = arith.constant 10 : i32
      %add3A_955 = vector.broadcast %add3A_954 : i32 to vector<16xi32>
      %add3A_956 = arith.addi %mul3A_953, %add3A_955 : vector<16xi32>
      %gather3A_957 = tpu.vector_load_idx %arg15[%add3A_956] : memref<640xf32, #tpu.memory_space<vmem>>[vector<16xi32>], vector<16xf32>,
      %add3A_958 = arith.addf %add3A_914, %gather3A_957 : vector<16xf32>
      %add3A_959 = arith.constant 8 : i32
      %add3A_960 = vector.broadcast %add3A_959 : i32 to vector<16xi32>
      %add3A_961 = arith.addi %add3A_960, %select_n3A_17 : vector<16xi32>
      %mul3A_962 = arith.constant 16 : i32
      %mul3A_963 = vector.broadcast %mul3A_962 : i32 to vector<16xi32>
      %mul3A_964 = arith.muli %add3A_961, %mul3A_963 : vector<16xi32>
      %add3A_965 = arith.constant 11 : i32
      %add3A_966 = vector.broadcast %add3A_965 : i32 to vector<16xi32>
      %add3A_967 = arith.addi %mul3A_964, %add3A_966 : vector<16xi32>
      %gather3A_968 = tpu.vector_load_idx %arg15[%add3A_967] : memref<640xf32, #tpu.memory_space<vmem>>[vector<16xi32>], vector<16xf32>,
      %add3A_969 = arith.addf %add3A_925, %gather3A_968 : vector<16xf32>
      %add3A_970 = arith.constant 8 : i32
      %add3A_971 = vector.broadcast %add3A_970 : i32 to vector<16xi32>
      %add3A_972 = arith.addi %add3A_971, %select_n3A_17 : vector<16xi32>
      %mul3A_973 = arith.constant 16 : i32
      %mul3A_974 = vector.broadcast %mul3A_973 : i32 to vector<16xi32>
      %mul3A_975 = arith.muli %add3A_972, %mul3A_974 : vector<16xi32>
      %add3A_976 = arith.constant 12 : i32
      %add3A_977 = vector.broadcast %add3A_976 : i32 to vector<16xi32>
      %add3A_978 = arith.addi %mul3A_975, %add3A_977 : vector<16xi32>
      %gather3A_979 = tpu.vector_load_idx %arg15[%add3A_978] : memref<640xf32, #tpu.memory_space<vmem>>[vector<16xi32>], vector<16xf32>,
      %add3A_980 = arith.addf %add3A_936, %gather3A_979 : vector<16xf32>
      %add3A_981 = arith.constant 8 : i32
      %add3A_982 = vector.broadcast %add3A_981 : i32 to vector<16xi32>
      %add3A_983 = arith.addi %add3A_982, %select_n3A_17 : vector<16xi32>
      %mul3A_984 = arith.constant 16 : i32
      %mul3A_985 = vector.broadcast %mul3A_984 : i32 to vector<16xi32>
      %mul3A_986 = arith.muli %add3A_983, %mul3A_985 : vector<16xi32>
      %add3A_987 = arith.constant 13 : i32
      %add3A_988 = vector.broadcast %add3A_987 : i32 to vector<16xi32>
      %add3A_989 = arith.addi %mul3A_986, %add3A_988 : vector<16xi32>
      %gather3A_990 = tpu.vector_load_idx %arg15[%add3A_989] : memref<640xf32, #tpu.memory_space<vmem>>[vector<16xi32>], vector<16xf32>,
      %add3A_991 = arith.addf %add3A_947, %gather3A_990 : vector<16xf32>
      %add3A_992 = arith.constant 8 : i32
      %add3A_993 = vector.broadcast %add3A_992 : i32 to vector<16xi32>
      %add3A_994 = arith.addi %add3A_993, %select_n3A_17 : vector<16xi32>
      %mul3A_995 = arith.constant 16 : i32
      %mul3A_996 = vector.broadcast %mul3A_995 : i32 to vector<16xi32>
      %mul3A_997 = arith.muli %add3A_994, %mul3A_996 : vector<16xi32>
      %add3A_998 = arith.constant 14 : i32
      %add3A_999 = vector.broadcast %add3A_998 : i32 to vector<16xi32>
      %add3A_1000 = arith.addi %mul3A_997, %add3A_999 : vector<16xi32>
      %gather3A_1001 = tpu.vector_load_idx %arg15[%add3A_1000] : memref<640xf32, #tpu.memory_space<vmem>>[vector<16xi32>], vector<16xf32>,
      %add3A_1002 = arith.addf %add3A_958, %gather3A_1001 : vector<16xf32>
      %add3A_1003 = arith.constant 8 : i32
      %add3A_1004 = vector.broadcast %add3A_1003 : i32 to vector<16xi32>
      %add3A_1005 = arith.addi %add3A_1004, %select_n3A_17 : vector<16xi32>
      %mul3A_1006 = arith.constant 16 : i32
      %mul3A_1007 = vector.broadcast %mul3A_1006 : i32 to vector<16xi32>
      %mul3A_1008 = arith.muli %add3A_1005, %mul3A_1007 : vector<16xi32>
      %add3A_1009 = arith.constant 15 : i32
      %add3A_1010 = vector.broadcast %add3A_1009 : i32 to vector<16xi32>
      %add3A_1011 = arith.addi %mul3A_1008, %add3A_1010 : vector<16xi32>
      %gather3A_1012 = tpu.vector_load_idx %arg15[%add3A_1011] : memref<640xf32, #tpu.memory_space<vmem>>[vector<16xi32>], vector<16xf32>,
      %add3A_1013 = arith.addf %add3A_969, %gather3A_1012 : vector<16xf32>
      %add3A_1014 = arith.addf %add3A_980, %add3A_991 : vector<16xf32>
      %add3A_1015 = arith.addf %add3A_1002, %add3A_1013 : vector<16xf32>
      %add3A_1016 = arith.addf %add3A_1014, %add3A_1015 : vector<16xf32>
      %broadcast_in_dim3A_1017 = arith.constant 0.000000e+00 : f32
      %broadcast_in_dim3A_1018 = vector.broadcast %broadcast_in_dim3A_1017 : f32 to vector<16xf32>
      %broadcast_in_dim3A_1019 = arith.constant 0.000000e+00 : f32
      %broadcast_in_dim3A_1020 = vector.broadcast %broadcast_in_dim3A_1019 : f32 to vector<16xf32>
      %broadcast_in_dim3A_1021 = arith.constant 0.000000e+00 : f32
      %broadcast_in_dim3A_1022 = vector.broadcast %broadcast_in_dim3A_1021 : f32 to vector<16xf32>
      %broadcast_in_dim3A_1023 = arith.constant 0.000000e+00 : f32
      %broadcast_in_dim3A_1024 = vector.broadcast %broadcast_in_dim3A_1023 : f32 to vector<16xf32>
      %add3A_1025 = arith.constant 8 : i32
      %add3A_1026 = vector.broadcast %add3A_1025 : i32 to vector<16xi32>
      %add3A_1027 = arith.addi %add3A_1026, %select_n3A_17 : vector<16xi32>
      %mul3A_1028 = arith.constant 16 : i32
      %mul3A_1029 = vector.broadcast %mul3A_1028 : i32 to vector<16xi32>
      %mul3A_1030 = arith.muli %add3A_1027, %mul3A_1029 : vector<16xi32>
      %add3A_1031 = arith.constant 0 : i32
      %add3A_1032 = vector.broadcast %add3A_1031 : i32 to vector<16xi32>
      %add3A_1033 = arith.addi %mul3A_1030, %add3A_1032 : vector<16xi32>
      %gather3A_1034 = tpu.vector_load_idx %arg16[%add3A_1033] : memref<640xf32, #tpu.memory_space<vmem>>[vector<16xi32>], vector<16xf32>,
      %add3A_1035 = arith.addf %broadcast_in_dim3A_1018, %gather3A_1034 : vector<16xf32>
      %add3A_1036 = arith.constant 8 : i32
      %add3A_1037 = vector.broadcast %add3A_1036 : i32 to vector<16xi32>
      %add3A_1038 = arith.addi %add3A_1037, %select_n3A_17 : vector<16xi32>
      %mul3A_1039 = arith.constant 16 : i32
      %mul3A_1040 = vector.broadcast %mul3A_1039 : i32 to vector<16xi32>
      %mul3A_1041 = arith.muli %add3A_1038, %mul3A_1040 : vector<16xi32>
      %add3A_1042 = arith.constant 1 : i32
      %add3A_1043 = vector.broadcast %add3A_1042 : i32 to vector<16xi32>
      %add3A_1044 = arith.addi %mul3A_1041, %add3A_1043 : vector<16xi32>
      %gather3A_1045 = tpu.vector_load_idx %arg16[%add3A_1044] : memref<640xf32, #tpu.memory_space<vmem>>[vector<16xi32>], vector<16xf32>,
      %add3A_1046 = arith.addf %broadcast_in_dim3A_1020, %gather3A_1045 : vector<16xf32>
      %add3A_1047 = arith.constant 8 : i32
      %add3A_1048 = vector.broadcast %add3A_1047 : i32 to vector<16xi32>
      %add3A_1049 = arith.addi %add3A_1048, %select_n3A_17 : vector<16xi32>
      %mul3A_1050 = arith.constant 16 : i32
      %mul3A_1051 = vector.broadcast %mul3A_1050 : i32 to vector<16xi32>
      %mul3A_1052 = arith.muli %add3A_1049, %mul3A_1051 : vector<16xi32>
      %add3A_1053 = arith.constant 2 : i32
      %add3A_1054 = vector.broadcast %add3A_1053 : i32 to vector<16xi32>
      %add3A_1055 = arith.addi %mul3A_1052, %add3A_1054 : vector<16xi32>
      %gather3A_1056 = tpu.vector_load_idx %arg16[%add3A_1055] : memref<640xf32, #tpu.memory_space<vmem>>[vector<16xi32>], vector<16xf32>,
      %add3A_1057 = arith.addf %broadcast_in_dim3A_1022, %gather3A_1056 : vector<16xf32>
      %add3A_1058 = arith.constant 8 : i32
      %add3A_1059 = vector.broadcast %add3A_1058 : i32 to vector<16xi32>
      %add3A_1060 = arith.addi %add3A_1059, %select_n3A_17 : vector<16xi32>
      %mul3A_1061 = arith.constant 16 : i32
      %mul3A_1062 = vector.broadcast %mul3A_1061 : i32 to vector<16xi32>
      %mul3A_1063 = arith.muli %add3A_1060, %mul3A_1062 : vector<16xi32>
      %add3A_1064 = arith.constant 3 : i32
      %add3A_1065 = vector.broadcast %add3A_1064 : i32 to vector<16xi32>
      %add3A_1066 = arith.addi %mul3A_1063, %add3A_1065 : vector<16xi32>
      %gather3A_1067 = tpu.vector_load_idx %arg16[%add3A_1066] : memref<640xf32, #tpu.memory_space<vmem>>[vector<16xi32>], vector<16xf32>,
      %add3A_1068 = arith.addf %broadcast_in_dim3A_1024, %gather3A_1067 : vector<16xf32>
      %add3A_1069 = arith.constant 8 : i32
      %add3A_1070 = vector.broadcast %add3A_1069 : i32 to vector<16xi32>
      %add3A_1071 = arith.addi %add3A_1070, %select_n3A_17 : vector<16xi32>
      %mul3A_1072 = arith.constant 16 : i32
      %mul3A_1073 = vector.broadcast %mul3A_1072 : i32 to vector<16xi32>
      %mul3A_1074 = arith.muli %add3A_1071, %mul3A_1073 : vector<16xi32>
      %add3A_1075 = arith.constant 4 : i32
      %add3A_1076 = vector.broadcast %add3A_1075 : i32 to vector<16xi32>
      %add3A_1077 = arith.addi %mul3A_1074, %add3A_1076 : vector<16xi32>
      %gather3A_1078 = tpu.vector_load_idx %arg16[%add3A_1077] : memref<640xf32, #tpu.memory_space<vmem>>[vector<16xi32>], vector<16xf32>,
      %add3A_1079 = arith.addf %add3A_1035, %gather3A_1078 : vector<16xf32>
      %add3A_1080 = arith.constant 8 : i32
      %add3A_1081 = vector.broadcast %add3A_1080 : i32 to vector<16xi32>
      %add3A_1082 = arith.addi %add3A_1081, %select_n3A_17 : vector<16xi32>
      %mul3A_1083 = arith.constant 16 : i32
      %mul3A_1084 = vector.broadcast %mul3A_1083 : i32 to vector<16xi32>
      %mul3A_1085 = arith.muli %add3A_1082, %mul3A_1084 : vector<16xi32>
      %add3A_1086 = arith.constant 5 : i32
      %add3A_1087 = vector.broadcast %add3A_1086 : i32 to vector<16xi32>
      %add3A_1088 = arith.addi %mul3A_1085, %add3A_1087 : vector<16xi32>
      %gather3A_1089 = tpu.vector_load_idx %arg16[%add3A_1088] : memref<640xf32, #tpu.memory_space<vmem>>[vector<16xi32>], vector<16xf32>,
      %add3A_1090 = arith.addf %add3A_1046, %gather3A_1089 : vector<16xf32>
      %add3A_1091 = arith.constant 8 : i32
      %add3A_1092 = vector.broadcast %add3A_1091 : i32 to vector<16xi32>
      %add3A_1093 = arith.addi %add3A_1092, %select_n3A_17 : vector<16xi32>
      %mul3A_1094 = arith.constant 16 : i32
      %mul3A_1095 = vector.broadcast %mul3A_1094 : i32 to vector<16xi32>
      %mul3A_1096 = arith.muli %add3A_1093, %mul3A_1095 : vector<16xi32>
      %add3A_1097 = arith.constant 6 : i32
      %add3A_1098 = vector.broadcast %add3A_1097 : i32 to vector<16xi32>
      %add3A_1099 = arith.addi %mul3A_1096, %add3A_1098 : vector<16xi32>
      %gather3A_1100 = tpu.vector_load_idx %arg16[%add3A_1099] : memref<640xf32, #tpu.memory_space<vmem>>[vector<16xi32>], vector<16xf32>,
      %add3A_1101 = arith.addf %add3A_1057, %gather3A_1100 : vector<16xf32>
      %add3A_1102 = arith.constant 8 : i32
      %add3A_1103 = vector.broadcast %add3A_1102 : i32 to vector<16xi32>
      %add3A_1104 = arith.addi %add3A_1103, %select_n3A_17 : vector<16xi32>
      %mul3A_1105 = arith.constant 16 : i32
      %mul3A_1106 = vector.broadcast %mul3A_1105 : i32 to vector<16xi32>
      %mul3A_1107 = arith.muli %add3A_1104, %mul3A_1106 : vector<16xi32>
      %add3A_1108 = arith.constant 7 : i32
      %add3A_1109 = vector.broadcast %add3A_1108 : i32 to vector<16xi32>
      %add3A_1110 = arith.addi %mul3A_1107, %add3A_1109 : vector<16xi32>
      %gather3A_1111 = tpu.vector_load_idx %arg16[%add3A_1110] : memref<640xf32, #tpu.memory_space<vmem>>[vector<16xi32>], vector<16xf32>,
      %add3A_1112 = arith.addf %add3A_1068, %gather3A_1111 : vector<16xf32>
      %add3A_1113 = arith.constant 8 : i32
      %add3A_1114 = vector.broadcast %add3A_1113 : i32 to vector<16xi32>
      %add3A_1115 = arith.addi %add3A_1114, %select_n3A_17 : vector<16xi32>
      %mul3A_1116 = arith.constant 16 : i32
      %mul3A_1117 = vector.broadcast %mul3A_1116 : i32 to vector<16xi32>
      %mul3A_1118 = arith.muli %add3A_1115, %mul3A_1117 : vector<16xi32>
      %add3A_1119 = arith.constant 8 : i32
      %add3A_1120 = vector.broadcast %add3A_1119 : i32 to vector<16xi32>
      %add3A_1121 = arith.addi %mul3A_1118, %add3A_1120 : vector<16xi32>
      %gather3A_1122 = tpu.vector_load_idx %arg16[%add3A_1121] : memref<640xf32, #tpu.memory_space<vmem>>[vector<16xi32>], vector<16xf32>,
      %add3A_1123 = arith.addf %add3A_1079, %gather3A_1122 : vector<16xf32>
      %add3A_1124 = arith.constant 8 : i32
      %add3A_1125 = vector.broadcast %add3A_1124 : i32 to vector<16xi32>
      %add3A_1126 = arith.addi %add3A_1125, %select_n3A_17 : vector<16xi32>
      %mul3A_1127 = arith.constant 16 : i32
      %mul3A_1128 = vector.broadcast %mul3A_1127 : i32 to vector<16xi32>
      %mul3A_1129 = arith.muli %add3A_1126, %mul3A_1128 : vector<16xi32>
      %add3A_1130 = arith.constant 9 : i32
      %add3A_1131 = vector.broadcast %add3A_1130 : i32 to vector<16xi32>
      %add3A_1132 = arith.addi %mul3A_1129, %add3A_1131 : vector<16xi32>
      %gather3A_1133 = tpu.vector_load_idx %arg16[%add3A_1132] : memref<640xf32, #tpu.memory_space<vmem>>[vector<16xi32>], vector<16xf32>,
      %add3A_1134 = arith.addf %add3A_1090, %gather3A_1133 : vector<16xf32>
      %add3A_1135 = arith.constant 8 : i32
      %add3A_1136 = vector.broadcast %add3A_1135 : i32 to vector<16xi32>
      %add3A_1137 = arith.addi %add3A_1136, %select_n3A_17 : vector<16xi32>
      %mul3A_1138 = arith.constant 16 : i32
      %mul3A_1139 = vector.broadcast %mul3A_1138 : i32 to vector<16xi32>
      %mul3A_1140 = arith.muli %add3A_1137, %mul3A_1139 : vector<16xi32>
      %add3A_1141 = arith.constant 10 : i32
      %add3A_1142 = vector.broadcast %add3A_1141 : i32 to vector<16xi32>
      %add3A_1143 = arith.addi %mul3A_1140, %add3A_1142 : vector<16xi32>
      %gather3A_1144 = tpu.vector_load_idx %arg16[%add3A_1143] : memref<640xf32, #tpu.memory_space<vmem>>[vector<16xi32>], vector<16xf32>,
      %add3A_1145 = arith.addf %add3A_1101, %gather3A_1144 : vector<16xf32>
      %add3A_1146 = arith.constant 8 : i32
      %add3A_1147 = vector.broadcast %add3A_1146 : i32 to vector<16xi32>
      %add3A_1148 = arith.addi %add3A_1147, %select_n3A_17 : vector<16xi32>
      %mul3A_1149 = arith.constant 16 : i32
      %mul3A_1150 = vector.broadcast %mul3A_1149 : i32 to vector<16xi32>
      %mul3A_1151 = arith.muli %add3A_1148, %mul3A_1150 : vector<16xi32>
      %add3A_1152 = arith.constant 11 : i32
      %add3A_1153 = vector.broadcast %add3A_1152 : i32 to vector<16xi32>
      %add3A_1154 = arith.addi %mul3A_1151, %add3A_1153 : vector<16xi32>
      %gather3A_1155 = tpu.vector_load_idx %arg16[%add3A_1154] : memref<640xf32, #tpu.memory_space<vmem>>[vector<16xi32>], vector<16xf32>,
      %add3A_1156 = arith.addf %add3A_1112, %gather3A_1155 : vector<16xf32>
      %add3A_1157 = arith.constant 8 : i32
      %add3A_1158 = vector.broadcast %add3A_1157 : i32 to vector<16xi32>
      %add3A_1159 = arith.addi %add3A_1158, %select_n3A_17 : vector<16xi32>
      %mul3A_1160 = arith.constant 16 : i32
      %mul3A_1161 = vector.broadcast %mul3A_1160 : i32 to vector<16xi32>
      %mul3A_1162 = arith.muli %add3A_1159, %mul3A_1161 : vector<16xi32>
      %add3A_1163 = arith.constant 12 : i32
      %add3A_1164 = vector.broadcast %add3A_1163 : i32 to vector<16xi32>
      %add3A_1165 = arith.addi %mul3A_1162, %add3A_1164 : vector<16xi32>
      %gather3A_1166 = tpu.vector_load_idx %arg16[%add3A_1165] : memref<640xf32, #tpu.memory_space<vmem>>[vector<16xi32>], vector<16xf32>,
      %add3A_1167 = arith.addf %add3A_1123, %gather3A_1166 : vector<16xf32>
      %add3A_1168 = arith.constant 8 : i32
      %add3A_1169 = vector.broadcast %add3A_1168 : i32 to vector<16xi32>
      %add3A_1170 = arith.addi %add3A_1169, %select_n3A_17 : vector<16xi32>
      %mul3A_1171 = arith.constant 16 : i32
      %mul3A_1172 = vector.broadcast %mul3A_1171 : i32 to vector<16xi32>
      %mul3A_1173 = arith.muli %add3A_1170, %mul3A_1172 : vector<16xi32>
      %add3A_1174 = arith.constant 13 : i32
      %add3A_1175 = vector.broadcast %add3A_1174 : i32 to vector<16xi32>
      %add3A_1176 = arith.addi %mul3A_1173, %add3A_1175 : vector<16xi32>
      %gather3A_1177 = tpu.vector_load_idx %arg16[%add3A_1176] : memref<640xf32, #tpu.memory_space<vmem>>[vector<16xi32>], vector<16xf32>,
      %add3A_1178 = arith.addf %add3A_1134, %gather3A_1177 : vector<16xf32>
      %add3A_1179 = arith.constant 8 : i32
      %add3A_1180 = vector.broadcast %add3A_1179 : i32 to vector<16xi32>
      %add3A_1181 = arith.addi %add3A_1180, %select_n3A_17 : vector<16xi32>
      %mul3A_1182 = arith.constant 16 : i32
      %mul3A_1183 = vector.broadcast %mul3A_1182 : i32 to vector<16xi32>
      %mul3A_1184 = arith.muli %add3A_1181, %mul3A_1183 : vector<16xi32>
      %add3A_1185 = arith.constant 14 : i32
      %add3A_1186 = vector.broadcast %add3A_1185 : i32 to vector<16xi32>
      %add3A_1187 = arith.addi %mul3A_1184, %add3A_1186 : vector<16xi32>
      %gather3A_1188 = tpu.vector_load_idx %arg16[%add3A_1187] : memref<640xf32, #tpu.memory_space<vmem>>[vector<16xi32>], vector<16xf32>,
      %add3A_1189 = arith.addf %add3A_1145, %gather3A_1188 : vector<16xf32>
      %add3A_1190 = arith.constant 8 : i32
      %add3A_1191 = vector.broadcast %add3A_1190 : i32 to vector<16xi32>
      %add3A_1192 = arith.addi %add3A_1191, %select_n3A_17 : vector<16xi32>
      %mul3A_1193 = arith.constant 16 : i32
      %mul3A_1194 = vector.broadcast %mul3A_1193 : i32 to vector<16xi32>
      %mul3A_1195 = arith.muli %add3A_1192, %mul3A_1194 : vector<16xi32>
      %add3A_1196 = arith.constant 15 : i32
      %add3A_1197 = vector.broadcast %add3A_1196 : i32 to vector<16xi32>
      %add3A_1198 = arith.addi %mul3A_1195, %add3A_1197 : vector<16xi32>
      %gather3A_1199 = tpu.vector_load_idx %arg16[%add3A_1198] : memref<640xf32, #tpu.memory_space<vmem>>[vector<16xi32>], vector<16xf32>,
      %add3A_1200 = arith.addf %add3A_1156, %gather3A_1199 : vector<16xf32>
      %add3A_1201 = arith.addf %add3A_1167, %add3A_1178 : vector<16xf32>
      %add3A_1202 = arith.addf %add3A_1189, %add3A_1200 : vector<16xf32>
      %add3A_1203 = arith.addf %add3A_1201, %add3A_1202 : vector<16xf32>
      %mul3A_1204 = arith.mulf %add3A_1016, %gather3A_828 : vector<16xf32>
      %bitcast_convert_type3A_1205 = tpu.bitcast %add3A_1203 : vector<16xf32> -> vector<16xi32>
      %shift_right_arithmetic3A_1206 = arith.constant 1 : i32
      %shift_right_arithmetic3A_1207 = vector.broadcast %shift_right_arithmetic3A_1206 : i32 to vector<16xi32>
      %shift_right_arithmetic3A_1208 = arith.shrsi %bitcast_convert_type3A_1205, %shift_right_arithmetic3A_1207 : vector<16xi32>
      %sub3A_1209 = arith.constant 1597463007 : i32
      %sub3A_1210 = vector.broadcast %sub3A_1209 : i32 to vector<16xi32>
      %sub3A_1211 = arith.subi %sub3A_1210, %shift_right_arithmetic3A_1208 : vector<16xi32>
      %bitcast_convert_type3A_1212 = tpu.bitcast %sub3A_1211 : vector<16xi32> -> vector<16xf32>
      %mul3A_1213 = arith.constant 5.000000e-01 : f32
      %mul3A_1214 = vector.broadcast %mul3A_1213 : f32 to vector<16xf32>
      %mul3A_1215 = arith.mulf %mul3A_1214, %add3A_1203 : vector<16xf32>
      %mul3A_1216 = arith.mulf %mul3A_1215, %bitcast_convert_type3A_1212 : vector<16xf32>
      %mul3A_1217 = arith.mulf %mul3A_1216, %bitcast_convert_type3A_1212 : vector<16xf32>
      %sub3A_1218 = arith.constant 1.500000e+00 : f32
      %sub3A_1219 = vector.broadcast %sub3A_1218 : f32 to vector<16xf32>
      %sub3A_1220 = arith.subf %sub3A_1219, %mul3A_1217 : vector<16xf32>
      %mul3A_1221 = arith.mulf %bitcast_convert_type3A_1212, %sub3A_1220 : vector<16xf32>
      %mul3A_1222 = arith.constant 5.000000e-01 : f32
      %mul3A_1223 = vector.broadcast %mul3A_1222 : f32 to vector<16xf32>
      %mul3A_1224 = arith.mulf %mul3A_1223, %add3A_1203 : vector<16xf32>
      %mul3A_1225 = arith.mulf %mul3A_1224, %mul3A_1221 : vector<16xf32>
      %mul3A_1226 = arith.mulf %mul3A_1225, %mul3A_1221 : vector<16xf32>
      %sub3A_1227 = arith.constant 1.500000e+00 : f32
      %sub3A_1228 = vector.broadcast %sub3A_1227 : f32 to vector<16xf32>
      %sub3A_1229 = arith.subf %sub3A_1228, %mul3A_1226 : vector<16xf32>
      %mul3A_1230 = arith.mulf %mul3A_1221, %sub3A_1229 : vector<16xf32>
      %mul3A_1231 = arith.constant 5.000000e-01 : f32
      %mul3A_1232 = vector.broadcast %mul3A_1231 : f32 to vector<16xf32>
      %mul3A_1233 = arith.mulf %mul3A_1232, %add3A_1203 : vector<16xf32>
      %mul3A_1234 = arith.mulf %mul3A_1233, %mul3A_1230 : vector<16xf32>
      %mul3A_1235 = arith.mulf %mul3A_1234, %mul3A_1230 : vector<16xf32>
      %sub3A_1236 = arith.constant 1.500000e+00 : f32
      %sub3A_1237 = vector.broadcast %sub3A_1236 : f32 to vector<16xf32>
      %sub3A_1238 = arith.subf %sub3A_1237, %mul3A_1235 : vector<16xf32>
      %mul3A_1239 = arith.mulf %mul3A_1230, %sub3A_1238 : vector<16xf32>
      %lt3A_1240 = arith.constant 1.000000e-16 : f32
      %lt3A_1241 = vector.broadcast %lt3A_1240 : f32 to vector<16xf32>
      %lt3A_1242 = arith.cmpf olt, %add3A_1203, %lt3A_1241 : vector<16xf32>
      %jit3A_1243 = arith.constant 1.000000e+08 : f32
      %broadcast_in_dim3A_1244 = vector.broadcast %jit3A_1243 : f32 to vector<16xf32>
      %select_n3A_1245 = arith.select %lt3A_1242, %broadcast_in_dim3A_1244, %mul3A_1239 : vector<16xi1>, vector<16xf32>
      %mul3A_1246 = arith.mulf %mul3A_1204, %select_n3A_1245 : vector<16xf32>
      %mul3A_1247 = arith.mulf %mul3A_1246, %select_n3A_393 : vector<16xf32>
      %mul3A_1248 = arith.constant 8 : i32
      %mul3A_1249 = vector.broadcast %mul3A_1248 : i32 to vector<16xi32>
      %mul3A_1250 = arith.muli %gather3A, %mul3A_1249 : vector<16xi32>
      %add3A_1251 = arith.constant 2 : i32
      %add3A_1252 = vector.broadcast %add3A_1251 : i32 to vector<16xi32>
      %add3A_1253 = arith.addi %mul3A_1250, %add3A_1252 : vector<16xi32>
      %gather3A_1254 = tpu.vector_load_idx %arg10[%add3A_1253] : memref<8000xf32, #tpu.memory_space<vmem>>[vector<16xi32>], vector<16xf32>,
      %add3A_1255 = arith.addf %add3A_829, %gather3A_1254 : vector<16xf32>
      %broadcast_in_dim3A_1256 = arith.constant 0.000000e+00 : f32
      %broadcast_in_dim3A_1257 = vector.broadcast %broadcast_in_dim3A_1256 : f32 to vector<16xf32>
      %broadcast_in_dim3A_1258 = arith.constant 0.000000e+00 : f32
      %broadcast_in_dim3A_1259 = vector.broadcast %broadcast_in_dim3A_1258 : f32 to vector<16xf32>
      %broadcast_in_dim3A_1260 = arith.constant 0.000000e+00 : f32
      %broadcast_in_dim3A_1261 = vector.broadcast %broadcast_in_dim3A_1260 : f32 to vector<16xf32>
      %broadcast_in_dim3A_1262 = arith.constant 0.000000e+00 : f32
      %broadcast_in_dim3A_1263 = vector.broadcast %broadcast_in_dim3A_1262 : f32 to vector<16xf32>
      %add3A_1264 = arith.constant 16 : i32
      %add3A_1265 = vector.broadcast %add3A_1264 : i32 to vector<16xi32>
      %add3A_1266 = arith.addi %add3A_1265, %select_n3A_17 : vector<16xi32>
      %mul3A_1267 = arith.constant 16 : i32
      %mul3A_1268 = vector.broadcast %mul3A_1267 : i32 to vector<16xi32>
      %mul3A_1269 = arith.muli %add3A_1266, %mul3A_1268 : vector<16xi32>
      %add3A_1270 = arith.constant 0 : i32
      %add3A_1271 = vector.broadcast %add3A_1270 : i32 to vector<16xi32>
      %add3A_1272 = arith.addi %mul3A_1269, %add3A_1271 : vector<16xi32>
      %gather3A_1273 = tpu.vector_load_idx %arg15[%add3A_1272] : memref<640xf32, #tpu.memory_space<vmem>>[vector<16xi32>], vector<16xf32>,
      %add3A_1274 = arith.addf %broadcast_in_dim3A_1257, %gather3A_1273 : vector<16xf32>
      %add3A_1275 = arith.constant 16 : i32
      %add3A_1276 = vector.broadcast %add3A_1275 : i32 to vector<16xi32>
      %add3A_1277 = arith.addi %add3A_1276, %select_n3A_17 : vector<16xi32>
      %mul3A_1278 = arith.constant 16 : i32
      %mul3A_1279 = vector.broadcast %mul3A_1278 : i32 to vector<16xi32>
      %mul3A_1280 = arith.muli %add3A_1277, %mul3A_1279 : vector<16xi32>
      %add3A_1281 = arith.constant 1 : i32
      %add3A_1282 = vector.broadcast %add3A_1281 : i32 to vector<16xi32>
      %add3A_1283 = arith.addi %mul3A_1280, %add3A_1282 : vector<16xi32>
      %gather3A_1284 = tpu.vector_load_idx %arg15[%add3A_1283] : memref<640xf32, #tpu.memory_space<vmem>>[vector<16xi32>], vector<16xf32>,
      %add3A_1285 = arith.addf %broadcast_in_dim3A_1259, %gather3A_1284 : vector<16xf32>
      %add3A_1286 = arith.constant 16 : i32
      %add3A_1287 = vector.broadcast %add3A_1286 : i32 to vector<16xi32>
      %add3A_1288 = arith.addi %add3A_1287, %select_n3A_17 : vector<16xi32>
      %mul3A_1289 = arith.constant 16 : i32
      %mul3A_1290 = vector.broadcast %mul3A_1289 : i32 to vector<16xi32>
      %mul3A_1291 = arith.muli %add3A_1288, %mul3A_1290 : vector<16xi32>
      %add3A_1292 = arith.constant 2 : i32
      %add3A_1293 = vector.broadcast %add3A_1292 : i32 to vector<16xi32>
      %add3A_1294 = arith.addi %mul3A_1291, %add3A_1293 : vector<16xi32>
      %gather3A_1295 = tpu.vector_load_idx %arg15[%add3A_1294] : memref<640xf32, #tpu.memory_space<vmem>>[vector<16xi32>], vector<16xf32>,
      %add3A_1296 = arith.addf %broadcast_in_dim3A_1261, %gather3A_1295 : vector<16xf32>
      %add3A_1297 = arith.constant 16 : i32
      %add3A_1298 = vector.broadcast %add3A_1297 : i32 to vector<16xi32>
      %add3A_1299 = arith.addi %add3A_1298, %select_n3A_17 : vector<16xi32>
      %mul3A_1300 = arith.constant 16 : i32
      %mul3A_1301 = vector.broadcast %mul3A_1300 : i32 to vector<16xi32>
      %mul3A_1302 = arith.muli %add3A_1299, %mul3A_1301 : vector<16xi32>
      %add3A_1303 = arith.constant 3 : i32
      %add3A_1304 = vector.broadcast %add3A_1303 : i32 to vector<16xi32>
      %add3A_1305 = arith.addi %mul3A_1302, %add3A_1304 : vector<16xi32>
      %gather3A_1306 = tpu.vector_load_idx %arg15[%add3A_1305] : memref<640xf32, #tpu.memory_space<vmem>>[vector<16xi32>], vector<16xf32>,
      %add3A_1307 = arith.addf %broadcast_in_dim3A_1263, %gather3A_1306 : vector<16xf32>
      %add3A_1308 = arith.constant 16 : i32
      %add3A_1309 = vector.broadcast %add3A_1308 : i32 to vector<16xi32>
      %add3A_1310 = arith.addi %add3A_1309, %select_n3A_17 : vector<16xi32>
      %mul3A_1311 = arith.constant 16 : i32
      %mul3A_1312 = vector.broadcast %mul3A_1311 : i32 to vector<16xi32>
      %mul3A_1313 = arith.muli %add3A_1310, %mul3A_1312 : vector<16xi32>
      %add3A_1314 = arith.constant 4 : i32
      %add3A_1315 = vector.broadcast %add3A_1314 : i32 to vector<16xi32>
      %add3A_1316 = arith.addi %mul3A_1313, %add3A_1315 : vector<16xi32>
      %gather3A_1317 = tpu.vector_load_idx %arg15[%add3A_1316] : memref<640xf32, #tpu.memory_space<vmem>>[vector<16xi32>], vector<16xf32>,
      %add3A_1318 = arith.addf %add3A_1274, %gather3A_1317 : vector<16xf32>
      %add3A_1319 = arith.constant 16 : i32
      %add3A_1320 = vector.broadcast %add3A_1319 : i32 to vector<16xi32>
      %add3A_1321 = arith.addi %add3A_1320, %select_n3A_17 : vector<16xi32>
      %mul3A_1322 = arith.constant 16 : i32
      %mul3A_1323 = vector.broadcast %mul3A_1322 : i32 to vector<16xi32>
      %mul3A_1324 = arith.muli %add3A_1321, %mul3A_1323 : vector<16xi32>
      %add3A_1325 = arith.constant 5 : i32
      %add3A_1326 = vector.broadcast %add3A_1325 : i32 to vector<16xi32>
      %add3A_1327 = arith.addi %mul3A_1324, %add3A_1326 : vector<16xi32>
      %gather3A_1328 = tpu.vector_load_idx %arg15[%add3A_1327] : memref<640xf32, #tpu.memory_space<vmem>>[vector<16xi32>], vector<16xf32>,
      %add3A_1329 = arith.addf %add3A_1285, %gather3A_1328 : vector<16xf32>
      %add3A_1330 = arith.constant 16 : i32
      %add3A_1331 = vector.broadcast %add3A_1330 : i32 to vector<16xi32>
      %add3A_1332 = arith.addi %add3A_1331, %select_n3A_17 : vector<16xi32>
      %mul3A_1333 = arith.constant 16 : i32
      %mul3A_1334 = vector.broadcast %mul3A_1333 : i32 to vector<16xi32>
      %mul3A_1335 = arith.muli %add3A_1332, %mul3A_1334 : vector<16xi32>
      %add3A_1336 = arith.constant 6 : i32
      %add3A_1337 = vector.broadcast %add3A_1336 : i32 to vector<16xi32>
      %add3A_1338 = arith.addi %mul3A_1335, %add3A_1337 : vector<16xi32>
      %gather3A_1339 = tpu.vector_load_idx %arg15[%add3A_1338] : memref<640xf32, #tpu.memory_space<vmem>>[vector<16xi32>], vector<16xf32>,
      %add3A_1340 = arith.addf %add3A_1296, %gather3A_1339 : vector<16xf32>
      %add3A_1341 = arith.constant 16 : i32
      %add3A_1342 = vector.broadcast %add3A_1341 : i32 to vector<16xi32>
      %add3A_1343 = arith.addi %add3A_1342, %select_n3A_17 : vector<16xi32>
      %mul3A_1344 = arith.constant 16 : i32
      %mul3A_1345 = vector.broadcast %mul3A_1344 : i32 to vector<16xi32>
      %mul3A_1346 = arith.muli %add3A_1343, %mul3A_1345 : vector<16xi32>
      %add3A_1347 = arith.constant 7 : i32
      %add3A_1348 = vector.broadcast %add3A_1347 : i32 to vector<16xi32>
      %add3A_1349 = arith.addi %mul3A_1346, %add3A_1348 : vector<16xi32>
      %gather3A_1350 = tpu.vector_load_idx %arg15[%add3A_1349] : memref<640xf32, #tpu.memory_space<vmem>>[vector<16xi32>], vector<16xf32>,
      %add3A_1351 = arith.addf %add3A_1307, %gather3A_1350 : vector<16xf32>
      %add3A_1352 = arith.constant 16 : i32
      %add3A_1353 = vector.broadcast %add3A_1352 : i32 to vector<16xi32>
      %add3A_1354 = arith.addi %add3A_1353, %select_n3A_17 : vector<16xi32>
      %mul3A_1355 = arith.constant 16 : i32
      %mul3A_1356 = vector.broadcast %mul3A_1355 : i32 to vector<16xi32>
      %mul3A_1357 = arith.muli %add3A_1354, %mul3A_1356 : vector<16xi32>
      %add3A_1358 = arith.constant 8 : i32
      %add3A_1359 = vector.broadcast %add3A_1358 : i32 to vector<16xi32>
      %add3A_1360 = arith.addi %mul3A_1357, %add3A_1359 : vector<16xi32>
      %gather3A_1361 = tpu.vector_load_idx %arg15[%add3A_1360] : memref<640xf32, #tpu.memory_space<vmem>>[vector<16xi32>], vector<16xf32>,
      %add3A_1362 = arith.addf %add3A_1318, %gather3A_1361 : vector<16xf32>
      %add3A_1363 = arith.constant 16 : i32
      %add3A_1364 = vector.broadcast %add3A_1363 : i32 to vector<16xi32>
      %add3A_1365 = arith.addi %add3A_1364, %select_n3A_17 : vector<16xi32>
      %mul3A_1366 = arith.constant 16 : i32
      %mul3A_1367 = vector.broadcast %mul3A_1366 : i32 to vector<16xi32>
      %mul3A_1368 = arith.muli %add3A_1365, %mul3A_1367 : vector<16xi32>
      %add3A_1369 = arith.constant 9 : i32
      %add3A_1370 = vector.broadcast %add3A_1369 : i32 to vector<16xi32>
      %add3A_1371 = arith.addi %mul3A_1368, %add3A_1370 : vector<16xi32>
      %gather3A_1372 = tpu.vector_load_idx %arg15[%add3A_1371] : memref<640xf32, #tpu.memory_space<vmem>>[vector<16xi32>], vector<16xf32>,
      %add3A_1373 = arith.addf %add3A_1329, %gather3A_1372 : vector<16xf32>
      %add3A_1374 = arith.constant 16 : i32
      %add3A_1375 = vector.broadcast %add3A_1374 : i32 to vector<16xi32>
      %add3A_1376 = arith.addi %add3A_1375, %select_n3A_17 : vector<16xi32>
      %mul3A_1377 = arith.constant 16 : i32
      %mul3A_1378 = vector.broadcast %mul3A_1377 : i32 to vector<16xi32>
      %mul3A_1379 = arith.muli %add3A_1376, %mul3A_1378 : vector<16xi32>
      %add3A_1380 = arith.constant 10 : i32
      %add3A_1381 = vector.broadcast %add3A_1380 : i32 to vector<16xi32>
      %add3A_1382 = arith.addi %mul3A_1379, %add3A_1381 : vector<16xi32>
      %gather3A_1383 = tpu.vector_load_idx %arg15[%add3A_1382] : memref<640xf32, #tpu.memory_space<vmem>>[vector<16xi32>], vector<16xf32>,
      %add3A_1384 = arith.addf %add3A_1340, %gather3A_1383 : vector<16xf32>
      %add3A_1385 = arith.constant 16 : i32
      %add3A_1386 = vector.broadcast %add3A_1385 : i32 to vector<16xi32>
      %add3A_1387 = arith.addi %add3A_1386, %select_n3A_17 : vector<16xi32>
      %mul3A_1388 = arith.constant 16 : i32
      %mul3A_1389 = vector.broadcast %mul3A_1388 : i32 to vector<16xi32>
      %mul3A_1390 = arith.muli %add3A_1387, %mul3A_1389 : vector<16xi32>
      %add3A_1391 = arith.constant 11 : i32
      %add3A_1392 = vector.broadcast %add3A_1391 : i32 to vector<16xi32>
      %add3A_1393 = arith.addi %mul3A_1390, %add3A_1392 : vector<16xi32>
      %gather3A_1394 = tpu.vector_load_idx %arg15[%add3A_1393] : memref<640xf32, #tpu.memory_space<vmem>>[vector<16xi32>], vector<16xf32>,
      %add3A_1395 = arith.addf %add3A_1351, %gather3A_1394 : vector<16xf32>
      %add3A_1396 = arith.constant 16 : i32
      %add3A_1397 = vector.broadcast %add3A_1396 : i32 to vector<16xi32>
      %add3A_1398 = arith.addi %add3A_1397, %select_n3A_17 : vector<16xi32>
      %mul3A_1399 = arith.constant 16 : i32
      %mul3A_1400 = vector.broadcast %mul3A_1399 : i32 to vector<16xi32>
      %mul3A_1401 = arith.muli %add3A_1398, %mul3A_1400 : vector<16xi32>
      %add3A_1402 = arith.constant 12 : i32
      %add3A_1403 = vector.broadcast %add3A_1402 : i32 to vector<16xi32>
      %add3A_1404 = arith.addi %mul3A_1401, %add3A_1403 : vector<16xi32>
      %gather3A_1405 = tpu.vector_load_idx %arg15[%add3A_1404] : memref<640xf32, #tpu.memory_space<vmem>>[vector<16xi32>], vector<16xf32>,
      %add3A_1406 = arith.addf %add3A_1362, %gather3A_1405 : vector<16xf32>
      %add3A_1407 = arith.constant 16 : i32
      %add3A_1408 = vector.broadcast %add3A_1407 : i32 to vector<16xi32>
      %add3A_1409 = arith.addi %add3A_1408, %select_n3A_17 : vector<16xi32>
      %mul3A_1410 = arith.constant 16 : i32
      %mul3A_1411 = vector.broadcast %mul3A_1410 : i32 to vector<16xi32>
      %mul3A_1412 = arith.muli %add3A_1409, %mul3A_1411 : vector<16xi32>
      %add3A_1413 = arith.constant 13 : i32
      %add3A_1414 = vector.broadcast %add3A_1413 : i32 to vector<16xi32>
      %add3A_1415 = arith.addi %mul3A_1412, %add3A_1414 : vector<16xi32>
      %gather3A_1416 = tpu.vector_load_idx %arg15[%add3A_1415] : memref<640xf32, #tpu.memory_space<vmem>>[vector<16xi32>], vector<16xf32>,
      %add3A_1417 = arith.addf %add3A_1373, %gather3A_1416 : vector<16xf32>
      %add3A_1418 = arith.constant 16 : i32
      %add3A_1419 = vector.broadcast %add3A_1418 : i32 to vector<16xi32>
      %add3A_1420 = arith.addi %add3A_1419, %select_n3A_17 : vector<16xi32>
      %mul3A_1421 = arith.constant 16 : i32
      %mul3A_1422 = vector.broadcast %mul3A_1421 : i32 to vector<16xi32>
      %mul3A_1423 = arith.muli %add3A_1420, %mul3A_1422 : vector<16xi32>
      %add3A_1424 = arith.constant 14 : i32
      %add3A_1425 = vector.broadcast %add3A_1424 : i32 to vector<16xi32>
      %add3A_1426 = arith.addi %mul3A_1423, %add3A_1425 : vector<16xi32>
      %gather3A_1427 = tpu.vector_load_idx %arg15[%add3A_1426] : memref<640xf32, #tpu.memory_space<vmem>>[vector<16xi32>], vector<16xf32>,
      %add3A_1428 = arith.addf %add3A_1384, %gather3A_1427 : vector<16xf32>
      %add3A_1429 = arith.constant 16 : i32
      %add3A_1430 = vector.broadcast %add3A_1429 : i32 to vector<16xi32>
      %add3A_1431 = arith.addi %add3A_1430, %select_n3A_17 : vector<16xi32>
      %mul3A_1432 = arith.constant 16 : i32
      %mul3A_1433 = vector.broadcast %mul3A_1432 : i32 to vector<16xi32>
      %mul3A_1434 = arith.muli %add3A_1431, %mul3A_1433 : vector<16xi32>
      %add3A_1435 = arith.constant 15 : i32
      %add3A_1436 = vector.broadcast %add3A_1435 : i32 to vector<16xi32>
      %add3A_1437 = arith.addi %mul3A_1434, %add3A_1436 : vector<16xi32>
      %gather3A_1438 = tpu.vector_load_idx %arg15[%add3A_1437] : memref<640xf32, #tpu.memory_space<vmem>>[vector<16xi32>], vector<16xf32>,
      %add3A_1439 = arith.addf %add3A_1395, %gather3A_1438 : vector<16xf32>
      %add3A_1440 = arith.addf %add3A_1406, %add3A_1417 : vector<16xf32>
      %add3A_1441 = arith.addf %add3A_1428, %add3A_1439 : vector<16xf32>
      %add3A_1442 = arith.addf %add3A_1440, %add3A_1441 : vector<16xf32>
      %broadcast_in_dim3A_1443 = arith.constant 0.000000e+00 : f32
      %broadcast_in_dim3A_1444 = vector.broadcast %broadcast_in_dim3A_1443 : f32 to vector<16xf32>
      %broadcast_in_dim3A_1445 = arith.constant 0.000000e+00 : f32
      %broadcast_in_dim3A_1446 = vector.broadcast %broadcast_in_dim3A_1445 : f32 to vector<16xf32>
      %broadcast_in_dim3A_1447 = arith.constant 0.000000e+00 : f32
      %broadcast_in_dim3A_1448 = vector.broadcast %broadcast_in_dim3A_1447 : f32 to vector<16xf32>
      %broadcast_in_dim3A_1449 = arith.constant 0.000000e+00 : f32
      %broadcast_in_dim3A_1450 = vector.broadcast %broadcast_in_dim3A_1449 : f32 to vector<16xf32>
      %add3A_1451 = arith.constant 16 : i32
      %add3A_1452 = vector.broadcast %add3A_1451 : i32 to vector<16xi32>
      %add3A_1453 = arith.addi %add3A_1452, %select_n3A_17 : vector<16xi32>
      %mul3A_1454 = arith.constant 16 : i32
      %mul3A_1455 = vector.broadcast %mul3A_1454 : i32 to vector<16xi32>
      %mul3A_1456 = arith.muli %add3A_1453, %mul3A_1455 : vector<16xi32>
      %add3A_1457 = arith.constant 0 : i32
      %add3A_1458 = vector.broadcast %add3A_1457 : i32 to vector<16xi32>
      %add3A_1459 = arith.addi %mul3A_1456, %add3A_1458 : vector<16xi32>
      %gather3A_1460 = tpu.vector_load_idx %arg16[%add3A_1459] : memref<640xf32, #tpu.memory_space<vmem>>[vector<16xi32>], vector<16xf32>,
      %add3A_1461 = arith.addf %broadcast_in_dim3A_1444, %gather3A_1460 : vector<16xf32>
      %add3A_1462 = arith.constant 16 : i32
      %add3A_1463 = vector.broadcast %add3A_1462 : i32 to vector<16xi32>
      %add3A_1464 = arith.addi %add3A_1463, %select_n3A_17 : vector<16xi32>
      %mul3A_1465 = arith.constant 16 : i32
      %mul3A_1466 = vector.broadcast %mul3A_1465 : i32 to vector<16xi32>
      %mul3A_1467 = arith.muli %add3A_1464, %mul3A_1466 : vector<16xi32>
      %add3A_1468 = arith.constant 1 : i32
      %add3A_1469 = vector.broadcast %add3A_1468 : i32 to vector<16xi32>
      %add3A_1470 = arith.addi %mul3A_1467, %add3A_1469 : vector<16xi32>
      %gather3A_1471 = tpu.vector_load_idx %arg16[%add3A_1470] : memref<640xf32, #tpu.memory_space<vmem>>[vector<16xi32>], vector<16xf32>,
      %add3A_1472 = arith.addf %broadcast_in_dim3A_1446, %gather3A_1471 : vector<16xf32>
      %add3A_1473 = arith.constant 16 : i32
      %add3A_1474 = vector.broadcast %add3A_1473 : i32 to vector<16xi32>
      %add3A_1475 = arith.addi %add3A_1474, %select_n3A_17 : vector<16xi32>
      %mul3A_1476 = arith.constant 16 : i32
      %mul3A_1477 = vector.broadcast %mul3A_1476 : i32 to vector<16xi32>
      %mul3A_1478 = arith.muli %add3A_1475, %mul3A_1477 : vector<16xi32>
      %add3A_1479 = arith.constant 2 : i32
      %add3A_1480 = vector.broadcast %add3A_1479 : i32 to vector<16xi32>
      %add3A_1481 = arith.addi %mul3A_1478, %add3A_1480 : vector<16xi32>
      %gather3A_1482 = tpu.vector_load_idx %arg16[%add3A_1481] : memref<640xf32, #tpu.memory_space<vmem>>[vector<16xi32>], vector<16xf32>,
      %add3A_1483 = arith.addf %broadcast_in_dim3A_1448, %gather3A_1482 : vector<16xf32>
      %add3A_1484 = arith.constant 16 : i32
      %add3A_1485 = vector.broadcast %add3A_1484 : i32 to vector<16xi32>
      %add3A_1486 = arith.addi %add3A_1485, %select_n3A_17 : vector<16xi32>
      %mul3A_1487 = arith.constant 16 : i32
      %mul3A_1488 = vector.broadcast %mul3A_1487 : i32 to vector<16xi32>
      %mul3A_1489 = arith.muli %add3A_1486, %mul3A_1488 : vector<16xi32>
      %add3A_1490 = arith.constant 3 : i32
      %add3A_1491 = vector.broadcast %add3A_1490 : i32 to vector<16xi32>
      %add3A_1492 = arith.addi %mul3A_1489, %add3A_1491 : vector<16xi32>
      %gather3A_1493 = tpu.vector_load_idx %arg16[%add3A_1492] : memref<640xf32, #tpu.memory_space<vmem>>[vector<16xi32>], vector<16xf32>,
      %add3A_1494 = arith.addf %broadcast_in_dim3A_1450, %gather3A_1493 : vector<16xf32>
      %add3A_1495 = arith.constant 16 : i32
      %add3A_1496 = vector.broadcast %add3A_1495 : i32 to vector<16xi32>
      %add3A_1497 = arith.addi %add3A_1496, %select_n3A_17 : vector<16xi32>
      %mul3A_1498 = arith.constant 16 : i32
      %mul3A_1499 = vector.broadcast %mul3A_1498 : i32 to vector<16xi32>
      %mul3A_1500 = arith.muli %add3A_1497, %mul3A_1499 : vector<16xi32>
      %add3A_1501 = arith.constant 4 : i32
      %add3A_1502 = vector.broadcast %add3A_1501 : i32 to vector<16xi32>
      %add3A_1503 = arith.addi %mul3A_1500, %add3A_1502 : vector<16xi32>
      %gather3A_1504 = tpu.vector_load_idx %arg16[%add3A_1503] : memref<640xf32, #tpu.memory_space<vmem>>[vector<16xi32>], vector<16xf32>,
      %add3A_1505 = arith.addf %add3A_1461, %gather3A_1504 : vector<16xf32>
      %add3A_1506 = arith.constant 16 : i32
      %add3A_1507 = vector.broadcast %add3A_1506 : i32 to vector<16xi32>
      %add3A_1508 = arith.addi %add3A_1507, %select_n3A_17 : vector<16xi32>
      %mul3A_1509 = arith.constant 16 : i32
      %mul3A_1510 = vector.broadcast %mul3A_1509 : i32 to vector<16xi32>
      %mul3A_1511 = arith.muli %add3A_1508, %mul3A_1510 : vector<16xi32>
      %add3A_1512 = arith.constant 5 : i32
      %add3A_1513 = vector.broadcast %add3A_1512 : i32 to vector<16xi32>
      %add3A_1514 = arith.addi %mul3A_1511, %add3A_1513 : vector<16xi32>
      %gather3A_1515 = tpu.vector_load_idx %arg16[%add3A_1514] : memref<640xf32, #tpu.memory_space<vmem>>[vector<16xi32>], vector<16xf32>,
      %add3A_1516 = arith.addf %add3A_1472, %gather3A_1515 : vector<16xf32>
      %add3A_1517 = arith.constant 16 : i32
      %add3A_1518 = vector.broadcast %add3A_1517 : i32 to vector<16xi32>
      %add3A_1519 = arith.addi %add3A_1518, %select_n3A_17 : vector<16xi32>
      %mul3A_1520 = arith.constant 16 : i32
      %mul3A_1521 = vector.broadcast %mul3A_1520 : i32 to vector<16xi32>
      %mul3A_1522 = arith.muli %add3A_1519, %mul3A_1521 : vector<16xi32>
      %add3A_1523 = arith.constant 6 : i32
      %add3A_1524 = vector.broadcast %add3A_1523 : i32 to vector<16xi32>
      %add3A_1525 = arith.addi %mul3A_1522, %add3A_1524 : vector<16xi32>
      %gather3A_1526 = tpu.vector_load_idx %arg16[%add3A_1525] : memref<640xf32, #tpu.memory_space<vmem>>[vector<16xi32>], vector<16xf32>,
      %add3A_1527 = arith.addf %add3A_1483, %gather3A_1526 : vector<16xf32>
      %add3A_1528 = arith.constant 16 : i32
      %add3A_1529 = vector.broadcast %add3A_1528 : i32 to vector<16xi32>
      %add3A_1530 = arith.addi %add3A_1529, %select_n3A_17 : vector<16xi32>
      %mul3A_1531 = arith.constant 16 : i32
      %mul3A_1532 = vector.broadcast %mul3A_1531 : i32 to vector<16xi32>
      %mul3A_1533 = arith.muli %add3A_1530, %mul3A_1532 : vector<16xi32>
      %add3A_1534 = arith.constant 7 : i32
      %add3A_1535 = vector.broadcast %add3A_1534 : i32 to vector<16xi32>
      %add3A_1536 = arith.addi %mul3A_1533, %add3A_1535 : vector<16xi32>
      %gather3A_1537 = tpu.vector_load_idx %arg16[%add3A_1536] : memref<640xf32, #tpu.memory_space<vmem>>[vector<16xi32>], vector<16xf32>,
      %add3A_1538 = arith.addf %add3A_1494, %gather3A_1537 : vector<16xf32>
      %add3A_1539 = arith.constant 16 : i32
      %add3A_1540 = vector.broadcast %add3A_1539 : i32 to vector<16xi32>
      %add3A_1541 = arith.addi %add3A_1540, %select_n3A_17 : vector<16xi32>
      %mul3A_1542 = arith.constant 16 : i32
      %mul3A_1543 = vector.broadcast %mul3A_1542 : i32 to vector<16xi32>
      %mul3A_1544 = arith.muli %add3A_1541, %mul3A_1543 : vector<16xi32>
      %add3A_1545 = arith.constant 8 : i32
      %add3A_1546 = vector.broadcast %add3A_1545 : i32 to vector<16xi32>
      %add3A_1547 = arith.addi %mul3A_1544, %add3A_1546 : vector<16xi32>
      %gather3A_1548 = tpu.vector_load_idx %arg16[%add3A_1547] : memref<640xf32, #tpu.memory_space<vmem>>[vector<16xi32>], vector<16xf32>,
      %add3A_1549 = arith.addf %add3A_1505, %gather3A_1548 : vector<16xf32>
      %add3A_1550 = arith.constant 16 : i32
      %add3A_1551 = vector.broadcast %add3A_1550 : i32 to vector<16xi32>
      %add3A_1552 = arith.addi %add3A_1551, %select_n3A_17 : vector<16xi32>
      %mul3A_1553 = arith.constant 16 : i32
      %mul3A_1554 = vector.broadcast %mul3A_1553 : i32 to vector<16xi32>
      %mul3A_1555 = arith.muli %add3A_1552, %mul3A_1554 : vector<16xi32>
      %add3A_1556 = arith.constant 9 : i32
      %add3A_1557 = vector.broadcast %add3A_1556 : i32 to vector<16xi32>
      %add3A_1558 = arith.addi %mul3A_1555, %add3A_1557 : vector<16xi32>
      %gather3A_1559 = tpu.vector_load_idx %arg16[%add3A_1558] : memref<640xf32, #tpu.memory_space<vmem>>[vector<16xi32>], vector<16xf32>,
      %add3A_1560 = arith.addf %add3A_1516, %gather3A_1559 : vector<16xf32>
      %add3A_1561 = arith.constant 16 : i32
      %add3A_1562 = vector.broadcast %add3A_1561 : i32 to vector<16xi32>
      %add3A_1563 = arith.addi %add3A_1562, %select_n3A_17 : vector<16xi32>
      %mul3A_1564 = arith.constant 16 : i32
      %mul3A_1565 = vector.broadcast %mul3A_1564 : i32 to vector<16xi32>
      %mul3A_1566 = arith.muli %add3A_1563, %mul3A_1565 : vector<16xi32>
      %add3A_1567 = arith.constant 10 : i32
      %add3A_1568 = vector.broadcast %add3A_1567 : i32 to vector<16xi32>
      %add3A_1569 = arith.addi %mul3A_1566, %add3A_1568 : vector<16xi32>
      %gather3A_1570 = tpu.vector_load_idx %arg16[%add3A_1569] : memref<640xf32, #tpu.memory_space<vmem>>[vector<16xi32>], vector<16xf32>,
      %add3A_1571 = arith.addf %add3A_1527, %gather3A_1570 : vector<16xf32>
      %add3A_1572 = arith.constant 16 : i32
      %add3A_1573 = vector.broadcast %add3A_1572 : i32 to vector<16xi32>
      %add3A_1574 = arith.addi %add3A_1573, %select_n3A_17 : vector<16xi32>
      %mul3A_1575 = arith.constant 16 : i32
      %mul3A_1576 = vector.broadcast %mul3A_1575 : i32 to vector<16xi32>
      %mul3A_1577 = arith.muli %add3A_1574, %mul3A_1576 : vector<16xi32>
      %add3A_1578 = arith.constant 11 : i32
      %add3A_1579 = vector.broadcast %add3A_1578 : i32 to vector<16xi32>
      %add3A_1580 = arith.addi %mul3A_1577, %add3A_1579 : vector<16xi32>
      %gather3A_1581 = tpu.vector_load_idx %arg16[%add3A_1580] : memref<640xf32, #tpu.memory_space<vmem>>[vector<16xi32>], vector<16xf32>,
      %add3A_1582 = arith.addf %add3A_1538, %gather3A_1581 : vector<16xf32>
      %add3A_1583 = arith.constant 16 : i32
      %add3A_1584 = vector.broadcast %add3A_1583 : i32 to vector<16xi32>
      %add3A_1585 = arith.addi %add3A_1584, %select_n3A_17 : vector<16xi32>
      %mul3A_1586 = arith.constant 16 : i32
      %mul3A_1587 = vector.broadcast %mul3A_1586 : i32 to vector<16xi32>
      %mul3A_1588 = arith.muli %add3A_1585, %mul3A_1587 : vector<16xi32>
      %add3A_1589 = arith.constant 12 : i32
      %add3A_1590 = vector.broadcast %add3A_1589 : i32 to vector<16xi32>
      %add3A_1591 = arith.addi %mul3A_1588, %add3A_1590 : vector<16xi32>
      %gather3A_1592 = tpu.vector_load_idx %arg16[%add3A_1591] : memref<640xf32, #tpu.memory_space<vmem>>[vector<16xi32>], vector<16xf32>,
      %add3A_1593 = arith.addf %add3A_1549, %gather3A_1592 : vector<16xf32>
      %add3A_1594 = arith.constant 16 : i32
      %add3A_1595 = vector.broadcast %add3A_1594 : i32 to vector<16xi32>
      %add3A_1596 = arith.addi %add3A_1595, %select_n3A_17 : vector<16xi32>
      %mul3A_1597 = arith.constant 16 : i32
      %mul3A_1598 = vector.broadcast %mul3A_1597 : i32 to vector<16xi32>
      %mul3A_1599 = arith.muli %add3A_1596, %mul3A_1598 : vector<16xi32>
      %add3A_1600 = arith.constant 13 : i32
      %add3A_1601 = vector.broadcast %add3A_1600 : i32 to vector<16xi32>
      %add3A_1602 = arith.addi %mul3A_1599, %add3A_1601 : vector<16xi32>
      %gather3A_1603 = tpu.vector_load_idx %arg16[%add3A_1602] : memref<640xf32, #tpu.memory_space<vmem>>[vector<16xi32>], vector<16xf32>,
      %add3A_1604 = arith.addf %add3A_1560, %gather3A_1603 : vector<16xf32>
      %add3A_1605 = arith.constant 16 : i32
      %add3A_1606 = vector.broadcast %add3A_1605 : i32 to vector<16xi32>
      %add3A_1607 = arith.addi %add3A_1606, %select_n3A_17 : vector<16xi32>
      %mul3A_1608 = arith.constant 16 : i32
      %mul3A_1609 = vector.broadcast %mul3A_1608 : i32 to vector<16xi32>
      %mul3A_1610 = arith.muli %add3A_1607, %mul3A_1609 : vector<16xi32>
      %add3A_1611 = arith.constant 14 : i32
      %add3A_1612 = vector.broadcast %add3A_1611 : i32 to vector<16xi32>
      %add3A_1613 = arith.addi %mul3A_1610, %add3A_1612 : vector<16xi32>
      %gather3A_1614 = tpu.vector_load_idx %arg16[%add3A_1613] : memref<640xf32, #tpu.memory_space<vmem>>[vector<16xi32>], vector<16xf32>,
      %add3A_1615 = arith.addf %add3A_1571, %gather3A_1614 : vector<16xf32>
      %add3A_1616 = arith.constant 16 : i32
      %add3A_1617 = vector.broadcast %add3A_1616 : i32 to vector<16xi32>
      %add3A_1618 = arith.addi %add3A_1617, %select_n3A_17 : vector<16xi32>
      %mul3A_1619 = arith.constant 16 : i32
      %mul3A_1620 = vector.broadcast %mul3A_1619 : i32 to vector<16xi32>
      %mul3A_1621 = arith.muli %add3A_1618, %mul3A_1620 : vector<16xi32>
      %add3A_1622 = arith.constant 15 : i32
      %add3A_1623 = vector.broadcast %add3A_1622 : i32 to vector<16xi32>
      %add3A_1624 = arith.addi %mul3A_1621, %add3A_1623 : vector<16xi32>
      %gather3A_1625 = tpu.vector_load_idx %arg16[%add3A_1624] : memref<640xf32, #tpu.memory_space<vmem>>[vector<16xi32>], vector<16xf32>,
      %add3A_1626 = arith.addf %add3A_1582, %gather3A_1625 : vector<16xf32>
      %add3A_1627 = arith.addf %add3A_1593, %add3A_1604 : vector<16xf32>
      %add3A_1628 = arith.addf %add3A_1615, %add3A_1626 : vector<16xf32>
      %add3A_1629 = arith.addf %add3A_1627, %add3A_1628 : vector<16xf32>
      %mul3A_1630 = arith.mulf %add3A_1442, %gather3A_1254 : vector<16xf32>
      %bitcast_convert_type3A_1631 = tpu.bitcast %add3A_1629 : vector<16xf32> -> vector<16xi32>
      %shift_right_arithmetic3A_1632 = arith.constant 1 : i32
      %shift_right_arithmetic3A_1633 = vector.broadcast %shift_right_arithmetic3A_1632 : i32 to vector<16xi32>
      %shift_right_arithmetic3A_1634 = arith.shrsi %bitcast_convert_type3A_1631, %shift_right_arithmetic3A_1633 : vector<16xi32>
      %sub3A_1635 = arith.constant 1597463007 : i32
      %sub3A_1636 = vector.broadcast %sub3A_1635 : i32 to vector<16xi32>
      %sub3A_1637 = arith.subi %sub3A_1636, %shift_right_arithmetic3A_1634 : vector<16xi32>
      %bitcast_convert_type3A_1638 = tpu.bitcast %sub3A_1637 : vector<16xi32> -> vector<16xf32>
      %mul3A_1639 = arith.constant 5.000000e-01 : f32
      %mul3A_1640 = vector.broadcast %mul3A_1639 : f32 to vector<16xf32>
      %mul3A_1641 = arith.mulf %mul3A_1640, %add3A_1629 : vector<16xf32>
      %mul3A_1642 = arith.mulf %mul3A_1641, %bitcast_convert_type3A_1638 : vector<16xf32>
      %mul3A_1643 = arith.mulf %mul3A_1642, %bitcast_convert_type3A_1638 : vector<16xf32>
      %sub3A_1644 = arith.constant 1.500000e+00 : f32
      %sub3A_1645 = vector.broadcast %sub3A_1644 : f32 to vector<16xf32>
      %sub3A_1646 = arith.subf %sub3A_1645, %mul3A_1643 : vector<16xf32>
      %mul3A_1647 = arith.mulf %bitcast_convert_type3A_1638, %sub3A_1646 : vector<16xf32>
      %mul3A_1648 = arith.constant 5.000000e-01 : f32
      %mul3A_1649 = vector.broadcast %mul3A_1648 : f32 to vector<16xf32>
      %mul3A_1650 = arith.mulf %mul3A_1649, %add3A_1629 : vector<16xf32>
      %mul3A_1651 = arith.mulf %mul3A_1650, %mul3A_1647 : vector<16xf32>
      %mul3A_1652 = arith.mulf %mul3A_1651, %mul3A_1647 : vector<16xf32>
      %sub3A_1653 = arith.constant 1.500000e+00 : f32
      %sub3A_1654 = vector.broadcast %sub3A_1653 : f32 to vector<16xf32>
      %sub3A_1655 = arith.subf %sub3A_1654, %mul3A_1652 : vector<16xf32>
      %mul3A_1656 = arith.mulf %mul3A_1647, %sub3A_1655 : vector<16xf32>
      %mul3A_1657 = arith.constant 5.000000e-01 : f32
      %mul3A_1658 = vector.broadcast %mul3A_1657 : f32 to vector<16xf32>
      %mul3A_1659 = arith.mulf %mul3A_1658, %add3A_1629 : vector<16xf32>
      %mul3A_1660 = arith.mulf %mul3A_1659, %mul3A_1656 : vector<16xf32>
      %mul3A_1661 = arith.mulf %mul3A_1660, %mul3A_1656 : vector<16xf32>
      %sub3A_1662 = arith.constant 1.500000e+00 : f32
      %sub3A_1663 = vector.broadcast %sub3A_1662 : f32 to vector<16xf32>
      %sub3A_1664 = arith.subf %sub3A_1663, %mul3A_1661 : vector<16xf32>
      %mul3A_1665 = arith.mulf %mul3A_1656, %sub3A_1664 : vector<16xf32>
      %lt3A_1666 = arith.constant 1.000000e-16 : f32
      %lt3A_1667 = vector.broadcast %lt3A_1666 : f32 to vector<16xf32>
      %lt3A_1668 = arith.cmpf olt, %add3A_1629, %lt3A_1667 : vector<16xf32>
      %jit3A_1669 = arith.constant 1.000000e+08 : f32
      %broadcast_in_dim3A_1670 = vector.broadcast %jit3A_1669 : f32 to vector<16xf32>
      %select_n3A_1671 = arith.select %lt3A_1668, %broadcast_in_dim3A_1670, %mul3A_1665 : vector<16xi1>, vector<16xf32>
      %mul3A_1672 = arith.mulf %mul3A_1630, %select_n3A_1671 : vector<16xf32>
      %mul3A_1673 = arith.mulf %mul3A_1672, %select_n3A_393 : vector<16xf32>
      %mul3A_1674 = arith.constant 8 : i32
      %mul3A_1675 = vector.broadcast %mul3A_1674 : i32 to vector<16xi32>
      %mul3A_1676 = arith.muli %gather3A, %mul3A_1675 : vector<16xi32>
      %add3A_1677 = arith.constant 3 : i32
      %add3A_1678 = vector.broadcast %add3A_1677 : i32 to vector<16xi32>
      %add3A_1679 = arith.addi %mul3A_1676, %add3A_1678 : vector<16xi32>
      %gather3A_1680 = tpu.vector_load_idx %arg10[%add3A_1679] : memref<8000xf32, #tpu.memory_space<vmem>>[vector<16xi32>], vector<16xf32>,
      %add3A_1681 = arith.addf %add3A_1255, %gather3A_1680 : vector<16xf32>
      %broadcast_in_dim3A_1682 = arith.constant 0.000000e+00 : f32
      %broadcast_in_dim3A_1683 = vector.broadcast %broadcast_in_dim3A_1682 : f32 to vector<16xf32>
      %broadcast_in_dim3A_1684 = arith.constant 0.000000e+00 : f32
      %broadcast_in_dim3A_1685 = vector.broadcast %broadcast_in_dim3A_1684 : f32 to vector<16xf32>
      %broadcast_in_dim3A_1686 = arith.constant 0.000000e+00 : f32
      %broadcast_in_dim3A_1687 = vector.broadcast %broadcast_in_dim3A_1686 : f32 to vector<16xf32>
      %broadcast_in_dim3A_1688 = arith.constant 0.000000e+00 : f32
      %broadcast_in_dim3A_1689 = vector.broadcast %broadcast_in_dim3A_1688 : f32 to vector<16xf32>
      %add3A_1690 = arith.constant 24 : i32
      %add3A_1691 = vector.broadcast %add3A_1690 : i32 to vector<16xi32>
      %add3A_1692 = arith.addi %add3A_1691, %select_n3A_17 : vector<16xi32>
      %mul3A_1693 = arith.constant 16 : i32
      %mul3A_1694 = vector.broadcast %mul3A_1693 : i32 to vector<16xi32>
      %mul3A_1695 = arith.muli %add3A_1692, %mul3A_1694 : vector<16xi32>
      %add3A_1696 = arith.constant 0 : i32
      %add3A_1697 = vector.broadcast %add3A_1696 : i32 to vector<16xi32>
      %add3A_1698 = arith.addi %mul3A_1695, %add3A_1697 : vector<16xi32>
      %gather3A_1699 = tpu.vector_load_idx %arg15[%add3A_1698] : memref<640xf32, #tpu.memory_space<vmem>>[vector<16xi32>], vector<16xf32>,
      %add3A_1700 = arith.addf %broadcast_in_dim3A_1683, %gather3A_1699 : vector<16xf32>
      %add3A_1701 = arith.constant 24 : i32
      %add3A_1702 = vector.broadcast %add3A_1701 : i32 to vector<16xi32>
      %add3A_1703 = arith.addi %add3A_1702, %select_n3A_17 : vector<16xi32>
      %mul3A_1704 = arith.constant 16 : i32
      %mul3A_1705 = vector.broadcast %mul3A_1704 : i32 to vector<16xi32>
      %mul3A_1706 = arith.muli %add3A_1703, %mul3A_1705 : vector<16xi32>
      %add3A_1707 = arith.constant 1 : i32
      %add3A_1708 = vector.broadcast %add3A_1707 : i32 to vector<16xi32>
      %add3A_1709 = arith.addi %mul3A_1706, %add3A_1708 : vector<16xi32>
      %gather3A_1710 = tpu.vector_load_idx %arg15[%add3A_1709] : memref<640xf32, #tpu.memory_space<vmem>>[vector<16xi32>], vector<16xf32>,
      %add3A_1711 = arith.addf %broadcast_in_dim3A_1685, %gather3A_1710 : vector<16xf32>
      %add3A_1712 = arith.constant 24 : i32
      %add3A_1713 = vector.broadcast %add3A_1712 : i32 to vector<16xi32>
      %add3A_1714 = arith.addi %add3A_1713, %select_n3A_17 : vector<16xi32>
      %mul3A_1715 = arith.constant 16 : i32
      %mul3A_1716 = vector.broadcast %mul3A_1715 : i32 to vector<16xi32>
      %mul3A_1717 = arith.muli %add3A_1714, %mul3A_1716 : vector<16xi32>
      %add3A_1718 = arith.constant 2 : i32
      %add3A_1719 = vector.broadcast %add3A_1718 : i32 to vector<16xi32>
      %add3A_1720 = arith.addi %mul3A_1717, %add3A_1719 : vector<16xi32>
      %gather3A_1721 = tpu.vector_load_idx %arg15[%add3A_1720] : memref<640xf32, #tpu.memory_space<vmem>>[vector<16xi32>], vector<16xf32>,
      %add3A_1722 = arith.addf %broadcast_in_dim3A_1687, %gather3A_1721 : vector<16xf32>
      %add3A_1723 = arith.constant 24 : i32
      %add3A_1724 = vector.broadcast %add3A_1723 : i32 to vector<16xi32>
      %add3A_1725 = arith.addi %add3A_1724, %select_n3A_17 : vector<16xi32>
      %mul3A_1726 = arith.constant 16 : i32
      %mul3A_1727 = vector.broadcast %mul3A_1726 : i32 to vector<16xi32>
      %mul3A_1728 = arith.muli %add3A_1725, %mul3A_1727 : vector<16xi32>
      %add3A_1729 = arith.constant 3 : i32
      %add3A_1730 = vector.broadcast %add3A_1729 : i32 to vector<16xi32>
      %add3A_1731 = arith.addi %mul3A_1728, %add3A_1730 : vector<16xi32>
      %gather3A_1732 = tpu.vector_load_idx %arg15[%add3A_1731] : memref<640xf32, #tpu.memory_space<vmem>>[vector<16xi32>], vector<16xf32>,
      %add3A_1733 = arith.addf %broadcast_in_dim3A_1689, %gather3A_1732 : vector<16xf32>
      %add3A_1734 = arith.constant 24 : i32
      %add3A_1735 = vector.broadcast %add3A_1734 : i32 to vector<16xi32>
      %add3A_1736 = arith.addi %add3A_1735, %select_n3A_17 : vector<16xi32>
      %mul3A_1737 = arith.constant 16 : i32
      %mul3A_1738 = vector.broadcast %mul3A_1737 : i32 to vector<16xi32>
      %mul3A_1739 = arith.muli %add3A_1736, %mul3A_1738 : vector<16xi32>
      %add3A_1740 = arith.constant 4 : i32
      %add3A_1741 = vector.broadcast %add3A_1740 : i32 to vector<16xi32>
      %add3A_1742 = arith.addi %mul3A_1739, %add3A_1741 : vector<16xi32>
      %gather3A_1743 = tpu.vector_load_idx %arg15[%add3A_1742] : memref<640xf32, #tpu.memory_space<vmem>>[vector<16xi32>], vector<16xf32>,
      %add3A_1744 = arith.addf %add3A_1700, %gather3A_1743 : vector<16xf32>
      %add3A_1745 = arith.constant 24 : i32
      %add3A_1746 = vector.broadcast %add3A_1745 : i32 to vector<16xi32>
      %add3A_1747 = arith.addi %add3A_1746, %select_n3A_17 : vector<16xi32>
      %mul3A_1748 = arith.constant 16 : i32
      %mul3A_1749 = vector.broadcast %mul3A_1748 : i32 to vector<16xi32>
      %mul3A_1750 = arith.muli %add3A_1747, %mul3A_1749 : vector<16xi32>
      %add3A_1751 = arith.constant 5 : i32
      %add3A_1752 = vector.broadcast %add3A_1751 : i32 to vector<16xi32>
      %add3A_1753 = arith.addi %mul3A_1750, %add3A_1752 : vector<16xi32>
      %gather3A_1754 = tpu.vector_load_idx %arg15[%add3A_1753] : memref<640xf32, #tpu.memory_space<vmem>>[vector<16xi32>], vector<16xf32>,
      %add3A_1755 = arith.addf %add3A_1711, %gather3A_1754 : vector<16xf32>
      %add3A_1756 = arith.constant 24 : i32
      %add3A_1757 = vector.broadcast %add3A_1756 : i32 to vector<16xi32>
      %add3A_1758 = arith.addi %add3A_1757, %select_n3A_17 : vector<16xi32>
      %mul3A_1759 = arith.constant 16 : i32
      %mul3A_1760 = vector.broadcast %mul3A_1759 : i32 to vector<16xi32>
      %mul3A_1761 = arith.muli %add3A_1758, %mul3A_1760 : vector<16xi32>
      %add3A_1762 = arith.constant 6 : i32
      %add3A_1763 = vector.broadcast %add3A_1762 : i32 to vector<16xi32>
      %add3A_1764 = arith.addi %mul3A_1761, %add3A_1763 : vector<16xi32>
      %gather3A_1765 = tpu.vector_load_idx %arg15[%add3A_1764] : memref<640xf32, #tpu.memory_space<vmem>>[vector<16xi32>], vector<16xf32>,
      %add3A_1766 = arith.addf %add3A_1722, %gather3A_1765 : vector<16xf32>
      %add3A_1767 = arith.constant 24 : i32
      %add3A_1768 = vector.broadcast %add3A_1767 : i32 to vector<16xi32>
      %add3A_1769 = arith.addi %add3A_1768, %select_n3A_17 : vector<16xi32>
      %mul3A_1770 = arith.constant 16 : i32
      %mul3A_1771 = vector.broadcast %mul3A_1770 : i32 to vector<16xi32>
      %mul3A_1772 = arith.muli %add3A_1769, %mul3A_1771 : vector<16xi32>
      %add3A_1773 = arith.constant 7 : i32
      %add3A_1774 = vector.broadcast %add3A_1773 : i32 to vector<16xi32>
      %add3A_1775 = arith.addi %mul3A_1772, %add3A_1774 : vector<16xi32>
      %gather3A_1776 = tpu.vector_load_idx %arg15[%add3A_1775] : memref<640xf32, #tpu.memory_space<vmem>>[vector<16xi32>], vector<16xf32>,
      %add3A_1777 = arith.addf %add3A_1733, %gather3A_1776 : vector<16xf32>
      %add3A_1778 = arith.constant 24 : i32
      %add3A_1779 = vector.broadcast %add3A_1778 : i32 to vector<16xi32>
      %add3A_1780 = arith.addi %add3A_1779, %select_n3A_17 : vector<16xi32>
      %mul3A_1781 = arith.constant 16 : i32
      %mul3A_1782 = vector.broadcast %mul3A_1781 : i32 to vector<16xi32>
      %mul3A_1783 = arith.muli %add3A_1780, %mul3A_1782 : vector<16xi32>
      %add3A_1784 = arith.constant 8 : i32
      %add3A_1785 = vector.broadcast %add3A_1784 : i32 to vector<16xi32>
      %add3A_1786 = arith.addi %mul3A_1783, %add3A_1785 : vector<16xi32>
      %gather3A_1787 = tpu.vector_load_idx %arg15[%add3A_1786] : memref<640xf32, #tpu.memory_space<vmem>>[vector<16xi32>], vector<16xf32>,
      %add3A_1788 = arith.addf %add3A_1744, %gather3A_1787 : vector<16xf32>
      %add3A_1789 = arith.constant 24 : i32
      %add3A_1790 = vector.broadcast %add3A_1789 : i32 to vector<16xi32>
      %add3A_1791 = arith.addi %add3A_1790, %select_n3A_17 : vector<16xi32>
      %mul3A_1792 = arith.constant 16 : i32
      %mul3A_1793 = vector.broadcast %mul3A_1792 : i32 to vector<16xi32>
      %mul3A_1794 = arith.muli %add3A_1791, %mul3A_1793 : vector<16xi32>
      %add3A_1795 = arith.constant 9 : i32
      %add3A_1796 = vector.broadcast %add3A_1795 : i32 to vector<16xi32>
      %add3A_1797 = arith.addi %mul3A_1794, %add3A_1796 : vector<16xi32>
      %gather3A_1798 = tpu.vector_load_idx %arg15[%add3A_1797] : memref<640xf32, #tpu.memory_space<vmem>>[vector<16xi32>], vector<16xf32>,
      %add3A_1799 = arith.addf %add3A_1755, %gather3A_1798 : vector<16xf32>
      %add3A_1800 = arith.constant 24 : i32
      %add3A_1801 = vector.broadcast %add3A_1800 : i32 to vector<16xi32>
      %add3A_1802 = arith.addi %add3A_1801, %select_n3A_17 : vector<16xi32>
      %mul3A_1803 = arith.constant 16 : i32
      %mul3A_1804 = vector.broadcast %mul3A_1803 : i32 to vector<16xi32>
      %mul3A_1805 = arith.muli %add3A_1802, %mul3A_1804 : vector<16xi32>
      %add3A_1806 = arith.constant 10 : i32
      %add3A_1807 = vector.broadcast %add3A_1806 : i32 to vector<16xi32>
      %add3A_1808 = arith.addi %mul3A_1805, %add3A_1807 : vector<16xi32>
      %gather3A_1809 = tpu.vector_load_idx %arg15[%add3A_1808] : memref<640xf32, #tpu.memory_space<vmem>>[vector<16xi32>], vector<16xf32>,
      %add3A_1810 = arith.addf %add3A_1766, %gather3A_1809 : vector<16xf32>
      %add3A_1811 = arith.constant 24 : i32
      %add3A_1812 = vector.broadcast %add3A_1811 : i32 to vector<16xi32>
      %add3A_1813 = arith.addi %add3A_1812, %select_n3A_17 : vector<16xi32>
      %mul3A_1814 = arith.constant 16 : i32
      %mul3A_1815 = vector.broadcast %mul3A_1814 : i32 to vector<16xi32>
      %mul3A_1816 = arith.muli %add3A_1813, %mul3A_1815 : vector<16xi32>
      %add3A_1817 = arith.constant 11 : i32
      %add3A_1818 = vector.broadcast %add3A_1817 : i32 to vector<16xi32>
      %add3A_1819 = arith.addi %mul3A_1816, %add3A_1818 : vector<16xi32>
      %gather3A_1820 = tpu.vector_load_idx %arg15[%add3A_1819] : memref<640xf32, #tpu.memory_space<vmem>>[vector<16xi32>], vector<16xf32>,
      %add3A_1821 = arith.addf %add3A_1777, %gather3A_1820 : vector<16xf32>
      %add3A_1822 = arith.constant 24 : i32
      %add3A_1823 = vector.broadcast %add3A_1822 : i32 to vector<16xi32>
      %add3A_1824 = arith.addi %add3A_1823, %select_n3A_17 : vector<16xi32>
      %mul3A_1825 = arith.constant 16 : i32
      %mul3A_1826 = vector.broadcast %mul3A_1825 : i32 to vector<16xi32>
      %mul3A_1827 = arith.muli %add3A_1824, %mul3A_1826 : vector<16xi32>
      %add3A_1828 = arith.constant 12 : i32
      %add3A_1829 = vector.broadcast %add3A_1828 : i32 to vector<16xi32>
      %add3A_1830 = arith.addi %mul3A_1827, %add3A_1829 : vector<16xi32>
      %gather3A_1831 = tpu.vector_load_idx %arg15[%add3A_1830] : memref<640xf32, #tpu.memory_space<vmem>>[vector<16xi32>], vector<16xf32>,
      %add3A_1832 = arith.addf %add3A_1788, %gather3A_1831 : vector<16xf32>
      %add3A_1833 = arith.constant 24 : i32
      %add3A_1834 = vector.broadcast %add3A_1833 : i32 to vector<16xi32>
      %add3A_1835 = arith.addi %add3A_1834, %select_n3A_17 : vector<16xi32>
      %mul3A_1836 = arith.constant 16 : i32
      %mul3A_1837 = vector.broadcast %mul3A_1836 : i32 to vector<16xi32>
      %mul3A_1838 = arith.muli %add3A_1835, %mul3A_1837 : vector<16xi32>
      %add3A_1839 = arith.constant 13 : i32
      %add3A_1840 = vector.broadcast %add3A_1839 : i32 to vector<16xi32>
      %add3A_1841 = arith.addi %mul3A_1838, %add3A_1840 : vector<16xi32>
      %gather3A_1842 = tpu.vector_load_idx %arg15[%add3A_1841] : memref<640xf32, #tpu.memory_space<vmem>>[vector<16xi32>], vector<16xf32>,
      %add3A_1843 = arith.addf %add3A_1799, %gather3A_1842 : vector<16xf32>
      %add3A_1844 = arith.constant 24 : i32
      %add3A_1845 = vector.broadcast %add3A_1844 : i32 to vector<16xi32>
      %add3A_1846 = arith.addi %add3A_1845, %select_n3A_17 : vector<16xi32>
      %mul3A_1847 = arith.constant 16 : i32
      %mul3A_1848 = vector.broadcast %mul3A_1847 : i32 to vector<16xi32>
      %mul3A_1849 = arith.muli %add3A_1846, %mul3A_1848 : vector<16xi32>
      %add3A_1850 = arith.constant 14 : i32
      %add3A_1851 = vector.broadcast %add3A_1850 : i32 to vector<16xi32>
      %add3A_1852 = arith.addi %mul3A_1849, %add3A_1851 : vector<16xi32>
      %gather3A_1853 = tpu.vector_load_idx %arg15[%add3A_1852] : memref<640xf32, #tpu.memory_space<vmem>>[vector<16xi32>], vector<16xf32>,
      %add3A_1854 = arith.addf %add3A_1810, %gather3A_1853 : vector<16xf32>
      %add3A_1855 = arith.constant 24 : i32
      %add3A_1856 = vector.broadcast %add3A_1855 : i32 to vector<16xi32>
      %add3A_1857 = arith.addi %add3A_1856, %select_n3A_17 : vector<16xi32>
      %mul3A_1858 = arith.constant 16 : i32
      %mul3A_1859 = vector.broadcast %mul3A_1858 : i32 to vector<16xi32>
      %mul3A_1860 = arith.muli %add3A_1857, %mul3A_1859 : vector<16xi32>
      %add3A_1861 = arith.constant 15 : i32
      %add3A_1862 = vector.broadcast %add3A_1861 : i32 to vector<16xi32>
      %add3A_1863 = arith.addi %mul3A_1860, %add3A_1862 : vector<16xi32>
      %gather3A_1864 = tpu.vector_load_idx %arg15[%add3A_1863] : memref<640xf32, #tpu.memory_space<vmem>>[vector<16xi32>], vector<16xf32>,
      %add3A_1865 = arith.addf %add3A_1821, %gather3A_1864 : vector<16xf32>
      %add3A_1866 = arith.addf %add3A_1832, %add3A_1843 : vector<16xf32>
      %add3A_1867 = arith.addf %add3A_1854, %add3A_1865 : vector<16xf32>
      %add3A_1868 = arith.addf %add3A_1866, %add3A_1867 : vector<16xf32>
      %broadcast_in_dim3A_1869 = arith.constant 0.000000e+00 : f32
      %broadcast_in_dim3A_1870 = vector.broadcast %broadcast_in_dim3A_1869 : f32 to vector<16xf32>
      %broadcast_in_dim3A_1871 = arith.constant 0.000000e+00 : f32
      %broadcast_in_dim3A_1872 = vector.broadcast %broadcast_in_dim3A_1871 : f32 to vector<16xf32>
      %broadcast_in_dim3A_1873 = arith.constant 0.000000e+00 : f32
      %broadcast_in_dim3A_1874 = vector.broadcast %broadcast_in_dim3A_1873 : f32 to vector<16xf32>
      %broadcast_in_dim3A_1875 = arith.constant 0.000000e+00 : f32
      %broadcast_in_dim3A_1876 = vector.broadcast %broadcast_in_dim3A_1875 : f32 to vector<16xf32>
      %add3A_1877 = arith.constant 24 : i32
      %add3A_1878 = vector.broadcast %add3A_1877 : i32 to vector<16xi32>
      %add3A_1879 = arith.addi %add3A_1878, %select_n3A_17 : vector<16xi32>
      %mul3A_1880 = arith.constant 16 : i32
      %mul3A_1881 = vector.broadcast %mul3A_1880 : i32 to vector<16xi32>
      %mul3A_1882 = arith.muli %add3A_1879, %mul3A_1881 : vector<16xi32>
      %add3A_1883 = arith.constant 0 : i32
      %add3A_1884 = vector.broadcast %add3A_1883 : i32 to vector<16xi32>
      %add3A_1885 = arith.addi %mul3A_1882, %add3A_1884 : vector<16xi32>
      %gather3A_1886 = tpu.vector_load_idx %arg16[%add3A_1885] : memref<640xf32, #tpu.memory_space<vmem>>[vector<16xi32>], vector<16xf32>,
      %add3A_1887 = arith.addf %broadcast_in_dim3A_1870, %gather3A_1886 : vector<16xf32>
      %add3A_1888 = arith.constant 24 : i32
      %add3A_1889 = vector.broadcast %add3A_1888 : i32 to vector<16xi32>
      %add3A_1890 = arith.addi %add3A_1889, %select_n3A_17 : vector<16xi32>
      %mul3A_1891 = arith.constant 16 : i32
      %mul3A_1892 = vector.broadcast %mul3A_1891 : i32 to vector<16xi32>
      %mul3A_1893 = arith.muli %add3A_1890, %mul3A_1892 : vector<16xi32>
      %add3A_1894 = arith.constant 1 : i32
      %add3A_1895 = vector.broadcast %add3A_1894 : i32 to vector<16xi32>
      %add3A_1896 = arith.addi %mul3A_1893, %add3A_1895 : vector<16xi32>
      %gather3A_1897 = tpu.vector_load_idx %arg16[%add3A_1896] : memref<640xf32, #tpu.memory_space<vmem>>[vector<16xi32>], vector<16xf32>,
      %add3A_1898 = arith.addf %broadcast_in_dim3A_1872, %gather3A_1897 : vector<16xf32>
      %add3A_1899 = arith.constant 24 : i32
      %add3A_1900 = vector.broadcast %add3A_1899 : i32 to vector<16xi32>
      %add3A_1901 = arith.addi %add3A_1900, %select_n3A_17 : vector<16xi32>
      %mul3A_1902 = arith.constant 16 : i32
      %mul3A_1903 = vector.broadcast %mul3A_1902 : i32 to vector<16xi32>
      %mul3A_1904 = arith.muli %add3A_1901, %mul3A_1903 : vector<16xi32>
      %add3A_1905 = arith.constant 2 : i32
      %add3A_1906 = vector.broadcast %add3A_1905 : i32 to vector<16xi32>
      %add3A_1907 = arith.addi %mul3A_1904, %add3A_1906 : vector<16xi32>
      %gather3A_1908 = tpu.vector_load_idx %arg16[%add3A_1907] : memref<640xf32, #tpu.memory_space<vmem>>[vector<16xi32>], vector<16xf32>,
      %add3A_1909 = arith.addf %broadcast_in_dim3A_1874, %gather3A_1908 : vector<16xf32>
      %add3A_1910 = arith.constant 24 : i32
      %add3A_1911 = vector.broadcast %add3A_1910 : i32 to vector<16xi32>
      %add3A_1912 = arith.addi %add3A_1911, %select_n3A_17 : vector<16xi32>
      %mul3A_1913 = arith.constant 16 : i32
      %mul3A_1914 = vector.broadcast %mul3A_1913 : i32 to vector<16xi32>
      %mul3A_1915 = arith.muli %add3A_1912, %mul3A_1914 : vector<16xi32>
      %add3A_1916 = arith.constant 3 : i32
      %add3A_1917 = vector.broadcast %add3A_1916 : i32 to vector<16xi32>
      %add3A_1918 = arith.addi %mul3A_1915, %add3A_1917 : vector<16xi32>
      %gather3A_1919 = tpu.vector_load_idx %arg16[%add3A_1918] : memref<640xf32, #tpu.memory_space<vmem>>[vector<16xi32>], vector<16xf32>,
      %add3A_1920 = arith.addf %broadcast_in_dim3A_1876, %gather3A_1919 : vector<16xf32>
      %add3A_1921 = arith.constant 24 : i32
      %add3A_1922 = vector.broadcast %add3A_1921 : i32 to vector<16xi32>
      %add3A_1923 = arith.addi %add3A_1922, %select_n3A_17 : vector<16xi32>
      %mul3A_1924 = arith.constant 16 : i32
      %mul3A_1925 = vector.broadcast %mul3A_1924 : i32 to vector<16xi32>
      %mul3A_1926 = arith.muli %add3A_1923, %mul3A_1925 : vector<16xi32>
      %add3A_1927 = arith.constant 4 : i32
      %add3A_1928 = vector.broadcast %add3A_1927 : i32 to vector<16xi32>
      %add3A_1929 = arith.addi %mul3A_1926, %add3A_1928 : vector<16xi32>
      %gather3A_1930 = tpu.vector_load_idx %arg16[%add3A_1929] : memref<640xf32, #tpu.memory_space<vmem>>[vector<16xi32>], vector<16xf32>,
      %add3A_1931 = arith.addf %add3A_1887, %gather3A_1930 : vector<16xf32>
      %add3A_1932 = arith.constant 24 : i32
      %add3A_1933 = vector.broadcast %add3A_1932 : i32 to vector<16xi32>
      %add3A_1934 = arith.addi %add3A_1933, %select_n3A_17 : vector<16xi32>
      %mul3A_1935 = arith.constant 16 : i32
      %mul3A_1936 = vector.broadcast %mul3A_1935 : i32 to vector<16xi32>
      %mul3A_1937 = arith.muli %add3A_1934, %mul3A_1936 : vector<16xi32>
      %add3A_1938 = arith.constant 5 : i32
      %add3A_1939 = vector.broadcast %add3A_1938 : i32 to vector<16xi32>
      %add3A_1940 = arith.addi %mul3A_1937, %add3A_1939 : vector<16xi32>
      %gather3A_1941 = tpu.vector_load_idx %arg16[%add3A_1940] : memref<640xf32, #tpu.memory_space<vmem>>[vector<16xi32>], vector<16xf32>,
      %add3A_1942 = arith.addf %add3A_1898, %gather3A_1941 : vector<16xf32>
      %add3A_1943 = arith.constant 24 : i32
      %add3A_1944 = vector.broadcast %add3A_1943 : i32 to vector<16xi32>
      %add3A_1945 = arith.addi %add3A_1944, %select_n3A_17 : vector<16xi32>
      %mul3A_1946 = arith.constant 16 : i32
      %mul3A_1947 = vector.broadcast %mul3A_1946 : i32 to vector<16xi32>
      %mul3A_1948 = arith.muli %add3A_1945, %mul3A_1947 : vector<16xi32>
      %add3A_1949 = arith.constant 6 : i32
      %add3A_1950 = vector.broadcast %add3A_1949 : i32 to vector<16xi32>
      %add3A_1951 = arith.addi %mul3A_1948, %add3A_1950 : vector<16xi32>
      %gather3A_1952 = tpu.vector_load_idx %arg16[%add3A_1951] : memref<640xf32, #tpu.memory_space<vmem>>[vector<16xi32>], vector<16xf32>,
      %add3A_1953 = arith.addf %add3A_1909, %gather3A_1952 : vector<16xf32>
      %add3A_1954 = arith.constant 24 : i32
      %add3A_1955 = vector.broadcast %add3A_1954 : i32 to vector<16xi32>
      %add3A_1956 = arith.addi %add3A_1955, %select_n3A_17 : vector<16xi32>
      %mul3A_1957 = arith.constant 16 : i32
      %mul3A_1958 = vector.broadcast %mul3A_1957 : i32 to vector<16xi32>
      %mul3A_1959 = arith.muli %add3A_1956, %mul3A_1958 : vector<16xi32>
      %add3A_1960 = arith.constant 7 : i32
      %add3A_1961 = vector.broadcast %add3A_1960 : i32 to vector<16xi32>
      %add3A_1962 = arith.addi %mul3A_1959, %add3A_1961 : vector<16xi32>
      %gather3A_1963 = tpu.vector_load_idx %arg16[%add3A_1962] : memref<640xf32, #tpu.memory_space<vmem>>[vector<16xi32>], vector<16xf32>,
      %add3A_1964 = arith.addf %add3A_1920, %gather3A_1963 : vector<16xf32>
      %add3A_1965 = arith.constant 24 : i32
      %add3A_1966 = vector.broadcast %add3A_1965 : i32 to vector<16xi32>
      %add3A_1967 = arith.addi %add3A_1966, %select_n3A_17 : vector<16xi32>
      %mul3A_1968 = arith.constant 16 : i32
      %mul3A_1969 = vector.broadcast %mul3A_1968 : i32 to vector<16xi32>
      %mul3A_1970 = arith.muli %add3A_1967, %mul3A_1969 : vector<16xi32>
      %add3A_1971 = arith.constant 8 : i32
      %add3A_1972 = vector.broadcast %add3A_1971 : i32 to vector<16xi32>
      %add3A_1973 = arith.addi %mul3A_1970, %add3A_1972 : vector<16xi32>
      %gather3A_1974 = tpu.vector_load_idx %arg16[%add3A_1973] : memref<640xf32, #tpu.memory_space<vmem>>[vector<16xi32>], vector<16xf32>,
      %add3A_1975 = arith.addf %add3A_1931, %gather3A_1974 : vector<16xf32>
      %add3A_1976 = arith.constant 24 : i32
      %add3A_1977 = vector.broadcast %add3A_1976 : i32 to vector<16xi32>
      %add3A_1978 = arith.addi %add3A_1977, %select_n3A_17 : vector<16xi32>
      %mul3A_1979 = arith.constant 16 : i32
      %mul3A_1980 = vector.broadcast %mul3A_1979 : i32 to vector<16xi32>
      %mul3A_1981 = arith.muli %add3A_1978, %mul3A_1980 : vector<16xi32>
      %add3A_1982 = arith.constant 9 : i32
      %add3A_1983 = vector.broadcast %add3A_1982 : i32 to vector<16xi32>
      %add3A_1984 = arith.addi %mul3A_1981, %add3A_1983 : vector<16xi32>
      %gather3A_1985 = tpu.vector_load_idx %arg16[%add3A_1984] : memref<640xf32, #tpu.memory_space<vmem>>[vector<16xi32>], vector<16xf32>,
      %add3A_1986 = arith.addf %add3A_1942, %gather3A_1985 : vector<16xf32>
      %add3A_1987 = arith.constant 24 : i32
      %add3A_1988 = vector.broadcast %add3A_1987 : i32 to vector<16xi32>
      %add3A_1989 = arith.addi %add3A_1988, %select_n3A_17 : vector<16xi32>
      %mul3A_1990 = arith.constant 16 : i32
      %mul3A_1991 = vector.broadcast %mul3A_1990 : i32 to vector<16xi32>
      %mul3A_1992 = arith.muli %add3A_1989, %mul3A_1991 : vector<16xi32>
      %add3A_1993 = arith.constant 10 : i32
      %add3A_1994 = vector.broadcast %add3A_1993 : i32 to vector<16xi32>
      %add3A_1995 = arith.addi %mul3A_1992, %add3A_1994 : vector<16xi32>
      %gather3A_1996 = tpu.vector_load_idx %arg16[%add3A_1995] : memref<640xf32, #tpu.memory_space<vmem>>[vector<16xi32>], vector<16xf32>,
      %add3A_1997 = arith.addf %add3A_1953, %gather3A_1996 : vector<16xf32>
      %add3A_1998 = arith.constant 24 : i32
      %add3A_1999 = vector.broadcast %add3A_1998 : i32 to vector<16xi32>
      %add3A_2000 = arith.addi %add3A_1999, %select_n3A_17 : vector<16xi32>
      %mul3A_2001 = arith.constant 16 : i32
      %mul3A_2002 = vector.broadcast %mul3A_2001 : i32 to vector<16xi32>
      %mul3A_2003 = arith.muli %add3A_2000, %mul3A_2002 : vector<16xi32>
      %add3A_2004 = arith.constant 11 : i32
      %add3A_2005 = vector.broadcast %add3A_2004 : i32 to vector<16xi32>
      %add3A_2006 = arith.addi %mul3A_2003, %add3A_2005 : vector<16xi32>
      %gather3A_2007 = tpu.vector_load_idx %arg16[%add3A_2006] : memref<640xf32, #tpu.memory_space<vmem>>[vector<16xi32>], vector<16xf32>,
      %add3A_2008 = arith.addf %add3A_1964, %gather3A_2007 : vector<16xf32>
      %add3A_2009 = arith.constant 24 : i32
      %add3A_2010 = vector.broadcast %add3A_2009 : i32 to vector<16xi32>
      %add3A_2011 = arith.addi %add3A_2010, %select_n3A_17 : vector<16xi32>
      %mul3A_2012 = arith.constant 16 : i32
      %mul3A_2013 = vector.broadcast %mul3A_2012 : i32 to vector<16xi32>
      %mul3A_2014 = arith.muli %add3A_2011, %mul3A_2013 : vector<16xi32>
      %add3A_2015 = arith.constant 12 : i32
      %add3A_2016 = vector.broadcast %add3A_2015 : i32 to vector<16xi32>
      %add3A_2017 = arith.addi %mul3A_2014, %add3A_2016 : vector<16xi32>
      %gather3A_2018 = tpu.vector_load_idx %arg16[%add3A_2017] : memref<640xf32, #tpu.memory_space<vmem>>[vector<16xi32>], vector<16xf32>,
      %add3A_2019 = arith.addf %add3A_1975, %gather3A_2018 : vector<16xf32>
      %add3A_2020 = arith.constant 24 : i32
      %add3A_2021 = vector.broadcast %add3A_2020 : i32 to vector<16xi32>
      %add3A_2022 = arith.addi %add3A_2021, %select_n3A_17 : vector<16xi32>
      %mul3A_2023 = arith.constant 16 : i32
      %mul3A_2024 = vector.broadcast %mul3A_2023 : i32 to vector<16xi32>
      %mul3A_2025 = arith.muli %add3A_2022, %mul3A_2024 : vector<16xi32>
      %add3A_2026 = arith.constant 13 : i32
      %add3A_2027 = vector.broadcast %add3A_2026 : i32 to vector<16xi32>
      %add3A_2028 = arith.addi %mul3A_2025, %add3A_2027 : vector<16xi32>
      %gather3A_2029 = tpu.vector_load_idx %arg16[%add3A_2028] : memref<640xf32, #tpu.memory_space<vmem>>[vector<16xi32>], vector<16xf32>,
      %add3A_2030 = arith.addf %add3A_1986, %gather3A_2029 : vector<16xf32>
      %add3A_2031 = arith.constant 24 : i32
      %add3A_2032 = vector.broadcast %add3A_2031 : i32 to vector<16xi32>
      %add3A_2033 = arith.addi %add3A_2032, %select_n3A_17 : vector<16xi32>
      %mul3A_2034 = arith.constant 16 : i32
      %mul3A_2035 = vector.broadcast %mul3A_2034 : i32 to vector<16xi32>
      %mul3A_2036 = arith.muli %add3A_2033, %mul3A_2035 : vector<16xi32>
      %add3A_2037 = arith.constant 14 : i32
      %add3A_2038 = vector.broadcast %add3A_2037 : i32 to vector<16xi32>
      %add3A_2039 = arith.addi %mul3A_2036, %add3A_2038 : vector<16xi32>
      %gather3A_2040 = tpu.vector_load_idx %arg16[%add3A_2039] : memref<640xf32, #tpu.memory_space<vmem>>[vector<16xi32>], vector<16xf32>,
      %add3A_2041 = arith.addf %add3A_1997, %gather3A_2040 : vector<16xf32>
      %add3A_2042 = arith.constant 24 : i32
      %add3A_2043 = vector.broadcast %add3A_2042 : i32 to vector<16xi32>
      %add3A_2044 = arith.addi %add3A_2043, %select_n3A_17 : vector<16xi32>
      %mul3A_2045 = arith.constant 16 : i32
      %mul3A_2046 = vector.broadcast %mul3A_2045 : i32 to vector<16xi32>
      %mul3A_2047 = arith.muli %add3A_2044, %mul3A_2046 : vector<16xi32>
      %add3A_2048 = arith.constant 15 : i32
      %add3A_2049 = vector.broadcast %add3A_2048 : i32 to vector<16xi32>
      %add3A_2050 = arith.addi %mul3A_2047, %add3A_2049 : vector<16xi32>
      %gather3A_2051 = tpu.vector_load_idx %arg16[%add3A_2050] : memref<640xf32, #tpu.memory_space<vmem>>[vector<16xi32>], vector<16xf32>,
      %add3A_2052 = arith.addf %add3A_2008, %gather3A_2051 : vector<16xf32>
      %add3A_2053 = arith.addf %add3A_2019, %add3A_2030 : vector<16xf32>
      %add3A_2054 = arith.addf %add3A_2041, %add3A_2052 : vector<16xf32>
      %add3A_2055 = arith.addf %add3A_2053, %add3A_2054 : vector<16xf32>
      %mul3A_2056 = arith.mulf %add3A_1868, %gather3A_1680 : vector<16xf32>
      %bitcast_convert_type3A_2057 = tpu.bitcast %add3A_2055 : vector<16xf32> -> vector<16xi32>
      %shift_right_arithmetic3A_2058 = arith.constant 1 : i32
      %shift_right_arithmetic3A_2059 = vector.broadcast %shift_right_arithmetic3A_2058 : i32 to vector<16xi32>
      %shift_right_arithmetic3A_2060 = arith.shrsi %bitcast_convert_type3A_2057, %shift_right_arithmetic3A_2059 : vector<16xi32>
      %sub3A_2061 = arith.constant 1597463007 : i32
      %sub3A_2062 = vector.broadcast %sub3A_2061 : i32 to vector<16xi32>
      %sub3A_2063 = arith.subi %sub3A_2062, %shift_right_arithmetic3A_2060 : vector<16xi32>
      %bitcast_convert_type3A_2064 = tpu.bitcast %sub3A_2063 : vector<16xi32> -> vector<16xf32>
      %mul3A_2065 = arith.constant 5.000000e-01 : f32
      %mul3A_2066 = vector.broadcast %mul3A_2065 : f32 to vector<16xf32>
      %mul3A_2067 = arith.mulf %mul3A_2066, %add3A_2055 : vector<16xf32>
      %mul3A_2068 = arith.mulf %mul3A_2067, %bitcast_convert_type3A_2064 : vector<16xf32>
      %mul3A_2069 = arith.mulf %mul3A_2068, %bitcast_convert_type3A_2064 : vector<16xf32>
      %sub3A_2070 = arith.constant 1.500000e+00 : f32
      %sub3A_2071 = vector.broadcast %sub3A_2070 : f32 to vector<16xf32>
      %sub3A_2072 = arith.subf %sub3A_2071, %mul3A_2069 : vector<16xf32>
      %mul3A_2073 = arith.mulf %bitcast_convert_type3A_2064, %sub3A_2072 : vector<16xf32>
      %mul3A_2074 = arith.constant 5.000000e-01 : f32
      %mul3A_2075 = vector.broadcast %mul3A_2074 : f32 to vector<16xf32>
      %mul3A_2076 = arith.mulf %mul3A_2075, %add3A_2055 : vector<16xf32>
      %mul3A_2077 = arith.mulf %mul3A_2076, %mul3A_2073 : vector<16xf32>
      %mul3A_2078 = arith.mulf %mul3A_2077, %mul3A_2073 : vector<16xf32>
      %sub3A_2079 = arith.constant 1.500000e+00 : f32
      %sub3A_2080 = vector.broadcast %sub3A_2079 : f32 to vector<16xf32>
      %sub3A_2081 = arith.subf %sub3A_2080, %mul3A_2078 : vector<16xf32>
      %mul3A_2082 = arith.mulf %mul3A_2073, %sub3A_2081 : vector<16xf32>
      %mul3A_2083 = arith.constant 5.000000e-01 : f32
      %mul3A_2084 = vector.broadcast %mul3A_2083 : f32 to vector<16xf32>
      %mul3A_2085 = arith.mulf %mul3A_2084, %add3A_2055 : vector<16xf32>
      %mul3A_2086 = arith.mulf %mul3A_2085, %mul3A_2082 : vector<16xf32>
      %mul3A_2087 = arith.mulf %mul3A_2086, %mul3A_2082 : vector<16xf32>
      %sub3A_2088 = arith.constant 1.500000e+00 : f32
      %sub3A_2089 = vector.broadcast %sub3A_2088 : f32 to vector<16xf32>
      %sub3A_2090 = arith.subf %sub3A_2089, %mul3A_2087 : vector<16xf32>
      %mul3A_2091 = arith.mulf %mul3A_2082, %sub3A_2090 : vector<16xf32>
      %lt3A_2092 = arith.constant 1.000000e-16 : f32
      %lt3A_2093 = vector.broadcast %lt3A_2092 : f32 to vector<16xf32>
      %lt3A_2094 = arith.cmpf olt, %add3A_2055, %lt3A_2093 : vector<16xf32>
      %jit3A_2095 = arith.constant 1.000000e+08 : f32
      %broadcast_in_dim3A_2096 = vector.broadcast %jit3A_2095 : f32 to vector<16xf32>
      %select_n3A_2097 = arith.select %lt3A_2094, %broadcast_in_dim3A_2096, %mul3A_2091 : vector<16xi1>, vector<16xf32>
      %mul3A_2098 = arith.mulf %mul3A_2056, %select_n3A_2097 : vector<16xf32>
      %mul3A_2099 = arith.mulf %mul3A_2098, %select_n3A_393 : vector<16xf32>
      %mul3A_2100 = arith.constant 8 : i32
      %mul3A_2101 = vector.broadcast %mul3A_2100 : i32 to vector<16xi32>
      %mul3A_2102 = arith.muli %gather3A, %mul3A_2101 : vector<16xi32>
      %add3A_2103 = arith.constant 4 : i32
      %add3A_2104 = vector.broadcast %add3A_2103 : i32 to vector<16xi32>
      %add3A_2105 = arith.addi %mul3A_2102, %add3A_2104 : vector<16xi32>
      %gather3A_2106 = tpu.vector_load_idx %arg10[%add3A_2105] : memref<8000xf32, #tpu.memory_space<vmem>>[vector<16xi32>], vector<16xf32>,
      %add3A_2107 = arith.addf %add3A_1681, %gather3A_2106 : vector<16xf32>
      %broadcast_in_dim3A_2108 = arith.constant 0.000000e+00 : f32
      %broadcast_in_dim3A_2109 = vector.broadcast %broadcast_in_dim3A_2108 : f32 to vector<16xf32>
      %broadcast_in_dim3A_2110 = arith.constant 0.000000e+00 : f32
      %broadcast_in_dim3A_2111 = vector.broadcast %broadcast_in_dim3A_2110 : f32 to vector<16xf32>
      %broadcast_in_dim3A_2112 = arith.constant 0.000000e+00 : f32
      %broadcast_in_dim3A_2113 = vector.broadcast %broadcast_in_dim3A_2112 : f32 to vector<16xf32>
      %broadcast_in_dim3A_2114 = arith.constant 0.000000e+00 : f32
      %broadcast_in_dim3A_2115 = vector.broadcast %broadcast_in_dim3A_2114 : f32 to vector<16xf32>
      %add3A_2116 = arith.constant 32 : i32
      %add3A_2117 = vector.broadcast %add3A_2116 : i32 to vector<16xi32>
      %add3A_2118 = arith.addi %add3A_2117, %select_n3A_17 : vector<16xi32>
      %mul3A_2119 = arith.constant 16 : i32
      %mul3A_2120 = vector.broadcast %mul3A_2119 : i32 to vector<16xi32>
      %mul3A_2121 = arith.muli %add3A_2118, %mul3A_2120 : vector<16xi32>
      %add3A_2122 = arith.constant 0 : i32
      %add3A_2123 = vector.broadcast %add3A_2122 : i32 to vector<16xi32>
      %add3A_2124 = arith.addi %mul3A_2121, %add3A_2123 : vector<16xi32>
      %gather3A_2125 = tpu.vector_load_idx %arg15[%add3A_2124] : memref<640xf32, #tpu.memory_space<vmem>>[vector<16xi32>], vector<16xf32>,
      %add3A_2126 = arith.addf %broadcast_in_dim3A_2109, %gather3A_2125 : vector<16xf32>
      %add3A_2127 = arith.constant 32 : i32
      %add3A_2128 = vector.broadcast %add3A_2127 : i32 to vector<16xi32>
      %add3A_2129 = arith.addi %add3A_2128, %select_n3A_17 : vector<16xi32>
      %mul3A_2130 = arith.constant 16 : i32
      %mul3A_2131 = vector.broadcast %mul3A_2130 : i32 to vector<16xi32>
      %mul3A_2132 = arith.muli %add3A_2129, %mul3A_2131 : vector<16xi32>
      %add3A_2133 = arith.constant 1 : i32
      %add3A_2134 = vector.broadcast %add3A_2133 : i32 to vector<16xi32>
      %add3A_2135 = arith.addi %mul3A_2132, %add3A_2134 : vector<16xi32>
      %gather3A_2136 = tpu.vector_load_idx %arg15[%add3A_2135] : memref<640xf32, #tpu.memory_space<vmem>>[vector<16xi32>], vector<16xf32>,
      %add3A_2137 = arith.addf %broadcast_in_dim3A_2111, %gather3A_2136 : vector<16xf32>
      %add3A_2138 = arith.constant 32 : i32
      %add3A_2139 = vector.broadcast %add3A_2138 : i32 to vector<16xi32>
      %add3A_2140 = arith.addi %add3A_2139, %select_n3A_17 : vector<16xi32>
      %mul3A_2141 = arith.constant 16 : i32
      %mul3A_2142 = vector.broadcast %mul3A_2141 : i32 to vector<16xi32>
      %mul3A_2143 = arith.muli %add3A_2140, %mul3A_2142 : vector<16xi32>
      %add3A_2144 = arith.constant 2 : i32
      %add3A_2145 = vector.broadcast %add3A_2144 : i32 to vector<16xi32>
      %add3A_2146 = arith.addi %mul3A_2143, %add3A_2145 : vector<16xi32>
      %gather3A_2147 = tpu.vector_load_idx %arg15[%add3A_2146] : memref<640xf32, #tpu.memory_space<vmem>>[vector<16xi32>], vector<16xf32>,
      %add3A_2148 = arith.addf %broadcast_in_dim3A_2113, %gather3A_2147 : vector<16xf32>
      %add3A_2149 = arith.constant 32 : i32
      %add3A_2150 = vector.broadcast %add3A_2149 : i32 to vector<16xi32>
      %add3A_2151 = arith.addi %add3A_2150, %select_n3A_17 : vector<16xi32>
      %mul3A_2152 = arith.constant 16 : i32
      %mul3A_2153 = vector.broadcast %mul3A_2152 : i32 to vector<16xi32>
      %mul3A_2154 = arith.muli %add3A_2151, %mul3A_2153 : vector<16xi32>
      %add3A_2155 = arith.constant 3 : i32
      %add3A_2156 = vector.broadcast %add3A_2155 : i32 to vector<16xi32>
      %add3A_2157 = arith.addi %mul3A_2154, %add3A_2156 : vector<16xi32>
      %gather3A_2158 = tpu.vector_load_idx %arg15[%add3A_2157] : memref<640xf32, #tpu.memory_space<vmem>>[vector<16xi32>], vector<16xf32>,
      %add3A_2159 = arith.addf %broadcast_in_dim3A_2115, %gather3A_2158 : vector<16xf32>
      %add3A_2160 = arith.constant 32 : i32
      %add3A_2161 = vector.broadcast %add3A_2160 : i32 to vector<16xi32>
      %add3A_2162 = arith.addi %add3A_2161, %select_n3A_17 : vector<16xi32>
      %mul3A_2163 = arith.constant 16 : i32
      %mul3A_2164 = vector.broadcast %mul3A_2163 : i32 to vector<16xi32>
      %mul3A_2165 = arith.muli %add3A_2162, %mul3A_2164 : vector<16xi32>
      %add3A_2166 = arith.constant 4 : i32
      %add3A_2167 = vector.broadcast %add3A_2166 : i32 to vector<16xi32>
      %add3A_2168 = arith.addi %mul3A_2165, %add3A_2167 : vector<16xi32>
      %gather3A_2169 = tpu.vector_load_idx %arg15[%add3A_2168] : memref<640xf32, #tpu.memory_space<vmem>>[vector<16xi32>], vector<16xf32>,
      %add3A_2170 = arith.addf %add3A_2126, %gather3A_2169 : vector<16xf32>
      %add3A_2171 = arith.constant 32 : i32
      %add3A_2172 = vector.broadcast %add3A_2171 : i32 to vector<16xi32>
      %add3A_2173 = arith.addi %add3A_2172, %select_n3A_17 : vector<16xi32>
      %mul3A_2174 = arith.constant 16 : i32
      %mul3A_2175 = vector.broadcast %mul3A_2174 : i32 to vector<16xi32>
      %mul3A_2176 = arith.muli %add3A_2173, %mul3A_2175 : vector<16xi32>
      %add3A_2177 = arith.constant 5 : i32
      %add3A_2178 = vector.broadcast %add3A_2177 : i32 to vector<16xi32>
      %add3A_2179 = arith.addi %mul3A_2176, %add3A_2178 : vector<16xi32>
      %gather3A_2180 = tpu.vector_load_idx %arg15[%add3A_2179] : memref<640xf32, #tpu.memory_space<vmem>>[vector<16xi32>], vector<16xf32>,
      %add3A_2181 = arith.addf %add3A_2137, %gather3A_2180 : vector<16xf32>
      %add3A_2182 = arith.constant 32 : i32
      %add3A_2183 = vector.broadcast %add3A_2182 : i32 to vector<16xi32>
      %add3A_2184 = arith.addi %add3A_2183, %select_n3A_17 : vector<16xi32>
      %mul3A_2185 = arith.constant 16 : i32
      %mul3A_2186 = vector.broadcast %mul3A_2185 : i32 to vector<16xi32>
      %mul3A_2187 = arith.muli %add3A_2184, %mul3A_2186 : vector<16xi32>
      %add3A_2188 = arith.constant 6 : i32
      %add3A_2189 = vector.broadcast %add3A_2188 : i32 to vector<16xi32>
      %add3A_2190 = arith.addi %mul3A_2187, %add3A_2189 : vector<16xi32>
      %gather3A_2191 = tpu.vector_load_idx %arg15[%add3A_2190] : memref<640xf32, #tpu.memory_space<vmem>>[vector<16xi32>], vector<16xf32>,
      %add3A_2192 = arith.addf %add3A_2148, %gather3A_2191 : vector<16xf32>
      %add3A_2193 = arith.constant 32 : i32
      %add3A_2194 = vector.broadcast %add3A_2193 : i32 to vector<16xi32>
      %add3A_2195 = arith.addi %add3A_2194, %select_n3A_17 : vector<16xi32>
      %mul3A_2196 = arith.constant 16 : i32
      %mul3A_2197 = vector.broadcast %mul3A_2196 : i32 to vector<16xi32>
      %mul3A_2198 = arith.muli %add3A_2195, %mul3A_2197 : vector<16xi32>
      %add3A_2199 = arith.constant 7 : i32
      %add3A_2200 = vector.broadcast %add3A_2199 : i32 to vector<16xi32>
      %add3A_2201 = arith.addi %mul3A_2198, %add3A_2200 : vector<16xi32>
      %gather3A_2202 = tpu.vector_load_idx %arg15[%add3A_2201] : memref<640xf32, #tpu.memory_space<vmem>>[vector<16xi32>], vector<16xf32>,
      %add3A_2203 = arith.addf %add3A_2159, %gather3A_2202 : vector<16xf32>
      %add3A_2204 = arith.constant 32 : i32
      %add3A_2205 = vector.broadcast %add3A_2204 : i32 to vector<16xi32>
      %add3A_2206 = arith.addi %add3A_2205, %select_n3A_17 : vector<16xi32>
      %mul3A_2207 = arith.constant 16 : i32
      %mul3A_2208 = vector.broadcast %mul3A_2207 : i32 to vector<16xi32>
      %mul3A_2209 = arith.muli %add3A_2206, %mul3A_2208 : vector<16xi32>
      %add3A_2210 = arith.constant 8 : i32
      %add3A_2211 = vector.broadcast %add3A_2210 : i32 to vector<16xi32>
      %add3A_2212 = arith.addi %mul3A_2209, %add3A_2211 : vector<16xi32>
      %gather3A_2213 = tpu.vector_load_idx %arg15[%add3A_2212] : memref<640xf32, #tpu.memory_space<vmem>>[vector<16xi32>], vector<16xf32>,
      %add3A_2214 = arith.addf %add3A_2170, %gather3A_2213 : vector<16xf32>
      %add3A_2215 = arith.constant 32 : i32
      %add3A_2216 = vector.broadcast %add3A_2215 : i32 to vector<16xi32>
      %add3A_2217 = arith.addi %add3A_2216, %select_n3A_17 : vector<16xi32>
      %mul3A_2218 = arith.constant 16 : i32
      %mul3A_2219 = vector.broadcast %mul3A_2218 : i32 to vector<16xi32>
      %mul3A_2220 = arith.muli %add3A_2217, %mul3A_2219 : vector<16xi32>
      %add3A_2221 = arith.constant 9 : i32
      %add3A_2222 = vector.broadcast %add3A_2221 : i32 to vector<16xi32>
      %add3A_2223 = arith.addi %mul3A_2220, %add3A_2222 : vector<16xi32>
      %gather3A_2224 = tpu.vector_load_idx %arg15[%add3A_2223] : memref<640xf32, #tpu.memory_space<vmem>>[vector<16xi32>], vector<16xf32>,
      %add3A_2225 = arith.addf %add3A_2181, %gather3A_2224 : vector<16xf32>
      %add3A_2226 = arith.constant 32 : i32
      %add3A_2227 = vector.broadcast %add3A_2226 : i32 to vector<16xi32>
      %add3A_2228 = arith.addi %add3A_2227, %select_n3A_17 : vector<16xi32>
      %mul3A_2229 = arith.constant 16 : i32
      %mul3A_2230 = vector.broadcast %mul3A_2229 : i32 to vector<16xi32>
      %mul3A_2231 = arith.muli %add3A_2228, %mul3A_2230 : vector<16xi32>
      %add3A_2232 = arith.constant 10 : i32
      %add3A_2233 = vector.broadcast %add3A_2232 : i32 to vector<16xi32>
      %add3A_2234 = arith.addi %mul3A_2231, %add3A_2233 : vector<16xi32>
      %gather3A_2235 = tpu.vector_load_idx %arg15[%add3A_2234] : memref<640xf32, #tpu.memory_space<vmem>>[vector<16xi32>], vector<16xf32>,
      %add3A_2236 = arith.addf %add3A_2192, %gather3A_2235 : vector<16xf32>
      %add3A_2237 = arith.constant 32 : i32
      %add3A_2238 = vector.broadcast %add3A_2237 : i32 to vector<16xi32>
      %add3A_2239 = arith.addi %add3A_2238, %select_n3A_17 : vector<16xi32>
      %mul3A_2240 = arith.constant 16 : i32
      %mul3A_2241 = vector.broadcast %mul3A_2240 : i32 to vector<16xi32>
      %mul3A_2242 = arith.muli %add3A_2239, %mul3A_2241 : vector<16xi32>
      %add3A_2243 = arith.constant 11 : i32
      %add3A_2244 = vector.broadcast %add3A_2243 : i32 to vector<16xi32>
      %add3A_2245 = arith.addi %mul3A_2242, %add3A_2244 : vector<16xi32>
      %gather3A_2246 = tpu.vector_load_idx %arg15[%add3A_2245] : memref<640xf32, #tpu.memory_space<vmem>>[vector<16xi32>], vector<16xf32>,
      %add3A_2247 = arith.addf %add3A_2203, %gather3A_2246 : vector<16xf32>
      %add3A_2248 = arith.constant 32 : i32
      %add3A_2249 = vector.broadcast %add3A_2248 : i32 to vector<16xi32>
      %add3A_2250 = arith.addi %add3A_2249, %select_n3A_17 : vector<16xi32>
      %mul3A_2251 = arith.constant 16 : i32
      %mul3A_2252 = vector.broadcast %mul3A_2251 : i32 to vector<16xi32>
      %mul3A_2253 = arith.muli %add3A_2250, %mul3A_2252 : vector<16xi32>
      %add3A_2254 = arith.constant 12 : i32
      %add3A_2255 = vector.broadcast %add3A_2254 : i32 to vector<16xi32>
      %add3A_2256 = arith.addi %mul3A_2253, %add3A_2255 : vector<16xi32>
      %gather3A_2257 = tpu.vector_load_idx %arg15[%add3A_2256] : memref<640xf32, #tpu.memory_space<vmem>>[vector<16xi32>], vector<16xf32>,
      %add3A_2258 = arith.addf %add3A_2214, %gather3A_2257 : vector<16xf32>
      %add3A_2259 = arith.constant 32 : i32
      %add3A_2260 = vector.broadcast %add3A_2259 : i32 to vector<16xi32>
      %add3A_2261 = arith.addi %add3A_2260, %select_n3A_17 : vector<16xi32>
      %mul3A_2262 = arith.constant 16 : i32
      %mul3A_2263 = vector.broadcast %mul3A_2262 : i32 to vector<16xi32>
      %mul3A_2264 = arith.muli %add3A_2261, %mul3A_2263 : vector<16xi32>
      %add3A_2265 = arith.constant 13 : i32
      %add3A_2266 = vector.broadcast %add3A_2265 : i32 to vector<16xi32>
      %add3A_2267 = arith.addi %mul3A_2264, %add3A_2266 : vector<16xi32>
      %gather3A_2268 = tpu.vector_load_idx %arg15[%add3A_2267] : memref<640xf32, #tpu.memory_space<vmem>>[vector<16xi32>], vector<16xf32>,
      %add3A_2269 = arith.addf %add3A_2225, %gather3A_2268 : vector<16xf32>
      %add3A_2270 = arith.constant 32 : i32
      %add3A_2271 = vector.broadcast %add3A_2270 : i32 to vector<16xi32>
      %add3A_2272 = arith.addi %add3A_2271, %select_n3A_17 : vector<16xi32>
      %mul3A_2273 = arith.constant 16 : i32
      %mul3A_2274 = vector.broadcast %mul3A_2273 : i32 to vector<16xi32>
      %mul3A_2275 = arith.muli %add3A_2272, %mul3A_2274 : vector<16xi32>
      %add3A_2276 = arith.constant 14 : i32
      %add3A_2277 = vector.broadcast %add3A_2276 : i32 to vector<16xi32>
      %add3A_2278 = arith.addi %mul3A_2275, %add3A_2277 : vector<16xi32>
      %gather3A_2279 = tpu.vector_load_idx %arg15[%add3A_2278] : memref<640xf32, #tpu.memory_space<vmem>>[vector<16xi32>], vector<16xf32>,
      %add3A_2280 = arith.addf %add3A_2236, %gather3A_2279 : vector<16xf32>
      %add3A_2281 = arith.constant 32 : i32
      %add3A_2282 = vector.broadcast %add3A_2281 : i32 to vector<16xi32>
      %add3A_2283 = arith.addi %add3A_2282, %select_n3A_17 : vector<16xi32>
      %mul3A_2284 = arith.constant 16 : i32
      %mul3A_2285 = vector.broadcast %mul3A_2284 : i32 to vector<16xi32>
      %mul3A_2286 = arith.muli %add3A_2283, %mul3A_2285 : vector<16xi32>
      %add3A_2287 = arith.constant 15 : i32
      %add3A_2288 = vector.broadcast %add3A_2287 : i32 to vector<16xi32>
      %add3A_2289 = arith.addi %mul3A_2286, %add3A_2288 : vector<16xi32>
      %gather3A_2290 = tpu.vector_load_idx %arg15[%add3A_2289] : memref<640xf32, #tpu.memory_space<vmem>>[vector<16xi32>], vector<16xf32>,
      %add3A_2291 = arith.addf %add3A_2247, %gather3A_2290 : vector<16xf32>
      %add3A_2292 = arith.addf %add3A_2258, %add3A_2269 : vector<16xf32>
      %add3A_2293 = arith.addf %add3A_2280, %add3A_2291 : vector<16xf32>
      %add3A_2294 = arith.addf %add3A_2292, %add3A_2293 : vector<16xf32>
      %broadcast_in_dim3A_2295 = arith.constant 0.000000e+00 : f32
      %broadcast_in_dim3A_2296 = vector.broadcast %broadcast_in_dim3A_2295 : f32 to vector<16xf32>
      %broadcast_in_dim3A_2297 = arith.constant 0.000000e+00 : f32
      %broadcast_in_dim3A_2298 = vector.broadcast %broadcast_in_dim3A_2297 : f32 to vector<16xf32>
      %broadcast_in_dim3A_2299 = arith.constant 0.000000e+00 : f32
      %broadcast_in_dim3A_2300 = vector.broadcast %broadcast_in_dim3A_2299 : f32 to vector<16xf32>
      %broadcast_in_dim3A_2301 = arith.constant 0.000000e+00 : f32
      %broadcast_in_dim3A_2302 = vector.broadcast %broadcast_in_dim3A_2301 : f32 to vector<16xf32>
      %add3A_2303 = arith.constant 32 : i32
      %add3A_2304 = vector.broadcast %add3A_2303 : i32 to vector<16xi32>
      %add3A_2305 = arith.addi %add3A_2304, %select_n3A_17 : vector<16xi32>
      %mul3A_2306 = arith.constant 16 : i32
      %mul3A_2307 = vector.broadcast %mul3A_2306 : i32 to vector<16xi32>
      %mul3A_2308 = arith.muli %add3A_2305, %mul3A_2307 : vector<16xi32>
      %add3A_2309 = arith.constant 0 : i32
      %add3A_2310 = vector.broadcast %add3A_2309 : i32 to vector<16xi32>
      %add3A_2311 = arith.addi %mul3A_2308, %add3A_2310 : vector<16xi32>
      %gather3A_2312 = tpu.vector_load_idx %arg16[%add3A_2311] : memref<640xf32, #tpu.memory_space<vmem>>[vector<16xi32>], vector<16xf32>,
      %add3A_2313 = arith.addf %broadcast_in_dim3A_2296, %gather3A_2312 : vector<16xf32>
      %add3A_2314 = arith.constant 32 : i32
      %add3A_2315 = vector.broadcast %add3A_2314 : i32 to vector<16xi32>
      %add3A_2316 = arith.addi %add3A_2315, %select_n3A_17 : vector<16xi32>
      %mul3A_2317 = arith.constant 16 : i32
      %mul3A_2318 = vector.broadcast %mul3A_2317 : i32 to vector<16xi32>
      %mul3A_2319 = arith.muli %add3A_2316, %mul3A_2318 : vector<16xi32>
      %add3A_2320 = arith.constant 1 : i32
      %add3A_2321 = vector.broadcast %add3A_2320 : i32 to vector<16xi32>
      %add3A_2322 = arith.addi %mul3A_2319, %add3A_2321 : vector<16xi32>
      %gather3A_2323 = tpu.vector_load_idx %arg16[%add3A_2322] : memref<640xf32, #tpu.memory_space<vmem>>[vector<16xi32>], vector<16xf32>,
      %add3A_2324 = arith.addf %broadcast_in_dim3A_2298, %gather3A_2323 : vector<16xf32>
      %add3A_2325 = arith.constant 32 : i32
      %add3A_2326 = vector.broadcast %add3A_2325 : i32 to vector<16xi32>
      %add3A_2327 = arith.addi %add3A_2326, %select_n3A_17 : vector<16xi32>
      %mul3A_2328 = arith.constant 16 : i32
      %mul3A_2329 = vector.broadcast %mul3A_2328 : i32 to vector<16xi32>
      %mul3A_2330 = arith.muli %add3A_2327, %mul3A_2329 : vector<16xi32>
      %add3A_2331 = arith.constant 2 : i32
      %add3A_2332 = vector.broadcast %add3A_2331 : i32 to vector<16xi32>
      %add3A_2333 = arith.addi %mul3A_2330, %add3A_2332 : vector<16xi32>
      %gather3A_2334 = tpu.vector_load_idx %arg16[%add3A_2333] : memref<640xf32, #tpu.memory_space<vmem>>[vector<16xi32>], vector<16xf32>,
      %add3A_2335 = arith.addf %broadcast_in_dim3A_2300, %gather3A_2334 : vector<16xf32>
      %add3A_2336 = arith.constant 32 : i32
      %add3A_2337 = vector.broadcast %add3A_2336 : i32 to vector<16xi32>
      %add3A_2338 = arith.addi %add3A_2337, %select_n3A_17 : vector<16xi32>
      %mul3A_2339 = arith.constant 16 : i32
      %mul3A_2340 = vector.broadcast %mul3A_2339 : i32 to vector<16xi32>
      %mul3A_2341 = arith.muli %add3A_2338, %mul3A_2340 : vector<16xi32>
      %add3A_2342 = arith.constant 3 : i32
      %add3A_2343 = vector.broadcast %add3A_2342 : i32 to vector<16xi32>
      %add3A_2344 = arith.addi %mul3A_2341, %add3A_2343 : vector<16xi32>
      %gather3A_2345 = tpu.vector_load_idx %arg16[%add3A_2344] : memref<640xf32, #tpu.memory_space<vmem>>[vector<16xi32>], vector<16xf32>,
      %add3A_2346 = arith.addf %broadcast_in_dim3A_2302, %gather3A_2345 : vector<16xf32>
      %add3A_2347 = arith.constant 32 : i32
      %add3A_2348 = vector.broadcast %add3A_2347 : i32 to vector<16xi32>
      %add3A_2349 = arith.addi %add3A_2348, %select_n3A_17 : vector<16xi32>
      %mul3A_2350 = arith.constant 16 : i32
      %mul3A_2351 = vector.broadcast %mul3A_2350 : i32 to vector<16xi32>
      %mul3A_2352 = arith.muli %add3A_2349, %mul3A_2351 : vector<16xi32>
      %add3A_2353 = arith.constant 4 : i32
      %add3A_2354 = vector.broadcast %add3A_2353 : i32 to vector<16xi32>
      %add3A_2355 = arith.addi %mul3A_2352, %add3A_2354 : vector<16xi32>
      %gather3A_2356 = tpu.vector_load_idx %arg16[%add3A_2355] : memref<640xf32, #tpu.memory_space<vmem>>[vector<16xi32>], vector<16xf32>,
      %add3A_2357 = arith.addf %add3A_2313, %gather3A_2356 : vector<16xf32>
      %add3A_2358 = arith.constant 32 : i32
      %add3A_2359 = vector.broadcast %add3A_2358 : i32 to vector<16xi32>
      %add3A_2360 = arith.addi %add3A_2359, %select_n3A_17 : vector<16xi32>
      %mul3A_2361 = arith.constant 16 : i32
      %mul3A_2362 = vector.broadcast %mul3A_2361 : i32 to vector<16xi32>
      %mul3A_2363 = arith.muli %add3A_2360, %mul3A_2362 : vector<16xi32>
      %add3A_2364 = arith.constant 5 : i32
      %add3A_2365 = vector.broadcast %add3A_2364 : i32 to vector<16xi32>
      %add3A_2366 = arith.addi %mul3A_2363, %add3A_2365 : vector<16xi32>
      %gather3A_2367 = tpu.vector_load_idx %arg16[%add3A_2366] : memref<640xf32, #tpu.memory_space<vmem>>[vector<16xi32>], vector<16xf32>,
      %add3A_2368 = arith.addf %add3A_2324, %gather3A_2367 : vector<16xf32>
      %add3A_2369 = arith.constant 32 : i32
      %add3A_2370 = vector.broadcast %add3A_2369 : i32 to vector<16xi32>
      %add3A_2371 = arith.addi %add3A_2370, %select_n3A_17 : vector<16xi32>
      %mul3A_2372 = arith.constant 16 : i32
      %mul3A_2373 = vector.broadcast %mul3A_2372 : i32 to vector<16xi32>
      %mul3A_2374 = arith.muli %add3A_2371, %mul3A_2373 : vector<16xi32>
      %add3A_2375 = arith.constant 6 : i32
      %add3A_2376 = vector.broadcast %add3A_2375 : i32 to vector<16xi32>
      %add3A_2377 = arith.addi %mul3A_2374, %add3A_2376 : vector<16xi32>
      %gather3A_2378 = tpu.vector_load_idx %arg16[%add3A_2377] : memref<640xf32, #tpu.memory_space<vmem>>[vector<16xi32>], vector<16xf32>,
      %add3A_2379 = arith.addf %add3A_2335, %gather3A_2378 : vector<16xf32>
      %add3A_2380 = arith.constant 32 : i32
      %add3A_2381 = vector.broadcast %add3A_2380 : i32 to vector<16xi32>
      %add3A_2382 = arith.addi %add3A_2381, %select_n3A_17 : vector<16xi32>
      %mul3A_2383 = arith.constant 16 : i32
      %mul3A_2384 = vector.broadcast %mul3A_2383 : i32 to vector<16xi32>
      %mul3A_2385 = arith.muli %add3A_2382, %mul3A_2384 : vector<16xi32>
      %add3A_2386 = arith.constant 7 : i32
      %add3A_2387 = vector.broadcast %add3A_2386 : i32 to vector<16xi32>
      %add3A_2388 = arith.addi %mul3A_2385, %add3A_2387 : vector<16xi32>
      %gather3A_2389 = tpu.vector_load_idx %arg16[%add3A_2388] : memref<640xf32, #tpu.memory_space<vmem>>[vector<16xi32>], vector<16xf32>,
      %add3A_2390 = arith.addf %add3A_2346, %gather3A_2389 : vector<16xf32>
      %add3A_2391 = arith.constant 32 : i32
      %add3A_2392 = vector.broadcast %add3A_2391 : i32 to vector<16xi32>
      %add3A_2393 = arith.addi %add3A_2392, %select_n3A_17 : vector<16xi32>
      %mul3A_2394 = arith.constant 16 : i32
      %mul3A_2395 = vector.broadcast %mul3A_2394 : i32 to vector<16xi32>
      %mul3A_2396 = arith.muli %add3A_2393, %mul3A_2395 : vector<16xi32>
      %add3A_2397 = arith.constant 8 : i32
      %add3A_2398 = vector.broadcast %add3A_2397 : i32 to vector<16xi32>
      %add3A_2399 = arith.addi %mul3A_2396, %add3A_2398 : vector<16xi32>
      %gather3A_2400 = tpu.vector_load_idx %arg16[%add3A_2399] : memref<640xf32, #tpu.memory_space<vmem>>[vector<16xi32>], vector<16xf32>,
      %add3A_2401 = arith.addf %add3A_2357, %gather3A_2400 : vector<16xf32>
      %add3A_2402 = arith.constant 32 : i32
      %add3A_2403 = vector.broadcast %add3A_2402 : i32 to vector<16xi32>
      %add3A_2404 = arith.addi %add3A_2403, %select_n3A_17 : vector<16xi32>
      %mul3A_2405 = arith.constant 16 : i32
      %mul3A_2406 = vector.broadcast %mul3A_2405 : i32 to vector<16xi32>
      %mul3A_2407 = arith.muli %add3A_2404, %mul3A_2406 : vector<16xi32>
      %add3A_2408 = arith.constant 9 : i32
      %add3A_2409 = vector.broadcast %add3A_2408 : i32 to vector<16xi32>
      %add3A_2410 = arith.addi %mul3A_2407, %add3A_2409 : vector<16xi32>
      %gather3A_2411 = tpu.vector_load_idx %arg16[%add3A_2410] : memref<640xf32, #tpu.memory_space<vmem>>[vector<16xi32>], vector<16xf32>,
      %add3A_2412 = arith.addf %add3A_2368, %gather3A_2411 : vector<16xf32>
      %add3A_2413 = arith.constant 32 : i32
      %add3A_2414 = vector.broadcast %add3A_2413 : i32 to vector<16xi32>
      %add3A_2415 = arith.addi %add3A_2414, %select_n3A_17 : vector<16xi32>
      %mul3A_2416 = arith.constant 16 : i32
      %mul3A_2417 = vector.broadcast %mul3A_2416 : i32 to vector<16xi32>
      %mul3A_2418 = arith.muli %add3A_2415, %mul3A_2417 : vector<16xi32>
      %add3A_2419 = arith.constant 10 : i32
      %add3A_2420 = vector.broadcast %add3A_2419 : i32 to vector<16xi32>
      %add3A_2421 = arith.addi %mul3A_2418, %add3A_2420 : vector<16xi32>
      %gather3A_2422 = tpu.vector_load_idx %arg16[%add3A_2421] : memref<640xf32, #tpu.memory_space<vmem>>[vector<16xi32>], vector<16xf32>,
      %add3A_2423 = arith.addf %add3A_2379, %gather3A_2422 : vector<16xf32>
      %add3A_2424 = arith.constant 32 : i32
      %add3A_2425 = vector.broadcast %add3A_2424 : i32 to vector<16xi32>
      %add3A_2426 = arith.addi %add3A_2425, %select_n3A_17 : vector<16xi32>
      %mul3A_2427 = arith.constant 16 : i32
      %mul3A_2428 = vector.broadcast %mul3A_2427 : i32 to vector<16xi32>
      %mul3A_2429 = arith.muli %add3A_2426, %mul3A_2428 : vector<16xi32>
      %add3A_2430 = arith.constant 11 : i32
      %add3A_2431 = vector.broadcast %add3A_2430 : i32 to vector<16xi32>
      %add3A_2432 = arith.addi %mul3A_2429, %add3A_2431 : vector<16xi32>
      %gather3A_2433 = tpu.vector_load_idx %arg16[%add3A_2432] : memref<640xf32, #tpu.memory_space<vmem>>[vector<16xi32>], vector<16xf32>,
      %add3A_2434 = arith.addf %add3A_2390, %gather3A_2433 : vector<16xf32>
      %add3A_2435 = arith.constant 32 : i32
      %add3A_2436 = vector.broadcast %add3A_2435 : i32 to vector<16xi32>
      %add3A_2437 = arith.addi %add3A_2436, %select_n3A_17 : vector<16xi32>
      %mul3A_2438 = arith.constant 16 : i32
      %mul3A_2439 = vector.broadcast %mul3A_2438 : i32 to vector<16xi32>
      %mul3A_2440 = arith.muli %add3A_2437, %mul3A_2439 : vector<16xi32>
      %add3A_2441 = arith.constant 12 : i32
      %add3A_2442 = vector.broadcast %add3A_2441 : i32 to vector<16xi32>
      %add3A_2443 = arith.addi %mul3A_2440, %add3A_2442 : vector<16xi32>
      %gather3A_2444 = tpu.vector_load_idx %arg16[%add3A_2443] : memref<640xf32, #tpu.memory_space<vmem>>[vector<16xi32>], vector<16xf32>,
      %add3A_2445 = arith.addf %add3A_2401, %gather3A_2444 : vector<16xf32>
      %add3A_2446 = arith.constant 32 : i32
      %add3A_2447 = vector.broadcast %add3A_2446 : i32 to vector<16xi32>
      %add3A_2448 = arith.addi %add3A_2447, %select_n3A_17 : vector<16xi32>
      %mul3A_2449 = arith.constant 16 : i32
      %mul3A_2450 = vector.broadcast %mul3A_2449 : i32 to vector<16xi32>
      %mul3A_2451 = arith.muli %add3A_2448, %mul3A_2450 : vector<16xi32>
      %add3A_2452 = arith.constant 13 : i32
      %add3A_2453 = vector.broadcast %add3A_2452 : i32 to vector<16xi32>
      %add3A_2454 = arith.addi %mul3A_2451, %add3A_2453 : vector<16xi32>
      %gather3A_2455 = tpu.vector_load_idx %arg16[%add3A_2454] : memref<640xf32, #tpu.memory_space<vmem>>[vector<16xi32>], vector<16xf32>,
      %add3A_2456 = arith.addf %add3A_2412, %gather3A_2455 : vector<16xf32>
      %add3A_2457 = arith.constant 32 : i32
      %add3A_2458 = vector.broadcast %add3A_2457 : i32 to vector<16xi32>
      %add3A_2459 = arith.addi %add3A_2458, %select_n3A_17 : vector<16xi32>
      %mul3A_2460 = arith.constant 16 : i32
      %mul3A_2461 = vector.broadcast %mul3A_2460 : i32 to vector<16xi32>
      %mul3A_2462 = arith.muli %add3A_2459, %mul3A_2461 : vector<16xi32>
      %add3A_2463 = arith.constant 14 : i32
      %add3A_2464 = vector.broadcast %add3A_2463 : i32 to vector<16xi32>
      %add3A_2465 = arith.addi %mul3A_2462, %add3A_2464 : vector<16xi32>
      %gather3A_2466 = tpu.vector_load_idx %arg16[%add3A_2465] : memref<640xf32, #tpu.memory_space<vmem>>[vector<16xi32>], vector<16xf32>,
      %add3A_2467 = arith.addf %add3A_2423, %gather3A_2466 : vector<16xf32>
      %add3A_2468 = arith.constant 32 : i32
      %add3A_2469 = vector.broadcast %add3A_2468 : i32 to vector<16xi32>
      %add3A_2470 = arith.addi %add3A_2469, %select_n3A_17 : vector<16xi32>
      %mul3A_2471 = arith.constant 16 : i32
      %mul3A_2472 = vector.broadcast %mul3A_2471 : i32 to vector<16xi32>
      %mul3A_2473 = arith.muli %add3A_2470, %mul3A_2472 : vector<16xi32>
      %add3A_2474 = arith.constant 15 : i32
      %add3A_2475 = vector.broadcast %add3A_2474 : i32 to vector<16xi32>
      %add3A_2476 = arith.addi %mul3A_2473, %add3A_2475 : vector<16xi32>
      %gather3A_2477 = tpu.vector_load_idx %arg16[%add3A_2476] : memref<640xf32, #tpu.memory_space<vmem>>[vector<16xi32>], vector<16xf32>,
      %add3A_2478 = arith.addf %add3A_2434, %gather3A_2477 : vector<16xf32>
      %add3A_2479 = arith.addf %add3A_2445, %add3A_2456 : vector<16xf32>
      %add3A_2480 = arith.addf %add3A_2467, %add3A_2478 : vector<16xf32>
      %add3A_2481 = arith.addf %add3A_2479, %add3A_2480 : vector<16xf32>
      %mul3A_2482 = arith.mulf %add3A_2294, %gather3A_2106 : vector<16xf32>
      %bitcast_convert_type3A_2483 = tpu.bitcast %add3A_2481 : vector<16xf32> -> vector<16xi32>
      %shift_right_arithmetic3A_2484 = arith.constant 1 : i32
      %shift_right_arithmetic3A_2485 = vector.broadcast %shift_right_arithmetic3A_2484 : i32 to vector<16xi32>
      %shift_right_arithmetic3A_2486 = arith.shrsi %bitcast_convert_type3A_2483, %shift_right_arithmetic3A_2485 : vector<16xi32>
      %sub3A_2487 = arith.constant 1597463007 : i32
      %sub3A_2488 = vector.broadcast %sub3A_2487 : i32 to vector<16xi32>
      %sub3A_2489 = arith.subi %sub3A_2488, %shift_right_arithmetic3A_2486 : vector<16xi32>
      %bitcast_convert_type3A_2490 = tpu.bitcast %sub3A_2489 : vector<16xi32> -> vector<16xf32>
      %mul3A_2491 = arith.constant 5.000000e-01 : f32
      %mul3A_2492 = vector.broadcast %mul3A_2491 : f32 to vector<16xf32>
      %mul3A_2493 = arith.mulf %mul3A_2492, %add3A_2481 : vector<16xf32>
      %mul3A_2494 = arith.mulf %mul3A_2493, %bitcast_convert_type3A_2490 : vector<16xf32>
      %mul3A_2495 = arith.mulf %mul3A_2494, %bitcast_convert_type3A_2490 : vector<16xf32>
      %sub3A_2496 = arith.constant 1.500000e+00 : f32
      %sub3A_2497 = vector.broadcast %sub3A_2496 : f32 to vector<16xf32>
      %sub3A_2498 = arith.subf %sub3A_2497, %mul3A_2495 : vector<16xf32>
      %mul3A_2499 = arith.mulf %bitcast_convert_type3A_2490, %sub3A_2498 : vector<16xf32>
      %mul3A_2500 = arith.constant 5.000000e-01 : f32
      %mul3A_2501 = vector.broadcast %mul3A_2500 : f32 to vector<16xf32>
      %mul3A_2502 = arith.mulf %mul3A_2501, %add3A_2481 : vector<16xf32>
      %mul3A_2503 = arith.mulf %mul3A_2502, %mul3A_2499 : vector<16xf32>
      %mul3A_2504 = arith.mulf %mul3A_2503, %mul3A_2499 : vector<16xf32>
      %sub3A_2505 = arith.constant 1.500000e+00 : f32
      %sub3A_2506 = vector.broadcast %sub3A_2505 : f32 to vector<16xf32>
      %sub3A_2507 = arith.subf %sub3A_2506, %mul3A_2504 : vector<16xf32>
      %mul3A_2508 = arith.mulf %mul3A_2499, %sub3A_2507 : vector<16xf32>
      %mul3A_2509 = arith.constant 5.000000e-01 : f32
      %mul3A_2510 = vector.broadcast %mul3A_2509 : f32 to vector<16xf32>
      %mul3A_2511 = arith.mulf %mul3A_2510, %add3A_2481 : vector<16xf32>
      %mul3A_2512 = arith.mulf %mul3A_2511, %mul3A_2508 : vector<16xf32>
      %mul3A_2513 = arith.mulf %mul3A_2512, %mul3A_2508 : vector<16xf32>
      %sub3A_2514 = arith.constant 1.500000e+00 : f32
      %sub3A_2515 = vector.broadcast %sub3A_2514 : f32 to vector<16xf32>
      %sub3A_2516 = arith.subf %sub3A_2515, %mul3A_2513 : vector<16xf32>
      %mul3A_2517 = arith.mulf %mul3A_2508, %sub3A_2516 : vector<16xf32>
      %lt3A_2518 = arith.constant 1.000000e-16 : f32
      %lt3A_2519 = vector.broadcast %lt3A_2518 : f32 to vector<16xf32>
      %lt3A_2520 = arith.cmpf olt, %add3A_2481, %lt3A_2519 : vector<16xf32>
      %jit3A_2521 = arith.constant 1.000000e+08 : f32
      %broadcast_in_dim3A_2522 = vector.broadcast %jit3A_2521 : f32 to vector<16xf32>
      %select_n3A_2523 = arith.select %lt3A_2520, %broadcast_in_dim3A_2522, %mul3A_2517 : vector<16xi1>, vector<16xf32>
      %mul3A_2524 = arith.mulf %mul3A_2482, %select_n3A_2523 : vector<16xf32>
      %mul3A_2525 = arith.mulf %mul3A_2524, %select_n3A_393 : vector<16xf32>
      %gt3A_2526 = arith.constant 0.000000e+00 : f32
      %gt3A_2527 = vector.broadcast %gt3A_2526 : f32 to vector<16xf32>
      %gt3A_2528 = arith.cmpf ogt, %add3A_2107, %gt3A_2527 : vector<16xf32>
      %max3A = arith.maximumf %mul3A_821, %mul3A_1247 : vector<16xf32>
      %max3A_2529 = arith.maximumf %max3A, %mul3A_1673 : vector<16xf32>
      %max3A_2530 = arith.maximumf %max3A_2529, %mul3A_2099 : vector<16xf32>
      %max3A_2531 = arith.maximumf %max3A_2530, %mul3A_2525 : vector<16xf32>
      %broadcast_in_dim3A_2532 = arith.constant false
      %broadcast_in_dim3A_2533 = vector.broadcast %broadcast_in_dim3A_2532 : i1 to vector<16xi1>
      %broadcast_in_dim3A_2534 = arith.constant 0 : i32
      %broadcast_in_dim3A_2535 = vector.broadcast %broadcast_in_dim3A_2534 : i32 to vector<16xi32>
      %eq3A_2536 = arith.cmpf oeq, %mul3A_821, %max3A_2531 : vector<16xf32>
      %not3A = arith.constant dense<true> : vector<16xi1>
      %not3A_2537 = arith.xori %broadcast_in_dim3A_2533, %not3A : vector<16xi1>
      %and3A_2538 = arith.andi %eq3A_2536, %not3A_2537 : vector<16xi1>
      %or3A = arith.ori %broadcast_in_dim3A_2533, %and3A_2538 : vector<16xi1>
      %jit3A_2539 = arith.constant 0 : i32
      %broadcast_in_dim3A_2540 = vector.broadcast %jit3A_2539 : i32 to vector<16xi32>
      %select_n3A_2541 = arith.select %and3A_2538, %broadcast_in_dim3A_2540, %broadcast_in_dim3A_2535 : vector<16xi1>, vector<16xi32>
      %jit3A_2542 = arith.constant -1.000000e+30 : f32
      %broadcast_in_dim3A_2543 = vector.broadcast %jit3A_2542 : f32 to vector<16xf32>
      %select_n3A_2544 = arith.select %and3A_2538, %broadcast_in_dim3A_2543, %mul3A_821 : vector<16xi1>, vector<16xf32>
      %eq3A_2545 = arith.cmpf oeq, %mul3A_1247, %max3A_2531 : vector<16xf32>
      %not3A_2546 = arith.constant dense<true> : vector<16xi1>
      %not3A_2547 = arith.xori %or3A, %not3A_2546 : vector<16xi1>
      %and3A_2548 = arith.andi %eq3A_2545, %not3A_2547 : vector<16xi1>
      %or3A_2549 = arith.ori %or3A, %and3A_2548 : vector<16xi1>
      %jit3A_2550 = arith.constant 1 : i32
      %broadcast_in_dim3A_2551 = vector.broadcast %jit3A_2550 : i32 to vector<16xi32>
      %select_n3A_2552 = arith.select %and3A_2548, %broadcast_in_dim3A_2551, %select_n3A_2541 : vector<16xi1>, vector<16xi32>
      %jit3A_2553 = arith.constant -1.000000e+30 : f32
      %broadcast_in_dim3A_2554 = vector.broadcast %jit3A_2553 : f32 to vector<16xf32>
      %select_n3A_2555 = arith.select %and3A_2548, %broadcast_in_dim3A_2554, %mul3A_1247 : vector<16xi1>, vector<16xf32>
      %eq3A_2556 = arith.cmpf oeq, %mul3A_1673, %max3A_2531 : vector<16xf32>
      %not3A_2557 = arith.constant dense<true> : vector<16xi1>
      %not3A_2558 = arith.xori %or3A_2549, %not3A_2557 : vector<16xi1>
      %and3A_2559 = arith.andi %eq3A_2556, %not3A_2558 : vector<16xi1>
      %or3A_2560 = arith.ori %or3A_2549, %and3A_2559 : vector<16xi1>
      %jit3A_2561 = arith.constant 2 : i32
      %broadcast_in_dim3A_2562 = vector.broadcast %jit3A_2561 : i32 to vector<16xi32>
      %select_n3A_2563 = arith.select %and3A_2559, %broadcast_in_dim3A_2562, %select_n3A_2552 : vector<16xi1>, vector<16xi32>
      %jit3A_2564 = arith.constant -1.000000e+30 : f32
      %broadcast_in_dim3A_2565 = vector.broadcast %jit3A_2564 : f32 to vector<16xf32>
      %select_n3A_2566 = arith.select %and3A_2559, %broadcast_in_dim3A_2565, %mul3A_1673 : vector<16xi1>, vector<16xf32>
      %eq3A_2567 = arith.cmpf oeq, %mul3A_2099, %max3A_2531 : vector<16xf32>
      %not3A_2568 = arith.constant dense<true> : vector<16xi1>
      %not3A_2569 = arith.xori %or3A_2560, %not3A_2568 : vector<16xi1>
      %and3A_2570 = arith.andi %eq3A_2567, %not3A_2569 : vector<16xi1>
      %or3A_2571 = arith.ori %or3A_2560, %and3A_2570 : vector<16xi1>
      %jit3A_2572 = arith.constant 3 : i32
      %broadcast_in_dim3A_2573 = vector.broadcast %jit3A_2572 : i32 to vector<16xi32>
      %select_n3A_2574 = arith.select %and3A_2570, %broadcast_in_dim3A_2573, %select_n3A_2563 : vector<16xi1>, vector<16xi32>
      %jit3A_2575 = arith.constant -1.000000e+30 : f32
      %broadcast_in_dim3A_2576 = vector.broadcast %jit3A_2575 : f32 to vector<16xf32>
      %select_n3A_2577 = arith.select %and3A_2570, %broadcast_in_dim3A_2576, %mul3A_2099 : vector<16xi1>, vector<16xf32>
      %eq3A_2578 = arith.cmpf oeq, %mul3A_2525, %max3A_2531 : vector<16xf32>
      %not3A_2579 = arith.constant dense<true> : vector<16xi1>
      %not3A_2580 = arith.xori %or3A_2571, %not3A_2579 : vector<16xi1>
      %and3A_2581 = arith.andi %eq3A_2578, %not3A_2580 : vector<16xi1>
      %or3A_2582 = arith.ori %or3A_2571, %and3A_2581 : vector<16xi1>
      %jit3A_2583 = arith.constant 4 : i32
      %broadcast_in_dim3A_2584 = vector.broadcast %jit3A_2583 : i32 to vector<16xi32>
      %select_n3A_2585 = arith.select %and3A_2581, %broadcast_in_dim3A_2584, %select_n3A_2574 : vector<16xi1>, vector<16xi32>
      %jit3A_2586 = arith.constant -1.000000e+30 : f32
      %broadcast_in_dim3A_2587 = vector.broadcast %jit3A_2586 : f32 to vector<16xf32>
      %select_n3A_2588 = arith.select %and3A_2581, %broadcast_in_dim3A_2587, %mul3A_2525 : vector<16xi1>, vector<16xf32>
      %swap3A = arith.constant 0 : index
      %swap3A_2589 = tpu.vector_load %arg18[%swap3A] {strides = array<i32>} : memref<48xi32, #tpu.memory_space<vmem>>, vector<16xi32>,
      tpu.vector_store %arg18[%swap3A], %select_n3A_2585 {strides = array<i32>} : memref<48xi32, #tpu.memory_space<vmem>>, vector<16xi32>,
      %max3A_2590 = arith.maximumf %select_n3A_2544, %select_n3A_2555 : vector<16xf32>
      %max3A_2591 = arith.maximumf %max3A_2590, %select_n3A_2566 : vector<16xf32>
      %max3A_2592 = arith.maximumf %max3A_2591, %select_n3A_2577 : vector<16xf32>
      %max3A_2593 = arith.maximumf %max3A_2592, %select_n3A_2588 : vector<16xf32>
      %broadcast_in_dim3A_2594 = arith.constant false
      %broadcast_in_dim3A_2595 = vector.broadcast %broadcast_in_dim3A_2594 : i1 to vector<16xi1>
      %broadcast_in_dim3A_2596 = arith.constant 0 : i32
      %broadcast_in_dim3A_2597 = vector.broadcast %broadcast_in_dim3A_2596 : i32 to vector<16xi32>
      %eq3A_2598 = arith.cmpf oeq, %select_n3A_2544, %max3A_2593 : vector<16xf32>
      %not3A_2599 = arith.constant dense<true> : vector<16xi1>
      %not3A_2600 = arith.xori %broadcast_in_dim3A_2595, %not3A_2599 : vector<16xi1>
      %and3A_2601 = arith.andi %eq3A_2598, %not3A_2600 : vector<16xi1>
      %or3A_2602 = arith.ori %broadcast_in_dim3A_2595, %and3A_2601 : vector<16xi1>
      %jit3A_2603 = arith.constant 0 : i32
      %broadcast_in_dim3A_2604 = vector.broadcast %jit3A_2603 : i32 to vector<16xi32>
      %select_n3A_2605 = arith.select %and3A_2601, %broadcast_in_dim3A_2604, %broadcast_in_dim3A_2597 : vector<16xi1>, vector<16xi32>
      %jit3A_2606 = arith.constant -1.000000e+30 : f32
      %broadcast_in_dim3A_2607 = vector.broadcast %jit3A_2606 : f32 to vector<16xf32>
      %select_n3A_2608 = arith.select %and3A_2601, %broadcast_in_dim3A_2607, %select_n3A_2544 : vector<16xi1>, vector<16xf32>
      %eq3A_2609 = arith.cmpf oeq, %select_n3A_2555, %max3A_2593 : vector<16xf32>
      %not3A_2610 = arith.constant dense<true> : vector<16xi1>
      %not3A_2611 = arith.xori %or3A_2602, %not3A_2610 : vector<16xi1>
      %and3A_2612 = arith.andi %eq3A_2609, %not3A_2611 : vector<16xi1>
      %or3A_2613 = arith.ori %or3A_2602, %and3A_2612 : vector<16xi1>
      %jit3A_2614 = arith.constant 1 : i32
      %broadcast_in_dim3A_2615 = vector.broadcast %jit3A_2614 : i32 to vector<16xi32>
      %select_n3A_2616 = arith.select %and3A_2612, %broadcast_in_dim3A_2615, %select_n3A_2605 : vector<16xi1>, vector<16xi32>
      %jit3A_2617 = arith.constant -1.000000e+30 : f32
      %broadcast_in_dim3A_2618 = vector.broadcast %jit3A_2617 : f32 to vector<16xf32>
      %select_n3A_2619 = arith.select %and3A_2612, %broadcast_in_dim3A_2618, %select_n3A_2555 : vector<16xi1>, vector<16xf32>
      %eq3A_2620 = arith.cmpf oeq, %select_n3A_2566, %max3A_2593 : vector<16xf32>
      %not3A_2621 = arith.constant dense<true> : vector<16xi1>
      %not3A_2622 = arith.xori %or3A_2613, %not3A_2621 : vector<16xi1>
      %and3A_2623 = arith.andi %eq3A_2620, %not3A_2622 : vector<16xi1>
      %or3A_2624 = arith.ori %or3A_2613, %and3A_2623 : vector<16xi1>
      %jit3A_2625 = arith.constant 2 : i32
      %broadcast_in_dim3A_2626 = vector.broadcast %jit3A_2625 : i32 to vector<16xi32>
      %select_n3A_2627 = arith.select %and3A_2623, %broadcast_in_dim3A_2626, %select_n3A_2616 : vector<16xi1>, vector<16xi32>
      %jit3A_2628 = arith.constant -1.000000e+30 : f32
      %broadcast_in_dim3A_2629 = vector.broadcast %jit3A_2628 : f32 to vector<16xf32>
      %select_n3A_2630 = arith.select %and3A_2623, %broadcast_in_dim3A_2629, %select_n3A_2566 : vector<16xi1>, vector<16xf32>
      %eq3A_2631 = arith.cmpf oeq, %select_n3A_2577, %max3A_2593 : vector<16xf32>
      %not3A_2632 = arith.constant dense<true> : vector<16xi1>
      %not3A_2633 = arith.xori %or3A_2624, %not3A_2632 : vector<16xi1>
      %and3A_2634 = arith.andi %eq3A_2631, %not3A_2633 : vector<16xi1>
      %or3A_2635 = arith.ori %or3A_2624, %and3A_2634 : vector<16xi1>
      %jit3A_2636 = arith.constant 3 : i32
      %broadcast_in_dim3A_2637 = vector.broadcast %jit3A_2636 : i32 to vector<16xi32>
      %select_n3A_2638 = arith.select %and3A_2634, %broadcast_in_dim3A_2637, %select_n3A_2627 : vector<16xi1>, vector<16xi32>
      %jit3A_2639 = arith.constant -1.000000e+30 : f32
      %broadcast_in_dim3A_2640 = vector.broadcast %jit3A_2639 : f32 to vector<16xf32>
      %select_n3A_2641 = arith.select %and3A_2634, %broadcast_in_dim3A_2640, %select_n3A_2577 : vector<16xi1>, vector<16xf32>
      %eq3A_2642 = arith.cmpf oeq, %select_n3A_2588, %max3A_2593 : vector<16xf32>
      %not3A_2643 = arith.constant dense<true> : vector<16xi1>
      %not3A_2644 = arith.xori %or3A_2635, %not3A_2643 : vector<16xi1>
      %and3A_2645 = arith.andi %eq3A_2642, %not3A_2644 : vector<16xi1>
      %or3A_2646 = arith.ori %or3A_2635, %and3A_2645 : vector<16xi1>
      %jit3A_2647 = arith.constant 4 : i32
      %broadcast_in_dim3A_2648 = vector.broadcast %jit3A_2647 : i32 to vector<16xi32>
      %select_n3A_2649 = arith.select %and3A_2645, %broadcast_in_dim3A_2648, %select_n3A_2638 : vector<16xi1>, vector<16xi32>
      %jit3A_2650 = arith.constant -1.000000e+30 : f32
      %broadcast_in_dim3A_2651 = vector.broadcast %jit3A_2650 : f32 to vector<16xf32>
      %select_n3A_2652 = arith.select %and3A_2645, %broadcast_in_dim3A_2651, %select_n3A_2588 : vector<16xi1>, vector<16xf32>
      %swap3A_2653 = arith.constant 16 : index
      %swap3A_2654 = tpu.vector_load %arg18[%swap3A_2653] {strides = array<i32>} : memref<48xi32, #tpu.memory_space<vmem>>, vector<16xi32>,
      tpu.vector_store %arg18[%swap3A_2653], %select_n3A_2649 {strides = array<i32>} : memref<48xi32, #tpu.memory_space<vmem>>, vector<16xi32>,
      %max3A_2655 = arith.maximumf %select_n3A_2608, %select_n3A_2619 : vector<16xf32>
      %max3A_2656 = arith.maximumf %max3A_2655, %select_n3A_2630 : vector<16xf32>
      %max3A_2657 = arith.maximumf %max3A_2656, %select_n3A_2641 : vector<16xf32>
      %max3A_2658 = arith.maximumf %max3A_2657, %select_n3A_2652 : vector<16xf32>
      %broadcast_in_dim3A_2659 = arith.constant false
      %broadcast_in_dim3A_2660 = vector.broadcast %broadcast_in_dim3A_2659 : i1 to vector<16xi1>
      %broadcast_in_dim3A_2661 = arith.constant 0 : i32
      %broadcast_in_dim3A_2662 = vector.broadcast %broadcast_in_dim3A_2661 : i32 to vector<16xi32>
      %eq3A_2663 = arith.cmpf oeq, %select_n3A_2608, %max3A_2658 : vector<16xf32>
      %not3A_2664 = arith.constant dense<true> : vector<16xi1>
      %not3A_2665 = arith.xori %broadcast_in_dim3A_2660, %not3A_2664 : vector<16xi1>
      %and3A_2666 = arith.andi %eq3A_2663, %not3A_2665 : vector<16xi1>
      %or3A_2667 = arith.ori %broadcast_in_dim3A_2660, %and3A_2666 : vector<16xi1>
      %jit3A_2668 = arith.constant 0 : i32
      %broadcast_in_dim3A_2669 = vector.broadcast %jit3A_2668 : i32 to vector<16xi32>
      %select_n3A_2670 = arith.select %and3A_2666, %broadcast_in_dim3A_2669, %broadcast_in_dim3A_2662 : vector<16xi1>, vector<16xi32>
      %jit3A_2671 = arith.constant -1.000000e+30 : f32
      %broadcast_in_dim3A_2672 = vector.broadcast %jit3A_2671 : f32 to vector<16xf32>
      %select_n3A_2673 = arith.select %and3A_2666, %broadcast_in_dim3A_2672, %select_n3A_2608 : vector<16xi1>, vector<16xf32>
      %eq3A_2674 = arith.cmpf oeq, %select_n3A_2619, %max3A_2658 : vector<16xf32>
      %not3A_2675 = arith.constant dense<true> : vector<16xi1>
      %not3A_2676 = arith.xori %or3A_2667, %not3A_2675 : vector<16xi1>
      %and3A_2677 = arith.andi %eq3A_2674, %not3A_2676 : vector<16xi1>
      %or3A_2678 = arith.ori %or3A_2667, %and3A_2677 : vector<16xi1>
      %jit3A_2679 = arith.constant 1 : i32
      %broadcast_in_dim3A_2680 = vector.broadcast %jit3A_2679 : i32 to vector<16xi32>
      %select_n3A_2681 = arith.select %and3A_2677, %broadcast_in_dim3A_2680, %select_n3A_2670 : vector<16xi1>, vector<16xi32>
      %jit3A_2682 = arith.constant -1.000000e+30 : f32
      %broadcast_in_dim3A_2683 = vector.broadcast %jit3A_2682 : f32 to vector<16xf32>
      %select_n3A_2684 = arith.select %and3A_2677, %broadcast_in_dim3A_2683, %select_n3A_2619 : vector<16xi1>, vector<16xf32>
      %eq3A_2685 = arith.cmpf oeq, %select_n3A_2630, %max3A_2658 : vector<16xf32>
      %not3A_2686 = arith.constant dense<true> : vector<16xi1>
      %not3A_2687 = arith.xori %or3A_2678, %not3A_2686 : vector<16xi1>
      %and3A_2688 = arith.andi %eq3A_2685, %not3A_2687 : vector<16xi1>
      %or3A_2689 = arith.ori %or3A_2678, %and3A_2688 : vector<16xi1>
      %jit3A_2690 = arith.constant 2 : i32
      %broadcast_in_dim3A_2691 = vector.broadcast %jit3A_2690 : i32 to vector<16xi32>
      %select_n3A_2692 = arith.select %and3A_2688, %broadcast_in_dim3A_2691, %select_n3A_2681 : vector<16xi1>, vector<16xi32>
      %jit3A_2693 = arith.constant -1.000000e+30 : f32
      %broadcast_in_dim3A_2694 = vector.broadcast %jit3A_2693 : f32 to vector<16xf32>
      %select_n3A_2695 = arith.select %and3A_2688, %broadcast_in_dim3A_2694, %select_n3A_2630 : vector<16xi1>, vector<16xf32>
      %eq3A_2696 = arith.cmpf oeq, %select_n3A_2641, %max3A_2658 : vector<16xf32>
      %not3A_2697 = arith.constant dense<true> : vector<16xi1>
      %not3A_2698 = arith.xori %or3A_2689, %not3A_2697 : vector<16xi1>
      %and3A_2699 = arith.andi %eq3A_2696, %not3A_2698 : vector<16xi1>
      %or3A_2700 = arith.ori %or3A_2689, %and3A_2699 : vector<16xi1>
      %jit3A_2701 = arith.constant 3 : i32
      %broadcast_in_dim3A_2702 = vector.broadcast %jit3A_2701 : i32 to vector<16xi32>
      %select_n3A_2703 = arith.select %and3A_2699, %broadcast_in_dim3A_2702, %select_n3A_2692 : vector<16xi1>, vector<16xi32>
      %jit3A_2704 = arith.constant -1.000000e+30 : f32
      %broadcast_in_dim3A_2705 = vector.broadcast %jit3A_2704 : f32 to vector<16xf32>
      %select_n3A_2706 = arith.select %and3A_2699, %broadcast_in_dim3A_2705, %select_n3A_2641 : vector<16xi1>, vector<16xf32>
      %eq3A_2707 = arith.cmpf oeq, %select_n3A_2652, %max3A_2658 : vector<16xf32>
      %not3A_2708 = arith.constant dense<true> : vector<16xi1>
      %not3A_2709 = arith.xori %or3A_2700, %not3A_2708 : vector<16xi1>
      %and3A_2710 = arith.andi %eq3A_2707, %not3A_2709 : vector<16xi1>
      %or3A_2711 = arith.ori %or3A_2700, %and3A_2710 : vector<16xi1>
      %jit3A_2712 = arith.constant 4 : i32
      %broadcast_in_dim3A_2713 = vector.broadcast %jit3A_2712 : i32 to vector<16xi32>
      %select_n3A_2714 = arith.select %and3A_2710, %broadcast_in_dim3A_2713, %select_n3A_2703 : vector<16xi1>, vector<16xi32>
      %jit3A_2715 = arith.constant -1.000000e+30 : f32
      %broadcast_in_dim3A_2716 = vector.broadcast %jit3A_2715 : f32 to vector<16xf32>
      %select_n3A_2717 = arith.select %and3A_2710, %broadcast_in_dim3A_2716, %select_n3A_2652 : vector<16xi1>, vector<16xf32>
      %swap3A_2718 = arith.constant 32 : index
      %swap3A_2719 = tpu.vector_load %arg18[%swap3A_2718] {strides = array<i32>} : memref<48xi32, #tpu.memory_space<vmem>>, vector<16xi32>,
      tpu.vector_store %arg18[%swap3A_2718], %select_n3A_2714 {strides = array<i32>} : memref<48xi32, #tpu.memory_space<vmem>>, vector<16xi32>,
      %add3A_2720 = arith.constant 0 : i32
      %add3A_2721 = vector.broadcast %add3A_2720 : i32 to vector<16xi32>
      %add3A_2722 = arith.addi %add3A_2721, %iota3A : vector<16xi32>
      %jit3A_2723 = arith.constant 8 : i32
      %div3A_2724 = vector.broadcast %jit3A_2723 : i32 to vector<16xi32>
      %div3A_2725 = arith.divsi %add3A_2722, %div3A_2724 : vector<16xi32>
      %sign3A_2726 = arith.constant 0 : i32
      %sign3A_2727 = vector.broadcast %sign3A_2726 : i32 to vector<16xi32>
      %sign3A_2728 = arith.cmpi sgt, %add3A_2722, %sign3A_2727 : vector<16xi32>
      %sign3A_2729 = arith.extui %sign3A_2728 : vector<16xi1> to vector<16xi32>
      %sign3A_2730 = arith.constant 0 : i32
      %sign3A_2731 = vector.broadcast %sign3A_2730 : i32 to vector<16xi32>
      %sign3A_2732 = arith.cmpi slt, %add3A_2722, %sign3A_2731 : vector<16xi32>
      %sign3A_2733 = arith.extui %sign3A_2732 : vector<16xi1> to vector<16xi32>
      %sign3A_2734 = arith.subi %sign3A_2729, %sign3A_2733 : vector<16xi32>
      %sign3A_2735 = arith.constant 0 : i32
      %sign3A_2736 = arith.cmpi sgt, %jit3A_2723, %sign3A_2735 : i32
      %sign3A_2737 = arith.extui %sign3A_2736 : i1 to i32
      %sign3A_2738 = arith.constant 0 : i32
      %sign3A_2739 = arith.cmpi slt, %jit3A_2723, %sign3A_2738 : i32
      %sign3A_2740 = arith.extui %sign3A_2739 : i1 to i32
      %sign3A_2741 = arith.subi %sign3A_2737, %sign3A_2740 : i32
      %ne3A_2742 = vector.broadcast %sign3A_2741 : i32 to vector<16xi32>
      %ne3A_2743 = arith.cmpi ne, %sign3A_2734, %ne3A_2742 : vector<16xi32>
      %rem3A_2744 = vector.broadcast %jit3A_2723 : i32 to vector<16xi32>
      %rem3A_2745 = arith.remsi %add3A_2722, %rem3A_2744 : vector<16xi32>
      %ne3A_2746 = arith.constant 0 : i32
      %ne3A_2747 = vector.broadcast %ne3A_2746 : i32 to vector<16xi32>
      %ne3A_2748 = arith.cmpi ne, %rem3A_2745, %ne3A_2747 : vector<16xi32>
      %and3A_2749 = arith.andi %ne3A_2743, %ne3A_2748 : vector<16xi1>
      %sub3A_2750 = arith.constant 1 : i32
      %sub3A_2751 = vector.broadcast %sub3A_2750 : i32 to vector<16xi32>
      %sub3A_2752 = arith.subi %div3A_2725, %sub3A_2751 : vector<16xi32>
      %select_n3A_2753 = arith.select %and3A_2749, %sub3A_2752, %div3A_2725 : vector<16xi1>, vector<16xi32>
      %mul3A_2754 = arith.constant 16 : i32
      %mul3A_2755 = vector.broadcast %mul3A_2754 : i32 to vector<16xi32>
      %mul3A_2756 = arith.muli %select_n3A_2753, %mul3A_2755 : vector<16xi32>
      %add3A_2757 = arith.addi %mul3A_2756, %select_n3A_17 : vector<16xi32>
      %gather3A_2758 = tpu.vector_load_idx %arg18[%add3A_2757] : memref<48xi32, #tpu.memory_space<vmem>>[vector<16xi32>], vector<16xi32>,
      %mul3A_2759 = arith.constant 1000 : i32
      %mul3A_2760 = vector.broadcast %mul3A_2759 : i32 to vector<16xi32>
      %mul3A_2761 = arith.muli %gather3A_2758, %mul3A_2760 : vector<16xi32>
      %add3A_2762 = arith.addi %gather3A, %mul3A_2761 : vector<16xi32>
      tpu.vector_store_idx %arg14[%add3A_2722], %add3A_2762 masked %lt3A_20 : memref<24xi32, #tpu.memory_space<vmem>>[vector<16xi32>], vector<16xi32>, vector<16xi1>
      %add3A_2763 = arith.constant 16 : i32
      %add3A_2764 = vector.broadcast %add3A_2763 : i32 to vector<16xi32>
      %add3A_2765 = arith.addi %add3A_2764, %iota3A : vector<16xi32>
      %jit3A_2766 = arith.constant 8 : i32
      %div3A_2767 = vector.broadcast %jit3A_2766 : i32 to vector<16xi32>
      %div3A_2768 = arith.divsi %add3A_2765, %div3A_2767 : vector<16xi32>
      %sign3A_2769 = arith.constant 0 : i32
      %sign3A_2770 = vector.broadcast %sign3A_2769 : i32 to vector<16xi32>
      %sign3A_2771 = arith.cmpi sgt, %add3A_2765, %sign3A_2770 : vector<16xi32>
      %sign3A_2772 = arith.extui %sign3A_2771 : vector<16xi1> to vector<16xi32>
      %sign3A_2773 = arith.constant 0 : i32
      %sign3A_2774 = vector.broadcast %sign3A_2773 : i32 to vector<16xi32>
      %sign3A_2775 = arith.cmpi slt, %add3A_2765, %sign3A_2774 : vector<16xi32>
      %sign3A_2776 = arith.extui %sign3A_2775 : vector<16xi1> to vector<16xi32>
      %sign3A_2777 = arith.subi %sign3A_2772, %sign3A_2776 : vector<16xi32>
      %sign3A_2778 = arith.constant 0 : i32
      %sign3A_2779 = arith.cmpi sgt, %jit3A_2766, %sign3A_2778 : i32
      %sign3A_2780 = arith.extui %sign3A_2779 : i1 to i32
      %sign3A_2781 = arith.constant 0 : i32
      %sign3A_2782 = arith.cmpi slt, %jit3A_2766, %sign3A_2781 : i32
      %sign3A_2783 = arith.extui %sign3A_2782 : i1 to i32
      %sign3A_2784 = arith.subi %sign3A_2780, %sign3A_2783 : i32
      %ne3A_2785 = vector.broadcast %sign3A_2784 : i32 to vector<16xi32>
      %ne3A_2786 = arith.cmpi ne, %sign3A_2777, %ne3A_2785 : vector<16xi32>
      %rem3A_2787 = vector.broadcast %jit3A_2766 : i32 to vector<16xi32>
      %rem3A_2788 = arith.remsi %add3A_2765, %rem3A_2787 : vector<16xi32>
      %ne3A_2789 = arith.constant 0 : i32
      %ne3A_2790 = vector.broadcast %ne3A_2789 : i32 to vector<16xi32>
      %ne3A_2791 = arith.cmpi ne, %rem3A_2788, %ne3A_2790 : vector<16xi32>
      %and3A_2792 = arith.andi %ne3A_2786, %ne3A_2791 : vector<16xi1>
      %sub3A_2793 = arith.constant 1 : i32
      %sub3A_2794 = vector.broadcast %sub3A_2793 : i32 to vector<16xi32>
      %sub3A_2795 = arith.subi %div3A_2768, %sub3A_2794 : vector<16xi32>
      %select_n3A_2796 = arith.select %and3A_2792, %sub3A_2795, %div3A_2768 : vector<16xi1>, vector<16xi32>
      %mul3A_2797 = arith.constant 16 : i32
      %mul3A_2798 = vector.broadcast %mul3A_2797 : i32 to vector<16xi32>
      %mul3A_2799 = arith.muli %select_n3A_2796, %mul3A_2798 : vector<16xi32>
      %add3A_2800 = arith.addi %mul3A_2799, %select_n3A_17 : vector<16xi32>
      %gather3A_2801 = tpu.vector_load_idx %arg18[%add3A_2800] : memref<48xi32, #tpu.memory_space<vmem>>[vector<16xi32>], vector<16xi32>,
      %mul3A_2802 = arith.constant 1000 : i32
      %mul3A_2803 = vector.broadcast %mul3A_2802 : i32 to vector<16xi32>
      %mul3A_2804 = arith.muli %gather3A_2801, %mul3A_2803 : vector<16xi32>
      %add3A_2805 = arith.addi %gather3A, %mul3A_2804 : vector<16xi32>
      tpu.vector_store_idx %arg14[%add3A_2765], %add3A_2805 masked %lt3A_23 : memref<24xi32, #tpu.memory_space<vmem>>[vector<16xi32>], vector<16xi32>, vector<16xi1>
      %dma_start3A_2806 = arith.constant 0 : i32
      %dma_start3A_2807 = arith.constant 0 : i32
      %dma_start3A_2808 = tpu.memref_slice %arg12[%dma_start3A_2806, %dma_start3A_2807] : memref<40x2048xf32, #tpu.memory_space<vmem>> -> memref<24x2048xf32, #tpu.memory_space<vmem>>
      %dma_start3A_2809 = arith.constant 0 : i32
      %dma_start3A_2810 = arith.constant 0 : i32
      %dma_start3A_2811 = tpu.memref_slice %arg3[%dma_start3A_2809, %dma_start3A_2810] : memref<5000x2048xf32, #tpu.memory_space<hbm>> -> memref<5000x2048xf32, #tpu.memory_space<hbm>>
      tpu.enqueue_indirect_dma source(%dma_start3A_2811 : memref<5000x2048xf32, #tpu.memory_space<hbm>>) target(%dma_start3A_2808 : memref<24x2048xf32, #tpu.memory_space<vmem>>) offsets(%arg14 : memref<24xi32, #tpu.memory_space<vmem>>) semaphore(%arg21 : memref<!tpu.dma_semaphore, #tpu.memory_space<semaphore_mem>>)
      %sub3A_2812 = arith.subf %max3A_2531, %max3A_2531 : vector<16xf32>
      %div3A_2813 = arith.constant 1.000000e-01 : f32
      %div3A_2814 = vector.broadcast %div3A_2813 : f32 to vector<16xf32>
      %div3A_2815 = arith.divf %sub3A_2812, %div3A_2814 : vector<16xf32>
      %exp3A = math.exp %div3A_2815 : vector<16xf32>
      %sub3A_2816 = arith.subf %max3A_2593, %max3A_2531 : vector<16xf32>
      %div3A_2817 = arith.constant 1.000000e-01 : f32
      %div3A_2818 = vector.broadcast %div3A_2817 : f32 to vector<16xf32>
      %div3A_2819 = arith.divf %sub3A_2816, %div3A_2818 : vector<16xf32>
      %exp3A_2820 = math.exp %div3A_2819 : vector<16xf32>
      %sub3A_2821 = arith.subf %max3A_2658, %max3A_2531 : vector<16xf32>
      %div3A_2822 = arith.constant 1.000000e-01 : f32
      %div3A_2823 = vector.broadcast %div3A_2822 : f32 to vector<16xf32>
      %div3A_2824 = arith.divf %sub3A_2821, %div3A_2823 : vector<16xf32>
      %exp3A_2825 = math.exp %div3A_2824 : vector<16xf32>
      %add3A_2826 = arith.addf %exp3A, %exp3A_2820 : vector<16xf32>
      %add3A_2827 = arith.addf %add3A_2826, %exp3A_2825 : vector<16xf32>
      %div3A_2828 = arith.divf %exp3A, %add3A_2827 : vector<16xf32>
      %jit3A_2829 = arith.constant 0.000000e+00 : f32
      %broadcast_in_dim3A_2830 = vector.broadcast %jit3A_2829 : f32 to vector<16xf32>
      %select_n3A_2831 = arith.select %gt3A_2528, %div3A_2828, %broadcast_in_dim3A_2830 : vector<16xi1>, vector<16xf32>
      %swap3A_2832 = arith.constant 0 : index
      %swap3A_2833 = tpu.vector_load %arg19[%swap3A_2832] {strides = array<i32>} : memref<48xf32, #tpu.memory_space<vmem>>, vector<16xf32>,
      tpu.vector_store %arg19[%swap3A_2832], %select_n3A_2831 {strides = array<i32>} : memref<48xf32, #tpu.memory_space<vmem>>, vector<16xf32>,
      %div3A_2834 = arith.divf %exp3A_2820, %add3A_2827 : vector<16xf32>
      %jit3A_2835 = arith.constant 0.000000e+00 : f32
      %broadcast_in_dim3A_2836 = vector.broadcast %jit3A_2835 : f32 to vector<16xf32>
      %select_n3A_2837 = arith.select %gt3A_2528, %div3A_2834, %broadcast_in_dim3A_2836 : vector<16xi1>, vector<16xf32>
      %swap3A_2838 = arith.constant 16 : index
      %swap3A_2839 = tpu.vector_load %arg19[%swap3A_2838] {strides = array<i32>} : memref<48xf32, #tpu.memory_space<vmem>>, vector<16xf32>,
      tpu.vector_store %arg19[%swap3A_2838], %select_n3A_2837 {strides = array<i32>} : memref<48xf32, #tpu.memory_space<vmem>>, vector<16xf32>,
      %div3A_2840 = arith.divf %exp3A_2825, %add3A_2827 : vector<16xf32>
      %jit3A_2841 = arith.constant 0.000000e+00 : f32
      %broadcast_in_dim3A_2842 = vector.broadcast %jit3A_2841 : f32 to vector<16xf32>
      %select_n3A_2843 = arith.select %gt3A_2528, %div3A_2840, %broadcast_in_dim3A_2842 : vector<16xi1>, vector<16xf32>
      %swap3A_2844 = arith.constant 32 : index
      %swap3A_2845 = tpu.vector_load %arg19[%swap3A_2844] {strides = array<i32>} : memref<48xf32, #tpu.memory_space<vmem>>, vector<16xf32>,
      tpu.vector_store %arg19[%swap3A_2844], %select_n3A_2843 {strides = array<i32>} : memref<48xf32, #tpu.memory_space<vmem>>, vector<16xf32>,
      %add3A_2846 = arith.addf %max3A_2531, %max3A_2593 : vector<16xf32>
      %add3A_2847 = arith.addf %add3A_2846, %max3A_2658 : vector<16xf32>
      %div3A_2848 = arith.constant 3.000000e+00 : f32
      %div3A_2849 = vector.broadcast %div3A_2848 : f32 to vector<16xf32>
      %div3A_2850 = arith.divf %add3A_2847, %div3A_2849 : vector<16xf32>
      %jit3A_2851 = arith.constant 0.000000e+00 : f32
      %broadcast_in_dim3A_2852 = vector.broadcast %jit3A_2851 : f32 to vector<16xf32>
      %select_n3A_2853 = arith.select %gt3A_2528, %div3A_2850, %broadcast_in_dim3A_2852 : vector<16xi1>, vector<16xf32>
      %add3A_2854 = vector.broadcast %mul3A_39 : i32 to vector<16xi32>
      %add3A_2855 = arith.addi %add3A_2854, %iota3A : vector<16xi32>
      tpu.vector_store_idx %arg20[%add3A_2855], %select_n3A_2853 masked %lt3A_23 : memref<128xf32, #tpu.memory_space<vmem>>[vector<16xi32>], vector<16xf32>, vector<16xi1>
      %dma_wait3A_2856 = arith.constant 0 : i32
      %dma_wait3A_2857 = arith.constant 0 : i32
      %dma_wait3A_2858 = tpu.memref_slice %arg12[%dma_wait3A_2856, %dma_wait3A_2857] : memref<40x2048xf32, #tpu.memory_space<vmem>> -> memref<24x2048xf32, #tpu.memory_space<vmem>>
      %dma_wait3A_2859 = arith.constant 0 : i32
      %dma_wait3A_2860 = arith.constant 0 : i32
      %dma_wait3A_2861 = tpu.memref_slice %arg3[%dma_wait3A_2859, %dma_wait3A_2860] : memref<5000x2048xf32, #tpu.memory_space<hbm>> -> memref<5000x2048xf32, #tpu.memory_space<hbm>>
      tpu.wait_indirect_dma semaphore(%arg21 : memref<!tpu.dma_semaphore, #tpu.memory_space<semaphore_mem>>) src(%dma_wait3A_2861 : memref<5000x2048xf32, #tpu.memory_space<hbm>>) dst(%dma_wait3A_2858 : memref<24x2048xf32, #tpu.memory_space<vmem>>)
      %scan3A_2862 = arith.constant 0 : i32
      %scan3A_2863 = arith.constant 0 : i32
      %scan3A_2864 = arith.constant 8 : i32
      %scan3A_2865 = arith.addi %scan3A_2863, %scan3A_2864 : i32
      %scan3A_2866 = arith.constant 1 : i32
      %scan3A_2867 = scf.for %scan3A_2874 = %scan3A_2863 to %scan3A_2865 step %scan3A_2866 iter_args(%scan3A_2875 = %scan3A_2862) -> (i32)  : i32 {
        %broadcast_in_dim3A_2876 = arith.constant 0 : i32
        %broadcast_in_dim3A_2877 = vector.broadcast %broadcast_in_dim3A_2876 : i32 to vector<16xi32>
        %add3A_2878 = vector.broadcast %scan3A_2874 : i32 to vector<16xi32>
        %add3A_2879 = arith.addi %broadcast_in_dim3A_2877, %add3A_2878 : vector<16xi32>
        %gather3A_2880 = tpu.vector_load_idx %arg19[%add3A_2879] : memref<48xf32, #tpu.memory_space<vmem>>[vector<16xi32>], vector<16xf32>,
        %broadcast_in_dim3A_2881 = arith.constant 16 : i32
        %broadcast_in_dim3A_2882 = vector.broadcast %broadcast_in_dim3A_2881 : i32 to vector<16xi32>
        %add3A_2883 = vector.broadcast %scan3A_2874 : i32 to vector<16xi32>
        %add3A_2884 = arith.addi %broadcast_in_dim3A_2882, %add3A_2883 : vector<16xi32>
        %gather3A_2885 = tpu.vector_load_idx %arg19[%add3A_2884] : memref<48xf32, #tpu.memory_space<vmem>>[vector<16xi32>], vector<16xf32>,
        %broadcast_in_dim3A_2886 = arith.constant 32 : i32
        %broadcast_in_dim3A_2887 = vector.broadcast %broadcast_in_dim3A_2886 : i32 to vector<16xi32>
        %add3A_2888 = vector.broadcast %scan3A_2874 : i32 to vector<16xi32>
        %add3A_2889 = arith.addi %broadcast_in_dim3A_2887, %add3A_2888 : vector<16xi32>
        %gather3A_2890 = tpu.vector_load_idx %arg19[%add3A_2889] : memref<48xf32, #tpu.memory_space<vmem>>[vector<16xi32>], vector<16xf32>,
        %scan3A_2891 = arith.constant 0 : i32
        %scan3A_2892 = arith.constant 0 : i32
        %scan3A_2893 = arith.constant 128 : i32
        %scan3A_2894 = arith.addi %scan3A_2892, %scan3A_2893 : i32
        %scan3A_2895 = arith.constant 4 : i32
        %scan3A_2896 = scf.for %scan3A_2899 = %scan3A_2892 to %scan3A_2894 step %scan3A_2895 iter_args(%scan3A_2900 = %scan3A_2891) -> (i32)  : i32 {
          %mul3A_2901 = arith.constant 16 : i32
          %mul3A_2902 = arith.muli %scan3A_2899, %mul3A_2901 : i32
          %get3A = arith.index_cast %scan3A_2874 : i32 to index
          %get3A_2903 = arith.index_cast %mul3A_2902 : i32 to index
          %get3A_2904 = tpu.vector_load %arg12[%get3A, %get3A_2903] {strides = array<i32>} : memref<40x2048xf32, #tpu.memory_space<vmem>>, vector<16xf32>,
          %mul3A_2905 = arith.mulf %get3A_2904, %gather3A_2880 : vector<16xf32>
          %add3A_2906 = arith.constant 8 : i32
          %add3A_2907 = arith.addi %add3A_2906, %scan3A_2874 : i32
          %get3A_2908 = arith.index_cast %add3A_2907 : i32 to index
          %get3A_2909 = arith.index_cast %mul3A_2902 : i32 to index
          %get3A_2910 = tpu.vector_load %arg12[%get3A_2908, %get3A_2909] {strides = array<i32>} : memref<40x2048xf32, #tpu.memory_space<vmem>>, vector<16xf32>,
          %mul3A_2911 = arith.mulf %get3A_2910, %gather3A_2885 : vector<16xf32>
          %add3A_2912 = arith.addf %mul3A_2905, %mul3A_2911 : vector<16xf32>
          %add3A_2913 = arith.constant 16 : i32
          %add3A_2914 = arith.addi %add3A_2913, %scan3A_2874 : i32
          %get3A_2915 = arith.index_cast %add3A_2914 : i32 to index
          %get3A_2916 = arith.index_cast %mul3A_2902 : i32 to index
          %get3A_2917 = tpu.vector_load %arg12[%get3A_2915, %get3A_2916] {strides = array<i32>} : memref<40x2048xf32, #tpu.memory_space<vmem>>, vector<16xf32>,
          %mul3A_2918 = arith.mulf %get3A_2917, %gather3A_2890 : vector<16xf32>
          %add3A_2919 = arith.addf %add3A_2912, %mul3A_2918 : vector<16xf32>
          %swap3A_2920 = arith.index_cast %scan3A_2874 : i32 to index
          %swap3A_2921 = arith.index_cast %mul3A_2902 : i32 to index
          %swap3A_2922 = tpu.vector_load %arg11[%swap3A_2920, %swap3A_2921] {strides = array<i32>} : memref<8x2048xf32, #tpu.memory_space<vmem>>, vector<16xf32>,
          tpu.vector_store %arg11[%swap3A_2920, %swap3A_2921], %add3A_2919 {strides = array<i32>} : memref<8x2048xf32, #tpu.memory_space<vmem>>, vector<16xf32>,
          %scan3A_2923 = arith.constant 0 : i32
          %scan3A_2924 = arith.constant 1 : i32
          %scan3A_2925 = arith.addi %scan3A_2899, %scan3A_2924 : i32
          %mul3A_2926 = arith.constant 16 : i32
          %mul3A_2927 = arith.muli %scan3A_2925, %mul3A_2926 : i32
          %get3A_2928 = arith.index_cast %scan3A_2874 : i32 to index
          %get3A_2929 = arith.index_cast %mul3A_2927 : i32 to index
          %get3A_2930 = tpu.vector_load %arg12[%get3A_2928, %get3A_2929] {strides = array<i32>} : memref<40x2048xf32, #tpu.memory_space<vmem>>, vector<16xf32>,
          %mul3A_2931 = arith.mulf %get3A_2930, %gather3A_2880 : vector<16xf32>
          %add3A_2932 = arith.constant 8 : i32
          %add3A_2933 = arith.addi %add3A_2932, %scan3A_2874 : i32
          %get3A_2934 = arith.index_cast %add3A_2933 : i32 to index
          %get3A_2935 = arith.index_cast %mul3A_2927 : i32 to index
          %get3A_2936 = tpu.vector_load %arg12[%get3A_2934, %get3A_2935] {strides = array<i32>} : memref<40x2048xf32, #tpu.memory_space<vmem>>, vector<16xf32>,
          %mul3A_2937 = arith.mulf %get3A_2936, %gather3A_2885 : vector<16xf32>
          %add3A_2938 = arith.addf %mul3A_2931, %mul3A_2937 : vector<16xf32>
          %add3A_2939 = arith.constant 16 : i32
          %add3A_2940 = arith.addi %add3A_2939, %scan3A_2874 : i32
          %get3A_2941 = arith.index_cast %add3A_2940 : i32 to index
          %get3A_2942 = arith.index_cast %mul3A_2927 : i32 to index
          %get3A_2943 = tpu.vector_load %arg12[%get3A_2941, %get3A_2942] {strides = array<i32>} : memref<40x2048xf32, #tpu.memory_space<vmem>>, vector<16xf32>,
          %mul3A_2944 = arith.mulf %get3A_2943, %gather3A_2890 : vector<16xf32>
          %add3A_2945 = arith.addf %add3A_2938, %mul3A_2944 : vector<16xf32>
          %swap3A_2946 = arith.index_cast %scan3A_2874 : i32 to index
          %swap3A_2947 = arith.index_cast %mul3A_2927 : i32 to index
          %swap3A_2948 = tpu.vector_load %arg11[%swap3A_2946, %swap3A_2947] {strides = array<i32>} : memref<8x2048xf32, #tpu.memory_space<vmem>>, vector<16xf32>,
          tpu.vector_store %arg11[%swap3A_2946, %swap3A_2947], %add3A_2945 {strides = array<i32>} : memref<8x2048xf32, #tpu.memory_space<vmem>>, vector<16xf32>,
          %scan3A_2949 = arith.constant 0 : i32
          %scan3A_2950 = arith.constant 2 : i32
          %scan3A_2951 = arith.addi %scan3A_2899, %scan3A_2950 : i32
          %mul3A_2952 = arith.constant 16 : i32
          %mul3A_2953 = arith.muli %scan3A_2951, %mul3A_2952 : i32
          %get3A_2954 = arith.index_cast %scan3A_2874 : i32 to index
          %get3A_2955 = arith.index_cast %mul3A_2953 : i32 to index
          %get3A_2956 = tpu.vector_load %arg12[%get3A_2954, %get3A_2955] {strides = array<i32>} : memref<40x2048xf32, #tpu.memory_space<vmem>>, vector<16xf32>,
          %mul3A_2957 = arith.mulf %get3A_2956, %gather3A_2880 : vector<16xf32>
          %add3A_2958 = arith.constant 8 : i32
          %add3A_2959 = arith.addi %add3A_2958, %scan3A_2874 : i32
          %get3A_2960 = arith.index_cast %add3A_2959 : i32 to index
          %get3A_2961 = arith.index_cast %mul3A_2953 : i32 to index
          %get3A_2962 = tpu.vector_load %arg12[%get3A_2960, %get3A_2961] {strides = array<i32>} : memref<40x2048xf32, #tpu.memory_space<vmem>>, vector<16xf32>,
          %mul3A_2963 = arith.mulf %get3A_2962, %gather3A_2885 : vector<16xf32>
          %add3A_2964 = arith.addf %mul3A_2957, %mul3A_2963 : vector<16xf32>
          %add3A_2965 = arith.constant 16 : i32
          %add3A_2966 = arith.addi %add3A_2965, %scan3A_2874 : i32
          %get3A_2967 = arith.index_cast %add3A_2966 : i32 to index
          %get3A_2968 = arith.index_cast %mul3A_2953 : i32 to index
          %get3A_2969 = tpu.vector_load %arg12[%get3A_2967, %get3A_2968] {strides = array<i32>} : memref<40x2048xf32, #tpu.memory_space<vmem>>, vector<16xf32>,
          %mul3A_2970 = arith.mulf %get3A_2969, %gather3A_2890 : vector<16xf32>
          %add3A_2971 = arith.addf %add3A_2964, %mul3A_2970 : vector<16xf32>
          %swap3A_2972 = arith.index_cast %scan3A_2874 : i32 to index
          %swap3A_2973 = arith.index_cast %mul3A_2953 : i32 to index
          %swap3A_2974 = tpu.vector_load %arg11[%swap3A_2972, %swap3A_2973] {strides = array<i32>} : memref<8x2048xf32, #tpu.memory_space<vmem>>, vector<16xf32>,
          tpu.vector_store %arg11[%swap3A_2972, %swap3A_2973], %add3A_2971 {strides = array<i32>} : memref<8x2048xf32, #tpu.memory_space<vmem>>, vector<16xf32>,
          %scan3A_2975 = arith.constant 0 : i32
          %scan3A_2976 = arith.constant 3 : i32
          %scan3A_2977 = arith.addi %scan3A_2899, %scan3A_2976 : i32
          %mul3A_2978 = arith.constant 16 : i32
          %mul3A_2979 = arith.muli %scan3A_2977, %mul3A_2978 : i32
          %get3A_2980 = arith.index_cast %scan3A_2874 : i32 to index
          %get3A_2981 = arith.index_cast %mul3A_2979 : i32 to index
          %get3A_2982 = tpu.vector_load %arg12[%get3A_2980, %get3A_2981] {strides = array<i32>} : memref<40x2048xf32, #tpu.memory_space<vmem>>, vector<16xf32>,
          %mul3A_2983 = arith.mulf %get3A_2982, %gather3A_2880 : vector<16xf32>
          %add3A_2984 = arith.constant 8 : i32
          %add3A_2985 = arith.addi %add3A_2984, %scan3A_2874 : i32
          %get3A_2986 = arith.index_cast %add3A_2985 : i32 to index
          %get3A_2987 = arith.index_cast %mul3A_2979 : i32 to index
          %get3A_2988 = tpu.vector_load %arg12[%get3A_2986, %get3A_2987] {strides = array<i32>} : memref<40x2048xf32, #tpu.memory_space<vmem>>, vector<16xf32>,
          %mul3A_2989 = arith.mulf %get3A_2988, %gather3A_2885 : vector<16xf32>
          %add3A_2990 = arith.addf %mul3A_2983, %mul3A_2989 : vector<16xf32>
          %add3A_2991 = arith.constant 16 : i32
          %add3A_2992 = arith.addi %add3A_2991, %scan3A_2874 : i32
          %get3A_2993 = arith.index_cast %add3A_2992 : i32 to index
          %get3A_2994 = arith.index_cast %mul3A_2979 : i32 to index
          %get3A_2995 = tpu.vector_load %arg12[%get3A_2993, %get3A_2994] {strides = array<i32>} : memref<40x2048xf32, #tpu.memory_space<vmem>>, vector<16xf32>,
          %mul3A_2996 = arith.mulf %get3A_2995, %gather3A_2890 : vector<16xf32>
          %add3A_2997 = arith.addf %add3A_2990, %mul3A_2996 : vector<16xf32>
          %swap3A_2998 = arith.index_cast %scan3A_2874 : i32 to index
          %swap3A_2999 = arith.index_cast %mul3A_2979 : i32 to index
          %swap3A_3000 = tpu.vector_load %arg11[%swap3A_2998, %swap3A_2999] {strides = array<i32>} : memref<8x2048xf32, #tpu.memory_space<vmem>>, vector<16xf32>,
          tpu.vector_store %arg11[%swap3A_2998, %swap3A_2999], %add3A_2997 {strides = array<i32>} : memref<8x2048xf32, #tpu.memory_space<vmem>>, vector<16xf32>,
          %scan3A_3001 = arith.constant 0 : i32
          scf.yield %scan3A_3001 : i32
        }
        %scan3A_2897 = arith.constant 128 : i32
        %scan3A_2898 = arith.constant 0 : i32
        scf.yield %scan3A_2898 : i32
      }
      %scan3A_2868 = arith.constant 8 : i32
      %dma_start3A_2869 = arith.constant 0 : i32
      %dma_start3A_2870 = tpu.memref_slice %arg7[%add3A_40, %dma_start3A_2869] : memref<4096x2048xf32, #tpu.memory_space<hbm>> -> memref<8x2048xf32, #tpu.memory_space<hbm>>
      %dma_start3A_2871 = arith.constant 0 : i32
      %dma_start3A_2872 = tpu.memref_slice %arg7[%add3A_40, %dma_start3A_2871] : memref<4096x2048xf32, #tpu.memory_space<hbm>> -> memref<8x2048xf32, #tpu.memory_space<hbm>>
      tpu.enqueue_dma source(%arg11 : memref<8x2048xf32, #tpu.memory_space<vmem>>) target(%dma_start3A_2872 : memref<8x2048xf32, #tpu.memory_space<hbm>>) target_semaphore(%arg22 : memref<!tpu.dma_semaphore, #tpu.memory_space<semaphore_mem>>)
      %scan3A_2873 = arith.constant 0 : i32
      scf.yield %scan3A_2873 : i32
    }
    %scan3A_29 = arith.constant 16 : i32
    %add3A_30 = arith.constant 128 : i32
    %add3A_31 = arith.addi %mul3A_2, %add3A_30 : i32
    %sub3A = arith.constant 8 : i32
    %sub3A_32 = arith.subi %add3A_31, %sub3A : i32
    %dma_wait3A = arith.constant 0 : i32
    %dma_wait3A_33 = tpu.memref_slice %arg7[%sub3A_32, %dma_wait3A] : memref<4096x2048xf32, #tpu.memory_space<hbm>> -> memref<8x2048xf32, #tpu.memory_space<hbm>>
    %dma_wait3A_34 = arith.constant 0 : i32
    %dma_wait3A_35 = tpu.memref_slice %arg7[%sub3A_32, %dma_wait3A_34] : memref<4096x2048xf32, #tpu.memory_space<hbm>> -> memref<8x2048xf32, #tpu.memory_space<hbm>>
    tpu.wait_dma2 semaphore(%arg22 : memref<!tpu.dma_semaphore, #tpu.memory_space<semaphore_mem>>) src(%arg11 : memref<8x2048xf32, #tpu.memory_space<vmem>>) dst(%dma_wait3A_35 : memref<8x2048xf32, #tpu.memory_space<hbm>>)
    "tpu.region"() ({
      %run_scoped3A = tpu.sem_alloc : memref<!tpu.dma_semaphore, #tpu.memory_space<semaphore_mem>>
      %dma_start3A = tpu.memref_slice %arg8[%mul3A_2] : memref<4096xf32, #tpu.memory_space<hbm>> -> memref<128xf32, #tpu.memory_space<hbm>>
      %dma_start3A_36 = tpu.memref_slice %arg8[%mul3A_2] : memref<4096xf32, #tpu.memory_space<hbm>> -> memref<128xf32, #tpu.memory_space<hbm>>
      tpu.enqueue_dma source(%arg20 : memref<128xf32, #tpu.memory_space<vmem>>) target(%dma_start3A_36 : memref<128xf32, #tpu.memory_space<hbm>>) target_semaphore(%run_scoped3A : memref<!tpu.dma_semaphore, #tpu.memory_space<semaphore_mem>>)
      %dma_wait3A_37 = tpu.memref_slice %arg8[%mul3A_2] : memref<4096xf32, #tpu.memory_space<hbm>> -> memref<128xf32, #tpu.memory_space<hbm>>
      %dma_wait3A_38 = tpu.memref_slice %arg8[%mul3A_2] : memref<4096xf32, #tpu.memory_space<hbm>> -> memref<128xf32, #tpu.memory_space<hbm>>
      tpu.wait_dma2 semaphore(%run_scoped3A : memref<!tpu.dma_semaphore, #tpu.memory_space<semaphore_mem>>) src(%arg20 : memref<128xf32, #tpu.memory_space<vmem>>) dst(%dma_wait3A_38 : memref<128xf32, #tpu.memory_space<hbm>>)
      tpu.yield
    }) : () -> ()
    return
  }
}

</mosaic_0001>

<sc_bundles>
// kernel: kernel.3.cloned.1.call-start
scs
__scs_entry_jumppad:
0x0: {  	(pc) =	sbr.rel $0x88, $3  }
0x1: {  	(tag) =	ssettag $0x0;
	lr =	simm.s32 $0x1  }
0x2: {  	[smem:$0x3F9C] =	sst lr;
	_ =	strace $0xD0000000  }
0x3: {  	_ = 	snop  }
0x4: {  	_ = 	snop  }
0x5: {  	_ = 	snop  }
0x6: {  	_ = 	snop  }
0x7: {  	_ = 	snop  }
__scs_overlays_trampoline_lowered:
0x8: {  	[smem:$0x3FAB] =	sst s0  }
0x9: {  	[smem:$0x3FAC] =	sst s1  }
0xa: {  	[smem:$0x3FAD] =	sst s2  }
0xb: {  	[smem:$0x3FAE] =	sst s3  }
0xc: {  	[smem:$0x3FAF] =	sst s4  }
0xd: {  	[smem:$0x3FB0] =	sst s5  }
0xe: {  	[smem:$0x3FB1] =	sst s6  }
0xf: {  	[smem:$0x3FB2] =	sst s7  }
0x10: {  	[smem:$0x3FB3] =	sst s8  }
0x11: {  	[smem:$0x3FB4] =	sst s9;
	s0 =	simm.s32 @!p0 $0x0  }
0x12: {  	s1 =	sld [smem:$0x3F9A];
	s0 =	simm.s32 @p0 $0x1  }
0x13: {  	[smem:$0x3FB5] =	sst s0;
	s0 =	simm.s32 @!p1 $0x0  }
0x14: {  	s2 =	sld [smem:$0x3F99];
	s0 =	simm.s32 @p1 $0x1  }
0x15: {  	[smem:$0x3FB6] =	sst s0;
	s0 =	simm.s32 @!p2 $0x0  }
0x16: {  	s3 =	sld [smem:$0x3FDB];
	s0 =	simm.s32 @p2 $0x1  }
0x17: {  	s4 =	simm.s32 $0x1BF5;
	[smem:$0x3FB8] =	sst s0  }
0x18: {  	s0 =	sld [smem:$0x3F9B];
	_ =	swait.ge [sflag:s4], $0x0  }
0x19: {  	s7 =	sld [smem:$0x3F9C]  }
0x1a: {  	s8 =	sadd.s32 $0xFFFFE003, lr  }
0x1b: {  	s9 =	sadd.s32 $0xFFFFFEF7, lr;
	s5 =	simm.s32 $0xFFFFFFFF;
	p2 =	slt.u32 s8, $0xFFFFF086  }
0x1c: {  	p1 =	slt.u32 s9, $0xF7A;
	s5 =	simm.s32 @!p2 $0x0  }
0x1d: {  	s5 =	simm.s32 @p1 $0x1;
	p0 =	seq.s32 s7, s2  }
0x1e: {  	s7 =	smul.u32 @!p0 $0xF7A, s2;
	p2 =	seq.s32 @!p0 s5, $0x0  }
0x1f: {  	s9 =	smul.u32 $0xF7A, s1;
	s8 =	simm.s32 @!p0 $0x1BF5;
	p2 =	por !p2, p0  }
0x20: {  	[sflag:s8] =	ssyncset.s32 @!p0 $0xFFFFF086;
	s6 =	sadd.s32 @!p0 s3, s7;
	s7 =	simm.s32 @!p0 $0x108  }
0x21: {  	s3 =	sadd.s32 s3, s9;
	s6 =	sadd.s32 @!p0 $0x88, s6;
	s7 =	simm.s32 @p2 $0x1082  }
0x22: {  	[simem:s7], [sflag:s8] =	dma.local @!p0 [hbm:s6], $0xF7A  }
0x23: {  	s9 =	sor.u32 $0xD0000000, s2;
	s6 =	simm.s32 $0x108;
	_ =	swait.ge @!p0 [sflag:s8], $0x0  }
0x24: {  	s3 =	sadd.s32 $0x88, s3;
	s6 =	simm.s32 @!p1 $0x1082;
	[sflag:s4] =	ssyncset.s32 $0xFFFFF086  }
0x25: {  	[simem:s6], [sflag:s4] =	dma.local [hbm:s3], $0xF7A  }
0x26: {  	[smem:$0x3F9C] =	sst s1;
	(tag) =	ssettag s2;
	_ =	strace s9  }
0x27: {  	s1 =	sld [smem:$0x3FAC]  }
0x28: {  	s2 =	sld [smem:$0x3FAD]  }
0x29: {  	s4 =	sld [smem:$0x3FAF]  }
0x2a: {  	p0 =	seq.s32 s5, $0x0;
	s5 =	sld [smem:$0x3FB0]  }
0x2b: {  	s6 =	sld [smem:$0x3FB1]  }
0x2c: {  	s7 =	sld [smem:$0x3FB2]  }
0x2d: {  	s3 =	simm.s32 $0x108;
	s8 =	sld [smem:$0x3FB3]  }
0x2e: {  	s3 =	simm.s32 @!p0 $0x1082;
	s9 =	sld [smem:$0x3FB4]  }
0x2f: {  	lr =	sadd.s32 s0, s3;
	s0 =	sld [smem:$0x3FAB]  }
0x30: {  	s3 =	sld [smem:$0x3FAE]  }
0x31: {  	[smem:$0x3FB7] =	sst s10  }
0x32: {  	s10 =	sld [smem:$0x3FB5];
	_ =	sdelay $0x3  }
0x33: {  	p0 =	seq.s32 s10, $0x1;
	s10 =	sld [smem:$0x3FB7];
	_ =	sdelay $0x3  }
0x34: {  	[smem:$0x3FB7] =	sst s10  }
0x35: {  	s10 =	sld [smem:$0x3FB6];
	_ =	sdelay $0x3  }
0x36: {  	p1 =	seq.s32 s10, $0x1;
	s10 =	sld [smem:$0x3FB7];
	_ =	sdelay $0x3  }
0x37: {  	[smem:$0x3FB7] =	sst s10  }
0x38: {  	s10 =	sld [smem:$0x3FB8]  }
0x39: {  	_ = 	snop;
	(pc) =	sbr.ind lr, $3  }
0x3a: {  	_ = 	snop  }
0x3b: {  	_ = 	snop  }
0x3c: {  	p2 =	seq.s32 s10, $0x1;
	s10 =	sld [smem:$0x3FB7]  }
0x3d: {  	_ =	shalt  }
0x3e: {  	_ =	shalt  }
0x3f: {  	_ =	shalt  }
0x40: {  	_ =	shalt  }
0x41: {  	_ =	shalt  }
0x42: {  	_ =	shalt  }
0x43: {  	_ =	shalt  }
0x44: {  	_ =	shalt  }
0x45: {  	_ =	shalt  }
0x46: {  	_ =	shalt  }
0x47: {  	_ =	shalt  }
0x48: {  	_ =	shalt  }
0x49: {  	_ =	shalt  }
0x4a: {  	_ =	shalt  }
0x4b: {  	_ =	shalt  }
0x4c: {  	_ =	shalt  }
0x4d: {  	_ =	shalt  }
0x4e: {  	_ =	shalt  }
0x4f: {  	_ =	shalt  }
0x50: {  	_ =	shalt  }
0x51: {  	_ =	shalt  }
0x52: {  	_ =	shalt  }
0x53: {  	_ =	shalt  }
0x54: {  	_ =	shalt  }
0x55: {  	_ =	shalt  }
0x56: {  	_ =	shalt  }
0x57: {  	_ =	shalt  }
0x58: {  	_ =	shalt  }
0x59: {  	_ =	shalt  }
0x5a: {  	_ =	shalt  }
0x5b: {  	_ =	shalt  }
0x5c: {  	_ =	shalt  }
0x5d: {  	_ =	shalt  }
0x5e: {  	_ =	shalt  }
0x5f: {  	_ =	shalt  }
0x60: {  	_ =	shalt  }
0x61: {  	_ =	shalt  }
0x62: {  	_ =	shalt  }
0x63: {  	_ =	shalt  }
0x64: {  	_ =	shalt  }
0x65: {  	_ =	shalt  }
0x66: {  	_ =	shalt  }
0x67: {  	_ =	shalt  }
0x68: {  	_ =	shalt  }
0x69: {  	_ =	shalt  }
0x6a: {  	_ =	shalt  }
0x6b: {  	_ =	shalt  }
0x6c: {  	_ =	shalt  }
0x6d: {  	_ =	shalt  }
0x6e: {  	_ =	shalt  }
0x6f: {  	_ =	shalt  }
0x70: {  	_ =	shalt  }
0x71: {  	_ =	shalt  }
0x72: {  	_ =	shalt  }
0x73: {  	_ =	shalt  }
0x74: {  	_ =	shalt  }
0x75: {  	_ =	shalt  }
0x76: {  	_ =	shalt  }
0x77: {  	_ =	shalt  }
0x78: {  	_ =	shalt  }
0x79: {  	_ =	shalt  }
0x7a: {  	_ =	shalt  }
0x7b: {  	_ =	shalt  }
0x7c: {  	_ =	shalt  }
0x7d: {  	_ =	shalt  }
0x7e: {  	_ =	shalt  }
0x7f: {  	_ =	shalt  }
0x80: {  	_ =	shalt  }
0x81: {  	_ =	shalt  }
0x82: {  	_ =	shalt  }
0x83: {  	_ =	shalt  }
0x84: {  	_ =	shalt  }
0x85: {  	_ =	shalt  }
0x86: {  	_ =	shalt  }
0x87: {  	_ =	shalt  }
.Lfunc_end0:
.L_simem_size_0:
called_computation_lowered:
.L_overlay_start_0:
0x88: {  	s2 =	sld [smem:$0x3FD9]  }
0x89: {  	s3 =	sld [smem:$0x3FFE];
	_ =	sdelay $0x1  }
0x8a: {  	s1 =	srdreg.scid  }
0x8b: {  	s0 =	sand.u32 $0x1, s1  }
0x8c: {  	s14 =	sshll.u32 s0, $0xA;
	s2 =	sadd.s32 s3, s2  }
0x8d: {  	s2 =	sadd.s32 s2, s14  }
0x8e: {  	[smem:$0x3FC3] =	sst s2  }
0x8f: {  	_ = 	snop  }
0x90: {  	s2 =	sld [smem:$0x3FC9]  }
0x91: {  	s15 =	sld [smem:$0x3FD0]  }
0x92: {  	s4 =	sld [smem:$0x3FC8]  }
0x93: {  	s5 =	sld [smem:$0x3FC7]  }
0x94: {  	s7 =	simm.s32 $0xA;
	s8 =	simm.s32 $0x10;
	s6 =	sld [smem:$0x3FC6]  }
0x95: {  	[smem:s8], [sflag:s7] =	dma.local [hbm:s15], $0x1  }
0x96: {  	_ =	swait.eq [sflag:s7], $0x1  }
0x97: {  	[sflag:s7] =	ssyncset.done $0x0  }
0x98: {  	s16 =	sld [smem:$0x10];
	[sflag:s7] =	ssyncadd.s32 $0xFFFFFFFF  }
0x99: {  	s17 =	sld [smem:$0x11];
	(tm) =	ssettm $0x1  }
0x9a: {  	s18 =	sld [smem:$0x3FFB];
	_ =	sdelay $0x3  }
0x9b: {  	_ =	strace s18  }
0x9c: {  	s8 =	sld [smem:$0x3FFC];
	_ =	sdelay $0x3  }
0x9d: {  	_ =	strace s8  }
0x9e: {  	s8 =	sld [smem:$0x3FFD];
	_ =	sdelay $0x3  }
0x9f: {  	_ =	strace s8  }
0xa0: {  	_ =	strace $0x8FFFFFFF  }
0xa1: {  	s19 =	sld [smem:$0x3FDB];
	_ =	sdelay $0x1  }
0xa2: {  	s9 =	simm.s32 $_scs_section_size  }
0xa3: {  	s10 =	simm.s32 $_size__tile_overlayer_lowered;
	s11 =	simm.s32 $_tile_overlayer_lowered  }
0xa4: {  	s22 =	simm.s32 $0x1BFF;
	s21 =	sshll.u32 s11, $0x1;
	s8 =	sadd.s32 s9, s19  }
0xa5: {  	s12 =	simm.s32 $0x0;
	s20 =	sshll.u32 s10, $0x1;
	s10 =	sadd.s32 s21, s8  }
0xa6: {  	[timem:s12], [sflag:s22] =	dma.local [hbm:s10], s20  }
0xa7: {  	_ =	swait.ge [sflag:s22], s20  }
0xa8: {  	s9 =	ssub.s32 $0x0, s20;
	[sflag:s22] =	ssyncset.done $0x0  }
0xa9: {  	[sflag:s22] =	ssyncadd.s32 s9;
	_ =	sdelay $0x1  }
0xaa: {  	s23 =	simm.s32 $0x1B8B  }
0xab: {  	_ =	swait.ge [sflag:s23], $0x1  }
0xac: {  	[sflag:s23] =	ssyncset.done $0x0  }
0xad: {  	s25 =	simm.s32 $0x1B8E;
	s24 =	sld [smem:$0x3FFE];
	[sflag:s23] =	ssyncadd.s32 $0xFFFFFFFF  }
0xae: {  	s26 =	simm.s32 $execute0_lowered;
	[smem:$0x3FD2] =	sst s25  }
0xaf: {  	s10 =	sshll.u32 s26, $0x1;
	_ =	strace $0x80000046;
	[dreg:$0x1] =	wrdreg $0xFFFFFFFF  }
0xb0: {  	s28 =	simm.s32 $_size_execute0_lowered;
	s8 =	sadd.s32 s8, s10;
	[dreg:$0x0] =	wrdreg $0x0  }
0xb1: {  	s10 =	sshll.u32 s28, $0x1;
	[dreg:$0x2] =	wrdreg s8  }
0xb2: {  	[dreg:$0x3] =	wrdreg s10  }
0xb3: {  	[dreg:$0x4] =	wrdreg $0xC0  }
0xb4: {  	_ =	task [dreg:s12], $0x5FFFF  }
0xb5: {  	[dreg:$0x1] =	wrdreg $0xFFFFFFFF  }
0xb6: {  	[dreg:$0x0] =	wrdreg $0x60  }
0xb7: {  	[dreg:$0x2] =	wrdreg s5  }
0xb8: {  	[dreg:$0x3] =	wrdreg s6  }
0xb9: {  	[dreg:$0x4] =	wrdreg s4  }
0xba: {  	[dreg:$0x5] =	wrdreg s2  }
0xbb: {  	[dreg:$0x6] =	wrdreg s24  }
0xbc: {  	[dreg:$0x7] =	wrdreg s16  }
0xbd: {  	[dreg:$0x8] =	wrdreg s17  }
0xbe: {  	[dreg:$0x9] =	wrdreg $0x9  }
0xbf: {  	_ =	task.clear_ibuf [dreg:s12], $0xAFFFF;
	_ =	strace $0x90000046  }
0xc0: {  	s29 =	simm.s32 $0x9;
	_ =	strace $0x80000048  }
0xc1: {  	_ =	swait.ge [sflag:s29], $0x1  }
0xc2: {  	[sflag:s29] =	ssyncadd.s32 $0xFFFFFFFF  }
0xc3: {  	_ =	strace $0x90000048  }
0xc4: {  	_ =	sfence  }
0xc5: {  	s30 =	sld [smem:$0x0];
	_ =	sdelay $0x2  }
0xc6: {  	s31 =	sshll.u32 s1, $0xD;
	s1 =	sshrl.u32 s1, $0x2  }
0xc7: {  	s3 =	sand.u32 $0x4000, s31;
	s1 =	sadd.s32 s1, s30  }
0xc8: {  	s0 =	sor.u32 s3, s0;
	s1 =	sshll.u32 s1, $0x11  }
0xc9: {  	s0 =	sor.u32 s1, s0  }
0xca: {  	s0 =	sadd.s32 $0x8F2B, s0  }
0xcb: {  	[sflag:s0] =	ssyncadd.remote.s32 $0x1  }
0xcc: {  	_ =	sfence.sel $0xFFFF  }
0xcd: {  	[dreg:$0x0] =	wrdreg $0xFFFFFFFF;
	(pc) =	sbr.abs _section_cstart, $3  }
0xce: {  	[dreg:$0x1] =	wrdreg $0xFFFFFFFF  }
0xcf: {  	_ =	task.clear_ibuf [dreg:s12], $0x2FFFF;
	_ =	strace $0x9FFFFFFF  }
0xd0: {  	(tm) =	ssettm $0x7FFFFFFF  }
0xd1: {  	_ =	shalt  }
tec
execute0_lowered:
.L_overlay_start_1:
0x0: {  	(tag) =	ssettag $0x1  }
0x1: {  	s7 =	rddreg [dreg:$0x0]  }
0x2: {  	s8 =	rddreg [dreg:$0x1]  }
0x3: {  	s0 =	rddreg [dreg:$0x2]  }
0x4: {  	s1 =	rddreg [dreg:$0x4]  }
0x5: {  	s2 =	rddreg [dreg:$0x6];
	s6 =	simm.s32 $0x0  }
0x6: {  	[smem:$0x7FF] =	sst s6;
	s1 =	sadd.s32 $0x200, s1  }
0x7: {  	s13 =	sadd.s32 $0x100, s7;
	_ =	strace $0x80000047;
	[dreg:$0xd] =	wrdreg s1  }
0x8: {  	s14 =	sadd.s32 $0x200, s7;
	[dreg:$0xf] =	wrdreg s13  }
0x9: {  	s15 =	sadd.s32 $0x300, s7;
	[dreg:$0x10] =	wrdreg s14  }
0xa: {  	v1 =	vimm.f32 $1.000000010e-01;
	s16 =	sadd.s32 $0x400, s7;
	[dreg:$0x11] =	wrdreg s15  }
0xb: {  	v17 =	vlaneseq.u32;
	v5 =	vimm.s32 $0x13121110;
	v55 =	vimm.s32 $0x17161514;
	s17 =	sadd.s32 $0x500, s7;
	[dreg:$0x12] =	wrdreg s16  }
0xc: {  	s3 =	srdreg.scid;
	v53 =	vimm.f32 $3.000000000e+00;
	v7 =	vimm.s32 $0x76543210;
	v8 =	vimm.s32 $0x33323130;
	s18 =	sadd.s32 $0x600, s7;
	[dreg:$0x13] =	wrdreg s17  }
0xd: {  	s4 =	stileid.u32;
	v9 =	vimm.s32 $0x37363534;
	vm1 =	vcmask $0x1F10;
	v10 =	vimm.s32 $0x23222120;
	s19 =	sadd.s32 $0x700, s7;
	[dreg:$0x14] =	wrdreg s18  }
0xe: {  	s28 =	simm.s32 $0x80;
	s20 =	sadd.s32 $0x100, s8;
	v2 =	vshrl.u32 v17, $0x3;
	v3 =	vand.u32 $0x7, v17;
	v22 =	vor.u32 $0x10, v17;
	[dreg:$0x15] =	wrdreg s19  }
0xf: {  	s30 =	simm.s32 $0x6000;
	s21 =	sadd.s32 $0x200, s8;
	v56 =	vor.u32 $0x20, v17;
	v11 =	vunpack.c.l.s4.s8 v7;
	[dreg:$0x16] =	wrdreg s20;
	[tilespmem:$0x1FF50] =	vst v3;
	(erf) = vrcp.f32 v1  }
0x10: {  	s9 =	simm.s32 $0x1A100;
	s22 =	sadd.s32 $0x300, s8;
	v12 =	vunpack.c.0.s8.s32 v8;
	v7 =	vimm.s32 $0x27262524;
	[dreg:$0x17] =	wrdreg s21;
	[tilespmem:$0x1FF80] =	vst v56;
	(erf) = vrcp.f32 v53  }
0x11: {  	s3 =	sand.u32 $0x1, s3;
	s23 =	sadd.s32 $0x400, s8;
	v13 =	vunpack.c.0.s8.s32 v9;
	v9 =	vor.u32 $0x8, v17;
	[dreg:$0x18] =	wrdreg s22;
	v0 =	vmul.u32 $0x3E8, v2;
	[tilespmem:$0x1FFD0] =	vst v22  }
0x12: {  	s4 =	sshll.u32 s4, $0x8;
	s24 =	sadd.s32 $0x500, s8;
	v10 =	vunpack.c.0.s8.s32 v10;
	[dreg:$0x19] =	wrdreg s23;
	v14 =	vunpack.c.0.s8.s32 v7;
	v8 =	vmul.u32 $0x8, v2;
	[tilespmem:$0x1FFF0] =	vst v9  }
0x13: {  	s25 =	sadd.s32 $0x600, s8;
	s29 =	sadd.s32 $0x700, s8;
	v5 =	vunpack.c.0.s8.s32 v5;
	[dreg:$0x1a] =	wrdreg s24;
	v1 =	vunpack.c.0.s8.s32 v55;
	v57 =	vunpack.c.0.s8.s32 v11;
	[tilespmem:$0x1FF60] =	vst v0  }
0x14: {  	s8 =	simm.s32 $0x1A600;
	s5 =	sshll.u32 s3, $0x7;
	[dreg:$0x1b] =	wrdreg s25;
	v59 =	vsel vm1, v13, v12;
	v54 =	vadd.s32 $0x7D0, v0;
	v60 =	vsel vm1, v14, v10;
	[tilespmem:$0x1FFE0] =	vst v8  }
0x15: {  	s3 =	ssub.s32 $0x2, s3;
	[dreg:$0x1d] =	wrdreg s29;
	s4 =	sor.u32 s5, s4;
	v0 =	vadd.s32 $0xFA0, v0;
	[tilespmem:$0x1FF40] =	vst v54;
	v1 =	vsel vm1, v1, v5;
	v63 =	vcombine.low v60, v59  }
0x16: {  	s14 =	simm.s32 $0x3;
	[dreg:$0xc] =	wrdreg s4;
	s4 =	sshrl.u32 s4, $0x3;
	[tilespmem:$0x1FF70] =	vst v0;
	v62 =	vcombine.low v57, v1  }
0x17: {  	s16 =	simm.s32 $0x2000;
	s12 =	sshrl.u32 s3, $0x1;
	s0 =	sadd.s32 s0, s4;
	[tilespmem:$0x1FFC0] =	vst v63  }
0x18: {  	s1 =	ssub.s32 s3, s12;
	s26 =	sadd.s32 s2, s4;
	[dreg:$0xe] =	wrdreg s0;
	[tilespmem:$0x1FFB0] =	vst v62;
	v58 =	vpop (erf)  }
0x19: {  	s23 =	simm.s32 $0x1A380;
	s31 =	smax.u32 s1, $0x1;
	[dreg:$0x1c] =	wrdreg s26;
	[tilespmem:$0x1FF90] =	vst v58;
	v61 =	vpop (erf)  }
0x1a: {  	vm0 =	vmmov $0xffff;
	s4 =	simm.s32 $0x1A700;
	s1 =	simm.s32 $0x0;
	[dreg:$0x1e] =	wrdreg s31;
	[tilespmem:$0x1FFA0] =	vst v61  }
.LBB2_1:
0x1b: {  	[dreg:$0x1f] =	wrdreg s1  }
0x1c: {  	s0 =	rddreg [dreg:$0xe]  }
0x1d: {  	[tilespmem:s6], [sflag:$0x3] =	stream.linear.gather [hbm4b:s0+s6], $0x80, $0x38;
	[tilespmem:$0x1A800] =	vst v63  }
0x1e: {  	_ =	swait.ge [sflag:s14], $0x80  }
0x1f: {  	[sflag:s14] =	ssyncset.done $0x0  }
0x20: {  	s31 =	rddreg [dreg:$0xd];
	[sflag:s14] =	ssyncadd.s32 $0xFFFFFF80  }
0x21: {  	[tilespmem:s28], [sflag:$0x3] =	stream.linear.gather [hbm4b:s31+s6], $0x1F80, $0x38;
	[tilespmem:$0x1A800] =	vst v63  }
0x22: {  	_ =	swait.ge [sflag:s14], $0x1F80  }
0x23: {  	[sflag:s14] =	ssyncset.done $0x0  }
0x24: {  	s7 =	simm.s32 $0x0;
	[sflag:s14] =	ssyncadd.s32 $0xFFFFE080  }
.LBB2_2:
0x25: {  	v3 =	vld [tilespmem:$0x1FF50];
	_ =	sdelay $0x3  }
0x26: {  	s0 =	sshll.u32 s7, $0x3  }
0x27: {  	v1 =	vor.u32 s0, v3;
	_ =	sdelay $0x2  }
0x28: {  	v0 =	vld [tilespmem:$0x1FF60]  }
0x29: {  	v60 =	vld [tilespmem:$0x1FF80]  }
0x2a: {  	v7 =	vld.idx.msk [tilespmem:v1+s6+$0x0], $0xffff  }
0x2b: {  	v56 =	vld [tilespmem:$0x1FF40]  }
0x2c: {  	v58 =	vld [tilespmem:$0x1FF70];
	_ =	sdelay $0x2  }
0x2d: {  	s1 =	simm.s32 $0x1A000;
	v1 =	vadd.s32 v0, v7  }
0x2e: {  	v57 =	vadd.s32 v56, v7;
	[tilespmem:v17+s1+$0x0] =	vst.idx.msk $0xffff, v1  }
0x2f: {  	v59 =	vadd.s32 v58, v7;
	[tilespmem:v22+s1+$0x0] =	vst.idx.msk $0xffff, v57  }
0x30: {  	[tilespmem:v60+s1+$0x0] =	vst.idx.msk $0xff, v59  }
0x31: {  	v1 =	vld [tilespmem:$0x1A000];
	_ =	sdelay $0x4  }
0x32: {  	v2 =	vshll.u32 v1, $0x4  }
0x33: {  	v1 =	vand.u32 $0x7, v1;
	v2 =	vand.u32 $0xFFFFFF80, v2  }
0x34: {  	v1 =	vor.u32 v1, v2  }
0x35: {  	v2 =	vperm.xlane v1, v3;
	_ =	sdelay $0x1  }
0x36: {  	v2 =	vadd.s32 v8, v2;
	_ =	sdelay $0x3  }
0x37: {  	s1 =	rddreg [dreg:$0x0]  }
0x38: {  	[tilespmem:s30], [sflag:$0x1] =	stream.indirect_vreg.gather [hbm4b:s1+s6], $0x80, v2, vm0, $0xb8;
	[tilespmem:$0x1A800] =	vst v63  }
0x39: {  	s2 =	rddreg [dreg:$0xf];
	s3 =	simm.s32 $0x6800  }
0x3a: {  	[tilespmem:s3], [sflag:$0x1] =	stream.indirect_vreg.gather [hbm4b:s2+s6], $0x80, v2, vm0, $0xb8;
	[tilespmem:$0x1A800] =	vst v63  }
0x3b: {  	s5 =	simm.s32 $0x7000;
	s3 =	rddreg [dreg:$0x10]  }
0x3c: {  	[tilespmem:s5], [sflag:$0x1] =	stream.indirect_vreg.gather [hbm4b:s3+s6], $0x80, v2, vm0, $0xb8;
	[tilespmem:$0x1A800] =	vst v63  }
0x3d: {  	s10 =	simm.s32 $0x7800;
	s5 =	rddreg [dreg:$0x11]  }
0x3e: {  	[tilespmem:s10], [sflag:$0x1] =	stream.indirect_vreg.gather [hbm4b:s5+s6], $0x80, v2, vm0, $0xb8;
	[tilespmem:$0x1A800] =	vst v63  }
0x3f: {  	s11 =	simm.s32 $0x8000;
	s10 =	rddreg [dreg:$0x12]  }
0x40: {  	[tilespmem:s11], [sflag:$0x1] =	stream.indirect_vreg.gather [hbm4b:s10+s6], $0x80, v2, vm0, $0xb8;
	[tilespmem:$0x1A800] =	vst v63  }
0x41: {  	s12 =	simm.s32 $0x8800;
	v1 =	vperm.xlane v1, v9;
	s11 =	rddreg [dreg:$0x13]  }
0x42: {  	[tilespmem:s12], [sflag:$0x1] =	stream.indirect_vreg.gather [hbm4b:s11+s6], $0x80, v2, vm0, $0xb8;
	[tilespmem:$0x1A800] =	vst v63  }
0x43: {  	s13 =	simm.s32 $0x9000;
	v1 =	vadd.s32 v8, v1;
	s12 =	rddreg [dreg:$0x14]  }
0x44: {  	[tilespmem:s13], [sflag:$0x1] =	stream.indirect_vreg.gather [hbm4b:s12+s6], $0x80, v2, vm0, $0xb8;
	[tilespmem:$0x1A800] =	vst v63  }
0x45: {  	s15 =	simm.s32 $0x9800;
	s13 =	rddreg [dreg:$0x15]  }
0x46: {  	[tilespmem:s15], [sflag:$0x1] =	stream.indirect_vreg.gather [hbm4b:s13+s6], $0x80, v2, vm0, $0xb8;
	[tilespmem:$0x1A800] =	vst v63  }
0x47: {  	s19 =	simm.s32 $0xA000  }
0x48: {  	[tilespmem:s19], [sflag:$0x1] =	stream.indirect_vreg.gather [hbm4b:s1+s6], $0x80, v1, vm0, $0xb8;
	[tilespmem:$0x1A800] =	vst v63  }
0x49: {  	s20 =	simm.s32 $0xA800  }
0x4a: {  	[tilespmem:s20], [sflag:$0x1] =	stream.indirect_vreg.gather [hbm4b:s2+s6], $0x80, v1, vm0, $0xb8;
	[tilespmem:$0x1A800] =	vst v63  }
0x4b: {  	s21 =	simm.s32 $0xB000  }
0x4c: {  	[tilespmem:s21], [sflag:$0x1] =	stream.indirect_vreg.gather [hbm4b:s3+s6], $0x80, v1, vm0, $0xb8;
	[tilespmem:$0x1A800] =	vst v63  }
0x4d: {  	s22 =	simm.s32 $0xB800  }
0x4e: {  	[tilespmem:s22], [sflag:$0x1] =	stream.indirect_vreg.gather [hbm4b:s5+s6], $0x80, v1, vm0, $0xb8;
	[tilespmem:$0x1A800] =	vst v63  }
0x4f: {  	s24 =	simm.s32 $0xC000  }
0x50: {  	[tilespmem:s24], [sflag:$0x1] =	stream.indirect_vreg.gather [hbm4b:s10+s6], $0x80, v1, vm0, $0xb8;
	[tilespmem:$0x1A800] =	vst v63  }
0x51: {  	s25 =	simm.s32 $0xC800  }
0x52: {  	[tilespmem:s25], [sflag:$0x1] =	stream.indirect_vreg.gather [hbm4b:s11+s6], $0x80, v1, vm0, $0xb8;
	[tilespmem:$0x1A800] =	vst v63  }
0x53: {  	s26 =	simm.s32 $0xD000  }
0x54: {  	[tilespmem:s26], [sflag:$0x1] =	stream.indirect_vreg.gather [hbm4b:s12+s6], $0x80, v1, vm0, $0xb8;
	[tilespmem:$0x1A800] =	vst v63  }
0x55: {  	s28 =	simm.s32 $0xD800  }
0x56: {  	[tilespmem:s28], [sflag:$0x1] =	stream.indirect_vreg.gather [hbm4b:s13+s6], $0x80, v1, vm0, $0xb8;
	[tilespmem:$0x1A800] =	vst v63  }
0x57: {  	v1 =	vld [tilespmem:$0x1A010];
	_ =	sdelay $0x4  }
0x58: {  	v61 =	vshll.u32 v1, $0x4  }
0x59: {  	v1 =	vand.u32 $0x7, v1;
	v2 =	vand.u32 $0xFFFFFF80, v61  }
0x5a: {  	v1 =	vor.u32 v1, v2  }
0x5b: {  	v2 =	vperm.xlane v1, v3;
	_ =	sdelay $0x1  }
0x5c: {  	v2 =	vadd.s32 v8, v2;
	_ =	sdelay $0x3  }
0x5d: {  	s29 =	simm.s32 $0xE000  }
0x5e: {  	[tilespmem:s29], [sflag:$0x1] =	stream.indirect_vreg.gather [hbm4b:s1+s6], $0x80, v2, vm0, $0xb8;
	[tilespmem:$0x1A800] =	vst v63  }
0x5f: {  	s30 =	simm.s32 $0xE800  }
0x60: {  	[tilespmem:s30], [sflag:$0x1] =	stream.indirect_vreg.gather [hbm4b:s2+s6], $0x80, v2, vm0, $0xb8;
	[tilespmem:$0x1A800] =	vst v63  }
0x61: {  	s17 =	simm.s32 $0xF000  }
0x62: {  	[tilespmem:s17], [sflag:$0x1] =	stream.indirect_vreg.gather [hbm4b:s3+s6], $0x80, v2, vm0, $0xb8;
	[tilespmem:$0x1A800] =	vst v63  }
0x63: {  	s18 =	simm.s32 $0xF800  }
0x64: {  	[tilespmem:s18], [sflag:$0x1] =	stream.indirect_vreg.gather [hbm4b:s5+s6], $0x80, v2, vm0, $0xb8;
	[tilespmem:$0x1A800] =	vst v63  }
0x65: {  	s19 =	simm.s32 $0x10000  }
0x66: {  	[tilespmem:s19], [sflag:$0x1] =	stream.indirect_vreg.gather [hbm4b:s10+s6], $0x80, v2, vm0, $0xb8;
	[tilespmem:$0x1A800] =	vst v63  }
0x67: {  	s20 =	simm.s32 $0x10800;
	v1 =	vperm.xlane v1, v9  }
0x68: {  	[tilespmem:s20], [sflag:$0x1] =	stream.indirect_vreg.gather [hbm4b:s11+s6], $0x80, v2, vm0, $0xb8;
	[tilespmem:$0x1A800] =	vst v63  }
0x69: {  	s21 =	simm.s32 $0x11000;
	v1 =	vadd.s32 v8, v1  }
0x6a: {  	[tilespmem:s21], [sflag:$0x1] =	stream.indirect_vreg.gather [hbm4b:s12+s6], $0x80, v2, vm0, $0xb8;
	[tilespmem:$0x1A800] =	vst v63  }
0x6b: {  	s22 =	simm.s32 $0x11800  }
0x6c: {  	[tilespmem:s22], [sflag:$0x1] =	stream.indirect_vreg.gather [hbm4b:s13+s6], $0x80, v2, vm0, $0xb8;
	[tilespmem:$0x1A800] =	vst v63  }
0x6d: {  	s24 =	simm.s32 $0x12000  }
0x6e: {  	[tilespmem:s24], [sflag:$0x1] =	stream.indirect_vreg.gather [hbm4b:s1+s6], $0x80, v1, vm0, $0xb8;
	[tilespmem:$0x1A800] =	vst v63  }
0x6f: {  	s25 =	simm.s32 $0x12800  }
0x70: {  	[tilespmem:s25], [sflag:$0x1] =	stream.indirect_vreg.gather [hbm4b:s2+s6], $0x80, v1, vm0, $0xb8;
	[tilespmem:$0x1A800] =	vst v63  }
0x71: {  	s26 =	simm.s32 $0x13000  }
0x72: {  	[tilespmem:s26], [sflag:$0x1] =	stream.indirect_vreg.gather [hbm4b:s3+s6], $0x80, v1, vm0, $0xb8;
	[tilespmem:$0x1A800] =	vst v63  }
0x73: {  	s28 =	simm.s32 $0x13800  }
0x74: {  	[tilespmem:s28], [sflag:$0x1] =	stream.indirect_vreg.gather [hbm4b:s5+s6], $0x80, v1, vm0, $0xb8;
	[tilespmem:$0x1A800] =	vst v63  }
0x75: {  	s29 =	simm.s32 $0x14000  }
0x76: {  	[tilespmem:s29], [sflag:$0x1] =	stream.indirect_vreg.gather [hbm4b:s10+s6], $0x80, v1, vm0, $0xb8;
	[tilespmem:$0x1A800] =	vst v63  }
0x77: {  	s30 =	simm.s32 $0x14800  }
0x78: {  	[tilespmem:s30], [sflag:$0x1] =	stream.indirect_vreg.gather [hbm4b:s11+s6], $0x80, v1, vm0, $0xb8;
	[tilespmem:$0x1A800] =	vst v63  }
0x79: {  	s17 =	simm.s32 $0x15000  }
0x7a: {  	[tilespmem:s17], [sflag:$0x1] =	stream.indirect_vreg.gather [hbm4b:s12+s6], $0x80, v1, vm0, $0xb8;
	[tilespmem:$0x1A800] =	vst v63  }
0x7b: {  	s18 =	simm.s32 $0x15800  }
0x7c: {  	[tilespmem:s18], [sflag:$0x1] =	stream.indirect_vreg.gather [hbm4b:s13+s6], $0x80, v1, vm0, $0xb8;
	[tilespmem:$0x1A800] =	vst v63  }
0x7d: {  	v1 =	vld.msk [tilespmem:$0x1A020], $0xff;
	_ =	sdelay $0x4  }
0x7e: {  	v62 =	vshll.u32 v1, $0x4  }
0x7f: {  	v1 =	vand.u32 $0x7, v1;
	v2 =	vand.u32 $0xFFFFFF80, v62  }
0x80: {  	v1 =	vor.u32 v1, v2  }
0x81: {  	v1 =	vperm.xlane v1, v3;
	_ =	sdelay $0x1  }
0x82: {  	v1 =	vadd.s32 v8, v1;
	_ =	sdelay $0x3  }
0x83: {  	s19 =	simm.s32 $0x16000  }
0x84: {  	[tilespmem:s19], [sflag:$0x1] =	stream.indirect_vreg.gather [hbm4b:s1+s6], $0x80, v1, vm0, $0xb8;
	[tilespmem:$0x1A800] =	vst v63  }
0x85: {  	s20 =	simm.s32 $0x16800  }
0x86: {  	[tilespmem:s20], [sflag:$0x1] =	stream.indirect_vreg.gather [hbm4b:s2+s6], $0x80, v1, vm0, $0xb8;
	[tilespmem:$0x1A800] =	vst v63  }
0x87: {  	s21 =	simm.s32 $0x17000  }
0x88: {  	[tilespmem:s21], [sflag:$0x1] =	stream.indirect_vreg.gather [hbm4b:s3+s6], $0x80, v1, vm0, $0xb8;
	[tilespmem:$0x1A800] =	vst v63  }
0x89: {  	s22 =	simm.s32 $0x17800  }
0x8a: {  	[tilespmem:s22], [sflag:$0x1] =	stream.indirect_vreg.gather [hbm4b:s5+s6], $0x80, v1, vm0, $0xb8;
	[tilespmem:$0x1A800] =	vst v63  }
0x8b: {  	s24 =	simm.s32 $0x18000  }
0x8c: {  	[tilespmem:s24], [sflag:$0x1] =	stream.indirect_vreg.gather [hbm4b:s10+s6], $0x80, v1, vm0, $0xb8;
	[tilespmem:$0x1A800] =	vst v63  }
0x8d: {  	s25 =	simm.s32 $0x18800  }
0x8e: {  	[tilespmem:s25], [sflag:$0x1] =	stream.indirect_vreg.gather [hbm4b:s11+s6], $0x80, v1, vm0, $0xb8;
	[tilespmem:$0x1A800] =	vst v63  }
0x8f: {  	p0 =	seq.s32 s7, $0x0;
	s26 =	simm.s32 $0x19000  }
0x90: {  	[tilespmem:s26], [sflag:$0x1] =	stream.indirect_vreg.gather [hbm4b:s12+s6], $0x80, v1, vm0, $0xb8;
	[tilespmem:$0x1A800] =	vst v63  }
0x91: {  	s28 =	simm.s32 $0x19800;
	s1 =	simm.s32 @!p0 $0x2  }
0x92: {  	[tilespmem:s28], [sflag:$0x1] =	stream.indirect_vreg.gather [hbm4b:s13+s6], $0x80, v1, vm0, $0xb8;
	[tilespmem:$0x1A800] =	vst v63  }
0x93: {  	s29 =	rddreg [dreg:$0xc];
	_ =	swait.ge @!p0 [sflag:s1], $0x4000  }
0x94: {  	[sflag:s1] =	ssyncset.done @!p0 $0x0  }
0x95: {  	s2 =	sor.u32 s29, s0;
	[sflag:s1] =	ssyncadd.s32 @!p0 $0xFFFFC000  }
0x96: {  	s2 =	sshll.u32 s2, $0x8;
	s1 =	rddreg [dreg:$0x3]  }
0x97: {  	s31 =	simm.s32 $0x0;
	[smem:$0x7FD] =	sst s2;
	s1 =	sadd.s32 s1, s2  }
0x98: {  	[tilespmem:s16], [sflag:$0x3] =	stream.linear.gather [hbm4b:s1+s31], $0x4000, $0x38;
	[tilespmem:$0x1A800] =	vst v63  }
0x99: {  	_ =	swait.ge [sflag:s14], $0x4000  }
0x9a: {  	[sflag:s14] =	ssyncset.done $0x0  }
0x9b: {  	s30 =	simm.s32 $0x1;
	[sflag:s14] =	ssyncadd.s32 $0xFFFFC000  }
0x9c: {  	_ =	swait.ge [sflag:s30], $0x14000  }
0x9d: {  	v63 =	vmov s0;
	[sflag:s30] =	ssyncset.done $0x0  }
0x9e: {  	s1 =	simm.s32 $0x0;
	[tilespmem:$0x1FF30] =	vst v63;
	[sflag:s30] =	ssyncadd.s32 $0xFFFEC000  }
.LBB2_3:
0x9f: {  	s25 =	sshll.u32 s1, $0x7  }
0xa0: {  	s20 =	sand.u32 $0x3C00, s31;
	s0 =	sadd.s32 $0xA000, s25  }
0xa1: {  	s21 =	sor.u32 s25, s20;
	[dreg:$0x8] =	wrdreg s0;
	s0 =	sand.u32 $0x40, s31  }
0xa2: {  	s28 =	sor.u32 s0, s21  }
0xa3: {  	s26 =	sor.u32 $0x30, s0;
	v17 =	vld [tilespmem:s28+$0x2000]  }
0xa4: {  	s11 =	sor.u32 $0x20, s0;
	v1 =	vld [tilespmem:s28+$0x6000];
	s29 =	sor.u32 s26, s21  }
0xa5: {  	s2 =	rddreg [dreg:$0x8];
	s14 =	sor.u32 s11, s21;
	v34 =	vld [tilespmem:s29+$0x6000]  }
0xa6: {  	s3 =	sadd.s32 $0x12000, s25;
	s17 =	sadd.s32 $0xE000, s25;
	s19 =	sadd.s32 s20, s2;
	v29 =	vld [tilespmem:s14+$0x6000]  }
0xa7: {  	[dreg:$0xa] =	wrdreg s3;
	s2 =	sor.u32 $0x10, s0;
	s30 =	sadd.s32 s0, s19;
	v22 =	vld [tilespmem:s29+$0x2000]  }
0xa8: {  	s5 =	sadd.s32 $0x16000, s25;
	s18 =	rddreg [dreg:$0xa];
	s28 =	sadd.s32 s2, s19;
	v2 =	vld [tilespmem:s30+$0x0]  }
0xa9: {  	[dreg:$0x9] =	wrdreg s17;
	s17 =	sadd.s32 s20, s18;
	s3 =	sor.u32 s2, s21;
	v31 =	vld [tilespmem:s28+$0x0]  }
0xaa: {  	v28 =	vimm.f32 $0.0e+00;
	v58 =	vimm.f32 $0.0e+00;
	v46 =	vimm.f32 $0.0e+00;
	[dreg:$0xb] =	wrdreg s5;
	s24 =	sadd.s32 s11, s17;
	v19 =	vld [tilespmem:s3+$0x6000]  }
0xab: {  	v48 =	vimm.f32 $0.0e+00;
	v55 =	vimm.f32 $0.0e+00;
	v47 =	vimm.f32 $0.0e+00;
	s10 =	rddreg [dreg:$0xb];
	s12 =	sadd.s32 s0, s17;
	v16 =	vld [tilespmem:s24+$0x0]  }
0xac: {  	v41 =	vimm.f32 $0.0e+00;
	v52 =	vimm.f32 $0.0e+00;
	s22 =	rddreg [dreg:$0x9];
	s5 =	sadd.s32 s26, s19;
	s28 =	sadd.s32 s20, s10;
	v5 =	vld [tilespmem:s12+$0x0];
	v20 =	vmul.f32 v17, v17  }
0xad: {  	v40 =	vimm.f32 $0.0e+00;
	v39 =	vld [tilespmem:s5+$0x0];
	s20 =	sadd.s32 s20, s22;
	s13 =	sadd.s32 s26, s28;
	v43 =	vmul.f32 v1, v17;
	v1 =	vmul.f32 v1, v1  }
0xae: {  	v35 =	vimm.f32 $0.0e+00;
	s22 =	sadd.s32 s2, s20;
	v18 =	vld [tilespmem:s13+$0x0];
	v30 =	vmul.f32 v34, v34;
	v49 =	vmul.f32 v22, v22  }
0xaf: {  	v42 =	vimm.f32 $0.0e+00;
	s16 =	sadd.s32 s26, s20;
	v27 =	vld [tilespmem:s22+$0x0];
	v21 =	vmul.f32 v2, v17;
	v24 =	vmul.f32 v31, v31  }
0xb0: {  	v44 =	vimm.f32 $0.0e+00;
	v50 =	vld [tilespmem:s16+$0x0];
	s22 =	sadd.s32 s2, s28;
	v36 =	vmul.f32 v2, v2;
	v23 =	vmul.f32 v19, v19  }
0xb1: {  	s15 =	sadd.s32 s0, s28;
	v53 =	vld [tilespmem:s22+$0x0];
	v1 =	vadd.f32 v1, v28;
	v60 =	vmul.f32 v5, v17;
	v5 =	vmul.f32 v5, v5  }
0xb2: {  	v2 =	vld [tilespmem:s15+$0x0];
	v26 =	vmul.f32 v16, v16;
	v20 =	vadd.f32 v20, v28;
	v25 =	vadd.f32 v23, v28  }
0xb3: {  	v45 =	vld [tilespmem:s3+$0x2000];
	v51 =	vadd.f32 v21, v28;
	v5 =	vadd.f32 v5, v28;
	v21 =	vmul.f32 v29, v29  }
0xb4: {  	s24 =	sadd.s32 s11, s19;
	v23 =	vld [tilespmem:s14+$0x2000];
	v24 =	vadd.f32 v24, v28;
	v33 =	vmul.f32 v27, v27;
	v25 =	vadd.f32 v30, v25  }
0xb5: {  	s26 =	sadd.s32 s26, s17;
	v54 =	vld [tilespmem:s24+$0x0];
	v37 =	vmul.f32 v18, v18;
	v32 =	vadd.f32 v21, v1;
	v21 =	vadd.f32 v26, v5  }
0xb6: {  	s0 =	sadd.s32 s0, s20;
	v59 =	vld [tilespmem:s26+$0x0];
	v1 =	vmul.f32 v39, v39;
	v5 =	vmul.f32 v50, v50;
	v30 =	vadd.f32 v33, v28  }
0xb7: {  	s28 =	sadd.s32 s11, s28;
	v63 =	vld [tilespmem:s0+$0x0];
	v56 =	vmul.f32 v53, v53;
	v33 =	vimm.f32 $0.0e+00;
	v61 =	vmul.f32 v2, v17  }
0xb8: {  	s29 =	simm.s32 $0x0;
	s30 =	sadd.s32 s11, s20;
	v62 =	vld [tilespmem:s28+$0x0];
	v2 =	vmul.f32 v2, v2;
	v26 =	vadd.f32 v1, v24;
	v24 =	vadd.f32 v5, v30  }
0xb9: {  	s3 =	simm.s32 $0x0;
	s26 =	sadd.s32 s2, s17;
	s2 =	simm.s32 $0x40;
	v1 =	vimm.f32 $0.0e+00;
	v5 =	vld [tilespmem:s30+$0x0];
	v30 =	vimm.f32 $0.0e+00;
	v38 =	vmul.f32 v23, v23  }
.LBB2_4:
0xba: {  	_ = 	snop  }
0xbb: {  	v1 =	vadd.f32 v43, v1;
	v0 =	vmul.f32 v29, v23  }
0xbc: {  	v2 =	vadd.f32 v2, v28;
	v57 =	vmul.f32 v34, v22;
	v40 =	vadd.f32 v56, v40  }
0xbd: {  	s29 =	sadd.s32 $0x200, s29;
	v39 =	vmul.f32 v39, v22;
	v1 =	vadd.f32 v0, v1;
	v0 =	vmul.f32 v16, v23  }
0xbe: {  	s0 =	rddreg [dreg:$0x8];
	s18 =	sand.u32 $0x3C00, s29;
	v40 =	vadd.f32 v37, v40;
	v37 =	vmul.f32 v18, v22;
	v31 =	vmul.f32 v31, v45  }
0xbf: {  	s5 =	rddreg [dreg:$0xa];
	v58 =	vadd.f32 v60, v58;
	s20 =	sand.u32 $0x40, s2;
	s22 =	sor.u32 s25, s18;
	v28 =	vmul.f32 v62, v62;
	v60 =	vmul.f32 v59, v59  }
0xc0: {  	s19 =	rddreg [dreg:$0x9];
	s15 =	sor.u32 s20, s22;
	v6 =	vmul.f32 v5, v23;
	v10 =	vmul.f32 v59, v22  }
0xc1: {  	v48 =	vadd.f32 v61, v48;
	s12 =	rddreg [dreg:$0xb];
	s24 =	sadd.s32 s18, s0;
	v14 =	vmul.f32 v63, v63;
	v43 =	vld [tilespmem:s15+$0x2000];
	v59 =	vmul.f32 v54, v23  }
0xc2: {  	v36 =	vadd.f32 v36, v47;
	s21 =	sor.u32 $0x10, s20;
	s30 =	sor.u32 $0x30, s20;
	s28 =	sadd.s32 s20, s24;
	v61 =	vld [tilespmem:s15+$0x6000];
	v9 =	vmul.f32 v62, v23;
	v13 =	vmul.f32 v27, v45  }
0xc3: {  	s13 =	sor.u32 $0x20, s20;
	s5 =	sadd.s32 s18, s5;
	s17 =	sor.u32 s30, s22;
	v12 =	vld [tilespmem:s28+$0x0];
	v27 =	vmul.f32 v54, v54;
	v58 =	vadd.f32 v0, v58;
	v28 =	vadd.f32 v28, v2  }
0xc4: {  	s11 =	sadd.s32 s18, s19;
	s12 =	sadd.s32 s18, s12;
	s0 =	sor.u32 s21, s22;
	v11 =	vmul.f32 v45, v45;
	v34 =	vld [tilespmem:s17+$0x6000];
	v31 =	vadd.f32 v31, v46;
	v55 =	vadd.f32 v14, v55  }
0xc5: {  	s16 =	sadd.s32 s21, s24;
	s14 =	sadd.s32 s13, s5;
	s18 =	sor.u32 s13, s22;
	v29 =	vmul.f32 v63, v17;
	v62 =	vld [tilespmem:s0+$0x6000];
	v51 =	vadd.f32 v59, v51;
	v48 =	vadd.f32 v9, v48  }
0xc6: {  	s22 =	sadd.s32 s13, s24;
	v53 =	vmul.f32 v53, v45;
	s15 =	sadd.s32 s30, s24;
	s24 =	sadd.s32 s20, s12;
	v63 =	vld [tilespmem:s14+$0x0];
	v41 =	vadd.f32 v11, v41;
	v47 =	vadd.f32 v27, v36  }
0xc7: {  	v5 =	vmul.f32 v5, v5;
	v4 =	vld [tilespmem:s24+$0x0];
	v35 =	vadd.f32 v29, v35;
	v13 =	vadd.f32 v13, v33  }
0xc8: {  	v2 =	vmul.f32 v50, v22;
	v50 =	vld [tilespmem:s26+$0x0];
	v42 =	vadd.f32 v53, v42;
	v46 =	vadd.f32 v39, v31  }
0xc9: {  	v54 =	vld [tilespmem:s22+$0x0];
	v41 =	vadd.f32 v49, v41;
	v55 =	vadd.f32 v5, v55;
	v59 =	vmul.f32 v43, v43  }
0xca: {  	v29 =	vld [tilespmem:s18+$0x6000];
	v5 =	vadd.f32 v38, v20;
	v20 =	vmul.f32 v61, v61;
	v36 =	vmul.f32 v12, v12  }
0xcb: {  	s10 =	sadd.s32 s20, s5;
	v31 =	vld [tilespmem:s16+$0x0];
	v35 =	vadd.f32 v6, v35;
	v17 =	vmovc v43;
	v9 =	vmul.f32 v62, v62;
	v15 =	vmul.f32 v63, v63  }
0xcc: {  	v49 =	vld [tilespmem:s10+$0x0];
	v33 =	vadd.f32 v2, v13;
	v43 =	vmul.f32 v61, v17;
	v11 =	vmul.f32 v12, v17  }
0xcd: {  	v23 =	vld [tilespmem:s18+$0x2000];
	v42 =	vadd.f32 v37, v42;
	v61 =	vmul.f32 v4, v17;
	v27 =	vmul.f32 v50, v50  }
0xce: {  	s26 =	sadd.s32 s21, s5;
	s16 =	sadd.s32 s21, s12;
	s21 =	sadd.s32 s21, s11;
	v39 =	vld [tilespmem:s15+$0x0];
	v14 =	vmul.f32 v50, v45;
	v32 =	vadd.f32 v20, v32;
	v20 =	vadd.f32 v59, v5  }
0xcf: {  	s28 =	sadd.s32 s20, s11;
	s20 =	sadd.s32 s30, s12;
	v45 =	vmul.f32 v19, v45;
	v2 =	vadd.f32 v9, v25;
	v30 =	vadd.f32 v27, v30;
	v27 =	vld [tilespmem:s21+$0x0]  }
0xd0: {  	s19 =	sadd.s32 s30, s5;
	s5 =	sadd.s32 s30, s11;
	v12 =	vld [tilespmem:s20+$0x0];
	v5 =	vmul.f32 v34, v34;
	v38 =	vmul.f32 v29, v29;
	v51 =	vadd.f32 v11, v51  }
0xd1: {  	v50 =	vld [tilespmem:s5+$0x0];
	v52 =	vadd.f32 v14, v52;
	v56 =	vmul.f32 v31, v31;
	v6 =	vmul.f32 v49, v49  }
0xd2: {  	s3 =	sadd.s32 $0x2, s3;
	v53 =	vld [tilespmem:s16+$0x0];
	v25 =	vadd.f32 v5, v2;
	v2 =	vmul.f32 v4, v4;
	v32 =	vadd.f32 v38, v32  }
0xd3: {  	p0 =	slt.u32 s3, $0x3E;
	v22 =	vld [tilespmem:s17+$0x2000];
	v0 =	vmul.f32 v39, v39;
	v30 =	vadd.f32 v60, v30;
	v60 =	vmul.f32 v49, v17  }
.Ltmp0:
0xd4: {  	v16 =	vmovc v63;
	v63 =	vld [tilespmem:s28+$0x0];
	v52 =	vadd.f32 v10, v52;
	v6 =	vadd.f32 v6, v21;
	v49 =	vmul.f32 v27, v27;
	(pc) =	sbr.rel @p0 .LBB2_4-.Ltmp0, $4  }
0xd5: {  	s11 =	sadd.s32 s13, s11;
	s13 =	sadd.s32 s13, s12;
	v19 =	vmovc v62;
	v59 =	vld [tilespmem:s19+$0x0];
	v38 =	vmul.f32 v23, v23;
	v11 =	vadd.f32 v56, v26;
	v26 =	vadd.f32 v45, v44  }
0xd6: {  	v62 =	vld [tilespmem:s13+$0x0];
	v18 =	vmovc v12;
	v21 =	vadd.f32 v15, v6;
	v6 =	vmul.f32 v50, v50;
	v4 =	vadd.f32 v49, v24  }
0xd7: {  	v5 =	vld [tilespmem:s11+$0x0];
	v56 =	vmul.f32 v53, v53;
	v37 =	vmul.f32 v12, v18;
	v44 =	vadd.f32 v57, v26  }
0xd8: {  	s2 =	sadd.s32 $0x40, s2;
	v45 =	vld [tilespmem:s0+$0x2000];
	v26 =	vadd.f32 v0, v11;
	v49 =	vmul.f32 v22, v22;
	v24 =	vadd.f32 v6, v4  }
0xd9: {  	v0 =	vadd.f32 v2, v28;
	v6 =	vadd.f32 v60, v58;
	v10 =	vmul.f32 v34, v22  }
0xda: {  	v1 =	vadd.f32 v43, v1;
	v12 =	vmul.f32 v63, v63;
	v13 =	vmul.f32 v39, v22  }
0xdb: {  	v15 =	vadd.f32 v61, v48;
	v61 =	vmul.f32 v54, v23;
	v3 =	vadd.f32 v36, v47  }
0xdc: {  	v9 =	vmul.f32 v54, v54;
	v29 =	vmul.f32 v29, v23;
	v25 =	vadd.f32 v25, v32  }
0xdd: {  	v60 =	vld [tilespmem:s26+$0x0];
	v16 =	vmul.f32 v16, v23;
	v57 =	vmul.f32 v62, v62;
	v12 =	vadd.f32 v12, v55  }
0xde: {  	v62 =	vmul.f32 v62, v23;
	v28 =	vadd.f32 v61, v51;
	v51 =	vadd.f32 v56, v40  }
0xdf: {  	v1 =	vadd.f32 v29, v1;
	v6 =	vadd.f32 v16, v6;
	v11 =	vmul.f32 v5, v23  }
0xe0: {  	v5 =	vmul.f32 v5, v5;
	v4 =	vmul.f32 v31, v45;
	v0 =	vadd.f32 v57, v0  }
0xe1: {  	v43 =	vmul.f32 v45, v45;
	v15 =	vadd.f32 v62, v15;
	v19 =	vmul.f32 v19, v45  }
0xe2: {  	v2 =	vmul.f32 v60, v60;
	v5 =	vadd.f32 v5, v12;
	v4 =	vadd.f32 v4, v46  }
0xe3: {  	v46 =	vmul.f32 v60, v45;
	v47 =	vadd.f32 v43, v41;
	v19 =	vadd.f32 v19, v44  }
0xe4: {  	v17 =	vmul.f32 v63, v17;
	v2 =	vadd.f32 v2, v30;
	v4 =	vadd.f32 v13, v4  }
0xe5: {  	v54 =	vmul.f32 v27, v45;
	v13 =	vadd.f32 v9, v3;
	v48 =	vadd.f32 v46, v52  }
0xe6: {  	v52 =	vadd.f32 v17, v35;
	v10 =	vadd.f32 v10, v19  }
0xe7: {  	v56 =	vmul.f32 v50, v22;
	v31 =	vadd.f32 v49, v47;
	v17 =	vadd.f32 v54, v33  }
0xe8: {  	s0 =	sshll.u32 s1, $0x4;
	v55 =	vmul.f32 v53, v45;
	v11 =	vadd.f32 v11, v52;
	v1 =	vadd.f32 v10, v1  }
0xe9: {  	[tilespmem:s0+$0x1A380] =	vst v25;
	v57 =	vmul.f32 v59, v22;
	v12 =	vadd.f32 v56, v17;
	v58 =	vadd.f32 v4, v28  }
0xea: {  	v19 =	vadd.f32 v55, v42;
	v4 =	vmul.f32 v59, v59;
	v13 =	vadd.f32 v26, v13;
	[tilespmem:s0+$0x1A100] =	vst v1  }
0xeb: {  	v10 =	vadd.f32 v57, v48;
	v59 =	vmul.f32 v18, v22;
	[tilespmem:s0+$0x1A180] =	vst v58;
	v60 =	vadd.f32 v12, v11  }
0xec: {  	v2 =	vadd.f32 v4, v2;
	[tilespmem:s0+$0x1A400] =	vst v13;
	v4 =	vadd.f32 v24, v5  }
0xed: {  	s1 =	sadd.s32 $0x1, s1;
	v5 =	vadd.f32 v59, v19;
	v61 =	vadd.f32 v10, v6;
	[tilespmem:s0+$0x1A200] =	vst v60  }
0xee: {  	p0 =	sne.s32 s1, $0x8;
	v6 =	vadd.f32 v37, v51;
	[tilespmem:s0+$0x1A480] =	vst v4;
	v2 =	vadd.f32 v2, v21  }
.Ltmp1:
0xef: {  	v4 =	vadd.f32 v38, v20;
	[tilespmem:s0+$0x1A280] =	vst v61;
	v62 =	vadd.f32 v5, v15;
	(pc) =	sbr.rel @p0 .LBB2_3-.Ltmp1, $4  }
0xf0: {  	v0 =	vadd.f32 v6, v0;
	[tilespmem:s0+$0x1A500] =	vst v2  }
0xf1: {  	[tilespmem:s0+$0x1A300] =	vst v62;
	v63 =	vadd.f32 v31, v4  }
0xf2: {  	[tilespmem:s0+$0x1A580] =	vst v0  }
0xf3: {  	[tilespmem:s0+$0x1A600] =	vst v63  }
0xf4: {  	v0 =	vld [tilespmem:$0x1FF50];
	_ =	sdelay $0x4  }
0xf5: {  	v3 =	vshll.u32 v7, $0x3;
	v20 =	vmul.u32 $0x10, v0;
	_ =	sdelay $0x3  }
0xf6: {  	s0 =	simm.s32 $0x80;
	v0 =	vor.u32 $0x1, v20  }
0xf7: {  	v8 =	vld.idx.msk [tilespmem:v3+s0+$0x0], $0xffff;
	v1 =	vor.u32 $0x2, v20  }
0xf8: {  	v2 =	vor.u32 $0x3, v20;
	v5 =	vld.idx.msk [tilespmem:v20+s8+$0x0], $0xffff  }
0xf9: {  	v4 =	vor.u32 $0x4, v20;
	v42 =	vld.idx.msk [tilespmem:v20+s9+$0x0], $0xffff  }
0xfa: {  	v6 =	vor.u32 $0x5, v20;
	v56 =	vld.idx.msk [tilespmem:v20+s23+$0x0], $0xffff  }
0xfb: {  	v11 =	vor.u32 $0x6, v20;
	v10 =	vld.idx.msk [tilespmem:v0+s8+$0x0], $0xffff  }
0xfc: {  	v13 =	vor.u32 $0x7, v20;
	v12 =	vld.idx.msk [tilespmem:v1+s8+$0x0], $0xffff  }
0xfd: {  	v17 =	vor.u32 $0x8, v20;
	v15 =	vld.idx.msk [tilespmem:v2+s8+$0x0], $0xffff  }
0xfe: {  	v23 =	vor.u32 $0x9, v20;
	v18 =	vld.idx.msk [tilespmem:v4+s8+$0x0], $0xffff  }
0xff: {  	v24 =	vor.u32 $0xA, v20;
	v26 =	vld.idx.msk [tilespmem:v6+s8+$0x0], $0xffff  }
0x100: {  	v25 =	vor.u32 $0xB, v20;
	v27 =	vld.idx.msk [tilespmem:v11+s8+$0x0], $0xffff  }
0x101: {  	v28 =	vor.u32 $0xC, v20;
	v29 =	vld.idx.msk [tilespmem:v13+s8+$0x0], $0xffff  }
0x102: {  	v30 =	vor.u32 $0xD, v20;
	v34 =	vld.idx.msk [tilespmem:v17+s8+$0x0], $0xffff  }
0x103: {  	v31 =	vor.u32 $0xE, v20;
	v35 =	vld.idx.msk [tilespmem:v23+s8+$0x0], $0xffff  }
0x104: {  	v32 =	vor.u32 $0xF, v20;
	v36 =	vld.idx.msk [tilespmem:v24+s8+$0x0], $0xffff  }
0x105: {  	v37 =	vld.idx.msk [tilespmem:v25+s8+$0x0], $0xffff  }
0x106: {  	v38 =	vld.idx.msk [tilespmem:v28+s8+$0x0], $0xffff  }
0x107: {  	v39 =	vld.idx.msk [tilespmem:v30+s8+$0x0], $0xffff  }
0x108: {  	v40 =	vld.idx.msk [tilespmem:v31+s8+$0x0], $0xffff  }
0x109: {  	v41 =	vld.idx.msk [tilespmem:v32+s8+$0x0], $0xffff  }
0x10a: {  	v43 =	vld.idx.msk [tilespmem:v0+s9+$0x0], $0xffff  }
0x10b: {  	v44 =	vld.idx.msk [tilespmem:v1+s9+$0x0], $0xffff  }
0x10c: {  	v45 =	vld.idx.msk [tilespmem:v2+s9+$0x0], $0xffff  }
0x10d: {  	v46 =	vld.idx.msk [tilespmem:v4+s9+$0x0], $0xffff  }
0x10e: {  	v47 =	vld.idx.msk [tilespmem:v6+s9+$0x0], $0xffff  }
0x10f: {  	v48 =	vld.idx.msk [tilespmem:v11+s9+$0x0], $0xffff  }
0x110: {  	v49 =	vld.idx.msk [tilespmem:v13+s9+$0x0], $0xffff  }
0x111: {  	v50 =	vld.idx.msk [tilespmem:v17+s9+$0x0], $0xffff  }
0x112: {  	v51 =	vld.idx.msk [tilespmem:v23+s9+$0x0], $0xffff  }
0x113: {  	v52 =	vld.idx.msk [tilespmem:v24+s9+$0x0], $0xffff  }
0x114: {  	v53 =	vld.idx.msk [tilespmem:v25+s9+$0x0], $0xffff  }
0x115: {  	v54 =	vld.idx.msk [tilespmem:v28+s9+$0x0], $0xffff  }
0x116: {  	v55 =	vld.idx.msk [tilespmem:v30+s9+$0x0], $0xffff  }
0x117: {  	v33 =	vld.idx.msk [tilespmem:v31+s9+$0x0], $0xffff  }
0x118: {  	v22 =	vld.idx.msk [tilespmem:v32+s9+$0x0], $0xffff  }
0x119: {  	[tilespmem:$0x1FEF0] =	vst v8;
	v8 =	vld.idx.msk [tilespmem:v0+s23+$0x0], $0xffff  }
0x11a: {  	v14 =	vld.idx.msk [tilespmem:v1+s23+$0x0], $0xffff  }
0x11b: {  	v16 =	vld.idx.msk [tilespmem:v2+s23+$0x0], $0xffff  }
0x11c: {  	v4 =	vld.idx.msk [tilespmem:v4+s23+$0x0], $0xffff  }
0x11d: {  	v19 =	vld.idx.msk [tilespmem:v6+s23+$0x0], $0xffff  }
0x11e: {  	v11 =	vld.idx.msk [tilespmem:v11+s23+$0x0], $0xffff  }
0x11f: {  	v13 =	vld.idx.msk [tilespmem:v13+s23+$0x0], $0xffff  }
0x120: {  	v57 =	vld.idx.msk [tilespmem:v17+s23+$0x0], $0xffff  }
0x121: {  	v58 =	vld.idx.msk [tilespmem:v23+s23+$0x0], $0xffff  }
0x122: {  	v59 =	vld.idx.msk [tilespmem:v24+s23+$0x0], $0xffff  }
0x123: {  	v60 =	vld.idx.msk [tilespmem:v25+s23+$0x0], $0xffff;
	v17 =	vor.u32 $0x1, v3  }
0x124: {  	v61 =	vld.idx.msk [tilespmem:v28+s23+$0x0], $0xffff;
	v25 =	vor.u32 $0x80, v20  }
0x125: {  	v62 =	vld.idx.msk [tilespmem:v30+s23+$0x0], $0xffff;
	v28 =	vor.u32 $0x81, v20  }
0x126: {  	v63 =	vld.idx.msk [tilespmem:v31+s23+$0x0], $0xffff  }
0x127: {  	v21 =	vld.idx.msk [tilespmem:v32+s23+$0x0], $0xffff  }
0x128: {  	v31 =	vor.u32 $0x82, v20;
	v32 =	vld.idx.msk [tilespmem:v17+s0+$0x0], $0xffff  }
0x129: {  	v9 =	vor.u32 $0x83, v20;
	v30 =	vld.idx.msk [tilespmem:v25+s9+$0x0], $0xffff  }
0x12a: {  	[tilespmem:$0x1FF20] =	vst v7;
	v7 =	vor.u32 $0x85, v20;
	v24 =	vld.idx.msk [tilespmem:v28+s9+$0x0], $0xffff  }
0x12b: {  	v17 =	vld.idx.msk [tilespmem:v25+s23+$0x0], $0xffff  }
0x12c: {  	v28 =	vld.idx.msk [tilespmem:v28+s23+$0x0], $0xffff  }
0x12d: {  	v1 =	vor.u32 $0x88, v20;
	v23 =	vld.idx.msk [tilespmem:v31+s23+$0x0], $0xffff  }
0x12e: {  	v2 =	vor.u32 $0x89, v20;
	v25 =	vld.idx.msk [tilespmem:v9+s9+$0x0], $0xffff  }
0x12f: {  	v5 =	vadd.f32 $0.0e+00, v5;
	v0 =	vadd.f32 $0.0e+00, v15;
	v15 =	vld.idx.msk [tilespmem:v7+s9+$0x0], $0xffff  }
0x130: {  	v10 =	vadd.f32 $0.0e+00, v10;
	v12 =	vadd.f32 $0.0e+00, v12;
	v9 =	vld.idx.msk [tilespmem:v9+s23+$0x0], $0xffff  }
0x131: {  	[tilespmem:$0x1FF10] =	vst v3;
	v7 =	vld.idx.msk [tilespmem:v7+s23+$0x0], $0xffff;
	v16 =	vadd.f32 $0.0e+00, v16;
	v5 =	vadd.f32 v18, v5  }
0x132: {  	v6 =	vmovc v3;
	v3 =	vor.u32 $0x84, v20;
	v18 =	vadd.f32 v26, v10;
	v0 =	vadd.f32 v29, v0;
	v29 =	vld.idx.msk [tilespmem:v1+s9+$0x0], $0xffff  }
0x133: {  	v26 =	vadd.f32 v27, v12;
	v27 =	vld.idx.msk [tilespmem:v2+s9+$0x0], $0xffff;
	v13 =	vadd.f32 v13, v16  }
0x134: {  	v1 =	vld.idx.msk [tilespmem:v1+s23+$0x0], $0xffff;
	v5 =	vadd.f32 v34, v5;
	v18 =	vadd.f32 v35, v18  }
0x135: {  	v2 =	vld.idx.msk [tilespmem:v2+s23+$0x0], $0xffff;
	v26 =	vadd.f32 v36, v26;
	v0 =	vadd.f32 v37, v0;
	v35 =	vor.u32 $0x8E, v20  }
0x136: {  	v36 =	vadd.f32 $0.0e+00, v43;
	v13 =	vadd.f32 v60, v13;
	[tilespmem:$0x1FF00] =	vst v32;
	v32 =	vld.idx.msk [tilespmem:v31+s9+$0x0], $0xffff  }
0x137: {  	[tilespmem:$0x1FED0] =	vst v24;
	v31 =	vor.u32 $0x87, v20;
	v24 =	vld.idx.msk [tilespmem:v3+s9+$0x0], $0xffff;
	v5 =	vadd.f32 v38, v5;
	v38 =	vadd.f32 $0.0e+00, v44  }
0x138: {  	v18 =	vadd.f32 v39, v18;
	v0 =	vadd.f32 v41, v0;
	v41 =	vld.idx.msk [tilespmem:v3+s23+$0x0], $0xffff  }
0x139: {  	v34 =	vor.u32 $0x8A, v20;
	v13 =	vadd.f32 v21, v13;
	v21 =	vadd.f32 $0.0e+00, v23;
	v23 =	vld [tilespmem:$0x1FED0]  }
0x13a: {  	v43 =	vor.u32 $0x8F, v20;
	v26 =	vadd.f32 v40, v26;
	v48 =	vadd.f32 v48, v38;
	v38 =	vld.idx.msk [tilespmem:v35+s9+$0x0], $0xffff  }
0x13b: {  	v39 =	vadd.f32 $0.0e+00, v45;
	v16 =	vld.idx.msk [tilespmem:v35+s23+$0x0], $0xffff  }
0x13c: {  	v5 =	vadd.f32 v18, v5;
	v0 =	vadd.f32 v0, v26;
	v12 =	vld.idx.msk [tilespmem:v31+s9+$0x0], $0xffff  }
0x13d: {  	v40 =	vor.u32 $0x8B, v20;
	v39 =	vadd.f32 v49, v39;
	v31 =	vld.idx.msk [tilespmem:v31+s23+$0x0], $0xffff  }
0x13e: {  	v3 =	vor.u32 $0x8C, v20;
	v26 =	vadd.f32 v0, v5;
	v5 =	vld.idx.msk [tilespmem:v34+s9+$0x0], $0xffff  }
0x13f: {  	v44 =	vadd.f32 v47, v36;
	v47 =	vadd.f32 v53, v39;
	v39 =	vld.idx.msk [tilespmem:v43+s9+$0x0], $0xffff  }
0x140: {  	v34 =	vld.idx.msk [tilespmem:v34+s23+$0x0], $0xffff  }
0x141: {  	v18 =	vor.u32 $0x8D, v20;
	v43 =	vld.idx.msk [tilespmem:v43+s23+$0x0], $0xffff  }
0x142: {  	v44 =	vadd.f32 v51, v44;
	v51 =	vor.u32 $0x100, v20;
	v0 =	vadd.f32 $0.0e+00, v42;
	v42 =	vld.idx.msk [tilespmem:v40+s9+$0x0], $0xffff  }
0x143: {  	v8 =	vadd.f32 $0.0e+00, v8;
	v35 =	vor.u32 $0x102, v20;
	v37 =	vld.idx.msk [tilespmem:v3+s9+$0x0], $0xffff  }
0x144: {  	v14 =	vadd.f32 $0.0e+00, v14;
	v28 =	vadd.f32 $0.0e+00, v28;
	v49 =	vld.idx.msk [tilespmem:v40+s23+$0x0], $0xffff  }
0x145: {  	v17 =	vadd.f32 $0.0e+00, v17;
	v9 =	vadd.f32 $0.0e+00, v9;
	[tilespmem:$0x1FEE0] =	vst v32;
	v32 =	vor.u32 $0x86, v20;
	v3 =	vld.idx.msk [tilespmem:v3+s23+$0x0], $0xffff  }
0x146: {  	v7 =	vadd.f32 v7, v28;
	v45 =	vadd.f32 v52, v48;
	v36 =	vld.idx.msk [tilespmem:v18+s9+$0x0], $0xffff  }
0x147: {  	v28 =	vor.u32 $0x10A, v20;
	v44 =	vadd.f32 v55, v44;
	v23 =	vadd.f32 $0.0e+00, v23;
	v40 =	vld.idx.msk [tilespmem:v51+s23+$0x0], $0xffff  }
0x148: {  	v33 =	vadd.f32 v33, v45;
	v0 =	vadd.f32 v46, v0;
	v45 =	vld.idx.msk [tilespmem:v35+s9+$0x0], $0xffff  }
0x149: {  	v17 =	vadd.f32 v41, v17;
	v52 =	vshra.s32 v26, $0x1;
	v15 =	vadd.f32 v15, v23;
	v35 =	vld.idx.msk [tilespmem:v35+s23+$0x0], $0xffff  }
0x14a: {  	v53 =	vor.u32 $0x104, v20;
	v46 =	vsub.s32 $0x5F3759DF, v52;
	v0 =	vadd.f32 v50, v0;
	v10 =	vld.idx.msk [tilespmem:v32+s9+$0x0], $0xffff  }
0x14b: {  	v52 =	vor.u32 $0x103, v20;
	v1 =	vadd.f32 v1, v17;
	v32 =	vld.idx.msk [tilespmem:v32+s23+$0x0], $0xffff;
	v15 =	vadd.f32 v27, v15  }
0x14c: {  	v17 =	vor.u32 $0x10C, v20;
	v27 =	vld.idx.msk [tilespmem:v28+s23+$0x0], $0xffff;
	v0 =	vadd.f32 v54, v0;
	v54 =	vadd.f32 $0.0e+00, v56  }
0x14d: {  	v56 =	vor.u32 $0x2, v6;
	v6 =	vadd.f32 v19, v8;
	v8 =	vadd.f32 v11, v14;
	v11 =	vld.idx.msk [tilespmem:v18+s23+$0x0], $0xffff  }
0x14e: {  	v48 =	vmul.f32 $5.000000000e-01, v26;
	v4 =	vadd.f32 v4, v54;
	v54 =	vld.idx.msk [tilespmem:v51+s9+$0x0], $0xffff  }
0x14f: {  	v9 =	vadd.f32 v31, v9;
	v14 =	vor.u32 $0x101, v20;
	v0 =	vadd.f32 v44, v0;
	v44 =	vld.idx.msk [tilespmem:v53+s9+$0x0], $0xffff  }
0x150: {  	v22 =	vadd.f32 v22, v47;
	v51 =	vld.idx.msk [tilespmem:v52+s23+$0x0], $0xffff  }
0x151: {  	v55 =	vmul.f32 v46, v48;
	v9 =	vadd.f32 v49, v9;
	v6 =	vadd.f32 v58, v6;
	v49 =	vld.idx.msk [tilespmem:v17+s9+$0x0], $0xffff  }
0x152: {  	v8 =	vadd.f32 v59, v8;
	v58 =	vor.u32 $0x109, v20;
	v17 =	vld.idx.msk [tilespmem:v17+s23+$0x0], $0xffff;
	v4 =	vadd.f32 v57, v4  }
0x153: {  	v50 =	vmul.f32 v46, v55;
	v6 =	vadd.f32 v62, v6;
	v21 =	vadd.f32 v32, v21;
	v18 =	vld.idx.msk [tilespmem:v56+s0+$0x0], $0xffff  }
0x154: {  	v55 =	vor.u32 $0x105, v20;
	v8 =	vadd.f32 v63, v8;
	v19 =	vld.idx.msk [tilespmem:v14+s9+$0x0], $0xffff;
	v4 =	vadd.f32 v61, v4  }
0x155: {  	v50 =	vsub.f32 $1.500000000e+00, v50;
	v56 =	vor.u32 $0x106, v20;
	v14 =	vld.idx.msk [tilespmem:v14+s23+$0x0], $0xffff;
	v21 =	vadd.f32 v34, v21  }
0x156: {  	v47 =	vor.u32 $0x107, v20;
	v34 =	vld.idx.msk [tilespmem:v28+s9+$0x0], $0xffff;
	v4 =	vadd.f32 v6, v4;
	v6 =	vadd.f32 v13, v8  }
0x157: {  	v33 =	vadd.f32 v22, v33;
	v59 =	vld.idx.msk [tilespmem:v58+s9+$0x0], $0xffff  }
0x158: {  	v2 =	vadd.f32 v2, v7;
	v8 =	vld.idx.msk [tilespmem:v52+s9+$0x0], $0xffff;
	v22 =	vadd.f32 v6, v4;
	v6 =	vmul.f32 v46, v50  }
0x159: {  	v1 =	vadd.f32 v3, v1;
	v0 =	vadd.f32 v33, v0;
	v13 =	vor.u32 $0x108, v20;
	v4 =	vld.idx.msk [tilespmem:v55+s9+$0x0], $0xffff  }
0x15a: {  	v32 =	vor.u32 $0x10B, v20;
	v2 =	vadd.f32 v11, v2;
	v33 =	vld.idx.msk [tilespmem:v56+s9+$0x0], $0xffff;
	v31 =	vmul.f32 v6, v48  }
0x15b: {  	v52 =	vor.u32 $0x10D, v20;
	v50 =	vld.idx.msk [tilespmem:v47+s9+$0x0], $0xffff;
	v61 =	vshra.s32 v22, $0x1;
	v41 =	vmul.f32 $5.000000000e-01, v22  }
0x15c: {  	v1 =	vadd.f32 v2, v1;
	v2 =	vld.idx.msk [tilespmem:v56+s23+$0x0], $0xffff;
	v46 =	vsub.s32 $0x5F3759DF, v61;
	v31 =	vmul.f32 v31, v6  }
0x15d: {  	v47 =	vld.idx.msk [tilespmem:v47+s23+$0x0], $0xffff;
	v7 =	vmul.f32 v46, v41  }
0x15e: {  	v60 =	vor.u32 $0x10E, v20;
	v57 =	vld.idx.msk [tilespmem:v13+s9+$0x0], $0xffff;
	v11 =	vsub.f32 $1.500000000e+00, v31  }
0x15f: {  	v30 =	vadd.f32 $0.0e+00, v30;
	v15 =	vadd.f32 v36, v15;
	v13 =	vld.idx.msk [tilespmem:v13+s23+$0x0], $0xffff;
	v62 =	vmul.f32 v46, v7  }
0x160: {  	v9 =	vadd.f32 v43, v9;
	v36 =	vld.idx.msk [tilespmem:v52+s23+$0x0], $0xffff;
	v6 =	vmul.f32 v11, v6;
	v11 =	vadd.f32 v16, v21  }
0x161: {  	v61 =	vor.u32 $0x10F, v20;
	v7 =	vld.idx.msk [tilespmem:v32+s9+$0x0], $0xffff;
	v3 =	vsub.f32 $1.500000000e+00, v62;
	v21 =	vadd.f32 v24, v30  }
0x162: {  	v63 =	vadd.f32 v9, v11;
	v11 =	vld.idx.msk [tilespmem:v53+s23+$0x0], $0xffff  }
0x163: {  	v3 =	vmul.f32 v46, v3;
	v46 =	vld [tilespmem:$0x1FEE0];
	v53 =	vadd.f32 $0.0e+00, v25;
	v21 =	vadd.f32 v29, v21  }
0x164: {  	v62 =	vld.idx.msk [tilespmem:v52+s9+$0x0], $0xffff;
	v24 =	vadd.f32 v63, v1  }
0x165: {  	v16 =	vld.idx.msk [tilespmem:v60+s9+$0x0], $0xffff;
	v1 =	vadd.f32 v12, v53;
	v21 =	vadd.f32 v37, v21  }
0x166: {  	v35 =	vadd.f32 $0.0e+00, v35;
	v43 =	vld.idx.msk [tilespmem:v61+s9+$0x0], $0xffff;
	v23 =	vmul.f32 v3, v41  }
0x167: {  	v9 =	vmul.f32 v6, v48;
	v1 =	vadd.f32 v42, v1;
	v15 =	vadd.f32 v15, v21;
	v21 =	vld.idx.msk [tilespmem:v61+s23+$0x0], $0xffff  }
0x168: {  	v23 =	vmul.f32 v23, v3;
	v61 =	vor.u32 $0x186, v20;
	v48 =	vadd.f32 $0.0e+00, v46;
	v46 =	vld.idx.msk [tilespmem:v55+s23+$0x0], $0xffff  }
0x169: {  	v30 =	vmul.f32 $5.000000000e-01, v24;
	v42 =	vor.u32 $0x18A, v20;
	v1 =	vadd.f32 v39, v1;
	v39 =	vld.idx.msk [tilespmem:v60+s23+$0x0], $0xffff  }
0x16a: {  	v55 =	vshra.s32 v24, $0x1;
	v60 =	vadd.f32 $0.0e+00, v54;
	v54 =	vld [tilespmem:$0x1FEF0];
	v10 =	vadd.f32 v10, v48  }
0x16b: {  	v37 =	vor.u32 $0x181, v20;
	v12 =	vsub.s32 $0x5F3759DF, v55;
	v23 =	vsub.f32 $1.500000000e+00, v23;
	v48 =	vld.idx.msk [tilespmem:v58+s23+$0x0], $0xffff  }
0x16c: {  	v56 =	vmul.f32 v12, v30;
	v58 =	vor.u32 $0x183, v20;
	v5 =	vadd.f32 v5, v10;
	v10 =	vld.idx.msk [tilespmem:v32+s23+$0x0], $0xffff  }
0x16d: {  	v14 =	vadd.f32 $0.0e+00, v14;
	v2 =	vadd.f32 v2, v35;
	v31 =	vld.idx.msk [tilespmem:v61+s9+$0x0], $0xffff  }
0x16e: {  	v8 =	vadd.f32 $0.0e+00, v8;
	v3 =	vmul.f32 v23, v3;
	v25 =	vmul.f32 v12, v56;
	v56 =	vld.idx.msk [tilespmem:v42+s23+$0x0], $0xffff  }
0x16f: {  	v2 =	vadd.f32 v27, v2;
	v9 =	vmul.f32 v9, v6;
	v32 =	vor.u32 $0x180, v20;
	v42 =	vld.idx.msk [tilespmem:v42+s9+$0x0], $0xffff  }
0x170: {  	v53 =	vor.u32 $0x185, v20;
	v23 =	vmul.f32 v3, v41;
	v41 =	vld.idx.msk [tilespmem:v37+s9+$0x0], $0xffff;
	v5 =	vadd.f32 v38, v5  }
0x171: {  	v14 =	vadd.f32 v46, v14;
	v38 =	vor.u32 $0x182, v20;
	v25 =	vsub.f32 $1.500000000e+00, v25;
	v28 =	vld.idx.msk [tilespmem:v58+s9+$0x0], $0xffff  }
0x172: {  	v52 =	vor.u32 $0x184, v20;
	v55 =	vld.idx.msk [tilespmem:v58+s23+$0x0], $0xffff;
	v58 =	vadd.f32 $0.0e+00, v40;
	v1 =	vadd.f32 v1, v5  }
0x173: {  	v9 =	vsub.f32 $1.500000000e+00, v9;
	v46 =	vld.idx.msk [tilespmem:v61+s23+$0x0], $0xffff;
	v61 =	vadd.f32 v48, v14;
	v48 =	vor.u32 $0x18E, v20  }
0x174: {  	v5 =	vmul.f32 v12, v25;
	v12 =	vld.idx.msk [tilespmem:v32+s9+$0x0], $0xffff;
	v11 =	vadd.f32 v11, v58;
	v25 =	vadd.f32 v1, v15  }
0x175: {  	v15 =	vadd.f32 $0.0e+00, v19;
	v19 =	vmul.f32 v23, v3;
	v23 =	vadd.f32 $0.0e+00, v45;
	v45 =	vld.idx.msk [tilespmem:v53+s9+$0x0], $0xffff  }
0x176: {  	v35 =	vor.u32 $0x18C, v20;
	v44 =	vadd.f32 v44, v60;
	v2 =	vadd.f32 v39, v2;
	v29 =	vld.idx.msk [tilespmem:v38+s9+$0x0], $0xffff  }
0x177: {  	v39 =	vor.u32 $0x200, v20;
	v11 =	vadd.f32 v13, v11;
	v4 =	vadd.f32 v4, v15;
	v15 =	vld.idx.msk [tilespmem:v52+s9+$0x0], $0xffff  }
0x178: {  	v33 =	vadd.f32 v33, v23;
	v23 =	vmul.f32 v9, v6;
	v6 =	vadd.f32 v50, v8;
	v9 =	vld.idx.msk [tilespmem:v32+s23+$0x0], $0xffff  }
0x179: {  	v63 =	vmul.f32 v5, v30;
	v19 =	vsub.f32 $1.500000000e+00, v19;
	v8 =	vadd.f32 v57, v44;
	v57 =	vld.idx.msk [tilespmem:v48+s23+$0x0], $0xffff  }
0x17a: {  	v13 =	vadd.f32 v36, v61;
	v32 =	vor.u32 $0x187, v20;
	v6 =	vadd.f32 v7, v6;
	v7 =	vld.idx.msk [tilespmem:v37+s23+$0x0], $0xffff  }
0x17b: {  	v11 =	vadd.f32 v17, v11;
	v3 =	vmul.f32 v19, v3;
	v19 =	vadd.f32 v34, v33;
	v33 =	vld.idx.msk [tilespmem:v38+s23+$0x0], $0xffff  }
0x17c: {  	v17 =	vor.u32 $0x18F, v20;
	v4 =	vadd.f32 v59, v4;
	v38 =	vld.idx.msk [tilespmem:v52+s23+$0x0], $0xffff;
	v59 =	vadd.f32 $0.0e+00, v51  }
0x17d: {  	v8 =	vadd.f32 v49, v8;
	v37 =	vor.u32 $0x189, v20;
	v6 =	vadd.f32 v43, v6;
	v43 =	vld.idx.msk [tilespmem:v53+s23+$0x0], $0xffff  }
0x17e: {  	v44 =	vor.u32 $0x18B, v20;
	v4 =	vadd.f32 v62, v4;
	v60 =	vadd.f32 v47, v59;
	v59 =	vld.idx.msk [tilespmem:v39+s23+$0x0], $0xffff  }
0x17f: {  	v41 =	vadd.f32 $0.0e+00, v41;
	v1 =	vmul.f32 v63, v5;
	v11 =	vadd.f32 v13, v11;
	v40 =	vld.idx.msk [tilespmem:v32+s23+$0x0], $0xffff  }
0x180: {  	v13 =	vor.u32 $0x202, v20;
	v16 =	vadd.f32 v16, v19;
	v4 =	vadd.f32 v4, v8;
	v8 =	vld.idx.msk [tilespmem:v35+s23+$0x0], $0xffff  }
0x181: {  	v41 =	vadd.f32 v45, v41;
	v10 =	vadd.f32 v10, v60;
	v45 =	vld.idx.msk [tilespmem:v17+s9+$0x0], $0xffff  }
0x182: {  	v1 =	vsub.f32 $1.500000000e+00, v1;
	v6 =	vadd.f32 v6, v16;
	v63 =	vld.idx.msk [tilespmem:v37+s23+$0x0], $0xffff  }
0x183: {  	v19 =	vor.u32 $0x188, v20;
	v10 =	vadd.f32 v21, v10;
	v21 =	vld.idx.msk [tilespmem:v44+s23+$0x0], $0xffff  }
0x184: {  	v1 =	vmul.f32 v1, v5;
	v5 =	vor.u32 $0x203, v20;
	v27 =	vadd.f32 v6, v4;
	v6 =	vld.idx.msk [tilespmem:v17+s23+$0x0], $0xffff  }
0x185: {  	v14 =	vor.u32 $0x18D, v20;
	v61 =	vld.idx.msk [tilespmem:v13+s23+$0x0], $0xffff  }
0x186: {  	vm1 =	vlt.f32 v26, $1.000000020e-16;
	v58 =	vadd.f32 $0.0e+00, v12;
	v17 =	vld.idx.msk [tilespmem:v39+s9+$0x0], $0xffff  }
0x187: {  	v9 =	vadd.f32 $0.0e+00, v9;
	v16 =	vor.u32 $0x201, v20;
	v33 =	vadd.f32 $0.0e+00, v33;
	v13 =	vld.idx.msk [tilespmem:v13+s9+$0x0], $0xffff  }
0x188: {  	v12 =	vor.u32 $0x205, v20;
	v34 =	vadd.f32 $0.0e+00, v55;
	v7 =	vadd.f32 $0.0e+00, v7;
	v62 =	vld.idx.msk [tilespmem:v19+s23+$0x0], $0xffff  }
0x189: {  	v9 =	vadd.f32 v38, v9;
	v38 =	vor.u32 $0x207, v20;
	v33 =	vadd.f32 v46, v33;
	v46 =	vld.idx.msk [tilespmem:v5+s23+$0x0], $0xffff  }
0x18a: {  	v51 =	vor.u32 $0x206, v20;
	v29 =	vadd.f32 $0.0e+00, v29;
	v2 =	vadd.f32 v10, v2;
	v10 =	vld.idx.msk [tilespmem:v14+s23+$0x0], $0xffff  }
0x18b: {  	v7 =	vadd.f32 v43, v7;
	v19 =	vld.idx.msk [tilespmem:v19+s9+$0x0], $0xffff;
	v34 =	vadd.f32 v40, v34;
	v40 =	vor.u32 $0x208, v20  }
0x18c: {  	v60 =	vld.idx.msk [tilespmem:v16+s23+$0x0], $0xffff;
	v33 =	vadd.f32 v56, v33;
	v26 =	vadd.f32 v2, v11;
	v11 =	vor.u32 $0x204, v20  }
0x18d: {  	v47 =	vor.u32 $0x209, v20;
	v7 =	vadd.f32 v63, v7;
	v63 =	vld.idx.msk [tilespmem:v12+s23+$0x0], $0xffff;
	v21 =	vadd.f32 v21, v34  }
0x18e: {  	v34 =	vor.u32 $0x20A, v20;
	v4 =	vadd.f32 v57, v33;
	v33 =	vld.idx.msk [tilespmem:v38+s23+$0x0], $0xffff;
	v9 =	vadd.f32 v62, v9  }
0x18f: {  	v7 =	vadd.f32 v10, v7;
	v10 =	vld.idx.msk [tilespmem:v51+s23+$0x0], $0xffff;
	v6 =	vadd.f32 v6, v21;
	v21 =	vor.u32 $0x20C, v20  }
0x190: {  	v30 =	vmul.f32 v1, v30;
	v57 =	vld.idx.msk [tilespmem:v40+s23+$0x0], $0xffff;
	v8 =	vadd.f32 v8, v9;
	v9 =	vor.u32 $0x20B, v20  }
0x191: {  	v29 =	vadd.f32 v31, v29;
	v2 =	vadd.f32 v15, v58;
	v15 =	vor.u32 $0x20D, v20;
	v62 =	vld.idx.msk [tilespmem:v11+s23+$0x0], $0xffff  }
0x192: {  	v4 =	vadd.f32 v6, v4;
	v6 =	vor.u32 $0x20E, v20;
	v7 =	vadd.f32 v7, v8;
	v8 =	vld.idx.msk [tilespmem:v47+s23+$0x0], $0xffff  }
0x193: {  	v29 =	vadd.f32 v42, v29;
	v20 =	vor.u32 $0x20F, v20;
	v58 =	vld.idx.msk [tilespmem:v34+s23+$0x0], $0xffff  }
0x194: {  	v30 =	vmul.f32 v30, v1;
	v59 =	vadd.f32 $0.0e+00, v59;
	v43 =	vadd.f32 $0.0e+00, v61;
	v61 =	vld.idx.msk [tilespmem:v21+s23+$0x0], $0xffff  }
0x195: {  	vm2 =	vlt.f32 v22, $1.000000020e-16;
	v60 =	vadd.f32 $0.0e+00, v60;
	v22 =	vadd.f32 v4, v7;
	v7 =	vld.idx.msk [tilespmem:v9+s23+$0x0], $0xffff  }
0x196: {  	v30 =	vsub.f32 $1.500000000e+00, v30;
	v4 =	vadd.f32 v62, v59;
	v62 =	vld.idx.msk [tilespmem:v15+s23+$0x0], $0xffff  }
0x197: {  	v0 =	vmul.f32 v0, v54;
	v46 =	vadd.f32 $0.0e+00, v46;
	v36 =	vadd.f32 v63, v60;
	v63 =	vld.idx.msk [tilespmem:v6+s23+$0x0], $0xffff  }
0x198: {  	v3 =	vsel vm2, $0x4CBEBC20, v3;
	v17 =	vadd.f32 $0.0e+00, v17;
	v13 =	vadd.f32 $0.0e+00, v13;
	v55 =	vld.idx.msk [tilespmem:v20+s23+$0x0], $0xffff  }
0x199: {  	vm2 =	vlt.f32 v24, $1.000000020e-16;
	v5 =	vld.idx.msk [tilespmem:v5+s9+$0x0], $0xffff;
	v43 =	vadd.f32 v10, v43;
	v10 =	vadd.f32 v33, v46  }
0x19a: {  	v0 =	vmul.f32 v3, v0;
	v8 =	vadd.f32 v8, v36;
	v4 =	vadd.f32 v57, v4  }
0x19b: {  	v35 =	vld.idx.msk [tilespmem:v35+s9+$0x0], $0xffff;
	v3 =	vadd.f32 v58, v43;
	v36 =	vmul.f32 $5.000000000e-01, v26;
	v7 =	vadd.f32 v7, v10  }
0x19c: {  	v11 =	vld.idx.msk [tilespmem:v11+s9+$0x0], $0xffff;
	v57 =	vshra.s32 v26, $0x1;
	v4 =	vadd.f32 v61, v4;
	v8 =	vadd.f32 v62, v8  }
0x19d: {  	v14 =	vld.idx.msk [tilespmem:v14+s9+$0x0], $0xffff;
	v10 =	vsub.s32 $0x5F3759DF, v57;
	v3 =	vadd.f32 v63, v3;
	v7 =	vadd.f32 v55, v7  }
0x19e: {  	v56 =	vld.idx.msk [tilespmem:v32+s9+$0x0], $0xffff;
	v2 =	vadd.f32 v19, v2;
	v5 =	vadd.f32 $0.0e+00, v5;
	v59 =	vmul.f32 v10, v36  }
0x19f: {  	v1 =	vmul.f32 v30, v1;
	v60 =	vld.idx.msk [tilespmem:v44+s9+$0x0], $0xffff;
	v4 =	vadd.f32 v8, v4;
	v3 =	vadd.f32 v7, v3  }
0x1a0: {  	v2 =	vadd.f32 v35, v2;
	v33 =	vmul.f32 $5.000000000e-01, v22;
	v58 =	vld.idx.msk [tilespmem:v37+s9+$0x0], $0xffff;
	v8 =	vmul.f32 v10, v59  }
0x1a1: {  	v44 =	vld.idx.msk [tilespmem:v48+s9+$0x0], $0xffff;
	v11 =	vadd.f32 v11, v17;
	v61 =	vshra.s32 v22, $0x1;
	v3 =	vadd.f32 v3, v4  }
0x1a2: {  	v16 =	vld.idx.msk [tilespmem:v16+s9+$0x0], $0xffff;
	v62 =	vsub.s32 $0x5F3759DF, v61;
	v63 =	vadd.f32 $0.0e+00, v28;
	v8 =	vsub.f32 $1.500000000e+00, v8  }
0x1a3: {  	v35 =	vld [tilespmem:$0x1FF00];
	v7 =	vmul.f32 v62, v33;
	v19 =	vshra.s32 v3, $0x1;
	v46 =	vmul.f32 $5.000000000e-01, v3  }
0x1a4: {  	v57 =	vld.idx.msk [tilespmem:v40+s9+$0x0], $0xffff;
	v8 =	vmul.f32 v10, v8;
	v10 =	vadd.f32 v56, v63;
	v19 =	vsub.s32 $0x5F3759DF, v19  }
0x1a5: {  	v12 =	vld.idx.msk [tilespmem:v12+s9+$0x0], $0xffff;
	v48 =	vadd.f32 v58, v41;
	v7 =	vmul.f32 v62, v7;
	v49 =	vmul.f32 v19, v46  }
0x1a6: {  	v28 =	vadd.f32 v44, v29;
	v61 =	vld.idx.msk [tilespmem:v21+s9+$0x0], $0xffff;
	v10 =	vadd.f32 v60, v10;
	v50 =	vmul.f32 v8, v36  }
0x1a7: {  	v55 =	vld.idx.msk [tilespmem:v51+s9+$0x0], $0xffff;
	v14 =	vadd.f32 v14, v48;
	v7 =	vsub.f32 $1.500000000e+00, v7;
	v31 =	vmul.f32 v19, v49  }
0x1a8: {  	v56 =	vld.idx.msk [tilespmem:v38+s9+$0x0], $0xffff;
	v4 =	vadd.f32 v45, v10;
	v10 =	vmul.f32 v25, v35;
	v53 =	vmul.f32 v50, v8  }
0x1a9: {  	v1 =	vsel vm2, $0x4CBEBC20, v1;
	v11 =	vadd.f32 v57, v11;
	v63 =	vld [tilespmem:$0x1FF10];
	v31 =	vsub.f32 $1.500000000e+00, v31  }
0x1aa: {  	v9 =	vld.idx.msk [tilespmem:v9+s9+$0x0], $0xffff;
	v7 =	vmul.f32 v62, v7;
	v1 =	vmul.f32 v1, v10;
	v10 =	vsub.f32 $1.500000000e+00, v53  }
0x1ab: {  	v59 =	vld.idx.msk [tilespmem:v47+s9+$0x0], $0xffff;
	v2 =	vadd.f32 v14, v2;
	v11 =	vadd.f32 v61, v11;
	v19 =	vmul.f32 v19, v31  }
0x1ac: {  	v52 =	vmul.f32 v7, v33;
	v8 =	vmul.f32 v10, v8;
	v10 =	vadd.f32 $0.0e+00, v16;
	v16 =	vld.idx.msk [tilespmem:v34+s9+$0x0], $0xffff  }
0x1ad: {  	v20 =	vld.idx.msk [tilespmem:v20+s9+$0x0], $0xffff;
	v60 =	vadd.f32 v55, v13;
	v5 =	vadd.f32 v56, v5;
	v17 =	vmul.f32 v19, v46  }
0x1ae: {  	v62 =	vld.idx.msk [tilespmem:v15+s9+$0x0], $0xffff;
	v25 =	vor.u32 $0x4, v63;
	v29 =	vmul.f32 v52, v7;
	v10 =	vadd.f32 v12, v10  }
0x1af: {  	v6 =	vld.idx.msk [tilespmem:v6+s9+$0x0], $0xffff;
	v4 =	vadd.f32 v4, v28;
	v5 =	vadd.f32 v9, v5;
	v15 =	vmul.f32 v17, v19  }
0x1b0: {  	v58 =	vsub.f32 $1.500000000e+00, v29;
	v21 =	vmul.f32 v8, v36;
	v10 =	vadd.f32 v59, v10  }
0x1b1: {  	v12 =	vadd.f32 v16, v60;
	v16 =	vor.u32 $0x3, v63;
	v15 =	vsub.f32 $1.500000000e+00, v15  }
0x1b2: {  	v5 =	vadd.f32 v20, v5;
	v7 =	vmul.f32 v58, v7;
	v21 =	vmul.f32 v21, v8  }
0x1b3: {  	v17 =	vsel vm1, $0x4CBEBC20, v23;
	v10 =	vadd.f32 v62, v10;
	v9 =	vmul.f32 v15, v19  }
0x1b4: {  	v23 =	vmul.f32 v7, v33;
	v6 =	vadd.f32 v6, v12;
	v19 =	vsub.f32 $1.500000000e+00, v21  }
0x1b5: {  	v20 =	vld.idx.msk [tilespmem:v25+s0+$0x0], $0xffff;
	v10 =	vadd.f32 v10, v11;
	v15 =	vmul.f32 v27, v18;
	v27 =	vmul.f32 v9, v46  }
0x1b6: {  	v21 =	vmul.f32 v23, v7;
	v5 =	vadd.f32 v5, v6;
	v8 =	vmul.f32 v19, v8;
	v19 =	vld.idx.msk [tilespmem:v16+s0+$0x0], $0xffff  }
0x1b7: {  	v2 =	vadd.f32 v4, v2;
	v13 =	vmul.f32 v27, v9  }
0x1b8: {  	v29 =	vsub.f32 $1.500000000e+00, v21;
	v5 =	vadd.f32 v5, v10  }
0x1b9: {  	vm1 =	vlt.f32 v26, $1.000000020e-16;
	v0 =	vmul.f32 v0, v17;
	v30 =	vsub.f32 $1.500000000e+00, v13  }
0x1ba: {  	v6 =	vsel vm1, $0x4CBEBC20, v8;
	v7 =	vmul.f32 v29, v7;
	v5 =	vmul.f32 v5, v20  }
0x1bb: {  	vm1 =	vlt.f32 v22, $1.000000020e-16;
	v2 =	vmul.f32 v2, v19;
	v4 =	vmul.f32 v30, v9  }
0x1bc: {  	v6 =	vmul.f32 v6, v15;
	v7 =	vsel vm1, $0x4CBEBC20, v7;
	vm1 =	vlt.f32 v3, $1.000000020e-16  }
0x1bd: {  	v1 =	vmul.f32 v1, v17;
	v2 =	vmul.f32 v7, v2;
	v3 =	vsel vm1, $0x4CBEBC20, v4  }
0x1be: {  	v31 =	vmul.f32 v6, v17;
	v3 =	vmul.f32 v3, v5  }
0x1bf: {  	v32 =	vmax.f32 v0, v1;
	v2 =	vmul.f32 v2, v17  }
0x1c0: {  	v5 =	vmax.f32 v32, v31;
	v3 =	vmul.f32 v3, v17  }
0x1c1: {  	v5 =	vmax.f32 v5, v2  }
0x1c2: {  	v9 =	vimm.s32 $0x0;
	v21 =	vmax.f32 v5, v3  }
0x1c3: {  	vm1 =	veq.f32 v0, v21;
	vm2 =	veq.f32 v1, v21;
	vm4 =	vne.f32 v0, v21  }
0x1c4: {  	vm5 =	veq.f32 v31, v21;
	vm10 =	veq.f32 v2, v21;
	vm11 =	vne.f32 v3, v21  }
0x1c5: {  	vm3 =	vmor vm1, vm2;
	v0 =	vsel vm1, $0xF149F2CA, v0;
	vm1 =	vmand vm2, vm4  }
0x1c6: {  	vm4 =	vmor vm10, vm11;
	vm6 =	vmneg vm3;
	vm3 =	vmor vm5, vm3  }
0x1c7: {  	v1 =	vsel vm1, $0xF149F2CA, v1;
	vm2 =	vmand vm5, vm6;
	vm5 =	vmneg vm3  }
0x1c8: {  	v33 =	vmax.f32 v0, v1;
	v4 =	vsel vm2, $0xF149F2CA, v31;
	vm5 =	vmand vm10, vm5  }
0x1c9: {  	vm3 =	vmor vm4, vm3;
	v2 =	vsel vm5, $0xF149F2CA, v2;
	v5 =	vmax.f32 v33, v4  }
0x1ca: {  	v6 =	vsel vm1, $0x1, v9;
	v3 =	vnsel vm3, $0xF149F2CA, v3;
	v5 =	vmax.f32 v5, v2  }
0x1cb: {  	v6 =	vsel vm2, $0x2, v6;
	v5 =	vmax.f32 v5, v3  }
0x1cc: {  	vm1 =	vne.f32 v0, v5;
	vm2 =	veq.f32 v0, v5;
	vm12 =	veq.f32 v1, v5  }
0x1cd: {  	vm13 =	veq.f32 v4, v5;
	vm7 =	veq.f32 v2, v5;
	vm15 =	vne.f32 v3, v5  }
0x1ce: {  	vm1 =	vmand vm12, vm1;
	vm4 =	vmor vm2, vm12;
	v0 =	vsel vm2, $0xF149F2CA, v0  }
0x1cf: {  	v1 =	vsel vm1, $0xF149F2CA, v1;
	vm2 =	vmor vm13, vm4;
	vm4 =	vmneg vm4  }
0x1d0: {  	vm8 =	vmneg vm2;
	vm4 =	vmand vm13, vm4;
	v7 =	vmax.f32 v0, v1  }
0x1d1: {  	vm14 =	vmand vm7, vm8;
	vm7 =	vmor vm7, vm15;
	v4 =	vsel vm4, $0xF149F2CA, v4  }
0x1d2: {  	vm2 =	vmor vm7, vm2;
	v2 =	vsel vm14, $0xF149F2CA, v2;
	v7 =	vmax.f32 v7, v4  }
0x1d3: {  	v8 =	vsel vm1, $0x1, v9;
	v3 =	vnsel vm2, $0xF149F2CA, v3;
	v7 =	vmax.f32 v7, v2  }
0x1d4: {  	v6 =	vsel vm5, $0x3, v6;
	v8 =	vsel vm4, $0x2, v8;
	v7 =	vmax.f32 v7, v3  }
0x1d5: {  	v6 =	vnsel vm3, $0x4, v6;
	v34 =	vsel vm14, $0x3, v8;
	vm1 =	veq.f32 v0, v7  }
0x1d6: {  	v37 =	vld [tilespmem:$0x1FFB0];
	vm3 =	veq.f32 v1, v7;
	vm10 =	vne.f32 v0, v7;
	vm11 =	veq.f32 v4, v7  }
0x1d7: {  	vm13 =	veq.f32 v2, v7;
	vm15 =	vne.f32 v3, v7;
	vm1 =	vmor vm1, vm3  }
0x1d8: {  	vm3 =	vmand vm3, vm10;
	vm12 =	vmneg vm1;
	vm1 =	vmor vm11, vm1  }
0x1d9: {  	v36 =	vsel vm3, $0x1, v9;
	vm3 =	vmand vm11, vm12;
	vm14 =	vmneg vm1  }
0x1da: {  	vm4 =	vmor vm13, vm15;
	v0 =	vsel vm3, $0x2, v36;
	vm3 =	vmand vm13, vm14  }
0x1db: {  	[tilespmem:$0x1A680] =	vst v6;
	v1 =	vnsel vm2, $0x4, v34;
	vm1 =	vmor vm4, vm1;
	v0 =	vsel vm3, $0x3, v0  }
0x1dc: {  	[tilespmem:$0x1A690] =	vst v1;
	v0 =	vnsel vm1, $0x4, v0  }
0x1dd: {  	s19 =	simm.s32 $0x1A680;
	[tilespmem:$0x1A6A0] =	vst v0  }
0x1de: {  	v0 =	vld.idx.msk [tilespmem:v37+s19+$0x0], $0xffff  }
0x1df: {  	v39 =	vld [tilespmem:$0x1FFC0]  }
0x1e0: {  	v38 =	vld [tilespmem:$0x1FF20]  }
0x1e1: {  	v17 =	vlaneseq.u32;
	_ =	sdelay $0x1  }
0x1e2: {  	v0 =	vmul.u32 $0x3E8, v0;
	_ =	sdelay $0x1  }
0x1e3: {  	s1 =	simm.s32 $0x1A080;
	v0 =	vadd.s32 v38, v0  }
0x1e4: {  	v22 =	vld [tilespmem:$0x1FFD0];
	[tilespmem:v17+s1+$0x0] =	vst.idx.msk $0xffff, v0  }
0x1e5: {  	v0 =	vld.idx.msk [tilespmem:v39+s19+$0x0], $0xffff;
	_ =	sdelay $0x4  }
0x1e6: {  	v0 =	vmul.u32 $0x3E8, v0;
	_ =	sdelay $0x1  }
0x1e7: {  	v0 =	vadd.s32 v38, v0  }
0x1e8: {  	[tilespmem:v22+s1+$0x0] =	vst.idx.msk $0xff, v0  }
0x1e9: {  	v0 =	vld [tilespmem:$0x1A080];
	_ =	sdelay $0x2  }
0x1ea: {  	v6 =	vld [tilespmem:$0x1FF50];
	_ =	sdelay $0x1  }
0x1eb: {  	v8 =	vld [tilespmem:$0x1FFE0];
	v40 =	vshll.u32 v0, $0x4  }
0x1ec: {  	v0 =	vand.u32 $0x7, v0;
	v1 =	vand.u32 $0xFFFFFF80, v40  }
0x1ed: {  	v0 =	vor.u32 v0, v1  }
0x1ee: {  	v1 =	vperm.xlane v0, v6;
	_ =	sdelay $0x1  }
0x1ef: {  	v1 =	vadd.s32 v8, v1;
	_ =	sdelay $0x3  }
0x1f0: {  	s20 =	rddreg [dreg:$0x1];
	s30 =	simm.s32 $0x6000;
	s1 =	simm.s32 $0x0  }
0x1f1: {  	[tilespmem:s30], [sflag:$0x1] =	stream.indirect_vreg.gather [hbm4b:s20+s1], $0x80, v1, vm0, $0xb8;
	[tilespmem:$0x1A800] =	vst v63  }
0x1f2: {  	s2 =	rddreg [dreg:$0x16];
	s3 =	simm.s32 $0x6800  }
0x1f3: {  	[tilespmem:s3], [sflag:$0x1] =	stream.indirect_vreg.gather [hbm4b:s2+s1], $0x80, v1, vm0, $0xb8;
	[tilespmem:$0x1A800] =	vst v63  }
0x1f4: {  	s21 =	rddreg [dreg:$0x17];
	s5 =	simm.s32 $0x7000  }
0x1f5: {  	v9 =	vld [tilespmem:$0x1FFF0];
	[tilespmem:s5], [sflag:$0x1] =	stream.indirect_vreg.gather [hbm4b:s21+s1], $0x80, v1, vm0, $0xb8  }
0x1f6: {  	s22 =	rddreg [dreg:$0x18];
	s10 =	simm.s32 $0x7800  }
0x1f7: {  	[tilespmem:s10], [sflag:$0x1] =	stream.indirect_vreg.gather [hbm4b:s22+s1], $0x80, v1, vm0, $0xb8;
	[tilespmem:$0x1A800] =	vst v63  }
0x1f8: {  	s11 =	simm.s32 $0x8000;
	s10 =	rddreg [dreg:$0x19]  }
0x1f9: {  	[tilespmem:s11], [sflag:$0x1] =	stream.indirect_vreg.gather [hbm4b:s10+s1], $0x80, v1, vm0, $0xb8;
	[tilespmem:$0x1A800] =	vst v63  }
0x1fa: {  	s12 =	simm.s32 $0x8800;
	v0 =	vperm.xlane v0, v9;
	s11 =	rddreg [dreg:$0x1a]  }
0x1fb: {  	[tilespmem:s12], [sflag:$0x1] =	stream.indirect_vreg.gather [hbm4b:s11+s1], $0x80, v1, vm0, $0xb8;
	[tilespmem:$0x1A800] =	vst v63  }
0x1fc: {  	s13 =	simm.s32 $0x9000;
	v0 =	vadd.s32 v8, v0;
	s12 =	rddreg [dreg:$0x1b]  }
0x1fd: {  	[tilespmem:s13], [sflag:$0x1] =	stream.indirect_vreg.gather [hbm4b:s12+s1], $0x80, v1, vm0, $0xb8;
	[tilespmem:$0x1A800] =	vst v63  }
0x1fe: {  	s14 =	simm.s32 $0x9800;
	s13 =	rddreg [dreg:$0x1d]  }
0x1ff: {  	[tilespmem:s14], [sflag:$0x1] =	stream.indirect_vreg.gather [hbm4b:s13+s1], $0x80, v1, vm0, $0xb8;
	[tilespmem:$0x1A800] =	vst v63  }
0x200: {  	s24 =	simm.s32 $0xA000  }
0x201: {  	[tilespmem:s24], [sflag:$0x1] =	stream.indirect_vreg.gather [hbm4b:s20+s1], $0x80, v0, vm0, $0xb8;
	[tilespmem:$0x1A800] =	vst v63  }
0x202: {  	s25 =	simm.s32 $0xA800  }
0x203: {  	[tilespmem:s25], [sflag:$0x1] =	stream.indirect_vreg.gather [hbm4b:s2+s1], $0x80, v0, vm0, $0xb8;
	[tilespmem:$0x1A800] =	vst v63  }
0x204: {  	s26 =	simm.s32 $0xB000  }
0x205: {  	[tilespmem:s26], [sflag:$0x1] =	stream.indirect_vreg.gather [hbm4b:s21+s1], $0x80, v0, vm0, $0xb8;
	[tilespmem:$0x1A800] =	vst v63  }
0x206: {  	s29 =	simm.s32 $0xB800  }
0x207: {  	[tilespmem:s29], [sflag:$0x1] =	stream.indirect_vreg.gather [hbm4b:s22+s1], $0x80, v0, vm0, $0xb8;
	[tilespmem:$0x1A800] =	vst v63  }
0x208: {  	s31 =	simm.s32 $0xC000  }
0x209: {  	v43 =	vld [tilespmem:$0x1FF90];
	[tilespmem:s31], [sflag:$0x1] =	stream.indirect_vreg.gather [hbm4b:s10+s1], $0x80, v0, vm0, $0xb8  }
0x20a: {  	s15 =	simm.s32 $0xC800  }
0x20b: {  	[tilespmem:s15], [sflag:$0x1] =	stream.indirect_vreg.gather [hbm4b:s11+s1], $0x80, v0, vm0, $0xb8;
	[tilespmem:$0x1A800] =	vst v63  }
0x20c: {  	s16 =	simm.s32 $0xD000;
	v41 =	vsub.f32 v21, v21  }
0x20d: {  	v42 =	vsub.f32 v5, v21;
	[tilespmem:s16], [sflag:$0x1] =	stream.indirect_vreg.gather [hbm4b:s12+s1], $0x80, v0, vm0, $0xb8;
	[tilespmem:$0x1A800] =	vst v63  }
0x20e: {  	s17 =	simm.s32 $0xD800;
	v1 =	vmul.f32 v41, v43  }
0x20f: {  	v44 =	vmul.f32 v42, v43;
	v45 =	vsub.f32 v7, v21;
	[tilespmem:s17], [sflag:$0x1] =	stream.indirect_vreg.gather [hbm4b:s13+s1], $0x80, v0, vm0, $0xb8;
	[tilespmem:$0x1A800] =	vst v63  }
0x210: {  	v1 =	vmul.f32 $1.442695020e+00, v1;
	v46 =	vld.msk [tilespmem:$0x1A090], $0xff  }
0x211: {  	v2 =	vmul.f32 v45, v43;
	v0 =	vmul.f32 $1.442695020e+00, v44  }
0x212: {  	(erf) = vpow2.f32 v1  }
0x213: {  	v47 =	vmul.f32 $1.442695020e+00, v2;
	(erf) = vpow2.f32 v0;
	_ =	sdelay $0x1  }
0x214: {  	(erf) = vpow2.f32 v47;
	v48 =	vshll.u32 v46, $0x4  }
0x215: {  	v49 =	vand.u32 $0x7, v46;
	v1 =	vand.u32 $0xFFFFFF80, v48  }
0x216: {  	v0 =	vor.u32 v49, v1  }
0x217: {  	v0 =	vperm.xlane v0, v6;
	_ =	sdelay $0x1  }
0x218: {  	v0 =	vadd.s32 v8, v0  }
0x219: {  	v50 =	vpop (erf)  }
0x21a: {  	v51 =	vpop (erf)  }
0x21b: {  	v52 =	vadd.f32 v51, v50  }
0x21c: {  	s18 =	simm.s32 $0xE000;
	v53 =	vpop (erf)  }
0x21d: {  	v3 =	vadd.f32 v53, v52;
	[tilespmem:s18], [sflag:$0x1] =	stream.indirect_vreg.gather [hbm4b:s20+s1], $0x80, v0, vm0, $0xb8;
	[tilespmem:$0x1A800] =	vst v63  }
0x21e: {  	s19 =	simm.s32 $0xE800  }
0x21f: {  	(erf) = vrcp.f32 v3;
	[tilespmem:s19], [sflag:$0x1] =	stream.indirect_vreg.gather [hbm4b:s2+s1], $0x80, v0, vm0, $0xb8;
	[tilespmem:$0x1A800] =	vst v63  }
0x220: {  	v6 =	vadd.f32 $0.0e+00, v54;
	s20 =	simm.s32 $0xF000  }
0x221: {  	[tilespmem:s20], [sflag:$0x1] =	stream.indirect_vreg.gather [hbm4b:s21+s1], $0x80, v0, vm0, $0xb8;
	[tilespmem:$0x1A800] =	vst v63  }
0x222: {  	v55 =	vadd.f32 v35, v6;
	s21 =	simm.s32 $0xF800  }
0x223: {  	[tilespmem:s21], [sflag:$0x1] =	stream.indirect_vreg.gather [hbm4b:s22+s1], $0x80, v0, vm0, $0xb8;
	[tilespmem:$0x1A800] =	vst v63  }
0x224: {  	v3 =	vadd.f32 v18, v55;
	s22 =	simm.s32 $0x10000  }
0x225: {  	v57 =	vld [tilespmem:$0x1FF30];
	[tilespmem:s22], [sflag:$0x1] =	stream.indirect_vreg.gather [hbm4b:s10+s1], $0x80, v0, vm0, $0xb8  }
0x226: {  	s24 =	simm.s32 $0x10800;
	v3 =	vadd.f32 v19, v3  }
0x227: {  	v61 =	vld [tilespmem:$0x1FFA0];
	v5 =	vadd.f32 v5, v21;
	[tilespmem:s24], [sflag:$0x1] =	stream.indirect_vreg.gather [hbm4b:s11+s1], $0x80, v0, vm0, $0xb8  }
0x228: {  	s25 =	simm.s32 $0x11000;
	v3 =	vadd.f32 v20, v3;
	v6 =	vpop (erf)  }
0x229: {  	v56 =	vadd.f32 v7, v5;
	v1 =	vmul.f32 v6, v50;
	[tilespmem:s25], [sflag:$0x1] =	stream.indirect_vreg.gather [hbm4b:s12+s1], $0x80, v0, vm0, $0xb8;
	[tilespmem:$0x1A800] =	vst v63  }
0x22a: {  	v5 =	vadd.s32 v17, v57;
	s26 =	simm.s32 $0x11800;
	vm1 =	vgt.f32 v3, $0.0e+00;
	v2 =	vmul.f32 v6, v51  }
0x22b: {  	v59 =	vmul.f32 v6, v53;
	v58 =	vnsel vm1, $0x0, v1;
	[tilespmem:s26], [sflag:$0x1] =	stream.indirect_vreg.gather [hbm4b:s13+s1], $0x80, v0, vm0, $0xb8;
	[tilespmem:$0x1A800] =	vst v63  }
0x22c: {  	v60 =	vnsel vm1, $0x0, v2;
	v2 =	vmul.f32 v56, v61;
	[tilespmem:$0x1A700] =	vst v58  }
0x22d: {  	v62 =	vnsel vm1, $0x0, v59;
	[tilespmem:$0x1A710] =	vst v60  }
0x22e: {  	s29 =	simm.s32 $0x1A780;
	v63 =	vnsel vm1, $0x0, v2;
	[tilespmem:$0x1A720] =	vst v62  }
0x22f: {  	s31 =	simm.s32 $0x1;
	[tilespmem:v5+s29+$0x0] =	vst.idx.msk $0xff, v63  }
0x230: {  	_ =	swait.ge [sflag:s31], $0xC000  }
0x231: {  	[sflag:s31] =	ssyncset.done $0x0  }
0x232: {  	s28 =	simm.s32 $0x80;
	s2 =	simm.s32 $0x0;
	[sflag:s31] =	ssyncadd.s32 $0xFFFF4000  }
.LBB2_7:
0x233: {  	v0 =	vmov s2;
	_ =	sdelay $0x1  }
0x234: {  	v1 =	vor.u32 $0x10, v0  }
0x235: {  	s3 =	sshll.u32 s2, $0x7;
	s0 =	sand.u32 $0x3C00, s1  }
0x236: {  	s5 =	sand.u32 $0x40, s1;
	v2 =	vor.u32 $0x20, v0;
	s10 =	sor.u32 s3, s0  }
0x237: {  	s25 =	sadd.s32 $0xA000, s3;
	s12 =	sor.u32 s5, s10;
	v14 =	vld.idx.msk [tilespmem:v0+s4+$0x0], $0xffff  }
0x238: {  	s11 =	sadd.s32 s0, s25;
	v0 =	vld [tilespmem:s12+$0x6000]  }
0x239: {  	s26 =	sadd.s32 $0xE000, s3;
	s13 =	sadd.s32 s5, s11;
	v15 =	vld.idx.msk [tilespmem:v1+s4+$0x0], $0xffff  }
0x23a: {  	s0 =	sadd.s32 s0, s26;
	v1 =	vld [tilespmem:s13+$0x0]  }
0x23b: {  	s17 =	sadd.s32 s5, s0;
	v16 =	vld.idx.msk [tilespmem:v2+s4+$0x0], $0xffff  }
0x23c: {  	v2 =	vld [tilespmem:s17+$0x0];
	_ =	sdelay $0x2  }
0x23d: {  	v0 =	vmul.f32 v0, v14;
	v1 =	vmul.f32 v1, v15;
	_ =	sdelay $0x1  }
0x23e: {  	v0 =	vadd.f32 v1, v0;
	v1 =	vmul.f32 v2, v16;
	_ =	sdelay $0x1  }
0x23f: {  	v0 =	vadd.f32 v1, v0  }
0x240: {  	s18 =	sor.u32 $0x10, s5  }
0x241: {  	s19 =	sor.u32 s18, s10;
	[tilespmem:s12+$0x2000] =	vst v0  }
0x242: {  	s14 =	sadd.s32 s18, s11;
	v0 =	vld [tilespmem:s19+$0x6000]  }
0x243: {  	v1 =	vld [tilespmem:s14+$0x0]  }
0x244: {  	s13 =	sadd.s32 s18, s0  }
0x245: {  	v2 =	vld [tilespmem:s13+$0x0];
	_ =	sdelay $0x2  }
0x246: {  	v0 =	vmul.f32 v0, v14;
	v1 =	vmul.f32 v1, v15;
	_ =	sdelay $0x1  }
0x247: {  	v0 =	vadd.f32 v1, v0;
	v1 =	vmul.f32 v2, v16;
	_ =	sdelay $0x1  }
0x248: {  	v0 =	vadd.f32 v1, v0  }
0x249: {  	s20 =	sor.u32 $0x20, s5  }
0x24a: {  	s21 =	sor.u32 s20, s10;
	[tilespmem:s19+$0x2000] =	vst v0  }
0x24b: {  	s22 =	sadd.s32 s20, s11;
	v0 =	vld [tilespmem:s21+$0x6000]  }
0x24c: {  	v1 =	vld [tilespmem:s22+$0x0]  }
0x24d: {  	s13 =	sadd.s32 s20, s0  }
0x24e: {  	v2 =	vld [tilespmem:s13+$0x0];
	_ =	sdelay $0x2  }
0x24f: {  	v0 =	vmul.f32 v0, v14;
	v1 =	vmul.f32 v1, v15;
	_ =	sdelay $0x1  }
0x250: {  	v0 =	vadd.f32 v1, v0;
	v1 =	vmul.f32 v2, v16;
	_ =	sdelay $0x1  }
0x251: {  	v0 =	vadd.f32 v1, v0  }
0x252: {  	s5 =	sor.u32 $0x30, s5  }
0x253: {  	s20 =	sor.u32 s5, s10;
	[tilespmem:s21+$0x2000] =	vst v0  }
0x254: {  	s24 =	sadd.s32 s5, s11;
	v0 =	vld [tilespmem:s20+$0x6000]  }
0x255: {  	s0 =	sadd.s32 s5, s0;
	v3 =	vld [tilespmem:s24+$0x0]  }
0x256: {  	v2 =	vld [tilespmem:s0+$0x0];
	_ =	sdelay $0x3  }
0x257: {  	s29 =	simm.s32 $0x0;
	s31 =	simm.s32 $0x0;
	s0 =	simm.s32 $0x0;
	v1 =	vmul.f32 v0, v14;
	v5 =	vmul.f32 v3, v15  }
.LBB2_8:
0x258: {  	s29 =	sadd.s32 $0x4, s29;
	v0 =	vmul.f32 v2, v16;
	s0 =	sadd.s32 $0x200, s0;
	s31 =	sadd.s32 $0x40, s31  }
0x259: {  	p0 =	slt.u32 s29, $0x7C;
	v1 =	vadd.f32 v5, v1  }
0x25a: {  	s5 =	sand.u32 $0x3C00, s0  }
0x25b: {  	s10 =	sand.u32 $0x40, s31;
	s17 =	sor.u32 s3, s5;
	s11 =	sadd.s32 s5, s25;
	v0 =	vadd.f32 v0, v1  }
0x25c: {  	s5 =	sadd.s32 s5, s26;
	s12 =	sor.u32 s10, s17;
	s13 =	sadd.s32 s10, s11  }
0x25d: {  	s15 =	sor.u32 $0x10, s10;
	s16 =	sor.u32 $0x20, s10;
	s14 =	sadd.s32 s10, s5;
	[tilespmem:s20+$0x2000] =	vst v0  }
0x25e: {  	s21 =	sadd.s32 s15, s11;
	s22 =	sadd.s32 s15, s5;
	s24 =	sadd.s32 s16, s11;
	v0 =	vld [tilespmem:s12+$0x6000]  }
0x25f: {  	s20 =	sor.u32 $0x30, s10;
	v1 =	vld [tilespmem:s13+$0x0];
	s13 =	sadd.s32 s16, s5  }
0x260: {  	s19 =	sadd.s32 s20, s11;
	s18 =	sadd.s32 s20, s5  }
0x261: {  	v2 =	vld [tilespmem:s14+$0x0];
	_ =	sdelay $0x2  }
0x262: {  	v0 =	vmul.f32 v0, v14;
	v1 =	vmul.f32 v1, v15;
	_ =	sdelay $0x1  }
0x263: {  	v0 =	vadd.f32 v1, v0;
	v1 =	vmul.f32 v2, v16;
	_ =	sdelay $0x1  }
0x264: {  	v0 =	vadd.f32 v1, v0;
	_ =	sdelay $0x1  }
0x265: {  	s5 =	sor.u32 s15, s17;
	[tilespmem:s12+$0x2000] =	vst v0  }
0x266: {  	v0 =	vld [tilespmem:s5+$0x6000]  }
0x267: {  	v1 =	vld [tilespmem:s21+$0x0];
	_ =	sdelay $0x1  }
0x268: {  	v2 =	vld [tilespmem:s22+$0x0];
	_ =	sdelay $0x2  }
0x269: {  	v0 =	vmul.f32 v0, v14;
	v1 =	vmul.f32 v1, v15;
	_ =	sdelay $0x1  }
0x26a: {  	v0 =	vadd.f32 v1, v0;
	v1 =	vmul.f32 v2, v16;
	_ =	sdelay $0x1  }
0x26b: {  	v0 =	vadd.f32 v1, v0;
	_ =	sdelay $0x1  }
0x26c: {  	[tilespmem:s5+$0x2000] =	vst v0;
	s5 =	sor.u32 s16, s17  }
0x26d: {  	v0 =	vld [tilespmem:s5+$0x6000]  }
0x26e: {  	v1 =	vld [tilespmem:s24+$0x0];
	_ =	sdelay $0x1  }
0x26f: {  	v2 =	vld [tilespmem:s13+$0x0];
	_ =	sdelay $0x2  }
0x270: {  	v0 =	vmul.f32 v0, v14;
	v1 =	vmul.f32 v1, v15;
	_ =	sdelay $0x1  }
0x271: {  	v0 =	vadd.f32 v1, v0;
	v1 =	vmul.f32 v2, v16;
	_ =	sdelay $0x1  }
0x272: {  	v0 =	vadd.f32 v1, v0;
	_ =	sdelay $0x1  }
0x273: {  	s20 =	sor.u32 s20, s17;
	[tilespmem:s5+$0x2000] =	vst v0  }
0x274: {  	v0 =	vld [tilespmem:s20+$0x6000]  }
0x275: {  	v3 =	vld [tilespmem:s19+$0x0]  }
.Ltmp2:
0x276: {  	v2 =	vld [tilespmem:s18+$0x0];
	(pc) =	sbr.rel @p0 .LBB2_8-.Ltmp2, $3  }
0x277: {  	_ =	sdelay $0x1  }
0x278: {  	v1 =	vmul.f32 v0, v14  }
0x279: {  	v5 =	vmul.f32 v3, v15  }
0x27a: {  	s2 =	sadd.s32 $0x1, s2  }
0x27b: {  	p0 =	sne.s32 s2, $0x8  }
.Ltmp3:
0x27c: {  	v0 =	vmul.f32 v2, v16;
	v1 =	vadd.f32 v5, v1;
	(pc) =	sbr.rel @p0 .LBB2_7-.Ltmp3, $3  }
0x27d: {  	_ = 	snop  }
0x27e: {  	v0 =	vadd.f32 v0, v1;
	_ =	sdelay $0x1  }
0x27f: {  	[tilespmem:s20+$0x2000] =	vst v0  }
0x280: {  	s7 =	sadd.s32 $0x1, s7  }
0x281: {  	p0 =	sne.s32 s7, $0x10  }
.Ltmp4:
0x282: {  	s1 =	sld [smem:$0x7FD];
	(pc) =	sbr.rel @p0 .LBB2_2-.Ltmp4, $4  }
0x283: {  	_ = 	snop  }
0x284: {  	s0 =	rddreg [dreg:$0x5]  }
0x285: {  	s16 =	simm.s32 $0x2000;
	s14 =	simm.s32 $0x3;
	s0 =	sadd.s32 s0, s1  }
0x286: {  	[hbm4b:s0+s6] =	stream.linear.scatter [tilespmem:s16], [sflag:$0x2], $0x4000, $0x38;
	[tilespmem:$0x1A800] =	vst v63  }
0x287: {  	s0 =	simm.s32 $0x2  }
0x288: {  	_ =	swait.ge [sflag:s0], $0x4000  }
0x289: {  	[sflag:s0] =	ssyncset.done $0x0  }
0x28a: {  	s1 =	simm.s32 $0x1A780;
	s26 =	rddreg [dreg:$0x1c];
	[sflag:s0] =	ssyncadd.s32 $0xFFFFC000  }
0x28b: {  	[hbm4b:s26+s6] =	stream.linear.scatter [tilespmem:s1], [sflag:$0x3], $0x80, $0x38;
	[tilespmem:$0x1A800] =	vst v63  }
0x28c: {  	_ =	swait.ge [sflag:s14], $0x80  }
0x28d: {  	s29 =	rddreg [dreg:$0x1f]  }
0x28e: {  	s31 =	rddreg [dreg:$0x1e];
	s1 =	sadd.s32 $0x1, s29  }
0x28f: {  	p0 =	sne.s32 s1, s31  }
.Ltmp5:
0x290: {  	_ = 	snop;
	(pc) =	sbr.rel @p0 .LBB2_1-.Ltmp5, $3  }
0x291: {  	_ =	sdelay $0x1  }
0x292: {  	[sflag:s14] =	ssyncset.done $0x0  }
0x293: {  	[sflag:s14] =	ssyncadd.s32 $0xFFFFFF80  }
0x294: {  	_ =	sfence.sel $0x180000  }
0x295: {  	[bflag:$0x0] =	sbarrier.arrive $0xFFFF  }
0x296: {  	_ =	strace $0x90000047  }
0x297: {  	s0 =	stileid.u32;
	[bflag:$0x2] =	sbarrier.arrive $0xFFFF  }
0x298: {  	p0 =	sne.s32 s0, $0x0;
	s0 =	rddreg [dreg:$0x7]  }
0x299: {  	s0 =	sadd.s32 @!p0 $0x100000, s0  }
0x29a: {  	[sflag:s0] =	ssyncadd.tile.s32 @!p0 $0x1;
	_ =	shalt  }
.Lfunc_end2:
_tile_overlayer_lowered:
.L_overlay_start_2:
0x29b: {  	(tag) =	ssettag $0x2  }
0x29c: {  	s0 =	rddreg [dreg:$0x0];
	s2 =	stileid.u32  }
0x29d: {  	s1 =	rddreg [dreg:$0x1];
	p0 =	sne.s32 s2, $0x0  }
0x29e: {  	s3 =	rddreg [dreg:$0x2];
	[bflag:$0x3] =	sbarrier.arrive $0xFFFF;
	s2 =	simm.s32 @!p0 $0x1C03  }
0x29f: {  	[timem:s3], [sflag:s2] =	dma.local @!p0 [hbm:s0], s1  }
0x2a0: {  	s0 =	simm.s32 @!p0 $0x3  }
0x2a1: {  	_ =	swait.ge @!p0 [sflag:s0], s1  }
0x2a2: {  	s1 =	ssub.s32 @!p0 $0x0, s1;
	[sflag:s0] =	ssyncset.done @!p0 $0x0  }
0x2a3: {  	[sflag:s0] =	ssyncadd.s32 @!p0 s1  }
0x2a4: {  	[bflag:$0x3] =	sbarrier.arrive $0xFFFF  }
0x2a5: {  	_ =	shalt  }

</sc_bundles>
